<compile_context>
chip_gen: v7x
topology: tpu7x:2x2x1
jax: 0.10.2.dev20260603
libtpu: 0.0.44.dev20260713+nightly
codegen_flags: <defaults>
</compile_context>

<pallas_src>
import functools

import jax
import jax.numpy as jnp
from jax import lax
from jax.experimental import pallas as pl
from jax.experimental.pallas import tpu as pltpu
from jax.experimental.pallas import tpu_sc as plsc

NE = 16
D = 1024
NT = 8192
NA = 2 * NT
TBLK = 512
BLK = 256
NBLK = NA // BLK + NE
PAD = NBLK * BLK

NC, NS = 2, 16
NW = NC * NS
TPW = NT // NW
CH = 32
NCH = TPW // CH
CHE = 16
NCHE = TPW // CHE
GW = 128


def _router_body(x_ref, rw_ref, rb_ref, i0_ref, i1_ref, g0_ref, g1_ref):
    xb = x_ref[...]
    logits = lax.dot_general(xb, rw_ref[...], (((1,), (1,)), ((), ())),
                             preferred_element_type=jnp.float32) + rb_ref[0][None, :]
    probs = jax.nn.softmax(logits, axis=-1)
    cols = lax.broadcasted_iota(jnp.int32, probs.shape, 1)
    m0 = jnp.max(probs, axis=-1, keepdims=True)
    i0 = jnp.argmax(probs, axis=-1)
    masked = jnp.where(cols == i0[:, None], -jnp.inf, probs)
    m1 = jnp.max(masked, axis=-1, keepdims=True)
    i1 = jnp.argmax(masked, axis=-1)
    i0_ref[...] = i0.reshape(1, 1, TBLK)
    i1_ref[...] = i1.reshape(1, 1, TBLK)
    g0_ref[...] = jnp.broadcast_to(m0, (TBLK, GW))
    g1_ref[...] = jnp.broadcast_to(m1, (TBLK, GW))


def _router(x, router_W, router_b):
    nblk = NT // TBLK
    return pl.pallas_call(
        _router_body,
        grid=(nblk,),
        in_specs=[
            pl.BlockSpec((TBLK, D), lambda t: (t, 0)),
            pl.BlockSpec((NE, D), lambda t: (0, 0)),
            pl.BlockSpec((1, NE), lambda t: (0, 0)),
        ],
        out_specs=[
            pl.BlockSpec((1, 1, TBLK), lambda t: (t, 0, 0)),
            pl.BlockSpec((1, 1, TBLK), lambda t: (t, 0, 0)),
            pl.BlockSpec((TBLK, GW), lambda t: (t, 0)),
            pl.BlockSpec((TBLK, GW), lambda t: (t, 0)),
        ],
        out_shape=[
            jax.ShapeDtypeStruct((nblk, 1, TBLK), jnp.int32),
            jax.ShapeDtypeStruct((nblk, 1, TBLK), jnp.int32),
            jax.ShapeDtypeStruct((NT, GW), jnp.float32),
            jax.ShapeDtypeStruct((NT, GW), jnp.float32),
        ],
    )(x, router_W, router_b.reshape(1, NE))


_G = 128


def _book_body(e0_ref, e1_ref, p0_ref, p1_ref, be_ref):
    ea = jnp.concatenate([e0_ref[...], e1_ref[...]], axis=0)
    rows = lax.broadcasted_iota(jnp.int32, (_G, _G), 0)
    colsq = lax.broadcasted_iota(jnp.int32, (_G, _G), 1)
    U = (rows <= colsq).astype(jnp.float32)
    Lx = (colsq < rows).astype(jnp.float32)

    onehots, totals = [], []
    for e in range(NE):
        ohf = (ea == e).astype(jnp.float32)
        C = lax.dot_general(ohf, U, (((1,), (0,)), ((), ())),
                            preferred_element_type=jnp.float32)
        S = C[:, _G - 1:_G]
        P = lax.dot_general(Lx, S, (((1,), (0,)), ((), ())),
                            preferred_element_type=jnp.float32)
        rank = (P + C).astype(jnp.int32) - 1
        onehots.append((ohf.astype(jnp.int32), rank))
        totals.append(jnp.sum(S).astype(jnp.int32))

    pos = jnp.zeros((_G, _G), jnp.int32)
    start_blocks = []
    sbk = jnp.int32(0)
    for e in range(NE):
        start_blocks.append(sbk)
        oh, rank = onehots[e]
        pos = pos + oh * (sbk * BLK + rank)
        sbk = sbk + (totals[e] + (BLK - 1)) // BLK

    p0_ref[...] = pos[:_G // 2]
    p1_ref[...] = pos[_G // 2:]

    biota = (lax.broadcasted_iota(jnp.int32, (8, 128), 1)
             + 128 * lax.broadcasted_iota(jnp.int32, (8, 128), 0))
    be = jnp.zeros((8, 128), jnp.int32)
    for e in range(NE):
        be = be + (biota >= start_blocks[e]).astype(jnp.int32)
    be_ref[...] = be - 1


def _bookkeeping(e0_2d, e1_2d):
    return pl.pallas_call(
        _book_body,
        out_shape=[
            jax.ShapeDtypeStruct((_G // 2, _G), jnp.int32),
            jax.ShapeDtypeStruct((_G // 2, _G), jnp.int32),
            jax.ShapeDtypeStruct((8, 128), jnp.int32),
        ],
    )(e0_2d, e1_2d)


def _dispatch(x, p0r, p1r, g0b, g1b):
    mesh = plsc.VectorSubcoreMesh(core_axis_name="c", subcore_axis_name="s")

    @functools.partial(
        pl.kernel, mesh=mesh,
        out_type=[
            jax.ShapeDtypeStruct((PAD, D), jnp.float32),
            jax.ShapeDtypeStruct((PAD, GW), jnp.float32),
        ],
        scratch_types=[
            pltpu.VMEM((CH, D), jnp.float32),
            pltpu.VMEM((CH, D), jnp.float32),
            pltpu.VMEM((CH, GW), jnp.float32),
            pltpu.VMEM((CH, GW), jnp.float32),
            pltpu.VMEM((CH, GW), jnp.float32),
            pltpu.VMEM((CH, GW), jnp.float32),
            pltpu.VMEM((NCH, CH), jnp.int32),
            pltpu.VMEM((NCH, CH), jnp.int32),
            pltpu.SemaphoreType.DMA,
            pltpu.SemaphoreType.DMA,
            pltpu.SemaphoreType.DMA,
            pltpu.SemaphoreType.DMA,
        ],
    )
    def body(x_hbm, p0_hbm, p1_hbm, g0_hbm, g1_hbm, xs_hbm, gs_hbm,
             xb0, xb1, ga0, ga1, gb0, gb1, i0all, i1all,
             ldsem0, ldsem1, scsem, gssem):
        wid = lax.axis_index("s") * NC + lax.axis_index("c")
        t0 = wid * TPW
        r0 = wid * NCH
        pltpu.sync_copy(p0_hbm.at[pl.ds(r0, NCH)], i0all)
        pltpu.sync_copy(p1_hbm.at[pl.ds(r0, NCH)], i1all)

        xbufs = (xb0, xb1)
        g0bufs = (ga0, ga1)
        g1bufs = (gb0, gb1)
        ldsems = (ldsem0, ldsem1)
        loads = [None, None]
        loads[0] = [
            pltpu.async_copy(x_hbm.at[pl.ds(t0, CH)], xb0, ldsem0),
            pltpu.async_copy(g0_hbm.at[pl.ds(t0, CH)], ga0, ldsem0),
            pltpu.async_copy(g1_hbm.at[pl.ds(t0, CH)], gb0, ldsem0),
        ]
        pending = []
        for j in range(NCH):
            b = j % 2
            for ld in loads[b]:
                ld.wait()
            if pending:
                for c in pending.pop(0):
                    c.wait()
            if j + 1 < NCH:
                o = t0 + (j + 1) * CH
                loads[1 - b] = [
                    pltpu.async_copy(x_hbm.at[pl.ds(o, CH)],
                                     xbufs[1 - b], ldsems[1 - b]),
                    pltpu.async_copy(g0_hbm.at[pl.ds(o, CH)],
                                     g0bufs[1 - b], ldsems[1 - b]),
                    pltpu.async_copy(g1_hbm.at[pl.ds(o, CH)],
                                     g1bufs[1 - b], ldsems[1 - b]),
                ]
            pending.append([
                pltpu.async_copy(xbufs[b], xs_hbm.at[i0all.at[j]], scsem),
                pltpu.async_copy(xbufs[b], xs_hbm.at[i1all.at[j]], scsem),
                pltpu.async_copy(g0bufs[b], gs_hbm.at[i0all.at[j]], gssem),
                pltpu.async_copy(g1bufs[b], gs_hbm.at[i1all.at[j]], gssem),
            ])
        for grp in pending:
            for c in grp:
                c.wait()

    return body(x, p0r, p1r, g0b, g1b)


def _gmm_body(be_ref, xs_ref, w_ref, b_ref, gs_ref, y_ref):
    del be_ref
    acc = lax.dot_general(
        xs_ref[...], w_ref[0], (((1,), (1,)), ((), ())),
        preferred_element_type=jnp.float32) + b_ref[0]
    y_ref[...] = acc * gs_ref[:, 0:1]


def _grouped_matmul(be, xs, expert_W, expert_b, gs):
    grid_spec = pltpu.PrefetchScalarGridSpec(
        num_scalar_prefetch=1,
        grid=(NBLK,),
        in_specs=[
            pl.BlockSpec((BLK, D), lambda i, be_s: (i, 0)),
            pl.BlockSpec((1, D, D), lambda i, be_s: (be_s[i], 0, 0)),
            pl.BlockSpec((1, 1, D), lambda i, be_s: (be_s[i], 0, 0)),
            pl.BlockSpec((BLK, GW), lambda i, be_s: (i, 0)),
        ],
        out_specs=pl.BlockSpec((BLK, D), lambda i, be_s: (i, 0)),
    )
    return pl.pallas_call(
        _gmm_body,
        grid_spec=grid_spec,
        out_shape=jax.ShapeDtypeStruct((PAD, D), jnp.float32),
    )(be, xs, expert_W, expert_b.reshape(NE, 1, D), gs)


def _combine(ys, pcat):
    mesh = plsc.VectorSubcoreMesh(core_axis_name="c", subcore_axis_name="s")

    @functools.partial(
        pl.kernel, mesh=mesh,
        out_type=jax.ShapeDtypeStruct((NT, D), jnp.float32),
        scratch_types=[
            pltpu.VMEM((2 * CHE, D), jnp.float32),
            pltpu.VMEM((2 * CHE, D), jnp.float32),
            pltpu.VMEM((CHE, D), jnp.float32),
            pltpu.VMEM((CHE, D), jnp.float32),
            pltpu.VMEM((NCHE, 2 * CHE), jnp.int32),
            pltpu.SemaphoreType.DMA,
            pltpu.SemaphoreType.DMA,
            pltpu.SemaphoreType.DMA,
            pltpu.SemaphoreType.DMA,
        ],
    )
    def body(y_hbm, pc_hbm, out_hbm, rb0, rb1, ob0, ob1,
             pcall, gsem0, gsem1, osem0, osem1):
        wid = lax.axis_index("s") * NC + lax.axis_index("c")
        t0 = wid * TPW
        r0 = wid * NCHE
        pltpu.sync_copy(pc_hbm.at[pl.ds(r0, NCHE)], pcall)

        rbufs = (rb0, rb1)
        obufs = (ob0, ob1)
        gsems = (gsem0, gsem1)
        osems = (osem0, osem1)
        gathers = [None, None]
        owrite = [None, None]
        gathers[0] = pltpu.async_copy(y_hbm.at[pcall.at[0]], rb0, gsem0)
        for j in range(NCHE):
            b = j % 2
            gathers[b].wait()
            if j + 1 < NCHE:
                gathers[1 - b] = pltpu.async_copy(
                    y_hbm.at[pcall.at[j + 1]], rbufs[1 - b], gsems[1 - b])
            rb = rbufs[b]
            ob = obufs[b]
            if owrite[b] is not None:
                owrite[b].wait()
            def row(r, carry):
                def col(c, carry2):
                    sl = pl.ds(c * 16, 16)
                    ob[r, sl] = rb[r, sl] + rb[r + CHE, sl]
                    return carry2

                lax.fori_loop(0, D // 16, col, 0)
                return carry

            lax.fori_loop(0, CHE, row, 0)
            owrite[b] = pltpu.async_copy(
                ob, out_hbm.at[pl.ds(t0 + j * CHE, CHE)], osems[b])
        for ow in owrite:
            if ow is not None:
                ow.wait()

    return body(ys, pcat)


def kernel(x, expert_W, expert_b, router_W, router_b):
    i0, i1, g0b, g1b = _router(x, router_W, router_b)
    e0_2d = i0.reshape(NT).reshape(_G // 2, _G)
    e1_2d = i1.reshape(NT).reshape(_G // 2, _G)
    p0_2d, p1_2d, be2d = _bookkeeping(e0_2d, e1_2d)
    p0 = p0_2d.reshape(NT)
    p1 = p1_2d.reshape(NT)
    be = be2d.reshape(1024)[:NBLK]
    p0r = p0.reshape(NT // CH, CH)
    p1r = p1.reshape(NT // CH, CH)
    xs, gs = _dispatch(x, p0r, p1r, g0b, g1b)
    ys = _grouped_matmul(be, xs, expert_W, expert_b, gs)
    pcat = jnp.concatenate(
        [p0.reshape(NT // CHE, CHE), p1.reshape(NT // CHE, CHE)], axis=1)
    return _combine(ys, pcat)

# --- scband reference (transcript-rebuilt; emitter-appended) ---
"""Pipeline reference for scband-mo-elayer-90228672954431 (READ-ONLY COPY).

The authoritative reference and input builder live on the scoring server;
editing this copy changes nothing except your own understanding.
"""

import jax, jax.numpy as jnp
import numpy as np

NUM_EXPERTS = 16
TOP_K = 2
EXPERT_DIM = 1024
N_TOKENS = 8192

def setup_inputs(seed: int = 0) -> dict:
    key = jax.random.key(seed)
    k_x, k_w, k_b, k_rw, k_rb = jax.random.split(key, 5)
    x = jax.random.normal(k_x, (N_TOKENS, EXPERT_DIM), dtype=jnp.float32)
    scale = 1.0 / np.sqrt(EXPERT_DIM)
    expert_W = jax.random.uniform(k_w, (NUM_EXPERTS, EXPERT_DIM, EXPERT_DIM), minval=-scale, maxval=scale, dtype=jnp.float32)
    expert_b = jax.random.uniform(k_b, (NUM_EXPERTS, EXPERT_DIM), minval=-scale, maxval=scale, dtype=jnp.float32)
    router_W = jax.random.uniform(k_rw, (NUM_EXPERTS, EXPERT_DIM), minval=-scale, maxval=scale, dtype=jnp.float32)
    router_b = jax.random.uniform(k_rb, (NUM_EXPERTS,), minval=-scale, maxval=scale, dtype=jnp.float32)
    return {"x": x, "expert_W": expert_W, "expert_b": expert_b, "router_W": router_W, "router_b": router_b}

def reference(x, expert_W, expert_b, router_W, router_b):
    # router: Linear(expert_dim, num_experts)
    routing_logits = x @ router_W.T + router_b
    weights = jax.nn.softmax(routing_logits, axis=-1)
    top_k_values, top_k_indices = jax.lax.top_k(weights, TOP_K)
    out = jnp.zeros_like(x)
    for e in range(NUM_EXPERTS):
        # per-token gating weight for expert e (0 if not in top-k)
        mask = (top_k_indices == e)
        w_e = jnp.sum(jnp.where(mask, top_k_values, jnp.zeros_like(top_k_values)), axis=-1)
        expert_out = x @ expert_W[e].T + expert_b[e]
        out = out + w_e[:, None] * expert_out
    return out

if __name__ == "__main__":
    import jax
    _d = setup_inputs()
    print(jax.jit(kernel)(*tuple(_d.values())))

</pallas_src>

<mosaic_0001>
#map = affine_map<(d0, d1) -> (0, 0)>
module attributes {stable_mosaic.version = 14 : i64} {
  func.func @body(%arg0: i32, %arg1: i32, %arg2: memref<8192x1024xf32, #tpu.memory_space<hbm>>, %arg3: memref<256x32xi32, #tpu.memory_space<hbm>>, %arg4: memref<256x32xi32, #tpu.memory_space<hbm>>, %arg5: memref<8192x128xf32, #tpu.memory_space<hbm>>, %arg6: memref<8192x128xf32, #tpu.memory_space<hbm>>, %arg7: memref<20480x1024xf32, #tpu.memory_space<hbm>>, %arg8: memref<20480x128xf32, #tpu.memory_space<hbm>>, %arg9: memref<32x1024xf32, #tpu.memory_space<vmem>>, %arg10: memref<32x1024xf32, #tpu.memory_space<vmem>>, %arg11: memref<32x128xf32, #tpu.memory_space<vmem>>, %arg12: memref<32x128xf32, #tpu.memory_space<vmem>>, %arg13: memref<32x128xf32, #tpu.memory_space<vmem>>, %arg14: memref<32x128xf32, #tpu.memory_space<vmem>>, %arg15: memref<8x32xi32, #tpu.memory_space<vmem>>, %arg16: memref<8x32xi32, #tpu.memory_space<vmem>>, %arg17: memref<!tpu.dma_semaphore, #tpu.memory_space<semaphore_mem>>, %arg18: memref<!tpu.dma_semaphore, #tpu.memory_space<semaphore_mem>>, %arg19: memref<!tpu.dma_semaphore, #tpu.memory_space<semaphore_mem>>, %arg20: memref<!tpu.dma_semaphore, #tpu.memory_space<semaphore_mem>>) attributes {dimension_semantics = [#tpu.dimension_semantics<core_parallel>, #tpu.dimension_semantics<subcore_parallel>], iteration_bounds = array<i64: 2, 16>, scalar_prefetch = 0 : i64, scratch_operands = 12 : i64, tpu.core_type = #tpu.core_type<sc_vector_subcore>, window_params = [{transform_indices = #map}, {transform_indices = #map}, {transform_indices = #map}, {transform_indices = #map}, {transform_indices = #map}, {transform_indices = #map}, {transform_indices = #map}]} {
    %mul3A = arith.constant 2 : i32
    %mul3A_0 = arith.muli %arg1, %mul3A : i32
    %add3A = arith.addi %mul3A_0, %arg0 : i32
    %mul3A_1 = arith.constant 256 : i32
    %mul3A_2 = arith.muli %add3A, %mul3A_1 : i32
    %mul3A_3 = arith.constant 8 : i32
    %mul3A_4 = arith.muli %add3A, %mul3A_3 : i32
    "tpu.region"() ({
      %run_scoped3A = tpu.sem_alloc : memref<!tpu.dma_semaphore, #tpu.memory_space<semaphore_mem>>
      %dma_start3A_657 = arith.constant 0 : i32
      %dma_start3A_658 = tpu.memref_slice %arg3[%mul3A_4, %dma_start3A_657] : memref<256x32xi32, #tpu.memory_space<hbm>> -> memref<8x32xi32, #tpu.memory_space<hbm>>
      %dma_start3A_659 = arith.constant 0 : i32
      %dma_start3A_660 = tpu.memref_slice %arg3[%mul3A_4, %dma_start3A_659] : memref<256x32xi32, #tpu.memory_space<hbm>> -> memref<8x32xi32, #tpu.memory_space<hbm>>
      tpu.enqueue_dma source(%dma_start3A_660 : memref<8x32xi32, #tpu.memory_space<hbm>>) target(%arg15 : memref<8x32xi32, #tpu.memory_space<vmem>>) target_semaphore(%run_scoped3A : memref<!tpu.dma_semaphore, #tpu.memory_space<semaphore_mem>>)
      %dma_wait3A_661 = arith.constant 0 : i32
      %dma_wait3A_662 = tpu.memref_slice %arg3[%mul3A_4, %dma_wait3A_661] : memref<256x32xi32, #tpu.memory_space<hbm>> -> memref<8x32xi32, #tpu.memory_space<hbm>>
      %dma_wait3A_663 = arith.constant 0 : i32
      %dma_wait3A_664 = tpu.memref_slice %arg3[%mul3A_4, %dma_wait3A_663] : memref<256x32xi32, #tpu.memory_space<hbm>> -> memref<8x32xi32, #tpu.memory_space<hbm>>
      tpu.wait_dma2 semaphore(%run_scoped3A : memref<!tpu.dma_semaphore, #tpu.memory_space<semaphore_mem>>) src(%dma_wait3A_664 : memref<8x32xi32, #tpu.memory_space<hbm>>) dst(%arg15 : memref<8x32xi32, #tpu.memory_space<vmem>>)
      tpu.yield
    }) : () -> ()
    "tpu.region"() ({
      %run_scoped3A = tpu.sem_alloc : memref<!tpu.dma_semaphore, #tpu.memory_space<semaphore_mem>>
      %dma_start3A_657 = arith.constant 0 : i32
      %dma_start3A_658 = tpu.memref_slice %arg4[%mul3A_4, %dma_start3A_657] : memref<256x32xi32, #tpu.memory_space<hbm>> -> memref<8x32xi32, #tpu.memory_space<hbm>>
      %dma_start3A_659 = arith.constant 0 : i32
      %dma_start3A_660 = tpu.memref_slice %arg4[%mul3A_4, %dma_start3A_659] : memref<256x32xi32, #tpu.memory_space<hbm>> -> memref<8x32xi32, #tpu.memory_space<hbm>>
      tpu.enqueue_dma source(%dma_start3A_660 : memref<8x32xi32, #tpu.memory_space<hbm>>) target(%arg16 : memref<8x32xi32, #tpu.memory_space<vmem>>) target_semaphore(%run_scoped3A : memref<!tpu.dma_semaphore, #tpu.memory_space<semaphore_mem>>)
      %dma_wait3A_661 = arith.constant 0 : i32
      %dma_wait3A_662 = tpu.memref_slice %arg4[%mul3A_4, %dma_wait3A_661] : memref<256x32xi32, #tpu.memory_space<hbm>> -> memref<8x32xi32, #tpu.memory_space<hbm>>
      %dma_wait3A_663 = arith.constant 0 : i32
      %dma_wait3A_664 = tpu.memref_slice %arg4[%mul3A_4, %dma_wait3A_663] : memref<256x32xi32, #tpu.memory_space<hbm>> -> memref<8x32xi32, #tpu.memory_space<hbm>>
      tpu.wait_dma2 semaphore(%run_scoped3A : memref<!tpu.dma_semaphore, #tpu.memory_space<semaphore_mem>>) src(%dma_wait3A_664 : memref<8x32xi32, #tpu.memory_space<hbm>>) dst(%arg16 : memref<8x32xi32, #tpu.memory_space<vmem>>)
      tpu.yield
    }) : () -> ()
    %dma_start3A = arith.constant 0 : i32
    %dma_start3A_5 = tpu.memref_slice %arg2[%mul3A_2, %dma_start3A] : memref<8192x1024xf32, #tpu.memory_space<hbm>> -> memref<32x1024xf32, #tpu.memory_space<hbm>>
    %dma_start3A_6 = arith.constant 0 : i32
    %dma_start3A_7 = tpu.memref_slice %arg2[%mul3A_2, %dma_start3A_6] : memref<8192x1024xf32, #tpu.memory_space<hbm>> -> memref<32x1024xf32, #tpu.memory_space<hbm>>
    tpu.enqueue_dma source(%dma_start3A_7 : memref<32x1024xf32, #tpu.memory_space<hbm>>) target(%arg9 : memref<32x1024xf32, #tpu.memory_space<vmem>>) target_semaphore(%arg17 : memref<!tpu.dma_semaphore, #tpu.memory_space<semaphore_mem>>)
    %dma_start3A_8 = arith.constant 0 : i32
    %dma_start3A_9 = tpu.memref_slice %arg5[%mul3A_2, %dma_start3A_8] : memref<8192x128xf32, #tpu.memory_space<hbm>> -> memref<32x128xf32, #tpu.memory_space<hbm>>
    %dma_start3A_10 = arith.constant 0 : i32
    %dma_start3A_11 = tpu.memref_slice %arg5[%mul3A_2, %dma_start3A_10] : memref<8192x128xf32, #tpu.memory_space<hbm>> -> memref<32x128xf32, #tpu.memory_space<hbm>>
    tpu.enqueue_dma source(%dma_start3A_11 : memref<32x128xf32, #tpu.memory_space<hbm>>) target(%arg11 : memref<32x128xf32, #tpu.memory_space<vmem>>) target_semaphore(%arg17 : memref<!tpu.dma_semaphore, #tpu.memory_space<semaphore_mem>>)
    %dma_start3A_12 = arith.constant 0 : i32
    %dma_start3A_13 = tpu.memref_slice %arg6[%mul3A_2, %dma_start3A_12] : memref<8192x128xf32, #tpu.memory_space<hbm>> -> memref<32x128xf32, #tpu.memory_space<hbm>>
    %dma_start3A_14 = arith.constant 0 : i32
    %dma_start3A_15 = tpu.memref_slice %arg6[%mul3A_2, %dma_start3A_14] : memref<8192x128xf32, #tpu.memory_space<hbm>> -> memref<32x128xf32, #tpu.memory_space<hbm>>
    tpu.enqueue_dma source(%dma_start3A_15 : memref<32x128xf32, #tpu.memory_space<hbm>>) target(%arg13 : memref<32x128xf32, #tpu.memory_space<vmem>>) target_semaphore(%arg17 : memref<!tpu.dma_semaphore, #tpu.memory_space<semaphore_mem>>)
    %dma_wait3A = arith.constant 0 : i32
    %dma_wait3A_16 = tpu.memref_slice %arg2[%mul3A_2, %dma_wait3A] : memref<8192x1024xf32, #tpu.memory_space<hbm>> -> memref<32x1024xf32, #tpu.memory_space<hbm>>
    %dma_wait3A_17 = arith.constant 0 : i32
    %dma_wait3A_18 = tpu.memref_slice %arg2[%mul3A_2, %dma_wait3A_17] : memref<8192x1024xf32, #tpu.memory_space<hbm>> -> memref<32x1024xf32, #tpu.memory_space<hbm>>
    tpu.wait_dma2 semaphore(%arg17 : memref<!tpu.dma_semaphore, #tpu.memory_space<semaphore_mem>>) src(%dma_wait3A_18 : memref<32x1024xf32, #tpu.memory_space<hbm>>) dst(%arg9 : memref<32x1024xf32, #tpu.memory_space<vmem>>)
    %dma_wait3A_19 = arith.constant 0 : i32
    %dma_wait3A_20 = tpu.memref_slice %arg5[%mul3A_2, %dma_wait3A_19] : memref<8192x128xf32, #tpu.memory_space<hbm>> -> memref<32x128xf32, #tpu.memory_space<hbm>>
    %dma_wait3A_21 = arith.constant 0 : i32
    %dma_wait3A_22 = tpu.memref_slice %arg5[%mul3A_2, %dma_wait3A_21] : memref<8192x128xf32, #tpu.memory_space<hbm>> -> memref<32x128xf32, #tpu.memory_space<hbm>>
    tpu.wait_dma2 semaphore(%arg17 : memref<!tpu.dma_semaphore, #tpu.memory_space<semaphore_mem>>) src(%dma_wait3A_22 : memref<32x128xf32, #tpu.memory_space<hbm>>) dst(%arg11 : memref<32x128xf32, #tpu.memory_space<vmem>>)
    %dma_wait3A_23 = arith.constant 0 : i32
    %dma_wait3A_24 = tpu.memref_slice %arg6[%mul3A_2, %dma_wait3A_23] : memref<8192x128xf32, #tpu.memory_space<hbm>> -> memref<32x128xf32, #tpu.memory_space<hbm>>
    %dma_wait3A_25 = arith.constant 0 : i32
    %dma_wait3A_26 = tpu.memref_slice %arg6[%mul3A_2, %dma_wait3A_25] : memref<8192x128xf32, #tpu.memory_space<hbm>> -> memref<32x128xf32, #tpu.memory_space<hbm>>
    tpu.wait_dma2 semaphore(%arg17 : memref<!tpu.dma_semaphore, #tpu.memory_space<semaphore_mem>>) src(%dma_wait3A_26 : memref<32x128xf32, #tpu.memory_space<hbm>>) dst(%arg13 : memref<32x128xf32, #tpu.memory_space<vmem>>)
    %add3A_27 = arith.constant 32 : i32
    %add3A_28 = arith.addi %mul3A_2, %add3A_27 : i32
    %dma_start3A_29 = arith.constant 0 : i32
    %dma_start3A_30 = tpu.memref_slice %arg2[%add3A_28, %dma_start3A_29] : memref<8192x1024xf32, #tpu.memory_space<hbm>> -> memref<32x1024xf32, #tpu.memory_space<hbm>>
    %dma_start3A_31 = arith.constant 0 : i32
    %dma_start3A_32 = tpu.memref_slice %arg2[%add3A_28, %dma_start3A_31] : memref<8192x1024xf32, #tpu.memory_space<hbm>> -> memref<32x1024xf32, #tpu.memory_space<hbm>>
    tpu.enqueue_dma source(%dma_start3A_32 : memref<32x1024xf32, #tpu.memory_space<hbm>>) target(%arg10 : memref<32x1024xf32, #tpu.memory_space<vmem>>) target_semaphore(%arg18 : memref<!tpu.dma_semaphore, #tpu.memory_space<semaphore_mem>>)
    %dma_start3A_33 = arith.constant 0 : i32
    %dma_start3A_34 = tpu.memref_slice %arg5[%add3A_28, %dma_start3A_33] : memref<8192x128xf32, #tpu.memory_space<hbm>> -> memref<32x128xf32, #tpu.memory_space<hbm>>
    %dma_start3A_35 = arith.constant 0 : i32
    %dma_start3A_36 = tpu.memref_slice %arg5[%add3A_28, %dma_start3A_35] : memref<8192x128xf32, #tpu.memory_space<hbm>> -> memref<32x128xf32, #tpu.memory_space<hbm>>
    tpu.enqueue_dma source(%dma_start3A_36 : memref<32x128xf32, #tpu.memory_space<hbm>>) target(%arg12 : memref<32x128xf32, #tpu.memory_space<vmem>>) target_semaphore(%arg18 : memref<!tpu.dma_semaphore, #tpu.memory_space<semaphore_mem>>)
    %dma_start3A_37 = arith.constant 0 : i32
    %dma_start3A_38 = tpu.memref_slice %arg6[%add3A_28, %dma_start3A_37] : memref<8192x128xf32, #tpu.memory_space<hbm>> -> memref<32x128xf32, #tpu.memory_space<hbm>>
    %dma_start3A_39 = arith.constant 0 : i32
    %dma_start3A_40 = tpu.memref_slice %arg6[%add3A_28, %dma_start3A_39] : memref<8192x128xf32, #tpu.memory_space<hbm>> -> memref<32x128xf32, #tpu.memory_space<hbm>>
    tpu.enqueue_dma source(%dma_start3A_40 : memref<32x128xf32, #tpu.memory_space<hbm>>) target(%arg14 : memref<32x128xf32, #tpu.memory_space<vmem>>) target_semaphore(%arg18 : memref<!tpu.dma_semaphore, #tpu.memory_space<semaphore_mem>>)
    %dma_start3A_41 = arith.constant 0 : i32
    %dma_start3A_42 = arith.constant 0 : i32
    %dma_start3A_43 = tpu.memref_slice %arg15[%dma_start3A_41, %dma_start3A_42] : memref<8x32xi32, #tpu.memory_space<vmem>> -> memref<1x32xi32, #tpu.memory_space<vmem>>
    %dma_start3A_44 = tpu.memref_squeeze %dma_start3A_43 : memref<1x32xi32, #tpu.memory_space<vmem>> -> memref<32xi32, #tpu.memory_space<vmem>>
    %dma_start3A_45 = arith.constant 0 : i32
    %dma_start3A_46 = arith.constant 0 : i32
    %dma_start3A_47 = tpu.memref_slice %arg7[%dma_start3A_45, %dma_start3A_46] : memref<20480x1024xf32, #tpu.memory_space<hbm>> -> memref<20480x1024xf32, #tpu.memory_space<hbm>>
    tpu.enqueue_indirect_dma source(%arg9 : memref<32x1024xf32, #tpu.memory_space<vmem>>) target(%dma_start3A_47 : memref<20480x1024xf32, #tpu.memory_space<hbm>>) offsets(%dma_start3A_44 : memref<32xi32, #tpu.memory_space<vmem>>) semaphore(%arg19 : memref<!tpu.dma_semaphore, #tpu.memory_space<semaphore_mem>>)
    %dma_start3A_48 = arith.constant 0 : i32
    %dma_start3A_49 = arith.constant 0 : i32
    %dma_start3A_50 = tpu.memref_slice %arg16[%dma_start3A_48, %dma_start3A_49] : memref<8x32xi32, #tpu.memory_space<vmem>> -> memref<1x32xi32, #tpu.memory_space<vmem>>
    %dma_start3A_51 = tpu.memref_squeeze %dma_start3A_50 : memref<1x32xi32, #tpu.memory_space<vmem>> -> memref<32xi32, #tpu.memory_space<vmem>>
    %dma_start3A_52 = arith.constant 0 : i32
    %dma_start3A_53 = arith.constant 0 : i32
    %dma_start3A_54 = tpu.memref_slice %arg7[%dma_start3A_52, %dma_start3A_53] : memref<20480x1024xf32, #tpu.memory_space<hbm>> -> memref<20480x1024xf32, #tpu.memory_space<hbm>>
    tpu.enqueue_indirect_dma source(%arg9 : memref<32x1024xf32, #tpu.memory_space<vmem>>) target(%dma_start3A_54 : memref<20480x1024xf32, #tpu.memory_space<hbm>>) offsets(%dma_start3A_51 : memref<32xi32, #tpu.memory_space<vmem>>) semaphore(%arg19 : memref<!tpu.dma_semaphore, #tpu.memory_space<semaphore_mem>>)
    %dma_start3A_55 = arith.constant 0 : i32
    %dma_start3A_56 = arith.constant 0 : i32
    %dma_start3A_57 = tpu.memref_slice %arg15[%dma_start3A_55, %dma_start3A_56] : memref<8x32xi32, #tpu.memory_space<vmem>> -> memref<1x32xi32, #tpu.memory_space<vmem>>
    %dma_start3A_58 = tpu.memref_squeeze %dma_start3A_57 : memref<1x32xi32, #tpu.memory_space<vmem>> -> memref<32xi32, #tpu.memory_space<vmem>>
    %dma_start3A_59 = arith.constant 0 : i32
    %dma_start3A_60 = arith.constant 0 : i32
    %dma_start3A_61 = tpu.memref_slice %arg8[%dma_start3A_59, %dma_start3A_60] : memref<20480x128xf32, #tpu.memory_space<hbm>> -> memref<20480x128xf32, #tpu.memory_space<hbm>>
    tpu.enqueue_indirect_dma source(%arg11 : memref<32x128xf32, #tpu.memory_space<vmem>>) target(%dma_start3A_61 : memref<20480x128xf32, #tpu.memory_space<hbm>>) offsets(%dma_start3A_58 : memref<32xi32, #tpu.memory_space<vmem>>) semaphore(%arg20 : memref<!tpu.dma_semaphore, #tpu.memory_space<semaphore_mem>>)
    %dma_start3A_62 = arith.constant 0 : i32
    %dma_start3A_63 = arith.constant 0 : i32
    %dma_start3A_64 = tpu.memref_slice %arg16[%dma_start3A_62, %dma_start3A_63] : memref<8x32xi32, #tpu.memory_space<vmem>> -> memref<1x32xi32, #tpu.memory_space<vmem>>
    %dma_start3A_65 = tpu.memref_squeeze %dma_start3A_64 : memref<1x32xi32, #tpu.memory_space<vmem>> -> memref<32xi32, #tpu.memory_space<vmem>>
    %dma_start3A_66 = arith.constant 0 : i32
    %dma_start3A_67 = arith.constant 0 : i32
    %dma_start3A_68 = tpu.memref_slice %arg8[%dma_start3A_66, %dma_start3A_67] : memref<20480x128xf32, #tpu.memory_space<hbm>> -> memref<20480x128xf32, #tpu.memory_space<hbm>>
    tpu.enqueue_indirect_dma source(%arg13 : memref<32x128xf32, #tpu.memory_space<vmem>>) target(%dma_start3A_68 : memref<20480x128xf32, #tpu.memory_space<hbm>>) offsets(%dma_start3A_65 : memref<32xi32, #tpu.memory_space<vmem>>) semaphore(%arg20 : memref<!tpu.dma_semaphore, #tpu.memory_space<semaphore_mem>>)
    %dma_wait3A_69 = arith.constant 0 : i32
    %dma_wait3A_70 = tpu.memref_slice %arg2[%add3A_28, %dma_wait3A_69] : memref<8192x1024xf32, #tpu.memory_space<hbm>> -> memref<32x1024xf32, #tpu.memory_space<hbm>>
    %dma_wait3A_71 = arith.constant 0 : i32
    %dma_wait3A_72 = tpu.memref_slice %arg2[%add3A_28, %dma_wait3A_71] : memref<8192x1024xf32, #tpu.memory_space<hbm>> -> memref<32x1024xf32, #tpu.memory_space<hbm>>
    tpu.wait_dma2 semaphore(%arg18 : memref<!tpu.dma_semaphore, #tpu.memory_space<semaphore_mem>>) src(%dma_wait3A_72 : memref<32x1024xf32, #tpu.memory_space<hbm>>) dst(%arg10 : memref<32x1024xf32, #tpu.memory_space<vmem>>)
    %dma_wait3A_73 = arith.constant 0 : i32
    %dma_wait3A_74 = tpu.memref_slice %arg5[%add3A_28, %dma_wait3A_73] : memref<8192x128xf32, #tpu.memory_space<hbm>> -> memref<32x128xf32, #tpu.memory_space<hbm>>
    %dma_wait3A_75 = arith.constant 0 : i32
    %dma_wait3A_76 = tpu.memref_slice %arg5[%add3A_28, %dma_wait3A_75] : memref<8192x128xf32, #tpu.memory_space<hbm>> -> memref<32x128xf32, #tpu.memory_space<hbm>>
    tpu.wait_dma2 semaphore(%arg18 : memref<!tpu.dma_semaphore, #tpu.memory_space<semaphore_mem>>) src(%dma_wait3A_76 : memref<32x128xf32, #tpu.memory_space<hbm>>) dst(%arg12 : memref<32x128xf32, #tpu.memory_space<vmem>>)
    %dma_wait3A_77 = arith.constant 0 : i32
    %dma_wait3A_78 = tpu.memref_slice %arg6[%add3A_28, %dma_wait3A_77] : memref<8192x128xf32, #tpu.memory_space<hbm>> -> memref<32x128xf32, #tpu.memory_space<hbm>>
    %dma_wait3A_79 = arith.constant 0 : i32
    %dma_wait3A_80 = tpu.memref_slice %arg6[%add3A_28, %dma_wait3A_79] : memref<8192x128xf32, #tpu.memory_space<hbm>> -> memref<32x128xf32, #tpu.memory_space<hbm>>
    tpu.wait_dma2 semaphore(%arg18 : memref<!tpu.dma_semaphore, #tpu.memory_space<semaphore_mem>>) src(%dma_wait3A_80 : memref<32x128xf32, #tpu.memory_space<hbm>>) dst(%arg14 : memref<32x128xf32, #tpu.memory_space<vmem>>)
    %dma_wait3A_81 = arith.constant 0 : i32
    %dma_wait3A_82 = arith.constant 0 : i32
    %dma_wait3A_83 = tpu.memref_slice %arg15[%dma_wait3A_81, %dma_wait3A_82] : memref<8x32xi32, #tpu.memory_space<vmem>> -> memref<1x32xi32, #tpu.memory_space<vmem>>
    %dma_wait3A_84 = tpu.memref_squeeze %dma_wait3A_83 : memref<1x32xi32, #tpu.memory_space<vmem>> -> memref<32xi32, #tpu.memory_space<vmem>>
    %dma_wait3A_85 = arith.constant 0 : i32
    %dma_wait3A_86 = arith.constant 0 : i32
    %dma_wait3A_87 = tpu.memref_slice %arg7[%dma_wait3A_85, %dma_wait3A_86] : memref<20480x1024xf32, #tpu.memory_space<hbm>> -> memref<20480x1024xf32, #tpu.memory_space<hbm>>
    tpu.wait_indirect_dma semaphore(%arg19 : memref<!tpu.dma_semaphore, #tpu.memory_space<semaphore_mem>>) src(%arg9 : memref<32x1024xf32, #tpu.memory_space<vmem>>) dst(%dma_wait3A_87 : memref<20480x1024xf32, #tpu.memory_space<hbm>>)
    %dma_wait3A_88 = arith.constant 0 : i32
    %dma_wait3A_89 = arith.constant 0 : i32
    %dma_wait3A_90 = tpu.memref_slice %arg16[%dma_wait3A_88, %dma_wait3A_89] : memref<8x32xi32, #tpu.memory_space<vmem>> -> memref<1x32xi32, #tpu.memory_space<vmem>>
    %dma_wait3A_91 = tpu.memref_squeeze %dma_wait3A_90 : memref<1x32xi32, #tpu.memory_space<vmem>> -> memref<32xi32, #tpu.memory_space<vmem>>
    %dma_wait3A_92 = arith.constant 0 : i32
    %dma_wait3A_93 = arith.constant 0 : i32
    %dma_wait3A_94 = tpu.memref_slice %arg7[%dma_wait3A_92, %dma_wait3A_93] : memref<20480x1024xf32, #tpu.memory_space<hbm>> -> memref<20480x1024xf32, #tpu.memory_space<hbm>>
    tpu.wait_indirect_dma semaphore(%arg19 : memref<!tpu.dma_semaphore, #tpu.memory_space<semaphore_mem>>) src(%arg9 : memref<32x1024xf32, #tpu.memory_space<vmem>>) dst(%dma_wait3A_94 : memref<20480x1024xf32, #tpu.memory_space<hbm>>)
    %dma_wait3A_95 = arith.constant 0 : i32
    %dma_wait3A_96 = arith.constant 0 : i32
    %dma_wait3A_97 = tpu.memref_slice %arg15[%dma_wait3A_95, %dma_wait3A_96] : memref<8x32xi32, #tpu.memory_space<vmem>> -> memref<1x32xi32, #tpu.memory_space<vmem>>
    %dma_wait3A_98 = tpu.memref_squeeze %dma_wait3A_97 : memref<1x32xi32, #tpu.memory_space<vmem>> -> memref<32xi32, #tpu.memory_space<vmem>>
    %dma_wait3A_99 = arith.constant 0 : i32
    %dma_wait3A_100 = arith.constant 0 : i32
    %dma_wait3A_101 = tpu.memref_slice %arg8[%dma_wait3A_99, %dma_wait3A_100] : memref<20480x128xf32, #tpu.memory_space<hbm>> -> memref<20480x128xf32, #tpu.memory_space<hbm>>
    tpu.wait_indirect_dma semaphore(%arg20 : memref<!tpu.dma_semaphore, #tpu.memory_space<semaphore_mem>>) src(%arg11 : memref<32x128xf32, #tpu.memory_space<vmem>>) dst(%dma_wait3A_101 : memref<20480x128xf32, #tpu.memory_space<hbm>>)
    %dma_wait3A_102 = arith.constant 0 : i32
    %dma_wait3A_103 = arith.constant 0 : i32
    %dma_wait3A_104 = tpu.memref_slice %arg16[%dma_wait3A_102, %dma_wait3A_103] : memref<8x32xi32, #tpu.memory_space<vmem>> -> memref<1x32xi32, #tpu.memory_space<vmem>>
    %dma_wait3A_105 = tpu.memref_squeeze %dma_wait3A_104 : memref<1x32xi32, #tpu.memory_space<vmem>> -> memref<32xi32, #tpu.memory_space<vmem>>
    %dma_wait3A_106 = arith.constant 0 : i32
    %dma_wait3A_107 = arith.constant 0 : i32
    %dma_wait3A_108 = tpu.memref_slice %arg8[%dma_wait3A_106, %dma_wait3A_107] : memref<20480x128xf32, #tpu.memory_space<hbm>> -> memref<20480x128xf32, #tpu.memory_space<hbm>>
    tpu.wait_indirect_dma semaphore(%arg20 : memref<!tpu.dma_semaphore, #tpu.memory_space<semaphore_mem>>) src(%arg13 : memref<32x128xf32, #tpu.memory_space<vmem>>) dst(%dma_wait3A_108 : memref<20480x128xf32, #tpu.memory_space<hbm>>)
    %add3A_109 = arith.constant 64 : i32
    %add3A_110 = arith.addi %mul3A_2, %add3A_109 : i32
    %dma_start3A_111 = arith.constant 0 : i32
    %dma_start3A_112 = tpu.memref_slice %arg2[%add3A_110, %dma_start3A_111] : memref<8192x1024xf32, #tpu.memory_space<hbm>> -> memref<32x1024xf32, #tpu.memory_space<hbm>>
    %dma_start3A_113 = arith.constant 0 : i32
    %dma_start3A_114 = tpu.memref_slice %arg2[%add3A_110, %dma_start3A_113] : memref<8192x1024xf32, #tpu.memory_space<hbm>> -> memref<32x1024xf32, #tpu.memory_space<hbm>>
    tpu.enqueue_dma source(%dma_start3A_114 : memref<32x1024xf32, #tpu.memory_space<hbm>>) target(%arg9 : memref<32x1024xf32, #tpu.memory_space<vmem>>) target_semaphore(%arg17 : memref<!tpu.dma_semaphore, #tpu.memory_space<semaphore_mem>>)
    %dma_start3A_115 = arith.constant 0 : i32
    %dma_start3A_116 = tpu.memref_slice %arg5[%add3A_110, %dma_start3A_115] : memref<8192x128xf32, #tpu.memory_space<hbm>> -> memref<32x128xf32, #tpu.memory_space<hbm>>
    %dma_start3A_117 = arith.constant 0 : i32
    %dma_start3A_118 = tpu.memref_slice %arg5[%add3A_110, %dma_start3A_117] : memref<8192x128xf32, #tpu.memory_space<hbm>> -> memref<32x128xf32, #tpu.memory_space<hbm>>
    tpu.enqueue_dma source(%dma_start3A_118 : memref<32x128xf32, #tpu.memory_space<hbm>>) target(%arg11 : memref<32x128xf32, #tpu.memory_space<vmem>>) target_semaphore(%arg17 : memref<!tpu.dma_semaphore, #tpu.memory_space<semaphore_mem>>)
    %dma_start3A_119 = arith.constant 0 : i32
    %dma_start3A_120 = tpu.memref_slice %arg6[%add3A_110, %dma_start3A_119] : memref<8192x128xf32, #tpu.memory_space<hbm>> -> memref<32x128xf32, #tpu.memory_space<hbm>>
    %dma_start3A_121 = arith.constant 0 : i32
    %dma_start3A_122 = tpu.memref_slice %arg6[%add3A_110, %dma_start3A_121] : memref<8192x128xf32, #tpu.memory_space<hbm>> -> memref<32x128xf32, #tpu.memory_space<hbm>>
    tpu.enqueue_dma source(%dma_start3A_122 : memref<32x128xf32, #tpu.memory_space<hbm>>) target(%arg13 : memref<32x128xf32, #tpu.memory_space<vmem>>) target_semaphore(%arg17 : memref<!tpu.dma_semaphore, #tpu.memory_space<semaphore_mem>>)
    %dma_start3A_123 = arith.constant 1 : i32
    %dma_start3A_124 = arith.constant 0 : i32
    %dma_start3A_125 = tpu.memref_slice %arg15[%dma_start3A_123, %dma_start3A_124] : memref<8x32xi32, #tpu.memory_space<vmem>> -> memref<1x32xi32, #tpu.memory_space<vmem>>
    %dma_start3A_126 = tpu.memref_squeeze %dma_start3A_125 : memref<1x32xi32, #tpu.memory_space<vmem>> -> memref<32xi32, #tpu.memory_space<vmem>>
    %dma_start3A_127 = arith.constant 0 : i32
    %dma_start3A_128 = arith.constant 0 : i32
    %dma_start3A_129 = tpu.memref_slice %arg7[%dma_start3A_127, %dma_start3A_128] : memref<20480x1024xf32, #tpu.memory_space<hbm>> -> memref<20480x1024xf32, #tpu.memory_space<hbm>>
    tpu.enqueue_indirect_dma source(%arg10 : memref<32x1024xf32, #tpu.memory_space<vmem>>) target(%dma_start3A_129 : memref<20480x1024xf32, #tpu.memory_space<hbm>>) offsets(%dma_start3A_126 : memref<32xi32, #tpu.memory_space<vmem>>) semaphore(%arg19 : memref<!tpu.dma_semaphore, #tpu.memory_space<semaphore_mem>>)
    %dma_start3A_130 = arith.constant 1 : i32
    %dma_start3A_131 = arith.constant 0 : i32
    %dma_start3A_132 = tpu.memref_slice %arg16[%dma_start3A_130, %dma_start3A_131] : memref<8x32xi32, #tpu.memory_space<vmem>> -> memref<1x32xi32, #tpu.memory_space<vmem>>
    %dma_start3A_133 = tpu.memref_squeeze %dma_start3A_132 : memref<1x32xi32, #tpu.memory_space<vmem>> -> memref<32xi32, #tpu.memory_space<vmem>>
    %dma_start3A_134 = arith.constant 0 : i32
    %dma_start3A_135 = arith.constant 0 : i32
    %dma_start3A_136 = tpu.memref_slice %arg7[%dma_start3A_134, %dma_start3A_135] : memref<20480x1024xf32, #tpu.memory_space<hbm>> -> memref<20480x1024xf32, #tpu.memory_space<hbm>>
    tpu.enqueue_indirect_dma source(%arg10 : memref<32x1024xf32, #tpu.memory_space<vmem>>) target(%dma_start3A_136 : memref<20480x1024xf32, #tpu.memory_space<hbm>>) offsets(%dma_start3A_133 : memref<32xi32, #tpu.memory_space<vmem>>) semaphore(%arg19 : memref<!tpu.dma_semaphore, #tpu.memory_space<semaphore_mem>>)
    %dma_start3A_137 = arith.constant 1 : i32
    %dma_start3A_138 = arith.constant 0 : i32
    %dma_start3A_139 = tpu.memref_slice %arg15[%dma_start3A_137, %dma_start3A_138] : memref<8x32xi32, #tpu.memory_space<vmem>> -> memref<1x32xi32, #tpu.memory_space<vmem>>
    %dma_start3A_140 = tpu.memref_squeeze %dma_start3A_139 : memref<1x32xi32, #tpu.memory_space<vmem>> -> memref<32xi32, #tpu.memory_space<vmem>>
    %dma_start3A_141 = arith.constant 0 : i32
    %dma_start3A_142 = arith.constant 0 : i32
    %dma_start3A_143 = tpu.memref_slice %arg8[%dma_start3A_141, %dma_start3A_142] : memref<20480x128xf32, #tpu.memory_space<hbm>> -> memref<20480x128xf32, #tpu.memory_space<hbm>>
    tpu.enqueue_indirect_dma source(%arg12 : memref<32x128xf32, #tpu.memory_space<vmem>>) target(%dma_start3A_143 : memref<20480x128xf32, #tpu.memory_space<hbm>>) offsets(%dma_start3A_140 : memref<32xi32, #tpu.memory_space<vmem>>) semaphore(%arg20 : memref<!tpu.dma_semaphore, #tpu.memory_space<semaphore_mem>>)
    %dma_start3A_144 = arith.constant 1 : i32
    %dma_start3A_145 = arith.constant 0 : i32
    %dma_start3A_146 = tpu.memref_slice %arg16[%dma_start3A_144, %dma_start3A_145] : memref<8x32xi32, #tpu.memory_space<vmem>> -> memref<1x32xi32, #tpu.memory_space<vmem>>
    %dma_start3A_147 = tpu.memref_squeeze %dma_start3A_146 : memref<1x32xi32, #tpu.memory_space<vmem>> -> memref<32xi32, #tpu.memory_space<vmem>>
    %dma_start3A_148 = arith.constant 0 : i32
    %dma_start3A_149 = arith.constant 0 : i32
    %dma_start3A_150 = tpu.memref_slice %arg8[%dma_start3A_148, %dma_start3A_149] : memref<20480x128xf32, #tpu.memory_space<hbm>> -> memref<20480x128xf32, #tpu.memory_space<hbm>>
    tpu.enqueue_indirect_dma source(%arg14 : memref<32x128xf32, #tpu.memory_space<vmem>>) target(%dma_start3A_150 : memref<20480x128xf32, #tpu.memory_space<hbm>>) offsets(%dma_start3A_147 : memref<32xi32, #tpu.memory_space<vmem>>) semaphore(%arg20 : memref<!tpu.dma_semaphore, #tpu.memory_space<semaphore_mem>>)
    %dma_wait3A_151 = arith.constant 0 : i32
    %dma_wait3A_152 = tpu.memref_slice %arg2[%add3A_110, %dma_wait3A_151] : memref<8192x1024xf32, #tpu.memory_space<hbm>> -> memref<32x1024xf32, #tpu.memory_space<hbm>>
    %dma_wait3A_153 = arith.constant 0 : i32
    %dma_wait3A_154 = tpu.memref_slice %arg2[%add3A_110, %dma_wait3A_153] : memref<8192x1024xf32, #tpu.memory_space<hbm>> -> memref<32x1024xf32, #tpu.memory_space<hbm>>
    tpu.wait_dma2 semaphore(%arg17 : memref<!tpu.dma_semaphore, #tpu.memory_space<semaphore_mem>>) src(%dma_wait3A_154 : memref<32x1024xf32, #tpu.memory_space<hbm>>) dst(%arg9 : memref<32x1024xf32, #tpu.memory_space<vmem>>)
    %dma_wait3A_155 = arith.constant 0 : i32
    %dma_wait3A_156 = tpu.memref_slice %arg5[%add3A_110, %dma_wait3A_155] : memref<8192x128xf32, #tpu.memory_space<hbm>> -> memref<32x128xf32, #tpu.memory_space<hbm>>
    %dma_wait3A_157 = arith.constant 0 : i32
    %dma_wait3A_158 = tpu.memref_slice %arg5[%add3A_110, %dma_wait3A_157] : memref<8192x128xf32, #tpu.memory_space<hbm>> -> memref<32x128xf32, #tpu.memory_space<hbm>>
    tpu.wait_dma2 semaphore(%arg17 : memref<!tpu.dma_semaphore, #tpu.memory_space<semaphore_mem>>) src(%dma_wait3A_158 : memref<32x128xf32, #tpu.memory_space<hbm>>) dst(%arg11 : memref<32x128xf32, #tpu.memory_space<vmem>>)
    %dma_wait3A_159 = arith.constant 0 : i32
    %dma_wait3A_160 = tpu.memref_slice %arg6[%add3A_110, %dma_wait3A_159] : memref<8192x128xf32, #tpu.memory_space<hbm>> -> memref<32x128xf32, #tpu.memory_space<hbm>>
    %dma_wait3A_161 = arith.constant 0 : i32
    %dma_wait3A_162 = tpu.memref_slice %arg6[%add3A_110, %dma_wait3A_161] : memref<8192x128xf32, #tpu.memory_space<hbm>> -> memref<32x128xf32, #tpu.memory_space<hbm>>
    tpu.wait_dma2 semaphore(%arg17 : memref<!tpu.dma_semaphore, #tpu.memory_space<semaphore_mem>>) src(%dma_wait3A_162 : memref<32x128xf32, #tpu.memory_space<hbm>>) dst(%arg13 : memref<32x128xf32, #tpu.memory_space<vmem>>)
    %dma_wait3A_163 = arith.constant 1 : i32
    %dma_wait3A_164 = arith.constant 0 : i32
    %dma_wait3A_165 = tpu.memref_slice %arg15[%dma_wait3A_163, %dma_wait3A_164] : memref<8x32xi32, #tpu.memory_space<vmem>> -> memref<1x32xi32, #tpu.memory_space<vmem>>
    %dma_wait3A_166 = tpu.memref_squeeze %dma_wait3A_165 : memref<1x32xi32, #tpu.memory_space<vmem>> -> memref<32xi32, #tpu.memory_space<vmem>>
    %dma_wait3A_167 = arith.constant 0 : i32
    %dma_wait3A_168 = arith.constant 0 : i32
    %dma_wait3A_169 = tpu.memref_slice %arg7[%dma_wait3A_167, %dma_wait3A_168] : memref<20480x1024xf32, #tpu.memory_space<hbm>> -> memref<20480x1024xf32, #tpu.memory_space<hbm>>
    tpu.wait_indirect_dma semaphore(%arg19 : memref<!tpu.dma_semaphore, #tpu.memory_space<semaphore_mem>>) src(%arg10 : memref<32x1024xf32, #tpu.memory_space<vmem>>) dst(%dma_wait3A_169 : memref<20480x1024xf32, #tpu.memory_space<hbm>>)
    %dma_wait3A_170 = arith.constant 1 : i32
    %dma_wait3A_171 = arith.constant 0 : i32
    %dma_wait3A_172 = tpu.memref_slice %arg16[%dma_wait3A_170, %dma_wait3A_171] : memref<8x32xi32, #tpu.memory_space<vmem>> -> memref<1x32xi32, #tpu.memory_space<vmem>>
    %dma_wait3A_173 = tpu.memref_squeeze %dma_wait3A_172 : memref<1x32xi32, #tpu.memory_space<vmem>> -> memref<32xi32, #tpu.memory_space<vmem>>
    %dma_wait3A_174 = arith.constant 0 : i32
    %dma_wait3A_175 = arith.constant 0 : i32
    %dma_wait3A_176 = tpu.memref_slice %arg7[%dma_wait3A_174, %dma_wait3A_175] : memref<20480x1024xf32, #tpu.memory_space<hbm>> -> memref<20480x1024xf32, #tpu.memory_space<hbm>>
    tpu.wait_indirect_dma semaphore(%arg19 : memref<!tpu.dma_semaphore, #tpu.memory_space<semaphore_mem>>) src(%arg10 : memref<32x1024xf32, #tpu.memory_space<vmem>>) dst(%dma_wait3A_176 : memref<20480x1024xf32, #tpu.memory_space<hbm>>)
    %dma_wait3A_177 = arith.constant 1 : i32
    %dma_wait3A_178 = arith.constant 0 : i32
    %dma_wait3A_179 = tpu.memref_slice %arg15[%dma_wait3A_177, %dma_wait3A_178] : memref<8x32xi32, #tpu.memory_space<vmem>> -> memref<1x32xi32, #tpu.memory_space<vmem>>
    %dma_wait3A_180 = tpu.memref_squeeze %dma_wait3A_179 : memref<1x32xi32, #tpu.memory_space<vmem>> -> memref<32xi32, #tpu.memory_space<vmem>>
    %dma_wait3A_181 = arith.constant 0 : i32
    %dma_wait3A_182 = arith.constant 0 : i32
    %dma_wait3A_183 = tpu.memref_slice %arg8[%dma_wait3A_181, %dma_wait3A_182] : memref<20480x128xf32, #tpu.memory_space<hbm>> -> memref<20480x128xf32, #tpu.memory_space<hbm>>
    tpu.wait_indirect_dma semaphore(%arg20 : memref<!tpu.dma_semaphore, #tpu.memory_space<semaphore_mem>>) src(%arg12 : memref<32x128xf32, #tpu.memory_space<vmem>>) dst(%dma_wait3A_183 : memref<20480x128xf32, #tpu.memory_space<hbm>>)
    %dma_wait3A_184 = arith.constant 1 : i32
    %dma_wait3A_185 = arith.constant 0 : i32
    %dma_wait3A_186 = tpu.memref_slice %arg16[%dma_wait3A_184, %dma_wait3A_185] : memref<8x32xi32, #tpu.memory_space<vmem>> -> memref<1x32xi32, #tpu.memory_space<vmem>>
    %dma_wait3A_187 = tpu.memref_squeeze %dma_wait3A_186 : memref<1x32xi32, #tpu.memory_space<vmem>> -> memref<32xi32, #tpu.memory_space<vmem>>
    %dma_wait3A_188 = arith.constant 0 : i32
    %dma_wait3A_189 = arith.constant 0 : i32
    %dma_wait3A_190 = tpu.memref_slice %arg8[%dma_wait3A_188, %dma_wait3A_189] : memref<20480x128xf32, #tpu.memory_space<hbm>> -> memref<20480x128xf32, #tpu.memory_space<hbm>>
    tpu.wait_indirect_dma semaphore(%arg20 : memref<!tpu.dma_semaphore, #tpu.memory_space<semaphore_mem>>) src(%arg14 : memref<32x128xf32, #tpu.memory_space<vmem>>) dst(%dma_wait3A_190 : memref<20480x128xf32, #tpu.memory_space<hbm>>)
    %add3A_191 = arith.constant 96 : i32
    %add3A_192 = arith.addi %mul3A_2, %add3A_191 : i32
    %dma_start3A_193 = arith.constant 0 : i32
    %dma_start3A_194 = tpu.memref_slice %arg2[%add3A_192, %dma_start3A_193] : memref<8192x1024xf32, #tpu.memory_space<hbm>> -> memref<32x1024xf32, #tpu.memory_space<hbm>>
    %dma_start3A_195 = arith.constant 0 : i32
    %dma_start3A_196 = tpu.memref_slice %arg2[%add3A_192, %dma_start3A_195] : memref<8192x1024xf32, #tpu.memory_space<hbm>> -> memref<32x1024xf32, #tpu.memory_space<hbm>>
    tpu.enqueue_dma source(%dma_start3A_196 : memref<32x1024xf32, #tpu.memory_space<hbm>>) target(%arg10 : memref<32x1024xf32, #tpu.memory_space<vmem>>) target_semaphore(%arg18 : memref<!tpu.dma_semaphore, #tpu.memory_space<semaphore_mem>>)
    %dma_start3A_197 = arith.constant 0 : i32
    %dma_start3A_198 = tpu.memref_slice %arg5[%add3A_192, %dma_start3A_197] : memref<8192x128xf32, #tpu.memory_space<hbm>> -> memref<32x128xf32, #tpu.memory_space<hbm>>
    %dma_start3A_199 = arith.constant 0 : i32
    %dma_start3A_200 = tpu.memref_slice %arg5[%add3A_192, %dma_start3A_199] : memref<8192x128xf32, #tpu.memory_space<hbm>> -> memref<32x128xf32, #tpu.memory_space<hbm>>
    tpu.enqueue_dma source(%dma_start3A_200 : memref<32x128xf32, #tpu.memory_space<hbm>>) target(%arg12 : memref<32x128xf32, #tpu.memory_space<vmem>>) target_semaphore(%arg18 : memref<!tpu.dma_semaphore, #tpu.memory_space<semaphore_mem>>)
    %dma_start3A_201 = arith.constant 0 : i32
    %dma_start3A_202 = tpu.memref_slice %arg6[%add3A_192, %dma_start3A_201] : memref<8192x128xf32, #tpu.memory_space<hbm>> -> memref<32x128xf32, #tpu.memory_space<hbm>>
    %dma_start3A_203 = arith.constant 0 : i32
    %dma_start3A_204 = tpu.memref_slice %arg6[%add3A_192, %dma_start3A_203] : memref<8192x128xf32, #tpu.memory_space<hbm>> -> memref<32x128xf32, #tpu.memory_space<hbm>>
    tpu.enqueue_dma source(%dma_start3A_204 : memref<32x128xf32, #tpu.memory_space<hbm>>) target(%arg14 : memref<32x128xf32, #tpu.memory_space<vmem>>) target_semaphore(%arg18 : memref<!tpu.dma_semaphore, #tpu.memory_space<semaphore_mem>>)
    %dma_start3A_205 = arith.constant 2 : i32
    %dma_start3A_206 = arith.constant 0 : i32
    %dma_start3A_207 = tpu.memref_slice %arg15[%dma_start3A_205, %dma_start3A_206] : memref<8x32xi32, #tpu.memory_space<vmem>> -> memref<1x32xi32, #tpu.memory_space<vmem>>
    %dma_start3A_208 = tpu.memref_squeeze %dma_start3A_207 : memref<1x32xi32, #tpu.memory_space<vmem>> -> memref<32xi32, #tpu.memory_space<vmem>>
    %dma_start3A_209 = arith.constant 0 : i32
    %dma_start3A_210 = arith.constant 0 : i32
    %dma_start3A_211 = tpu.memref_slice %arg7[%dma_start3A_209, %dma_start3A_210] : memref<20480x1024xf32, #tpu.memory_space<hbm>> -> memref<20480x1024xf32, #tpu.memory_space<hbm>>
    tpu.enqueue_indirect_dma source(%arg9 : memref<32x1024xf32, #tpu.memory_space<vmem>>) target(%dma_start3A_211 : memref<20480x1024xf32, #tpu.memory_space<hbm>>) offsets(%dma_start3A_208 : memref<32xi32, #tpu.memory_space<vmem>>) semaphore(%arg19 : memref<!tpu.dma_semaphore, #tpu.memory_space<semaphore_mem>>)
    %dma_start3A_212 = arith.constant 2 : i32
    %dma_start3A_213 = arith.constant 0 : i32
    %dma_start3A_214 = tpu.memref_slice %arg16[%dma_start3A_212, %dma_start3A_213] : memref<8x32xi32, #tpu.memory_space<vmem>> -> memref<1x32xi32, #tpu.memory_space<vmem>>
    %dma_start3A_215 = tpu.memref_squeeze %dma_start3A_214 : memref<1x32xi32, #tpu.memory_space<vmem>> -> memref<32xi32, #tpu.memory_space<vmem>>
    %dma_start3A_216 = arith.constant 0 : i32
    %dma_start3A_217 = arith.constant 0 : i32
    %dma_start3A_218 = tpu.memref_slice %arg7[%dma_start3A_216, %dma_start3A_217] : memref<20480x1024xf32, #tpu.memory_space<hbm>> -> memref<20480x1024xf32, #tpu.memory_space<hbm>>
    tpu.enqueue_indirect_dma source(%arg9 : memref<32x1024xf32, #tpu.memory_space<vmem>>) target(%dma_start3A_218 : memref<20480x1024xf32, #tpu.memory_space<hbm>>) offsets(%dma_start3A_215 : memref<32xi32, #tpu.memory_space<vmem>>) semaphore(%arg19 : memref<!tpu.dma_semaphore, #tpu.memory_space<semaphore_mem>>)
    %dma_start3A_219 = arith.constant 2 : i32
    %dma_start3A_220 = arith.constant 0 : i32
    %dma_start3A_221 = tpu.memref_slice %arg15[%dma_start3A_219, %dma_start3A_220] : memref<8x32xi32, #tpu.memory_space<vmem>> -> memref<1x32xi32, #tpu.memory_space<vmem>>
    %dma_start3A_222 = tpu.memref_squeeze %dma_start3A_221 : memref<1x32xi32, #tpu.memory_space<vmem>> -> memref<32xi32, #tpu.memory_space<vmem>>
    %dma_start3A_223 = arith.constant 0 : i32
    %dma_start3A_224 = arith.constant 0 : i32
    %dma_start3A_225 = tpu.memref_slice %arg8[%dma_start3A_223, %dma_start3A_224] : memref<20480x128xf32, #tpu.memory_space<hbm>> -> memref<20480x128xf32, #tpu.memory_space<hbm>>
    tpu.enqueue_indirect_dma source(%arg11 : memref<32x128xf32, #tpu.memory_space<vmem>>) target(%dma_start3A_225 : memref<20480x128xf32, #tpu.memory_space<hbm>>) offsets(%dma_start3A_222 : memref<32xi32, #tpu.memory_space<vmem>>) semaphore(%arg20 : memref<!tpu.dma_semaphore, #tpu.memory_space<semaphore_mem>>)
    %dma_start3A_226 = arith.constant 2 : i32
    %dma_start3A_227 = arith.constant 0 : i32
    %dma_start3A_228 = tpu.memref_slice %arg16[%dma_start3A_226, %dma_start3A_227] : memref<8x32xi32, #tpu.memory_space<vmem>> -> memref<1x32xi32, #tpu.memory_space<vmem>>
    %dma_start3A_229 = tpu.memref_squeeze %dma_start3A_228 : memref<1x32xi32, #tpu.memory_space<vmem>> -> memref<32xi32, #tpu.memory_space<vmem>>
    %dma_start3A_230 = arith.constant 0 : i32
    %dma_start3A_231 = arith.constant 0 : i32
    %dma_start3A_232 = tpu.memref_slice %arg8[%dma_start3A_230, %dma_start3A_231] : memref<20480x128xf32, #tpu.memory_space<hbm>> -> memref<20480x128xf32, #tpu.memory_space<hbm>>
    tpu.enqueue_indirect_dma source(%arg13 : memref<32x128xf32, #tpu.memory_space<vmem>>) target(%dma_start3A_232 : memref<20480x128xf32, #tpu.memory_space<hbm>>) offsets(%dma_start3A_229 : memref<32xi32, #tpu.memory_space<vmem>>) semaphore(%arg20 : memref<!tpu.dma_semaphore, #tpu.memory_space<semaphore_mem>>)
    %dma_wait3A_233 = arith.constant 0 : i32
    %dma_wait3A_234 = tpu.memref_slice %arg2[%add3A_192, %dma_wait3A_233] : memref<8192x1024xf32, #tpu.memory_space<hbm>> -> memref<32x1024xf32, #tpu.memory_space<hbm>>
    %dma_wait3A_235 = arith.constant 0 : i32
    %dma_wait3A_236 = tpu.memref_slice %arg2[%add3A_192, %dma_wait3A_235] : memref<8192x1024xf32, #tpu.memory_space<hbm>> -> memref<32x1024xf32, #tpu.memory_space<hbm>>
    tpu.wait_dma2 semaphore(%arg18 : memref<!tpu.dma_semaphore, #tpu.memory_space<semaphore_mem>>) src(%dma_wait3A_236 : memref<32x1024xf32, #tpu.memory_space<hbm>>) dst(%arg10 : memref<32x1024xf32, #tpu.memory_space<vmem>>)
    %dma_wait3A_237 = arith.constant 0 : i32
    %dma_wait3A_238 = tpu.memref_slice %arg5[%add3A_192, %dma_wait3A_237] : memref<8192x128xf32, #tpu.memory_space<hbm>> -> memref<32x128xf32, #tpu.memory_space<hbm>>
    %dma_wait3A_239 = arith.constant 0 : i32
    %dma_wait3A_240 = tpu.memref_slice %arg5[%add3A_192, %dma_wait3A_239] : memref<8192x128xf32, #tpu.memory_space<hbm>> -> memref<32x128xf32, #tpu.memory_space<hbm>>
    tpu.wait_dma2 semaphore(%arg18 : memref<!tpu.dma_semaphore, #tpu.memory_space<semaphore_mem>>) src(%dma_wait3A_240 : memref<32x128xf32, #tpu.memory_space<hbm>>) dst(%arg12 : memref<32x128xf32, #tpu.memory_space<vmem>>)
    %dma_wait3A_241 = arith.constant 0 : i32
    %dma_wait3A_242 = tpu.memref_slice %arg6[%add3A_192, %dma_wait3A_241] : memref<8192x128xf32, #tpu.memory_space<hbm>> -> memref<32x128xf32, #tpu.memory_space<hbm>>
    %dma_wait3A_243 = arith.constant 0 : i32
    %dma_wait3A_244 = tpu.memref_slice %arg6[%add3A_192, %dma_wait3A_243] : memref<8192x128xf32, #tpu.memory_space<hbm>> -> memref<32x128xf32, #tpu.memory_space<hbm>>
    tpu.wait_dma2 semaphore(%arg18 : memref<!tpu.dma_semaphore, #tpu.memory_space<semaphore_mem>>) src(%dma_wait3A_244 : memref<32x128xf32, #tpu.memory_space<hbm>>) dst(%arg14 : memref<32x128xf32, #tpu.memory_space<vmem>>)
    %dma_wait3A_245 = arith.constant 2 : i32
    %dma_wait3A_246 = arith.constant 0 : i32
    %dma_wait3A_247 = tpu.memref_slice %arg15[%dma_wait3A_245, %dma_wait3A_246] : memref<8x32xi32, #tpu.memory_space<vmem>> -> memref<1x32xi32, #tpu.memory_space<vmem>>
    %dma_wait3A_248 = tpu.memref_squeeze %dma_wait3A_247 : memref<1x32xi32, #tpu.memory_space<vmem>> -> memref<32xi32, #tpu.memory_space<vmem>>
    %dma_wait3A_249 = arith.constant 0 : i32
    %dma_wait3A_250 = arith.constant 0 : i32
    %dma_wait3A_251 = tpu.memref_slice %arg7[%dma_wait3A_249, %dma_wait3A_250] : memref<20480x1024xf32, #tpu.memory_space<hbm>> -> memref<20480x1024xf32, #tpu.memory_space<hbm>>
    tpu.wait_indirect_dma semaphore(%arg19 : memref<!tpu.dma_semaphore, #tpu.memory_space<semaphore_mem>>) src(%arg9 : memref<32x1024xf32, #tpu.memory_space<vmem>>) dst(%dma_wait3A_251 : memref<20480x1024xf32, #tpu.memory_space<hbm>>)
    %dma_wait3A_252 = arith.constant 2 : i32
    %dma_wait3A_253 = arith.constant 0 : i32
    %dma_wait3A_254 = tpu.memref_slice %arg16[%dma_wait3A_252, %dma_wait3A_253] : memref<8x32xi32, #tpu.memory_space<vmem>> -> memref<1x32xi32, #tpu.memory_space<vmem>>
    %dma_wait3A_255 = tpu.memref_squeeze %dma_wait3A_254 : memref<1x32xi32, #tpu.memory_space<vmem>> -> memref<32xi32, #tpu.memory_space<vmem>>
    %dma_wait3A_256 = arith.constant 0 : i32
    %dma_wait3A_257 = arith.constant 0 : i32
    %dma_wait3A_258 = tpu.memref_slice %arg7[%dma_wait3A_256, %dma_wait3A_257] : memref<20480x1024xf32, #tpu.memory_space<hbm>> -> memref<20480x1024xf32, #tpu.memory_space<hbm>>
    tpu.wait_indirect_dma semaphore(%arg19 : memref<!tpu.dma_semaphore, #tpu.memory_space<semaphore_mem>>) src(%arg9 : memref<32x1024xf32, #tpu.memory_space<vmem>>) dst(%dma_wait3A_258 : memref<20480x1024xf32, #tpu.memory_space<hbm>>)
    %dma_wait3A_259 = arith.constant 2 : i32
    %dma_wait3A_260 = arith.constant 0 : i32
    %dma_wait3A_261 = tpu.memref_slice %arg15[%dma_wait3A_259, %dma_wait3A_260] : memref<8x32xi32, #tpu.memory_space<vmem>> -> memref<1x32xi32, #tpu.memory_space<vmem>>
    %dma_wait3A_262 = tpu.memref_squeeze %dma_wait3A_261 : memref<1x32xi32, #tpu.memory_space<vmem>> -> memref<32xi32, #tpu.memory_space<vmem>>
    %dma_wait3A_263 = arith.constant 0 : i32
    %dma_wait3A_264 = arith.constant 0 : i32
    %dma_wait3A_265 = tpu.memref_slice %arg8[%dma_wait3A_263, %dma_wait3A_264] : memref<20480x128xf32, #tpu.memory_space<hbm>> -> memref<20480x128xf32, #tpu.memory_space<hbm>>
    tpu.wait_indirect_dma semaphore(%arg20 : memref<!tpu.dma_semaphore, #tpu.memory_space<semaphore_mem>>) src(%arg11 : memref<32x128xf32, #tpu.memory_space<vmem>>) dst(%dma_wait3A_265 : memref<20480x128xf32, #tpu.memory_space<hbm>>)
    %dma_wait3A_266 = arith.constant 2 : i32
    %dma_wait3A_267 = arith.constant 0 : i32
    %dma_wait3A_268 = tpu.memref_slice %arg16[%dma_wait3A_266, %dma_wait3A_267] : memref<8x32xi32, #tpu.memory_space<vmem>> -> memref<1x32xi32, #tpu.memory_space<vmem>>
    %dma_wait3A_269 = tpu.memref_squeeze %dma_wait3A_268 : memref<1x32xi32, #tpu.memory_space<vmem>> -> memref<32xi32, #tpu.memory_space<vmem>>
    %dma_wait3A_270 = arith.constant 0 : i32
    %dma_wait3A_271 = arith.constant 0 : i32
    %dma_wait3A_272 = tpu.memref_slice %arg8[%dma_wait3A_270, %dma_wait3A_271] : memref<20480x128xf32, #tpu.memory_space<hbm>> -> memref<20480x128xf32, #tpu.memory_space<hbm>>
    tpu.wait_indirect_dma semaphore(%arg20 : memref<!tpu.dma_semaphore, #tpu.memory_space<semaphore_mem>>) src(%arg13 : memref<32x128xf32, #tpu.memory_space<vmem>>) dst(%dma_wait3A_272 : memref<20480x128xf32, #tpu.memory_space<hbm>>)
    %add3A_273 = arith.constant 128 : i32
    %add3A_274 = arith.addi %mul3A_2, %add3A_273 : i32
    %dma_start3A_275 = arith.constant 0 : i32
    %dma_start3A_276 = tpu.memref_slice %arg2[%add3A_274, %dma_start3A_275] : memref<8192x1024xf32, #tpu.memory_space<hbm>> -> memref<32x1024xf32, #tpu.memory_space<hbm>>
    %dma_start3A_277 = arith.constant 0 : i32
    %dma_start3A_278 = tpu.memref_slice %arg2[%add3A_274, %dma_start3A_277] : memref<8192x1024xf32, #tpu.memory_space<hbm>> -> memref<32x1024xf32, #tpu.memory_space<hbm>>
    tpu.enqueue_dma source(%dma_start3A_278 : memref<32x1024xf32, #tpu.memory_space<hbm>>) target(%arg9 : memref<32x1024xf32, #tpu.memory_space<vmem>>) target_semaphore(%arg17 : memref<!tpu.dma_semaphore, #tpu.memory_space<semaphore_mem>>)
    %dma_start3A_279 = arith.constant 0 : i32
    %dma_start3A_280 = tpu.memref_slice %arg5[%add3A_274, %dma_start3A_279] : memref<8192x128xf32, #tpu.memory_space<hbm>> -> memref<32x128xf32, #tpu.memory_space<hbm>>
    %dma_start3A_281 = arith.constant 0 : i32
    %dma_start3A_282 = tpu.memref_slice %arg5[%add3A_274, %dma_start3A_281] : memref<8192x128xf32, #tpu.memory_space<hbm>> -> memref<32x128xf32, #tpu.memory_space<hbm>>
    tpu.enqueue_dma source(%dma_start3A_282 : memref<32x128xf32, #tpu.memory_space<hbm>>) target(%arg11 : memref<32x128xf32, #tpu.memory_space<vmem>>) target_semaphore(%arg17 : memref<!tpu.dma_semaphore, #tpu.memory_space<semaphore_mem>>)
    %dma_start3A_283 = arith.constant 0 : i32
    %dma_start3A_284 = tpu.memref_slice %arg6[%add3A_274, %dma_start3A_283] : memref<8192x128xf32, #tpu.memory_space<hbm>> -> memref<32x128xf32, #tpu.memory_space<hbm>>
    %dma_start3A_285 = arith.constant 0 : i32
    %dma_start3A_286 = tpu.memref_slice %arg6[%add3A_274, %dma_start3A_285] : memref<8192x128xf32, #tpu.memory_space<hbm>> -> memref<32x128xf32, #tpu.memory_space<hbm>>
    tpu.enqueue_dma source(%dma_start3A_286 : memref<32x128xf32, #tpu.memory_space<hbm>>) target(%arg13 : memref<32x128xf32, #tpu.memory_space<vmem>>) target_semaphore(%arg17 : memref<!tpu.dma_semaphore, #tpu.memory_space<semaphore_mem>>)
    %dma_start3A_287 = arith.constant 3 : i32
    %dma_start3A_288 = arith.constant 0 : i32
    %dma_start3A_289 = tpu.memref_slice %arg15[%dma_start3A_287, %dma_start3A_288] : memref<8x32xi32, #tpu.memory_space<vmem>> -> memref<1x32xi32, #tpu.memory_space<vmem>>
    %dma_start3A_290 = tpu.memref_squeeze %dma_start3A_289 : memref<1x32xi32, #tpu.memory_space<vmem>> -> memref<32xi32, #tpu.memory_space<vmem>>
    %dma_start3A_291 = arith.constant 0 : i32
    %dma_start3A_292 = arith.constant 0 : i32
    %dma_start3A_293 = tpu.memref_slice %arg7[%dma_start3A_291, %dma_start3A_292] : memref<20480x1024xf32, #tpu.memory_space<hbm>> -> memref<20480x1024xf32, #tpu.memory_space<hbm>>
    tpu.enqueue_indirect_dma source(%arg10 : memref<32x1024xf32, #tpu.memory_space<vmem>>) target(%dma_start3A_293 : memref<20480x1024xf32, #tpu.memory_space<hbm>>) offsets(%dma_start3A_290 : memref<32xi32, #tpu.memory_space<vmem>>) semaphore(%arg19 : memref<!tpu.dma_semaphore, #tpu.memory_space<semaphore_mem>>)
    %dma_start3A_294 = arith.constant 3 : i32
    %dma_start3A_295 = arith.constant 0 : i32
    %dma_start3A_296 = tpu.memref_slice %arg16[%dma_start3A_294, %dma_start3A_295] : memref<8x32xi32, #tpu.memory_space<vmem>> -> memref<1x32xi32, #tpu.memory_space<vmem>>
    %dma_start3A_297 = tpu.memref_squeeze %dma_start3A_296 : memref<1x32xi32, #tpu.memory_space<vmem>> -> memref<32xi32, #tpu.memory_space<vmem>>
    %dma_start3A_298 = arith.constant 0 : i32
    %dma_start3A_299 = arith.constant 0 : i32
    %dma_start3A_300 = tpu.memref_slice %arg7[%dma_start3A_298, %dma_start3A_299] : memref<20480x1024xf32, #tpu.memory_space<hbm>> -> memref<20480x1024xf32, #tpu.memory_space<hbm>>
    tpu.enqueue_indirect_dma source(%arg10 : memref<32x1024xf32, #tpu.memory_space<vmem>>) target(%dma_start3A_300 : memref<20480x1024xf32, #tpu.memory_space<hbm>>) offsets(%dma_start3A_297 : memref<32xi32, #tpu.memory_space<vmem>>) semaphore(%arg19 : memref<!tpu.dma_semaphore, #tpu.memory_space<semaphore_mem>>)
    %dma_start3A_301 = arith.constant 3 : i32
    %dma_start3A_302 = arith.constant 0 : i32
    %dma_start3A_303 = tpu.memref_slice %arg15[%dma_start3A_301, %dma_start3A_302] : memref<8x32xi32, #tpu.memory_space<vmem>> -> memref<1x32xi32, #tpu.memory_space<vmem>>
    %dma_start3A_304 = tpu.memref_squeeze %dma_start3A_303 : memref<1x32xi32, #tpu.memory_space<vmem>> -> memref<32xi32, #tpu.memory_space<vmem>>
    %dma_start3A_305 = arith.constant 0 : i32
    %dma_start3A_306 = arith.constant 0 : i32
    %dma_start3A_307 = tpu.memref_slice %arg8[%dma_start3A_305, %dma_start3A_306] : memref<20480x128xf32, #tpu.memory_space<hbm>> -> memref<20480x128xf32, #tpu.memory_space<hbm>>
    tpu.enqueue_indirect_dma source(%arg12 : memref<32x128xf32, #tpu.memory_space<vmem>>) target(%dma_start3A_307 : memref<20480x128xf32, #tpu.memory_space<hbm>>) offsets(%dma_start3A_304 : memref<32xi32, #tpu.memory_space<vmem>>) semaphore(%arg20 : memref<!tpu.dma_semaphore, #tpu.memory_space<semaphore_mem>>)
    %dma_start3A_308 = arith.constant 3 : i32
    %dma_start3A_309 = arith.constant 0 : i32
    %dma_start3A_310 = tpu.memref_slice %arg16[%dma_start3A_308, %dma_start3A_309] : memref<8x32xi32, #tpu.memory_space<vmem>> -> memref<1x32xi32, #tpu.memory_space<vmem>>
    %dma_start3A_311 = tpu.memref_squeeze %dma_start3A_310 : memref<1x32xi32, #tpu.memory_space<vmem>> -> memref<32xi32, #tpu.memory_space<vmem>>
    %dma_start3A_312 = arith.constant 0 : i32
    %dma_start3A_313 = arith.constant 0 : i32
    %dma_start3A_314 = tpu.memref_slice %arg8[%dma_start3A_312, %dma_start3A_313] : memref<20480x128xf32, #tpu.memory_space<hbm>> -> memref<20480x128xf32, #tpu.memory_space<hbm>>
    tpu.enqueue_indirect_dma source(%arg14 : memref<32x128xf32, #tpu.memory_space<vmem>>) target(%dma_start3A_314 : memref<20480x128xf32, #tpu.memory_space<hbm>>) offsets(%dma_start3A_311 : memref<32xi32, #tpu.memory_space<vmem>>) semaphore(%arg20 : memref<!tpu.dma_semaphore, #tpu.memory_space<semaphore_mem>>)
    %dma_wait3A_315 = arith.constant 0 : i32
    %dma_wait3A_316 = tpu.memref_slice %arg2[%add3A_274, %dma_wait3A_315] : memref<8192x1024xf32, #tpu.memory_space<hbm>> -> memref<32x1024xf32, #tpu.memory_space<hbm>>
    %dma_wait3A_317 = arith.constant 0 : i32
    %dma_wait3A_318 = tpu.memref_slice %arg2[%add3A_274, %dma_wait3A_317] : memref<8192x1024xf32, #tpu.memory_space<hbm>> -> memref<32x1024xf32, #tpu.memory_space<hbm>>
    tpu.wait_dma2 semaphore(%arg17 : memref<!tpu.dma_semaphore, #tpu.memory_space<semaphore_mem>>) src(%dma_wait3A_318 : memref<32x1024xf32, #tpu.memory_space<hbm>>) dst(%arg9 : memref<32x1024xf32, #tpu.memory_space<vmem>>)
    %dma_wait3A_319 = arith.constant 0 : i32
    %dma_wait3A_320 = tpu.memref_slice %arg5[%add3A_274, %dma_wait3A_319] : memref<8192x128xf32, #tpu.memory_space<hbm>> -> memref<32x128xf32, #tpu.memory_space<hbm>>
    %dma_wait3A_321 = arith.constant 0 : i32
    %dma_wait3A_322 = tpu.memref_slice %arg5[%add3A_274, %dma_wait3A_321] : memref<8192x128xf32, #tpu.memory_space<hbm>> -> memref<32x128xf32, #tpu.memory_space<hbm>>
    tpu.wait_dma2 semaphore(%arg17 : memref<!tpu.dma_semaphore, #tpu.memory_space<semaphore_mem>>) src(%dma_wait3A_322 : memref<32x128xf32, #tpu.memory_space<hbm>>) dst(%arg11 : memref<32x128xf32, #tpu.memory_space<vmem>>)
    %dma_wait3A_323 = arith.constant 0 : i32
    %dma_wait3A_324 = tpu.memref_slice %arg6[%add3A_274, %dma_wait3A_323] : memref<8192x128xf32, #tpu.memory_space<hbm>> -> memref<32x128xf32, #tpu.memory_space<hbm>>
    %dma_wait3A_325 = arith.constant 0 : i32
    %dma_wait3A_326 = tpu.memref_slice %arg6[%add3A_274, %dma_wait3A_325] : memref<8192x128xf32, #tpu.memory_space<hbm>> -> memref<32x128xf32, #tpu.memory_space<hbm>>
    tpu.wait_dma2 semaphore(%arg17 : memref<!tpu.dma_semaphore, #tpu.memory_space<semaphore_mem>>) src(%dma_wait3A_326 : memref<32x128xf32, #tpu.memory_space<hbm>>) dst(%arg13 : memref<32x128xf32, #tpu.memory_space<vmem>>)
    %dma_wait3A_327 = arith.constant 3 : i32
    %dma_wait3A_328 = arith.constant 0 : i32
    %dma_wait3A_329 = tpu.memref_slice %arg15[%dma_wait3A_327, %dma_wait3A_328] : memref<8x32xi32, #tpu.memory_space<vmem>> -> memref<1x32xi32, #tpu.memory_space<vmem>>
    %dma_wait3A_330 = tpu.memref_squeeze %dma_wait3A_329 : memref<1x32xi32, #tpu.memory_space<vmem>> -> memref<32xi32, #tpu.memory_space<vmem>>
    %dma_wait3A_331 = arith.constant 0 : i32
    %dma_wait3A_332 = arith.constant 0 : i32
    %dma_wait3A_333 = tpu.memref_slice %arg7[%dma_wait3A_331, %dma_wait3A_332] : memref<20480x1024xf32, #tpu.memory_space<hbm>> -> memref<20480x1024xf32, #tpu.memory_space<hbm>>
    tpu.wait_indirect_dma semaphore(%arg19 : memref<!tpu.dma_semaphore, #tpu.memory_space<semaphore_mem>>) src(%arg10 : memref<32x1024xf32, #tpu.memory_space<vmem>>) dst(%dma_wait3A_333 : memref<20480x1024xf32, #tpu.memory_space<hbm>>)
    %dma_wait3A_334 = arith.constant 3 : i32
    %dma_wait3A_335 = arith.constant 0 : i32
    %dma_wait3A_336 = tpu.memref_slice %arg16[%dma_wait3A_334, %dma_wait3A_335] : memref<8x32xi32, #tpu.memory_space<vmem>> -> memref<1x32xi32, #tpu.memory_space<vmem>>
    %dma_wait3A_337 = tpu.memref_squeeze %dma_wait3A_336 : memref<1x32xi32, #tpu.memory_space<vmem>> -> memref<32xi32, #tpu.memory_space<vmem>>
    %dma_wait3A_338 = arith.constant 0 : i32
    %dma_wait3A_339 = arith.constant 0 : i32
    %dma_wait3A_340 = tpu.memref_slice %arg7[%dma_wait3A_338, %dma_wait3A_339] : memref<20480x1024xf32, #tpu.memory_space<hbm>> -> memref<20480x1024xf32, #tpu.memory_space<hbm>>
    tpu.wait_indirect_dma semaphore(%arg19 : memref<!tpu.dma_semaphore, #tpu.memory_space<semaphore_mem>>) src(%arg10 : memref<32x1024xf32, #tpu.memory_space<vmem>>) dst(%dma_wait3A_340 : memref<20480x1024xf32, #tpu.memory_space<hbm>>)
    %dma_wait3A_341 = arith.constant 3 : i32
    %dma_wait3A_342 = arith.constant 0 : i32
    %dma_wait3A_343 = tpu.memref_slice %arg15[%dma_wait3A_341, %dma_wait3A_342] : memref<8x32xi32, #tpu.memory_space<vmem>> -> memref<1x32xi32, #tpu.memory_space<vmem>>
    %dma_wait3A_344 = tpu.memref_squeeze %dma_wait3A_343 : memref<1x32xi32, #tpu.memory_space<vmem>> -> memref<32xi32, #tpu.memory_space<vmem>>
    %dma_wait3A_345 = arith.constant 0 : i32
    %dma_wait3A_346 = arith.constant 0 : i32
    %dma_wait3A_347 = tpu.memref_slice %arg8[%dma_wait3A_345, %dma_wait3A_346] : memref<20480x128xf32, #tpu.memory_space<hbm>> -> memref<20480x128xf32, #tpu.memory_space<hbm>>
    tpu.wait_indirect_dma semaphore(%arg20 : memref<!tpu.dma_semaphore, #tpu.memory_space<semaphore_mem>>) src(%arg12 : memref<32x128xf32, #tpu.memory_space<vmem>>) dst(%dma_wait3A_347 : memref<20480x128xf32, #tpu.memory_space<hbm>>)
    %dma_wait3A_348 = arith.constant 3 : i32
    %dma_wait3A_349 = arith.constant 0 : i32
    %dma_wait3A_350 = tpu.memref_slice %arg16[%dma_wait3A_348, %dma_wait3A_349] : memref<8x32xi32, #tpu.memory_space<vmem>> -> memref<1x32xi32, #tpu.memory_space<vmem>>
    %dma_wait3A_351 = tpu.memref_squeeze %dma_wait3A_350 : memref<1x32xi32, #tpu.memory_space<vmem>> -> memref<32xi32, #tpu.memory_space<vmem>>
    %dma_wait3A_352 = arith.constant 0 : i32
    %dma_wait3A_353 = arith.constant 0 : i32
    %dma_wait3A_354 = tpu.memref_slice %arg8[%dma_wait3A_352, %dma_wait3A_353] : memref<20480x128xf32, #tpu.memory_space<hbm>> -> memref<20480x128xf32, #tpu.memory_space<hbm>>
    tpu.wait_indirect_dma semaphore(%arg20 : memref<!tpu.dma_semaphore, #tpu.memory_space<semaphore_mem>>) src(%arg14 : memref<32x128xf32, #tpu.memory_space<vmem>>) dst(%dma_wait3A_354 : memref<20480x128xf32, #tpu.memory_space<hbm>>)
    %add3A_355 = arith.constant 160 : i32
    %add3A_356 = arith.addi %mul3A_2, %add3A_355 : i32
    %dma_start3A_357 = arith.constant 0 : i32
    %dma_start3A_358 = tpu.memref_slice %arg2[%add3A_356, %dma_start3A_357] : memref<8192x1024xf32, #tpu.memory_space<hbm>> -> memref<32x1024xf32, #tpu.memory_space<hbm>>
    %dma_start3A_359 = arith.constant 0 : i32
    %dma_start3A_360 = tpu.memref_slice %arg2[%add3A_356, %dma_start3A_359] : memref<8192x1024xf32, #tpu.memory_space<hbm>> -> memref<32x1024xf32, #tpu.memory_space<hbm>>
    tpu.enqueue_dma source(%dma_start3A_360 : memref<32x1024xf32, #tpu.memory_space<hbm>>) target(%arg10 : memref<32x1024xf32, #tpu.memory_space<vmem>>) target_semaphore(%arg18 : memref<!tpu.dma_semaphore, #tpu.memory_space<semaphore_mem>>)
    %dma_start3A_361 = arith.constant 0 : i32
    %dma_start3A_362 = tpu.memref_slice %arg5[%add3A_356, %dma_start3A_361] : memref<8192x128xf32, #tpu.memory_space<hbm>> -> memref<32x128xf32, #tpu.memory_space<hbm>>
    %dma_start3A_363 = arith.constant 0 : i32
    %dma_start3A_364 = tpu.memref_slice %arg5[%add3A_356, %dma_start3A_363] : memref<8192x128xf32, #tpu.memory_space<hbm>> -> memref<32x128xf32, #tpu.memory_space<hbm>>
    tpu.enqueue_dma source(%dma_start3A_364 : memref<32x128xf32, #tpu.memory_space<hbm>>) target(%arg12 : memref<32x128xf32, #tpu.memory_space<vmem>>) target_semaphore(%arg18 : memref<!tpu.dma_semaphore, #tpu.memory_space<semaphore_mem>>)
    %dma_start3A_365 = arith.constant 0 : i32
    %dma_start3A_366 = tpu.memref_slice %arg6[%add3A_356, %dma_start3A_365] : memref<8192x128xf32, #tpu.memory_space<hbm>> -> memref<32x128xf32, #tpu.memory_space<hbm>>
    %dma_start3A_367 = arith.constant 0 : i32
    %dma_start3A_368 = tpu.memref_slice %arg6[%add3A_356, %dma_start3A_367] : memref<8192x128xf32, #tpu.memory_space<hbm>> -> memref<32x128xf32, #tpu.memory_space<hbm>>
    tpu.enqueue_dma source(%dma_start3A_368 : memref<32x128xf32, #tpu.memory_space<hbm>>) target(%arg14 : memref<32x128xf32, #tpu.memory_space<vmem>>) target_semaphore(%arg18 : memref<!tpu.dma_semaphore, #tpu.memory_space<semaphore_mem>>)
    %dma_start3A_369 = arith.constant 4 : i32
    %dma_start3A_370 = arith.constant 0 : i32
    %dma_start3A_371 = tpu.memref_slice %arg15[%dma_start3A_369, %dma_start3A_370] : memref<8x32xi32, #tpu.memory_space<vmem>> -> memref<1x32xi32, #tpu.memory_space<vmem>>
    %dma_start3A_372 = tpu.memref_squeeze %dma_start3A_371 : memref<1x32xi32, #tpu.memory_space<vmem>> -> memref<32xi32, #tpu.memory_space<vmem>>
    %dma_start3A_373 = arith.constant 0 : i32
    %dma_start3A_374 = arith.constant 0 : i32
    %dma_start3A_375 = tpu.memref_slice %arg7[%dma_start3A_373, %dma_start3A_374] : memref<20480x1024xf32, #tpu.memory_space<hbm>> -> memref<20480x1024xf32, #tpu.memory_space<hbm>>
    tpu.enqueue_indirect_dma source(%arg9 : memref<32x1024xf32, #tpu.memory_space<vmem>>) target(%dma_start3A_375 : memref<20480x1024xf32, #tpu.memory_space<hbm>>) offsets(%dma_start3A_372 : memref<32xi32, #tpu.memory_space<vmem>>) semaphore(%arg19 : memref<!tpu.dma_semaphore, #tpu.memory_space<semaphore_mem>>)
    %dma_start3A_376 = arith.constant 4 : i32
    %dma_start3A_377 = arith.constant 0 : i32
    %dma_start3A_378 = tpu.memref_slice %arg16[%dma_start3A_376, %dma_start3A_377] : memref<8x32xi32, #tpu.memory_space<vmem>> -> memref<1x32xi32, #tpu.memory_space<vmem>>
    %dma_start3A_379 = tpu.memref_squeeze %dma_start3A_378 : memref<1x32xi32, #tpu.memory_space<vmem>> -> memref<32xi32, #tpu.memory_space<vmem>>
    %dma_start3A_380 = arith.constant 0 : i32
    %dma_start3A_381 = arith.constant 0 : i32
    %dma_start3A_382 = tpu.memref_slice %arg7[%dma_start3A_380, %dma_start3A_381] : memref<20480x1024xf32, #tpu.memory_space<hbm>> -> memref<20480x1024xf32, #tpu.memory_space<hbm>>
    tpu.enqueue_indirect_dma source(%arg9 : memref<32x1024xf32, #tpu.memory_space<vmem>>) target(%dma_start3A_382 : memref<20480x1024xf32, #tpu.memory_space<hbm>>) offsets(%dma_start3A_379 : memref<32xi32, #tpu.memory_space<vmem>>) semaphore(%arg19 : memref<!tpu.dma_semaphore, #tpu.memory_space<semaphore_mem>>)
    %dma_start3A_383 = arith.constant 4 : i32
    %dma_start3A_384 = arith.constant 0 : i32
    %dma_start3A_385 = tpu.memref_slice %arg15[%dma_start3A_383, %dma_start3A_384] : memref<8x32xi32, #tpu.memory_space<vmem>> -> memref<1x32xi32, #tpu.memory_space<vmem>>
    %dma_start3A_386 = tpu.memref_squeeze %dma_start3A_385 : memref<1x32xi32, #tpu.memory_space<vmem>> -> memref<32xi32, #tpu.memory_space<vmem>>
    %dma_start3A_387 = arith.constant 0 : i32
    %dma_start3A_388 = arith.constant 0 : i32
    %dma_start3A_389 = tpu.memref_slice %arg8[%dma_start3A_387, %dma_start3A_388] : memref<20480x128xf32, #tpu.memory_space<hbm>> -> memref<20480x128xf32, #tpu.memory_space<hbm>>
    tpu.enqueue_indirect_dma source(%arg11 : memref<32x128xf32, #tpu.memory_space<vmem>>) target(%dma_start3A_389 : memref<20480x128xf32, #tpu.memory_space<hbm>>) offsets(%dma_start3A_386 : memref<32xi32, #tpu.memory_space<vmem>>) semaphore(%arg20 : memref<!tpu.dma_semaphore, #tpu.memory_space<semaphore_mem>>)
    %dma_start3A_390 = arith.constant 4 : i32
    %dma_start3A_391 = arith.constant 0 : i32
    %dma_start3A_392 = tpu.memref_slice %arg16[%dma_start3A_390, %dma_start3A_391] : memref<8x32xi32, #tpu.memory_space<vmem>> -> memref<1x32xi32, #tpu.memory_space<vmem>>
    %dma_start3A_393 = tpu.memref_squeeze %dma_start3A_392 : memref<1x32xi32, #tpu.memory_space<vmem>> -> memref<32xi32, #tpu.memory_space<vmem>>
    %dma_start3A_394 = arith.constant 0 : i32
    %dma_start3A_395 = arith.constant 0 : i32
    %dma_start3A_396 = tpu.memref_slice %arg8[%dma_start3A_394, %dma_start3A_395] : memref<20480x128xf32, #tpu.memory_space<hbm>> -> memref<20480x128xf32, #tpu.memory_space<hbm>>
    tpu.enqueue_indirect_dma source(%arg13 : memref<32x128xf32, #tpu.memory_space<vmem>>) target(%dma_start3A_396 : memref<20480x128xf32, #tpu.memory_space<hbm>>) offsets(%dma_start3A_393 : memref<32xi32, #tpu.memory_space<vmem>>) semaphore(%arg20 : memref<!tpu.dma_semaphore, #tpu.memory_space<semaphore_mem>>)
    %dma_wait3A_397 = arith.constant 0 : i32
    %dma_wait3A_398 = tpu.memref_slice %arg2[%add3A_356, %dma_wait3A_397] : memref<8192x1024xf32, #tpu.memory_space<hbm>> -> memref<32x1024xf32, #tpu.memory_space<hbm>>
    %dma_wait3A_399 = arith.constant 0 : i32
    %dma_wait3A_400 = tpu.memref_slice %arg2[%add3A_356, %dma_wait3A_399] : memref<8192x1024xf32, #tpu.memory_space<hbm>> -> memref<32x1024xf32, #tpu.memory_space<hbm>>
    tpu.wait_dma2 semaphore(%arg18 : memref<!tpu.dma_semaphore, #tpu.memory_space<semaphore_mem>>) src(%dma_wait3A_400 : memref<32x1024xf32, #tpu.memory_space<hbm>>) dst(%arg10 : memref<32x1024xf32, #tpu.memory_space<vmem>>)
    %dma_wait3A_401 = arith.constant 0 : i32
    %dma_wait3A_402 = tpu.memref_slice %arg5[%add3A_356, %dma_wait3A_401] : memref<8192x128xf32, #tpu.memory_space<hbm>> -> memref<32x128xf32, #tpu.memory_space<hbm>>
    %dma_wait3A_403 = arith.constant 0 : i32
    %dma_wait3A_404 = tpu.memref_slice %arg5[%add3A_356, %dma_wait3A_403] : memref<8192x128xf32, #tpu.memory_space<hbm>> -> memref<32x128xf32, #tpu.memory_space<hbm>>
    tpu.wait_dma2 semaphore(%arg18 : memref<!tpu.dma_semaphore, #tpu.memory_space<semaphore_mem>>) src(%dma_wait3A_404 : memref<32x128xf32, #tpu.memory_space<hbm>>) dst(%arg12 : memref<32x128xf32, #tpu.memory_space<vmem>>)
    %dma_wait3A_405 = arith.constant 0 : i32
    %dma_wait3A_406 = tpu.memref_slice %arg6[%add3A_356, %dma_wait3A_405] : memref<8192x128xf32, #tpu.memory_space<hbm>> -> memref<32x128xf32, #tpu.memory_space<hbm>>
    %dma_wait3A_407 = arith.constant 0 : i32
    %dma_wait3A_408 = tpu.memref_slice %arg6[%add3A_356, %dma_wait3A_407] : memref<8192x128xf32, #tpu.memory_space<hbm>> -> memref<32x128xf32, #tpu.memory_space<hbm>>
    tpu.wait_dma2 semaphore(%arg18 : memref<!tpu.dma_semaphore, #tpu.memory_space<semaphore_mem>>) src(%dma_wait3A_408 : memref<32x128xf32, #tpu.memory_space<hbm>>) dst(%arg14 : memref<32x128xf32, #tpu.memory_space<vmem>>)
    %dma_wait3A_409 = arith.constant 4 : i32
    %dma_wait3A_410 = arith.constant 0 : i32
    %dma_wait3A_411 = tpu.memref_slice %arg15[%dma_wait3A_409, %dma_wait3A_410] : memref<8x32xi32, #tpu.memory_space<vmem>> -> memref<1x32xi32, #tpu.memory_space<vmem>>
    %dma_wait3A_412 = tpu.memref_squeeze %dma_wait3A_411 : memref<1x32xi32, #tpu.memory_space<vmem>> -> memref<32xi32, #tpu.memory_space<vmem>>
    %dma_wait3A_413 = arith.constant 0 : i32
    %dma_wait3A_414 = arith.constant 0 : i32
    %dma_wait3A_415 = tpu.memref_slice %arg7[%dma_wait3A_413, %dma_wait3A_414] : memref<20480x1024xf32, #tpu.memory_space<hbm>> -> memref<20480x1024xf32, #tpu.memory_space<hbm>>
    tpu.wait_indirect_dma semaphore(%arg19 : memref<!tpu.dma_semaphore, #tpu.memory_space<semaphore_mem>>) src(%arg9 : memref<32x1024xf32, #tpu.memory_space<vmem>>) dst(%dma_wait3A_415 : memref<20480x1024xf32, #tpu.memory_space<hbm>>)
    %dma_wait3A_416 = arith.constant 4 : i32
    %dma_wait3A_417 = arith.constant 0 : i32
    %dma_wait3A_418 = tpu.memref_slice %arg16[%dma_wait3A_416, %dma_wait3A_417] : memref<8x32xi32, #tpu.memory_space<vmem>> -> memref<1x32xi32, #tpu.memory_space<vmem>>
    %dma_wait3A_419 = tpu.memref_squeeze %dma_wait3A_418 : memref<1x32xi32, #tpu.memory_space<vmem>> -> memref<32xi32, #tpu.memory_space<vmem>>
    %dma_wait3A_420 = arith.constant 0 : i32
    %dma_wait3A_421 = arith.constant 0 : i32
    %dma_wait3A_422 = tpu.memref_slice %arg7[%dma_wait3A_420, %dma_wait3A_421] : memref<20480x1024xf32, #tpu.memory_space<hbm>> -> memref<20480x1024xf32, #tpu.memory_space<hbm>>
    tpu.wait_indirect_dma semaphore(%arg19 : memref<!tpu.dma_semaphore, #tpu.memory_space<semaphore_mem>>) src(%arg9 : memref<32x1024xf32, #tpu.memory_space<vmem>>) dst(%dma_wait3A_422 : memref<20480x1024xf32, #tpu.memory_space<hbm>>)
    %dma_wait3A_423 = arith.constant 4 : i32
    %dma_wait3A_424 = arith.constant 0 : i32
    %dma_wait3A_425 = tpu.memref_slice %arg15[%dma_wait3A_423, %dma_wait3A_424] : memref<8x32xi32, #tpu.memory_space<vmem>> -> memref<1x32xi32, #tpu.memory_space<vmem>>
    %dma_wait3A_426 = tpu.memref_squeeze %dma_wait3A_425 : memref<1x32xi32, #tpu.memory_space<vmem>> -> memref<32xi32, #tpu.memory_space<vmem>>
    %dma_wait3A_427 = arith.constant 0 : i32
    %dma_wait3A_428 = arith.constant 0 : i32
    %dma_wait3A_429 = tpu.memref_slice %arg8[%dma_wait3A_427, %dma_wait3A_428] : memref<20480x128xf32, #tpu.memory_space<hbm>> -> memref<20480x128xf32, #tpu.memory_space<hbm>>
    tpu.wait_indirect_dma semaphore(%arg20 : memref<!tpu.dma_semaphore, #tpu.memory_space<semaphore_mem>>) src(%arg11 : memref<32x128xf32, #tpu.memory_space<vmem>>) dst(%dma_wait3A_429 : memref<20480x128xf32, #tpu.memory_space<hbm>>)
    %dma_wait3A_430 = arith.constant 4 : i32
    %dma_wait3A_431 = arith.constant 0 : i32
    %dma_wait3A_432 = tpu.memref_slice %arg16[%dma_wait3A_430, %dma_wait3A_431] : memref<8x32xi32, #tpu.memory_space<vmem>> -> memref<1x32xi32, #tpu.memory_space<vmem>>
    %dma_wait3A_433 = tpu.memref_squeeze %dma_wait3A_432 : memref<1x32xi32, #tpu.memory_space<vmem>> -> memref<32xi32, #tpu.memory_space<vmem>>
    %dma_wait3A_434 = arith.constant 0 : i32
    %dma_wait3A_435 = arith.constant 0 : i32
    %dma_wait3A_436 = tpu.memref_slice %arg8[%dma_wait3A_434, %dma_wait3A_435] : memref<20480x128xf32, #tpu.memory_space<hbm>> -> memref<20480x128xf32, #tpu.memory_space<hbm>>
    tpu.wait_indirect_dma semaphore(%arg20 : memref<!tpu.dma_semaphore, #tpu.memory_space<semaphore_mem>>) src(%arg13 : memref<32x128xf32, #tpu.memory_space<vmem>>) dst(%dma_wait3A_436 : memref<20480x128xf32, #tpu.memory_space<hbm>>)
    %add3A_437 = arith.constant 192 : i32
    %add3A_438 = arith.addi %mul3A_2, %add3A_437 : i32
    %dma_start3A_439 = arith.constant 0 : i32
    %dma_start3A_440 = tpu.memref_slice %arg2[%add3A_438, %dma_start3A_439] : memref<8192x1024xf32, #tpu.memory_space<hbm>> -> memref<32x1024xf32, #tpu.memory_space<hbm>>
    %dma_start3A_441 = arith.constant 0 : i32
    %dma_start3A_442 = tpu.memref_slice %arg2[%add3A_438, %dma_start3A_441] : memref<8192x1024xf32, #tpu.memory_space<hbm>> -> memref<32x1024xf32, #tpu.memory_space<hbm>>
    tpu.enqueue_dma source(%dma_start3A_442 : memref<32x1024xf32, #tpu.memory_space<hbm>>) target(%arg9 : memref<32x1024xf32, #tpu.memory_space<vmem>>) target_semaphore(%arg17 : memref<!tpu.dma_semaphore, #tpu.memory_space<semaphore_mem>>)
    %dma_start3A_443 = arith.constant 0 : i32
    %dma_start3A_444 = tpu.memref_slice %arg5[%add3A_438, %dma_start3A_443] : memref<8192x128xf32, #tpu.memory_space<hbm>> -> memref<32x128xf32, #tpu.memory_space<hbm>>
    %dma_start3A_445 = arith.constant 0 : i32
    %dma_start3A_446 = tpu.memref_slice %arg5[%add3A_438, %dma_start3A_445] : memref<8192x128xf32, #tpu.memory_space<hbm>> -> memref<32x128xf32, #tpu.memory_space<hbm>>
    tpu.enqueue_dma source(%dma_start3A_446 : memref<32x128xf32, #tpu.memory_space<hbm>>) target(%arg11 : memref<32x128xf32, #tpu.memory_space<vmem>>) target_semaphore(%arg17 : memref<!tpu.dma_semaphore, #tpu.memory_space<semaphore_mem>>)
    %dma_start3A_447 = arith.constant 0 : i32
    %dma_start3A_448 = tpu.memref_slice %arg6[%add3A_438, %dma_start3A_447] : memref<8192x128xf32, #tpu.memory_space<hbm>> -> memref<32x128xf32, #tpu.memory_space<hbm>>
    %dma_start3A_449 = arith.constant 0 : i32
    %dma_start3A_450 = tpu.memref_slice %arg6[%add3A_438, %dma_start3A_449] : memref<8192x128xf32, #tpu.memory_space<hbm>> -> memref<32x128xf32, #tpu.memory_space<hbm>>
    tpu.enqueue_dma source(%dma_start3A_450 : memref<32x128xf32, #tpu.memory_space<hbm>>) target(%arg13 : memref<32x128xf32, #tpu.memory_space<vmem>>) target_semaphore(%arg17 : memref<!tpu.dma_semaphore, #tpu.memory_space<semaphore_mem>>)
    %dma_start3A_451 = arith.constant 5 : i32
    %dma_start3A_452 = arith.constant 0 : i32
    %dma_start3A_453 = tpu.memref_slice %arg15[%dma_start3A_451, %dma_start3A_452] : memref<8x32xi32, #tpu.memory_space<vmem>> -> memref<1x32xi32, #tpu.memory_space<vmem>>
    %dma_start3A_454 = tpu.memref_squeeze %dma_start3A_453 : memref<1x32xi32, #tpu.memory_space<vmem>> -> memref<32xi32, #tpu.memory_space<vmem>>
    %dma_start3A_455 = arith.constant 0 : i32
    %dma_start3A_456 = arith.constant 0 : i32
    %dma_start3A_457 = tpu.memref_slice %arg7[%dma_start3A_455, %dma_start3A_456] : memref<20480x1024xf32, #tpu.memory_space<hbm>> -> memref<20480x1024xf32, #tpu.memory_space<hbm>>
    tpu.enqueue_indirect_dma source(%arg10 : memref<32x1024xf32, #tpu.memory_space<vmem>>) target(%dma_start3A_457 : memref<20480x1024xf32, #tpu.memory_space<hbm>>) offsets(%dma_start3A_454 : memref<32xi32, #tpu.memory_space<vmem>>) semaphore(%arg19 : memref<!tpu.dma_semaphore, #tpu.memory_space<semaphore_mem>>)
    %dma_start3A_458 = arith.constant 5 : i32
    %dma_start3A_459 = arith.constant 0 : i32
    %dma_start3A_460 = tpu.memref_slice %arg16[%dma_start3A_458, %dma_start3A_459] : memref<8x32xi32, #tpu.memory_space<vmem>> -> memref<1x32xi32, #tpu.memory_space<vmem>>
    %dma_start3A_461 = tpu.memref_squeeze %dma_start3A_460 : memref<1x32xi32, #tpu.memory_space<vmem>> -> memref<32xi32, #tpu.memory_space<vmem>>
    %dma_start3A_462 = arith.constant 0 : i32
    %dma_start3A_463 = arith.constant 0 : i32
    %dma_start3A_464 = tpu.memref_slice %arg7[%dma_start3A_462, %dma_start3A_463] : memref<20480x1024xf32, #tpu.memory_space<hbm>> -> memref<20480x1024xf32, #tpu.memory_space<hbm>>
    tpu.enqueue_indirect_dma source(%arg10 : memref<32x1024xf32, #tpu.memory_space<vmem>>) target(%dma_start3A_464 : memref<20480x1024xf32, #tpu.memory_space<hbm>>) offsets(%dma_start3A_461 : memref<32xi32, #tpu.memory_space<vmem>>) semaphore(%arg19 : memref<!tpu.dma_semaphore, #tpu.memory_space<semaphore_mem>>)
    %dma_start3A_465 = arith.constant 5 : i32
    %dma_start3A_466 = arith.constant 0 : i32
    %dma_start3A_467 = tpu.memref_slice %arg15[%dma_start3A_465, %dma_start3A_466] : memref<8x32xi32, #tpu.memory_space<vmem>> -> memref<1x32xi32, #tpu.memory_space<vmem>>
    %dma_start3A_468 = tpu.memref_squeeze %dma_start3A_467 : memref<1x32xi32, #tpu.memory_space<vmem>> -> memref<32xi32, #tpu.memory_space<vmem>>
    %dma_start3A_469 = arith.constant 0 : i32
    %dma_start3A_470 = arith.constant 0 : i32
    %dma_start3A_471 = tpu.memref_slice %arg8[%dma_start3A_469, %dma_start3A_470] : memref<20480x128xf32, #tpu.memory_space<hbm>> -> memref<20480x128xf32, #tpu.memory_space<hbm>>
    tpu.enqueue_indirect_dma source(%arg12 : memref<32x128xf32, #tpu.memory_space<vmem>>) target(%dma_start3A_471 : memref<20480x128xf32, #tpu.memory_space<hbm>>) offsets(%dma_start3A_468 : memref<32xi32, #tpu.memory_space<vmem>>) semaphore(%arg20 : memref<!tpu.dma_semaphore, #tpu.memory_space<semaphore_mem>>)
    %dma_start3A_472 = arith.constant 5 : i32
    %dma_start3A_473 = arith.constant 0 : i32
    %dma_start3A_474 = tpu.memref_slice %arg16[%dma_start3A_472, %dma_start3A_473] : memref<8x32xi32, #tpu.memory_space<vmem>> -> memref<1x32xi32, #tpu.memory_space<vmem>>
    %dma_start3A_475 = tpu.memref_squeeze %dma_start3A_474 : memref<1x32xi32, #tpu.memory_space<vmem>> -> memref<32xi32, #tpu.memory_space<vmem>>
    %dma_start3A_476 = arith.constant 0 : i32
    %dma_start3A_477 = arith.constant 0 : i32
    %dma_start3A_478 = tpu.memref_slice %arg8[%dma_start3A_476, %dma_start3A_477] : memref<20480x128xf32, #tpu.memory_space<hbm>> -> memref<20480x128xf32, #tpu.memory_space<hbm>>
    tpu.enqueue_indirect_dma source(%arg14 : memref<32x128xf32, #tpu.memory_space<vmem>>) target(%dma_start3A_478 : memref<20480x128xf32, #tpu.memory_space<hbm>>) offsets(%dma_start3A_475 : memref<32xi32, #tpu.memory_space<vmem>>) semaphore(%arg20 : memref<!tpu.dma_semaphore, #tpu.memory_space<semaphore_mem>>)
    %dma_wait3A_479 = arith.constant 0 : i32
    %dma_wait3A_480 = tpu.memref_slice %arg2[%add3A_438, %dma_wait3A_479] : memref<8192x1024xf32, #tpu.memory_space<hbm>> -> memref<32x1024xf32, #tpu.memory_space<hbm>>
    %dma_wait3A_481 = arith.constant 0 : i32
    %dma_wait3A_482 = tpu.memref_slice %arg2[%add3A_438, %dma_wait3A_481] : memref<8192x1024xf32, #tpu.memory_space<hbm>> -> memref<32x1024xf32, #tpu.memory_space<hbm>>
    tpu.wait_dma2 semaphore(%arg17 : memref<!tpu.dma_semaphore, #tpu.memory_space<semaphore_mem>>) src(%dma_wait3A_482 : memref<32x1024xf32, #tpu.memory_space<hbm>>) dst(%arg9 : memref<32x1024xf32, #tpu.memory_space<vmem>>)
    %dma_wait3A_483 = arith.constant 0 : i32
    %dma_wait3A_484 = tpu.memref_slice %arg5[%add3A_438, %dma_wait3A_483] : memref<8192x128xf32, #tpu.memory_space<hbm>> -> memref<32x128xf32, #tpu.memory_space<hbm>>
    %dma_wait3A_485 = arith.constant 0 : i32
    %dma_wait3A_486 = tpu.memref_slice %arg5[%add3A_438, %dma_wait3A_485] : memref<8192x128xf32, #tpu.memory_space<hbm>> -> memref<32x128xf32, #tpu.memory_space<hbm>>
    tpu.wait_dma2 semaphore(%arg17 : memref<!tpu.dma_semaphore, #tpu.memory_space<semaphore_mem>>) src(%dma_wait3A_486 : memref<32x128xf32, #tpu.memory_space<hbm>>) dst(%arg11 : memref<32x128xf32, #tpu.memory_space<vmem>>)
    %dma_wait3A_487 = arith.constant 0 : i32
    %dma_wait3A_488 = tpu.memref_slice %arg6[%add3A_438, %dma_wait3A_487] : memref<8192x128xf32, #tpu.memory_space<hbm>> -> memref<32x128xf32, #tpu.memory_space<hbm>>
    %dma_wait3A_489 = arith.constant 0 : i32
    %dma_wait3A_490 = tpu.memref_slice %arg6[%add3A_438, %dma_wait3A_489] : memref<8192x128xf32, #tpu.memory_space<hbm>> -> memref<32x128xf32, #tpu.memory_space<hbm>>
    tpu.wait_dma2 semaphore(%arg17 : memref<!tpu.dma_semaphore, #tpu.memory_space<semaphore_mem>>) src(%dma_wait3A_490 : memref<32x128xf32, #tpu.memory_space<hbm>>) dst(%arg13 : memref<32x128xf32, #tpu.memory_space<vmem>>)
    %dma_wait3A_491 = arith.constant 5 : i32
    %dma_wait3A_492 = arith.constant 0 : i32
    %dma_wait3A_493 = tpu.memref_slice %arg15[%dma_wait3A_491, %dma_wait3A_492] : memref<8x32xi32, #tpu.memory_space<vmem>> -> memref<1x32xi32, #tpu.memory_space<vmem>>
    %dma_wait3A_494 = tpu.memref_squeeze %dma_wait3A_493 : memref<1x32xi32, #tpu.memory_space<vmem>> -> memref<32xi32, #tpu.memory_space<vmem>>
    %dma_wait3A_495 = arith.constant 0 : i32
    %dma_wait3A_496 = arith.constant 0 : i32
    %dma_wait3A_497 = tpu.memref_slice %arg7[%dma_wait3A_495, %dma_wait3A_496] : memref<20480x1024xf32, #tpu.memory_space<hbm>> -> memref<20480x1024xf32, #tpu.memory_space<hbm>>
    tpu.wait_indirect_dma semaphore(%arg19 : memref<!tpu.dma_semaphore, #tpu.memory_space<semaphore_mem>>) src(%arg10 : memref<32x1024xf32, #tpu.memory_space<vmem>>) dst(%dma_wait3A_497 : memref<20480x1024xf32, #tpu.memory_space<hbm>>)
    %dma_wait3A_498 = arith.constant 5 : i32
    %dma_wait3A_499 = arith.constant 0 : i32
    %dma_wait3A_500 = tpu.memref_slice %arg16[%dma_wait3A_498, %dma_wait3A_499] : memref<8x32xi32, #tpu.memory_space<vmem>> -> memref<1x32xi32, #tpu.memory_space<vmem>>
    %dma_wait3A_501 = tpu.memref_squeeze %dma_wait3A_500 : memref<1x32xi32, #tpu.memory_space<vmem>> -> memref<32xi32, #tpu.memory_space<vmem>>
    %dma_wait3A_502 = arith.constant 0 : i32
    %dma_wait3A_503 = arith.constant 0 : i32
    %dma_wait3A_504 = tpu.memref_slice %arg7[%dma_wait3A_502, %dma_wait3A_503] : memref<20480x1024xf32, #tpu.memory_space<hbm>> -> memref<20480x1024xf32, #tpu.memory_space<hbm>>
    tpu.wait_indirect_dma semaphore(%arg19 : memref<!tpu.dma_semaphore, #tpu.memory_space<semaphore_mem>>) src(%arg10 : memref<32x1024xf32, #tpu.memory_space<vmem>>) dst(%dma_wait3A_504 : memref<20480x1024xf32, #tpu.memory_space<hbm>>)
    %dma_wait3A_505 = arith.constant 5 : i32
    %dma_wait3A_506 = arith.constant 0 : i32
    %dma_wait3A_507 = tpu.memref_slice %arg15[%dma_wait3A_505, %dma_wait3A_506] : memref<8x32xi32, #tpu.memory_space<vmem>> -> memref<1x32xi32, #tpu.memory_space<vmem>>
    %dma_wait3A_508 = tpu.memref_squeeze %dma_wait3A_507 : memref<1x32xi32, #tpu.memory_space<vmem>> -> memref<32xi32, #tpu.memory_space<vmem>>
    %dma_wait3A_509 = arith.constant 0 : i32
    %dma_wait3A_510 = arith.constant 0 : i32
    %dma_wait3A_511 = tpu.memref_slice %arg8[%dma_wait3A_509, %dma_wait3A_510] : memref<20480x128xf32, #tpu.memory_space<hbm>> -> memref<20480x128xf32, #tpu.memory_space<hbm>>
    tpu.wait_indirect_dma semaphore(%arg20 : memref<!tpu.dma_semaphore, #tpu.memory_space<semaphore_mem>>) src(%arg12 : memref<32x128xf32, #tpu.memory_space<vmem>>) dst(%dma_wait3A_511 : memref<20480x128xf32, #tpu.memory_space<hbm>>)
    %dma_wait3A_512 = arith.constant 5 : i32
    %dma_wait3A_513 = arith.constant 0 : i32
    %dma_wait3A_514 = tpu.memref_slice %arg16[%dma_wait3A_512, %dma_wait3A_513] : memref<8x32xi32, #tpu.memory_space<vmem>> -> memref<1x32xi32, #tpu.memory_space<vmem>>
    %dma_wait3A_515 = tpu.memref_squeeze %dma_wait3A_514 : memref<1x32xi32, #tpu.memory_space<vmem>> -> memref<32xi32, #tpu.memory_space<vmem>>
    %dma_wait3A_516 = arith.constant 0 : i32
    %dma_wait3A_517 = arith.constant 0 : i32
    %dma_wait3A_518 = tpu.memref_slice %arg8[%dma_wait3A_516, %dma_wait3A_517] : memref<20480x128xf32, #tpu.memory_space<hbm>> -> memref<20480x128xf32, #tpu.memory_space<hbm>>
    tpu.wait_indirect_dma semaphore(%arg20 : memref<!tpu.dma_semaphore, #tpu.memory_space<semaphore_mem>>) src(%arg14 : memref<32x128xf32, #tpu.memory_space<vmem>>) dst(%dma_wait3A_518 : memref<20480x128xf32, #tpu.memory_space<hbm>>)
    %add3A_519 = arith.constant 224 : i32
    %add3A_520 = arith.addi %mul3A_2, %add3A_519 : i32
    %dma_start3A_521 = arith.constant 0 : i32
    %dma_start3A_522 = tpu.memref_slice %arg2[%add3A_520, %dma_start3A_521] : memref<8192x1024xf32, #tpu.memory_space<hbm>> -> memref<32x1024xf32, #tpu.memory_space<hbm>>
    %dma_start3A_523 = arith.constant 0 : i32
    %dma_start3A_524 = tpu.memref_slice %arg2[%add3A_520, %dma_start3A_523] : memref<8192x1024xf32, #tpu.memory_space<hbm>> -> memref<32x1024xf32, #tpu.memory_space<hbm>>
    tpu.enqueue_dma source(%dma_start3A_524 : memref<32x1024xf32, #tpu.memory_space<hbm>>) target(%arg10 : memref<32x1024xf32, #tpu.memory_space<vmem>>) target_semaphore(%arg18 : memref<!tpu.dma_semaphore, #tpu.memory_space<semaphore_mem>>)
    %dma_start3A_525 = arith.constant 0 : i32
    %dma_start3A_526 = tpu.memref_slice %arg5[%add3A_520, %dma_start3A_525] : memref<8192x128xf32, #tpu.memory_space<hbm>> -> memref<32x128xf32, #tpu.memory_space<hbm>>
    %dma_start3A_527 = arith.constant 0 : i32
    %dma_start3A_528 = tpu.memref_slice %arg5[%add3A_520, %dma_start3A_527] : memref<8192x128xf32, #tpu.memory_space<hbm>> -> memref<32x128xf32, #tpu.memory_space<hbm>>
    tpu.enqueue_dma source(%dma_start3A_528 : memref<32x128xf32, #tpu.memory_space<hbm>>) target(%arg12 : memref<32x128xf32, #tpu.memory_space<vmem>>) target_semaphore(%arg18 : memref<!tpu.dma_semaphore, #tpu.memory_space<semaphore_mem>>)
    %dma_start3A_529 = arith.constant 0 : i32
    %dma_start3A_530 = tpu.memref_slice %arg6[%add3A_520, %dma_start3A_529] : memref<8192x128xf32, #tpu.memory_space<hbm>> -> memref<32x128xf32, #tpu.memory_space<hbm>>
    %dma_start3A_531 = arith.constant 0 : i32
    %dma_start3A_532 = tpu.memref_slice %arg6[%add3A_520, %dma_start3A_531] : memref<8192x128xf32, #tpu.memory_space<hbm>> -> memref<32x128xf32, #tpu.memory_space<hbm>>
    tpu.enqueue_dma source(%dma_start3A_532 : memref<32x128xf32, #tpu.memory_space<hbm>>) target(%arg14 : memref<32x128xf32, #tpu.memory_space<vmem>>) target_semaphore(%arg18 : memref<!tpu.dma_semaphore, #tpu.memory_space<semaphore_mem>>)
    %dma_start3A_533 = arith.constant 6 : i32
    %dma_start3A_534 = arith.constant 0 : i32
    %dma_start3A_535 = tpu.memref_slice %arg15[%dma_start3A_533, %dma_start3A_534] : memref<8x32xi32, #tpu.memory_space<vmem>> -> memref<1x32xi32, #tpu.memory_space<vmem>>
    %dma_start3A_536 = tpu.memref_squeeze %dma_start3A_535 : memref<1x32xi32, #tpu.memory_space<vmem>> -> memref<32xi32, #tpu.memory_space<vmem>>
    %dma_start3A_537 = arith.constant 0 : i32
    %dma_start3A_538 = arith.constant 0 : i32
    %dma_start3A_539 = tpu.memref_slice %arg7[%dma_start3A_537, %dma_start3A_538] : memref<20480x1024xf32, #tpu.memory_space<hbm>> -> memref<20480x1024xf32, #tpu.memory_space<hbm>>
    tpu.enqueue_indirect_dma source(%arg9 : memref<32x1024xf32, #tpu.memory_space<vmem>>) target(%dma_start3A_539 : memref<20480x1024xf32, #tpu.memory_space<hbm>>) offsets(%dma_start3A_536 : memref<32xi32, #tpu.memory_space<vmem>>) semaphore(%arg19 : memref<!tpu.dma_semaphore, #tpu.memory_space<semaphore_mem>>)
    %dma_start3A_540 = arith.constant 6 : i32
    %dma_start3A_541 = arith.constant 0 : i32
    %dma_start3A_542 = tpu.memref_slice %arg16[%dma_start3A_540, %dma_start3A_541] : memref<8x32xi32, #tpu.memory_space<vmem>> -> memref<1x32xi32, #tpu.memory_space<vmem>>
    %dma_start3A_543 = tpu.memref_squeeze %dma_start3A_542 : memref<1x32xi32, #tpu.memory_space<vmem>> -> memref<32xi32, #tpu.memory_space<vmem>>
    %dma_start3A_544 = arith.constant 0 : i32
    %dma_start3A_545 = arith.constant 0 : i32
    %dma_start3A_546 = tpu.memref_slice %arg7[%dma_start3A_544, %dma_start3A_545] : memref<20480x1024xf32, #tpu.memory_space<hbm>> -> memref<20480x1024xf32, #tpu.memory_space<hbm>>
    tpu.enqueue_indirect_dma source(%arg9 : memref<32x1024xf32, #tpu.memory_space<vmem>>) target(%dma_start3A_546 : memref<20480x1024xf32, #tpu.memory_space<hbm>>) offsets(%dma_start3A_543 : memref<32xi32, #tpu.memory_space<vmem>>) semaphore(%arg19 : memref<!tpu.dma_semaphore, #tpu.memory_space<semaphore_mem>>)
    %dma_start3A_547 = arith.constant 6 : i32
    %dma_start3A_548 = arith.constant 0 : i32
    %dma_start3A_549 = tpu.memref_slice %arg15[%dma_start3A_547, %dma_start3A_548] : memref<8x32xi32, #tpu.memory_space<vmem>> -> memref<1x32xi32, #tpu.memory_space<vmem>>
    %dma_start3A_550 = tpu.memref_squeeze %dma_start3A_549 : memref<1x32xi32, #tpu.memory_space<vmem>> -> memref<32xi32, #tpu.memory_space<vmem>>
    %dma_start3A_551 = arith.constant 0 : i32
    %dma_start3A_552 = arith.constant 0 : i32
    %dma_start3A_553 = tpu.memref_slice %arg8[%dma_start3A_551, %dma_start3A_552] : memref<20480x128xf32, #tpu.memory_space<hbm>> -> memref<20480x128xf32, #tpu.memory_space<hbm>>
    tpu.enqueue_indirect_dma source(%arg11 : memref<32x128xf32, #tpu.memory_space<vmem>>) target(%dma_start3A_553 : memref<20480x128xf32, #tpu.memory_space<hbm>>) offsets(%dma_start3A_550 : memref<32xi32, #tpu.memory_space<vmem>>) semaphore(%arg20 : memref<!tpu.dma_semaphore, #tpu.memory_space<semaphore_mem>>)
    %dma_start3A_554 = arith.constant 6 : i32
    %dma_start3A_555 = arith.constant 0 : i32
    %dma_start3A_556 = tpu.memref_slice %arg16[%dma_start3A_554, %dma_start3A_555] : memref<8x32xi32, #tpu.memory_space<vmem>> -> memref<1x32xi32, #tpu.memory_space<vmem>>
    %dma_start3A_557 = tpu.memref_squeeze %dma_start3A_556 : memref<1x32xi32, #tpu.memory_space<vmem>> -> memref<32xi32, #tpu.memory_space<vmem>>
    %dma_start3A_558 = arith.constant 0 : i32
    %dma_start3A_559 = arith.constant 0 : i32
    %dma_start3A_560 = tpu.memref_slice %arg8[%dma_start3A_558, %dma_start3A_559] : memref<20480x128xf32, #tpu.memory_space<hbm>> -> memref<20480x128xf32, #tpu.memory_space<hbm>>
    tpu.enqueue_indirect_dma source(%arg13 : memref<32x128xf32, #tpu.memory_space<vmem>>) target(%dma_start3A_560 : memref<20480x128xf32, #tpu.memory_space<hbm>>) offsets(%dma_start3A_557 : memref<32xi32, #tpu.memory_space<vmem>>) semaphore(%arg20 : memref<!tpu.dma_semaphore, #tpu.memory_space<semaphore_mem>>)
    %dma_wait3A_561 = arith.constant 0 : i32
    %dma_wait3A_562 = tpu.memref_slice %arg2[%add3A_520, %dma_wait3A_561] : memref<8192x1024xf32, #tpu.memory_space<hbm>> -> memref<32x1024xf32, #tpu.memory_space<hbm>>
    %dma_wait3A_563 = arith.constant 0 : i32
    %dma_wait3A_564 = tpu.memref_slice %arg2[%add3A_520, %dma_wait3A_563] : memref<8192x1024xf32, #tpu.memory_space<hbm>> -> memref<32x1024xf32, #tpu.memory_space<hbm>>
    tpu.wait_dma2 semaphore(%arg18 : memref<!tpu.dma_semaphore, #tpu.memory_space<semaphore_mem>>) src(%dma_wait3A_564 : memref<32x1024xf32, #tpu.memory_space<hbm>>) dst(%arg10 : memref<32x1024xf32, #tpu.memory_space<vmem>>)
    %dma_wait3A_565 = arith.constant 0 : i32
    %dma_wait3A_566 = tpu.memref_slice %arg5[%add3A_520, %dma_wait3A_565] : memref<8192x128xf32, #tpu.memory_space<hbm>> -> memref<32x128xf32, #tpu.memory_space<hbm>>
    %dma_wait3A_567 = arith.constant 0 : i32
    %dma_wait3A_568 = tpu.memref_slice %arg5[%add3A_520, %dma_wait3A_567] : memref<8192x128xf32, #tpu.memory_space<hbm>> -> memref<32x128xf32, #tpu.memory_space<hbm>>
    tpu.wait_dma2 semaphore(%arg18 : memref<!tpu.dma_semaphore, #tpu.memory_space<semaphore_mem>>) src(%dma_wait3A_568 : memref<32x128xf32, #tpu.memory_space<hbm>>) dst(%arg12 : memref<32x128xf32, #tpu.memory_space<vmem>>)
    %dma_wait3A_569 = arith.constant 0 : i32
    %dma_wait3A_570 = tpu.memref_slice %arg6[%add3A_520, %dma_wait3A_569] : memref<8192x128xf32, #tpu.memory_space<hbm>> -> memref<32x128xf32, #tpu.memory_space<hbm>>
    %dma_wait3A_571 = arith.constant 0 : i32
    %dma_wait3A_572 = tpu.memref_slice %arg6[%add3A_520, %dma_wait3A_571] : memref<8192x128xf32, #tpu.memory_space<hbm>> -> memref<32x128xf32, #tpu.memory_space<hbm>>
    tpu.wait_dma2 semaphore(%arg18 : memref<!tpu.dma_semaphore, #tpu.memory_space<semaphore_mem>>) src(%dma_wait3A_572 : memref<32x128xf32, #tpu.memory_space<hbm>>) dst(%arg14 : memref<32x128xf32, #tpu.memory_space<vmem>>)
    %dma_wait3A_573 = arith.constant 6 : i32
    %dma_wait3A_574 = arith.constant 0 : i32
    %dma_wait3A_575 = tpu.memref_slice %arg15[%dma_wait3A_573, %dma_wait3A_574] : memref<8x32xi32, #tpu.memory_space<vmem>> -> memref<1x32xi32, #tpu.memory_space<vmem>>
    %dma_wait3A_576 = tpu.memref_squeeze %dma_wait3A_575 : memref<1x32xi32, #tpu.memory_space<vmem>> -> memref<32xi32, #tpu.memory_space<vmem>>
    %dma_wait3A_577 = arith.constant 0 : i32
    %dma_wait3A_578 = arith.constant 0 : i32
    %dma_wait3A_579 = tpu.memref_slice %arg7[%dma_wait3A_577, %dma_wait3A_578] : memref<20480x1024xf32, #tpu.memory_space<hbm>> -> memref<20480x1024xf32, #tpu.memory_space<hbm>>
    tpu.wait_indirect_dma semaphore(%arg19 : memref<!tpu.dma_semaphore, #tpu.memory_space<semaphore_mem>>) src(%arg9 : memref<32x1024xf32, #tpu.memory_space<vmem>>) dst(%dma_wait3A_579 : memref<20480x1024xf32, #tpu.memory_space<hbm>>)
    %dma_wait3A_580 = arith.constant 6 : i32
    %dma_wait3A_581 = arith.constant 0 : i32
    %dma_wait3A_582 = tpu.memref_slice %arg16[%dma_wait3A_580, %dma_wait3A_581] : memref<8x32xi32, #tpu.memory_space<vmem>> -> memref<1x32xi32, #tpu.memory_space<vmem>>
    %dma_wait3A_583 = tpu.memref_squeeze %dma_wait3A_582 : memref<1x32xi32, #tpu.memory_space<vmem>> -> memref<32xi32, #tpu.memory_space<vmem>>
    %dma_wait3A_584 = arith.constant 0 : i32
    %dma_wait3A_585 = arith.constant 0 : i32
    %dma_wait3A_586 = tpu.memref_slice %arg7[%dma_wait3A_584, %dma_wait3A_585] : memref<20480x1024xf32, #tpu.memory_space<hbm>> -> memref<20480x1024xf32, #tpu.memory_space<hbm>>
    tpu.wait_indirect_dma semaphore(%arg19 : memref<!tpu.dma_semaphore, #tpu.memory_space<semaphore_mem>>) src(%arg9 : memref<32x1024xf32, #tpu.memory_space<vmem>>) dst(%dma_wait3A_586 : memref<20480x1024xf32, #tpu.memory_space<hbm>>)
    %dma_wait3A_587 = arith.constant 6 : i32
    %dma_wait3A_588 = arith.constant 0 : i32
    %dma_wait3A_589 = tpu.memref_slice %arg15[%dma_wait3A_587, %dma_wait3A_588] : memref<8x32xi32, #tpu.memory_space<vmem>> -> memref<1x32xi32, #tpu.memory_space<vmem>>
    %dma_wait3A_590 = tpu.memref_squeeze %dma_wait3A_589 : memref<1x32xi32, #tpu.memory_space<vmem>> -> memref<32xi32, #tpu.memory_space<vmem>>
    %dma_wait3A_591 = arith.constant 0 : i32
    %dma_wait3A_592 = arith.constant 0 : i32
    %dma_wait3A_593 = tpu.memref_slice %arg8[%dma_wait3A_591, %dma_wait3A_592] : memref<20480x128xf32, #tpu.memory_space<hbm>> -> memref<20480x128xf32, #tpu.memory_space<hbm>>
    tpu.wait_indirect_dma semaphore(%arg20 : memref<!tpu.dma_semaphore, #tpu.memory_space<semaphore_mem>>) src(%arg11 : memref<32x128xf32, #tpu.memory_space<vmem>>) dst(%dma_wait3A_593 : memref<20480x128xf32, #tpu.memory_space<hbm>>)
    %dma_wait3A_594 = arith.constant 6 : i32
    %dma_wait3A_595 = arith.constant 0 : i32
    %dma_wait3A_596 = tpu.memref_slice %arg16[%dma_wait3A_594, %dma_wait3A_595] : memref<8x32xi32, #tpu.memory_space<vmem>> -> memref<1x32xi32, #tpu.memory_space<vmem>>
    %dma_wait3A_597 = tpu.memref_squeeze %dma_wait3A_596 : memref<1x32xi32, #tpu.memory_space<vmem>> -> memref<32xi32, #tpu.memory_space<vmem>>
    %dma_wait3A_598 = arith.constant 0 : i32
    %dma_wait3A_599 = arith.constant 0 : i32
    %dma_wait3A_600 = tpu.memref_slice %arg8[%dma_wait3A_598, %dma_wait3A_599] : memref<20480x128xf32, #tpu.memory_space<hbm>> -> memref<20480x128xf32, #tpu.memory_space<hbm>>
    tpu.wait_indirect_dma semaphore(%arg20 : memref<!tpu.dma_semaphore, #tpu.memory_space<semaphore_mem>>) src(%arg13 : memref<32x128xf32, #tpu.memory_space<vmem>>) dst(%dma_wait3A_600 : memref<20480x128xf32, #tpu.memory_space<hbm>>)
    %dma_start3A_601 = arith.constant 7 : i32
    %dma_start3A_602 = arith.constant 0 : i32
    %dma_start3A_603 = tpu.memref_slice %arg15[%dma_start3A_601, %dma_start3A_602] : memref<8x32xi32, #tpu.memory_space<vmem>> -> memref<1x32xi32, #tpu.memory_space<vmem>>
    %dma_start3A_604 = tpu.memref_squeeze %dma_start3A_603 : memref<1x32xi32, #tpu.memory_space<vmem>> -> memref<32xi32, #tpu.memory_space<vmem>>
    %dma_start3A_605 = arith.constant 0 : i32
    %dma_start3A_606 = arith.constant 0 : i32
    %dma_start3A_607 = tpu.memref_slice %arg7[%dma_start3A_605, %dma_start3A_606] : memref<20480x1024xf32, #tpu.memory_space<hbm>> -> memref<20480x1024xf32, #tpu.memory_space<hbm>>
    tpu.enqueue_indirect_dma source(%arg10 : memref<32x1024xf32, #tpu.memory_space<vmem>>) target(%dma_start3A_607 : memref<20480x1024xf32, #tpu.memory_space<hbm>>) offsets(%dma_start3A_604 : memref<32xi32, #tpu.memory_space<vmem>>) semaphore(%arg19 : memref<!tpu.dma_semaphore, #tpu.memory_space<semaphore_mem>>)
    %dma_start3A_608 = arith.constant 7 : i32
    %dma_start3A_609 = arith.constant 0 : i32
    %dma_start3A_610 = tpu.memref_slice %arg16[%dma_start3A_608, %dma_start3A_609] : memref<8x32xi32, #tpu.memory_space<vmem>> -> memref<1x32xi32, #tpu.memory_space<vmem>>
    %dma_start3A_611 = tpu.memref_squeeze %dma_start3A_610 : memref<1x32xi32, #tpu.memory_space<vmem>> -> memref<32xi32, #tpu.memory_space<vmem>>
    %dma_start3A_612 = arith.constant 0 : i32
    %dma_start3A_613 = arith.constant 0 : i32
    %dma_start3A_614 = tpu.memref_slice %arg7[%dma_start3A_612, %dma_start3A_613] : memref<20480x1024xf32, #tpu.memory_space<hbm>> -> memref<20480x1024xf32, #tpu.memory_space<hbm>>
    tpu.enqueue_indirect_dma source(%arg10 : memref<32x1024xf32, #tpu.memory_space<vmem>>) target(%dma_start3A_614 : memref<20480x1024xf32, #tpu.memory_space<hbm>>) offsets(%dma_start3A_611 : memref<32xi32, #tpu.memory_space<vmem>>) semaphore(%arg19 : memref<!tpu.dma_semaphore, #tpu.memory_space<semaphore_mem>>)
    %dma_start3A_615 = arith.constant 7 : i32
    %dma_start3A_616 = arith.constant 0 : i32
    %dma_start3A_617 = tpu.memref_slice %arg15[%dma_start3A_615, %dma_start3A_616] : memref<8x32xi32, #tpu.memory_space<vmem>> -> memref<1x32xi32, #tpu.memory_space<vmem>>
    %dma_start3A_618 = tpu.memref_squeeze %dma_start3A_617 : memref<1x32xi32, #tpu.memory_space<vmem>> -> memref<32xi32, #tpu.memory_space<vmem>>
    %dma_start3A_619 = arith.constant 0 : i32
    %dma_start3A_620 = arith.constant 0 : i32
    %dma_start3A_621 = tpu.memref_slice %arg8[%dma_start3A_619, %dma_start3A_620] : memref<20480x128xf32, #tpu.memory_space<hbm>> -> memref<20480x128xf32, #tpu.memory_space<hbm>>
    tpu.enqueue_indirect_dma source(%arg12 : memref<32x128xf32, #tpu.memory_space<vmem>>) target(%dma_start3A_621 : memref<20480x128xf32, #tpu.memory_space<hbm>>) offsets(%dma_start3A_618 : memref<32xi32, #tpu.memory_space<vmem>>) semaphore(%arg20 : memref<!tpu.dma_semaphore, #tpu.memory_space<semaphore_mem>>)
    %dma_start3A_622 = arith.constant 7 : i32
    %dma_start3A_623 = arith.constant 0 : i32
    %dma_start3A_624 = tpu.memref_slice %arg16[%dma_start3A_622, %dma_start3A_623] : memref<8x32xi32, #tpu.memory_space<vmem>> -> memref<1x32xi32, #tpu.memory_space<vmem>>
    %dma_start3A_625 = tpu.memref_squeeze %dma_start3A_624 : memref<1x32xi32, #tpu.memory_space<vmem>> -> memref<32xi32, #tpu.memory_space<vmem>>
    %dma_start3A_626 = arith.constant 0 : i32
    %dma_start3A_627 = arith.constant 0 : i32
    %dma_start3A_628 = tpu.memref_slice %arg8[%dma_start3A_626, %dma_start3A_627] : memref<20480x128xf32, #tpu.memory_space<hbm>> -> memref<20480x128xf32, #tpu.memory_space<hbm>>
    tpu.enqueue_indirect_dma source(%arg14 : memref<32x128xf32, #tpu.memory_space<vmem>>) target(%dma_start3A_628 : memref<20480x128xf32, #tpu.memory_space<hbm>>) offsets(%dma_start3A_625 : memref<32xi32, #tpu.memory_space<vmem>>) semaphore(%arg20 : memref<!tpu.dma_semaphore, #tpu.memory_space<semaphore_mem>>)
    %dma_wait3A_629 = arith.constant 7 : i32
    %dma_wait3A_630 = arith.constant 0 : i32
    %dma_wait3A_631 = tpu.memref_slice %arg15[%dma_wait3A_629, %dma_wait3A_630] : memref<8x32xi32, #tpu.memory_space<vmem>> -> memref<1x32xi32, #tpu.memory_space<vmem>>
    %dma_wait3A_632 = tpu.memref_squeeze %dma_wait3A_631 : memref<1x32xi32, #tpu.memory_space<vmem>> -> memref<32xi32, #tpu.memory_space<vmem>>
    %dma_wait3A_633 = arith.constant 0 : i32
    %dma_wait3A_634 = arith.constant 0 : i32
    %dma_wait3A_635 = tpu.memref_slice %arg7[%dma_wait3A_633, %dma_wait3A_634] : memref<20480x1024xf32, #tpu.memory_space<hbm>> -> memref<20480x1024xf32, #tpu.memory_space<hbm>>
    tpu.wait_indirect_dma semaphore(%arg19 : memref<!tpu.dma_semaphore, #tpu.memory_space<semaphore_mem>>) src(%arg10 : memref<32x1024xf32, #tpu.memory_space<vmem>>) dst(%dma_wait3A_635 : memref<20480x1024xf32, #tpu.memory_space<hbm>>)
    %dma_wait3A_636 = arith.constant 7 : i32
    %dma_wait3A_637 = arith.constant 0 : i32
    %dma_wait3A_638 = tpu.memref_slice %arg16[%dma_wait3A_636, %dma_wait3A_637] : memref<8x32xi32, #tpu.memory_space<vmem>> -> memref<1x32xi32, #tpu.memory_space<vmem>>
    %dma_wait3A_639 = tpu.memref_squeeze %dma_wait3A_638 : memref<1x32xi32, #tpu.memory_space<vmem>> -> memref<32xi32, #tpu.memory_space<vmem>>
    %dma_wait3A_640 = arith.constant 0 : i32
    %dma_wait3A_641 = arith.constant 0 : i32
    %dma_wait3A_642 = tpu.memref_slice %arg7[%dma_wait3A_640, %dma_wait3A_641] : memref<20480x1024xf32, #tpu.memory_space<hbm>> -> memref<20480x1024xf32, #tpu.memory_space<hbm>>
    tpu.wait_indirect_dma semaphore(%arg19 : memref<!tpu.dma_semaphore, #tpu.memory_space<semaphore_mem>>) src(%arg10 : memref<32x1024xf32, #tpu.memory_space<vmem>>) dst(%dma_wait3A_642 : memref<20480x1024xf32, #tpu.memory_space<hbm>>)
    %dma_wait3A_643 = arith.constant 7 : i32
    %dma_wait3A_644 = arith.constant 0 : i32
    %dma_wait3A_645 = tpu.memref_slice %arg15[%dma_wait3A_643, %dma_wait3A_644] : memref<8x32xi32, #tpu.memory_space<vmem>> -> memref<1x32xi32, #tpu.memory_space<vmem>>
    %dma_wait3A_646 = tpu.memref_squeeze %dma_wait3A_645 : memref<1x32xi32, #tpu.memory_space<vmem>> -> memref<32xi32, #tpu.memory_space<vmem>>
    %dma_wait3A_647 = arith.constant 0 : i32
    %dma_wait3A_648 = arith.constant 0 : i32
    %dma_wait3A_649 = tpu.memref_slice %arg8[%dma_wait3A_647, %dma_wait3A_648] : memref<20480x128xf32, #tpu.memory_space<hbm>> -> memref<20480x128xf32, #tpu.memory_space<hbm>>
    tpu.wait_indirect_dma semaphore(%arg20 : memref<!tpu.dma_semaphore, #tpu.memory_space<semaphore_mem>>) src(%arg12 : memref<32x128xf32, #tpu.memory_space<vmem>>) dst(%dma_wait3A_649 : memref<20480x128xf32, #tpu.memory_space<hbm>>)
    %dma_wait3A_650 = arith.constant 7 : i32
    %dma_wait3A_651 = arith.constant 0 : i32
    %dma_wait3A_652 = tpu.memref_slice %arg16[%dma_wait3A_650, %dma_wait3A_651] : memref<8x32xi32, #tpu.memory_space<vmem>> -> memref<1x32xi32, #tpu.memory_space<vmem>>
    %dma_wait3A_653 = tpu.memref_squeeze %dma_wait3A_652 : memref<1x32xi32, #tpu.memory_space<vmem>> -> memref<32xi32, #tpu.memory_space<vmem>>
    %dma_wait3A_654 = arith.constant 0 : i32
    %dma_wait3A_655 = arith.constant 0 : i32
    %dma_wait3A_656 = tpu.memref_slice %arg8[%dma_wait3A_654, %dma_wait3A_655] : memref<20480x128xf32, #tpu.memory_space<hbm>> -> memref<20480x128xf32, #tpu.memory_space<hbm>>
    tpu.wait_indirect_dma semaphore(%arg20 : memref<!tpu.dma_semaphore, #tpu.memory_space<semaphore_mem>>) src(%arg14 : memref<32x128xf32, #tpu.memory_space<vmem>>) dst(%dma_wait3A_656 : memref<20480x128xf32, #tpu.memory_space<hbm>>)
    return
  }
}

#map = affine_map<(d0, d1) -> (0, 0)>
module attributes {stable_mosaic.version = 14 : i64} {
  func.func @body(%arg0: i32, %arg1: i32, %arg2: memref<20480x1024xf32, #tpu.memory_space<hbm>>, %arg3: memref<512x32xi32, #tpu.memory_space<hbm>>, %arg4: memref<8192x1024xf32, #tpu.memory_space<hbm>>, %arg5: memref<32x1024xf32, #tpu.memory_space<vmem>>, %arg6: memref<32x1024xf32, #tpu.memory_space<vmem>>, %arg7: memref<16x1024xf32, #tpu.memory_space<vmem>>, %arg8: memref<16x1024xf32, #tpu.memory_space<vmem>>, %arg9: memref<16x32xi32, #tpu.memory_space<vmem>>, %arg10: memref<!tpu.dma_semaphore, #tpu.memory_space<semaphore_mem>>, %arg11: memref<!tpu.dma_semaphore, #tpu.memory_space<semaphore_mem>>, %arg12: memref<!tpu.dma_semaphore, #tpu.memory_space<semaphore_mem>>, %arg13: memref<!tpu.dma_semaphore, #tpu.memory_space<semaphore_mem>>) attributes {dimension_semantics = [#tpu.dimension_semantics<core_parallel>, #tpu.dimension_semantics<subcore_parallel>], iteration_bounds = array<i64: 2, 16>, scalar_prefetch = 0 : i64, scratch_operands = 9 : i64, tpu.core_type = #tpu.core_type<sc_vector_subcore>, window_params = [{transform_indices = #map}, {transform_indices = #map}, {transform_indices = #map}]} {
    %mul3A = arith.constant 2 : i32
    %mul3A_0 = arith.muli %arg1, %mul3A : i32
    %add3A = arith.addi %mul3A_0, %arg0 : i32
    %mul3A_1 = arith.constant 256 : i32
    %mul3A_2 = arith.muli %add3A, %mul3A_1 : i32
    %mul3A_3 = arith.constant 16 : i32
    %mul3A_4 = arith.muli %add3A, %mul3A_3 : i32
    "tpu.region"() ({
      %run_scoped3A = tpu.sem_alloc : memref<!tpu.dma_semaphore, #tpu.memory_space<semaphore_mem>>
      %dma_start3A_482 = arith.constant 0 : i32
      %dma_start3A_483 = tpu.memref_slice %arg3[%mul3A_4, %dma_start3A_482] : memref<512x32xi32, #tpu.memory_space<hbm>> -> memref<16x32xi32, #tpu.memory_space<hbm>>
      %dma_start3A_484 = arith.constant 0 : i32
      %dma_start3A_485 = tpu.memref_slice %arg3[%mul3A_4, %dma_start3A_484] : memref<512x32xi32, #tpu.memory_space<hbm>> -> memref<16x32xi32, #tpu.memory_space<hbm>>
      tpu.enqueue_dma source(%dma_start3A_485 : memref<16x32xi32, #tpu.memory_space<hbm>>) target(%arg9 : memref<16x32xi32, #tpu.memory_space<vmem>>) target_semaphore(%run_scoped3A : memref<!tpu.dma_semaphore, #tpu.memory_space<semaphore_mem>>)
      %dma_wait3A_486 = arith.constant 0 : i32
      %dma_wait3A_487 = tpu.memref_slice %arg3[%mul3A_4, %dma_wait3A_486] : memref<512x32xi32, #tpu.memory_space<hbm>> -> memref<16x32xi32, #tpu.memory_space<hbm>>
      %dma_wait3A_488 = arith.constant 0 : i32
      %dma_wait3A_489 = tpu.memref_slice %arg3[%mul3A_4, %dma_wait3A_488] : memref<512x32xi32, #tpu.memory_space<hbm>> -> memref<16x32xi32, #tpu.memory_space<hbm>>
      tpu.wait_dma2 semaphore(%run_scoped3A : memref<!tpu.dma_semaphore, #tpu.memory_space<semaphore_mem>>) src(%dma_wait3A_489 : memref<16x32xi32, #tpu.memory_space<hbm>>) dst(%arg9 : memref<16x32xi32, #tpu.memory_space<vmem>>)
      tpu.yield
    }) : () -> ()
    %dma_start3A = arith.constant 0 : i32
    %dma_start3A_5 = arith.constant 0 : i32
    %dma_start3A_6 = tpu.memref_slice %arg9[%dma_start3A, %dma_start3A_5] : memref<16x32xi32, #tpu.memory_space<vmem>> -> memref<1x32xi32, #tpu.memory_space<vmem>>
    %dma_start3A_7 = tpu.memref_squeeze %dma_start3A_6 : memref<1x32xi32, #tpu.memory_space<vmem>> -> memref<32xi32, #tpu.memory_space<vmem>>
    %dma_start3A_8 = arith.constant 0 : i32
    %dma_start3A_9 = arith.constant 0 : i32
    %dma_start3A_10 = tpu.memref_slice %arg2[%dma_start3A_8, %dma_start3A_9] : memref<20480x1024xf32, #tpu.memory_space<hbm>> -> memref<20480x1024xf32, #tpu.memory_space<hbm>>
    tpu.enqueue_indirect_dma source(%dma_start3A_10 : memref<20480x1024xf32, #tpu.memory_space<hbm>>) target(%arg5 : memref<32x1024xf32, #tpu.memory_space<vmem>>) offsets(%dma_start3A_7 : memref<32xi32, #tpu.memory_space<vmem>>) semaphore(%arg10 : memref<!tpu.dma_semaphore, #tpu.memory_space<semaphore_mem>>)
    %dma_wait3A = arith.constant 0 : i32
    %dma_wait3A_11 = arith.constant 0 : i32
    %dma_wait3A_12 = tpu.memref_slice %arg9[%dma_wait3A, %dma_wait3A_11] : memref<16x32xi32, #tpu.memory_space<vmem>> -> memref<1x32xi32, #tpu.memory_space<vmem>>
    %dma_wait3A_13 = tpu.memref_squeeze %dma_wait3A_12 : memref<1x32xi32, #tpu.memory_space<vmem>> -> memref<32xi32, #tpu.memory_space<vmem>>
    %dma_wait3A_14 = arith.constant 0 : i32
    %dma_wait3A_15 = arith.constant 0 : i32
    %dma_wait3A_16 = tpu.memref_slice %arg2[%dma_wait3A_14, %dma_wait3A_15] : memref<20480x1024xf32, #tpu.memory_space<hbm>> -> memref<20480x1024xf32, #tpu.memory_space<hbm>>
    tpu.wait_indirect_dma semaphore(%arg10 : memref<!tpu.dma_semaphore, #tpu.memory_space<semaphore_mem>>) src(%dma_wait3A_16 : memref<20480x1024xf32, #tpu.memory_space<hbm>>) dst(%arg5 : memref<32x1024xf32, #tpu.memory_space<vmem>>)
    %dma_start3A_17 = arith.constant 1 : i32
    %dma_start3A_18 = arith.constant 0 : i32
    %dma_start3A_19 = tpu.memref_slice %arg9[%dma_start3A_17, %dma_start3A_18] : memref<16x32xi32, #tpu.memory_space<vmem>> -> memref<1x32xi32, #tpu.memory_space<vmem>>
    %dma_start3A_20 = tpu.memref_squeeze %dma_start3A_19 : memref<1x32xi32, #tpu.memory_space<vmem>> -> memref<32xi32, #tpu.memory_space<vmem>>
    %dma_start3A_21 = arith.constant 0 : i32
    %dma_start3A_22 = arith.constant 0 : i32
    %dma_start3A_23 = tpu.memref_slice %arg2[%dma_start3A_21, %dma_start3A_22] : memref<20480x1024xf32, #tpu.memory_space<hbm>> -> memref<20480x1024xf32, #tpu.memory_space<hbm>>
    tpu.enqueue_indirect_dma source(%dma_start3A_23 : memref<20480x1024xf32, #tpu.memory_space<hbm>>) target(%arg6 : memref<32x1024xf32, #tpu.memory_space<vmem>>) offsets(%dma_start3A_20 : memref<32xi32, #tpu.memory_space<vmem>>) semaphore(%arg11 : memref<!tpu.dma_semaphore, #tpu.memory_space<semaphore_mem>>)
    %scan3A = arith.constant 0 : i32
    %scan3A_24 = arith.constant 0 : i32
    %scan3A_25 = arith.constant 16 : i32
    %scan3A_26 = arith.addi %scan3A_24, %scan3A_25 : i32
    %scan3A_27 = arith.constant 1 : i32
    scf.for %scan3A_482 = %scan3A_24 to %scan3A_26 step %scan3A_27  : i32 {
      %scan3A_483 = arith.constant 0 : i32
      %scan3A_484 = arith.constant 0 : i32
      %scan3A_485 = arith.constant 64 : i32
      %scan3A_486 = arith.addi %scan3A_484, %scan3A_485 : i32
      %scan3A_487 = arith.constant 1 : i32
      scf.for %scan3A_489 = %scan3A_484 to %scan3A_486 step %scan3A_487  : i32 {
        %mul3A_490 = arith.constant 16 : i32
        %mul3A_491 = arith.muli %scan3A_489, %mul3A_490 : i32
        %get3A = arith.index_cast %scan3A_482 : i32 to index
        %get3A_492 = arith.index_cast %mul3A_491 : i32 to index
        %get3A_493 = tpu.vector_load %arg5[%get3A, %get3A_492] {strides = array<i32>} : memref<32x1024xf32, #tpu.memory_space<vmem>>, vector<1x16xf32>,
        %get3A_494 = vector.shape_cast %get3A_493 : vector<1x16xf32> to vector<16xf32>
        %add3A_495 = arith.constant 16 : i32
        %add3A_496 = arith.addi %scan3A_482, %add3A_495 : i32
        %get3A_497 = arith.index_cast %add3A_496 : i32 to index
        %get3A_498 = arith.index_cast %mul3A_491 : i32 to index
        %get3A_499 = tpu.vector_load %arg5[%get3A_497, %get3A_498] {strides = array<i32>} : memref<32x1024xf32, #tpu.memory_space<vmem>>, vector<1x16xf32>,
        %get3A_500 = vector.shape_cast %get3A_499 : vector<1x16xf32> to vector<16xf32>
        %add3A_501 = arith.addf %get3A_494, %get3A_500 : vector<16xf32>
        %swap3A = arith.index_cast %scan3A_482 : i32 to index
        %swap3A_502 = arith.index_cast %mul3A_491 : i32 to index
        %swap3A_503 = tpu.vector_load %arg7[%swap3A, %swap3A_502] {strides = array<i32>} : memref<16x1024xf32, #tpu.memory_space<vmem>>, vector<1x16xf32>,
        %swap3A_504 = vector.shape_cast %swap3A_503 : vector<1x16xf32> to vector<16xf32>
        %swap3A_505 = vector.shape_cast %add3A_501 : vector<16xf32> to vector<1x16xf32>
        tpu.vector_store %arg7[%swap3A, %swap3A_502], %swap3A_505 {strides = array<i32>} : memref<16x1024xf32, #tpu.memory_space<vmem>>, vector<1x16xf32>,
      }
      %scan3A_488 = arith.constant 64 : i32
    }
    %scan3A_28 = arith.constant 16 : i32
    %add3A_29 = arith.constant 0 : i32
    %add3A_30 = arith.addi %mul3A_2, %add3A_29 : i32
    %dma_start3A_31 = arith.constant 0 : i32
    %dma_start3A_32 = tpu.memref_slice %arg4[%add3A_30, %dma_start3A_31] : memref<8192x1024xf32, #tpu.memory_space<hbm>> -> memref<16x1024xf32, #tpu.memory_space<hbm>>
    %dma_start3A_33 = arith.constant 0 : i32
    %dma_start3A_34 = tpu.memref_slice %arg4[%add3A_30, %dma_start3A_33] : memref<8192x1024xf32, #tpu.memory_space<hbm>> -> memref<16x1024xf32, #tpu.memory_space<hbm>>
    tpu.enqueue_dma source(%arg7 : memref<16x1024xf32, #tpu.memory_space<vmem>>) target(%dma_start3A_34 : memref<16x1024xf32, #tpu.memory_space<hbm>>) target_semaphore(%arg12 : memref<!tpu.dma_semaphore, #tpu.memory_space<semaphore_mem>>)
    %dma_wait3A_35 = arith.constant 1 : i32
    %dma_wait3A_36 = arith.constant 0 : i32
    %dma_wait3A_37 = tpu.memref_slice %arg9[%dma_wait3A_35, %dma_wait3A_36] : memref<16x32xi32, #tpu.memory_space<vmem>> -> memref<1x32xi32, #tpu.memory_space<vmem>>
    %dma_wait3A_38 = tpu.memref_squeeze %dma_wait3A_37 : memref<1x32xi32, #tpu.memory_space<vmem>> -> memref<32xi32, #tpu.memory_space<vmem>>
    %dma_wait3A_39 = arith.constant 0 : i32
    %dma_wait3A_40 = arith.constant 0 : i32
    %dma_wait3A_41 = tpu.memref_slice %arg2[%dma_wait3A_39, %dma_wait3A_40] : memref<20480x1024xf32, #tpu.memory_space<hbm>> -> memref<20480x1024xf32, #tpu.memory_space<hbm>>
    tpu.wait_indirect_dma semaphore(%arg11 : memref<!tpu.dma_semaphore, #tpu.memory_space<semaphore_mem>>) src(%dma_wait3A_41 : memref<20480x1024xf32, #tpu.memory_space<hbm>>) dst(%arg6 : memref<32x1024xf32, #tpu.memory_space<vmem>>)
    %dma_start3A_42 = arith.constant 2 : i32
    %dma_start3A_43 = arith.constant 0 : i32
    %dma_start3A_44 = tpu.memref_slice %arg9[%dma_start3A_42, %dma_start3A_43] : memref<16x32xi32, #tpu.memory_space<vmem>> -> memref<1x32xi32, #tpu.memory_space<vmem>>
    %dma_start3A_45 = tpu.memref_squeeze %dma_start3A_44 : memref<1x32xi32, #tpu.memory_space<vmem>> -> memref<32xi32, #tpu.memory_space<vmem>>
    %dma_start3A_46 = arith.constant 0 : i32
    %dma_start3A_47 = arith.constant 0 : i32
    %dma_start3A_48 = tpu.memref_slice %arg2[%dma_start3A_46, %dma_start3A_47] : memref<20480x1024xf32, #tpu.memory_space<hbm>> -> memref<20480x1024xf32, #tpu.memory_space<hbm>>
    tpu.enqueue_indirect_dma source(%dma_start3A_48 : memref<20480x1024xf32, #tpu.memory_space<hbm>>) target(%arg5 : memref<32x1024xf32, #tpu.memory_space<vmem>>) offsets(%dma_start3A_45 : memref<32xi32, #tpu.memory_space<vmem>>) semaphore(%arg10 : memref<!tpu.dma_semaphore, #tpu.memory_space<semaphore_mem>>)
    %scan3A_49 = arith.constant 0 : i32
    %scan3A_50 = arith.constant 0 : i32
    %scan3A_51 = arith.constant 16 : i32
    %scan3A_52 = arith.addi %scan3A_50, %scan3A_51 : i32
    %scan3A_53 = arith.constant 1 : i32
    scf.for %scan3A_482 = %scan3A_50 to %scan3A_52 step %scan3A_53  : i32 {
      %scan3A_483 = arith.constant 0 : i32
      %scan3A_484 = arith.constant 0 : i32
      %scan3A_485 = arith.constant 64 : i32
      %scan3A_486 = arith.addi %scan3A_484, %scan3A_485 : i32
      %scan3A_487 = arith.constant 1 : i32
      scf.for %scan3A_489 = %scan3A_484 to %scan3A_486 step %scan3A_487  : i32 {
        %mul3A_490 = arith.constant 16 : i32
        %mul3A_491 = arith.muli %scan3A_489, %mul3A_490 : i32
        %get3A = arith.index_cast %scan3A_482 : i32 to index
        %get3A_492 = arith.index_cast %mul3A_491 : i32 to index
        %get3A_493 = tpu.vector_load %arg6[%get3A, %get3A_492] {strides = array<i32>} : memref<32x1024xf32, #tpu.memory_space<vmem>>, vector<1x16xf32>,
        %get3A_494 = vector.shape_cast %get3A_493 : vector<1x16xf32> to vector<16xf32>
        %add3A_495 = arith.constant 16 : i32
        %add3A_496 = arith.addi %scan3A_482, %add3A_495 : i32
        %get3A_497 = arith.index_cast %add3A_496 : i32 to index
        %get3A_498 = arith.index_cast %mul3A_491 : i32 to index
        %get3A_499 = tpu.vector_load %arg6[%get3A_497, %get3A_498] {strides = array<i32>} : memref<32x1024xf32, #tpu.memory_space<vmem>>, vector<1x16xf32>,
        %get3A_500 = vector.shape_cast %get3A_499 : vector<1x16xf32> to vector<16xf32>
        %add3A_501 = arith.addf %get3A_494, %get3A_500 : vector<16xf32>
        %swap3A = arith.index_cast %scan3A_482 : i32 to index
        %swap3A_502 = arith.index_cast %mul3A_491 : i32 to index
        %swap3A_503 = tpu.vector_load %arg8[%swap3A, %swap3A_502] {strides = array<i32>} : memref<16x1024xf32, #tpu.memory_space<vmem>>, vector<1x16xf32>,
        %swap3A_504 = vector.shape_cast %swap3A_503 : vector<1x16xf32> to vector<16xf32>
        %swap3A_505 = vector.shape_cast %add3A_501 : vector<16xf32> to vector<1x16xf32>
        tpu.vector_store %arg8[%swap3A, %swap3A_502], %swap3A_505 {strides = array<i32>} : memref<16x1024xf32, #tpu.memory_space<vmem>>, vector<1x16xf32>,
      }
      %scan3A_488 = arith.constant 64 : i32
    }
    %scan3A_54 = arith.constant 16 : i32
    %add3A_55 = arith.constant 16 : i32
    %add3A_56 = arith.addi %mul3A_2, %add3A_55 : i32
    %dma_start3A_57 = arith.constant 0 : i32
    %dma_start3A_58 = tpu.memref_slice %arg4[%add3A_56, %dma_start3A_57] : memref<8192x1024xf32, #tpu.memory_space<hbm>> -> memref<16x1024xf32, #tpu.memory_space<hbm>>
    %dma_start3A_59 = arith.constant 0 : i32
    %dma_start3A_60 = tpu.memref_slice %arg4[%add3A_56, %dma_start3A_59] : memref<8192x1024xf32, #tpu.memory_space<hbm>> -> memref<16x1024xf32, #tpu.memory_space<hbm>>
    tpu.enqueue_dma source(%arg8 : memref<16x1024xf32, #tpu.memory_space<vmem>>) target(%dma_start3A_60 : memref<16x1024xf32, #tpu.memory_space<hbm>>) target_semaphore(%arg13 : memref<!tpu.dma_semaphore, #tpu.memory_space<semaphore_mem>>)
    %dma_wait3A_61 = arith.constant 2 : i32
    %dma_wait3A_62 = arith.constant 0 : i32
    %dma_wait3A_63 = tpu.memref_slice %arg9[%dma_wait3A_61, %dma_wait3A_62] : memref<16x32xi32, #tpu.memory_space<vmem>> -> memref<1x32xi32, #tpu.memory_space<vmem>>
    %dma_wait3A_64 = tpu.memref_squeeze %dma_wait3A_63 : memref<1x32xi32, #tpu.memory_space<vmem>> -> memref<32xi32, #tpu.memory_space<vmem>>
    %dma_wait3A_65 = arith.constant 0 : i32
    %dma_wait3A_66 = arith.constant 0 : i32
    %dma_wait3A_67 = tpu.memref_slice %arg2[%dma_wait3A_65, %dma_wait3A_66] : memref<20480x1024xf32, #tpu.memory_space<hbm>> -> memref<20480x1024xf32, #tpu.memory_space<hbm>>
    tpu.wait_indirect_dma semaphore(%arg10 : memref<!tpu.dma_semaphore, #tpu.memory_space<semaphore_mem>>) src(%dma_wait3A_67 : memref<20480x1024xf32, #tpu.memory_space<hbm>>) dst(%arg5 : memref<32x1024xf32, #tpu.memory_space<vmem>>)
    %dma_start3A_68 = arith.constant 3 : i32
    %dma_start3A_69 = arith.constant 0 : i32
    %dma_start3A_70 = tpu.memref_slice %arg9[%dma_start3A_68, %dma_start3A_69] : memref<16x32xi32, #tpu.memory_space<vmem>> -> memref<1x32xi32, #tpu.memory_space<vmem>>
    %dma_start3A_71 = tpu.memref_squeeze %dma_start3A_70 : memref<1x32xi32, #tpu.memory_space<vmem>> -> memref<32xi32, #tpu.memory_space<vmem>>
    %dma_start3A_72 = arith.constant 0 : i32
    %dma_start3A_73 = arith.constant 0 : i32
    %dma_start3A_74 = tpu.memref_slice %arg2[%dma_start3A_72, %dma_start3A_73] : memref<20480x1024xf32, #tpu.memory_space<hbm>> -> memref<20480x1024xf32, #tpu.memory_space<hbm>>
    tpu.enqueue_indirect_dma source(%dma_start3A_74 : memref<20480x1024xf32, #tpu.memory_space<hbm>>) target(%arg6 : memref<32x1024xf32, #tpu.memory_space<vmem>>) offsets(%dma_start3A_71 : memref<32xi32, #tpu.memory_space<vmem>>) semaphore(%arg11 : memref<!tpu.dma_semaphore, #tpu.memory_space<semaphore_mem>>)
    %dma_wait3A_75 = arith.constant 0 : i32
    %dma_wait3A_76 = tpu.memref_slice %arg4[%add3A_30, %dma_wait3A_75] : memref<8192x1024xf32, #tpu.memory_space<hbm>> -> memref<16x1024xf32, #tpu.memory_space<hbm>>
    %dma_wait3A_77 = arith.constant 0 : i32
    %dma_wait3A_78 = tpu.memref_slice %arg4[%add3A_30, %dma_wait3A_77] : memref<8192x1024xf32, #tpu.memory_space<hbm>> -> memref<16x1024xf32, #tpu.memory_space<hbm>>
    tpu.wait_dma2 semaphore(%arg12 : memref<!tpu.dma_semaphore, #tpu.memory_space<semaphore_mem>>) src(%arg7 : memref<16x1024xf32, #tpu.memory_space<vmem>>) dst(%dma_wait3A_78 : memref<16x1024xf32, #tpu.memory_space<hbm>>)
    %scan3A_79 = arith.constant 0 : i32
    %scan3A_80 = arith.constant 0 : i32
    %scan3A_81 = arith.constant 16 : i32
    %scan3A_82 = arith.addi %scan3A_80, %scan3A_81 : i32
    %scan3A_83 = arith.constant 1 : i32
    scf.for %scan3A_482 = %scan3A_80 to %scan3A_82 step %scan3A_83  : i32 {
      %scan3A_483 = arith.constant 0 : i32
      %scan3A_484 = arith.constant 0 : i32
      %scan3A_485 = arith.constant 64 : i32
      %scan3A_486 = arith.addi %scan3A_484, %scan3A_485 : i32
      %scan3A_487 = arith.constant 1 : i32
      scf.for %scan3A_489 = %scan3A_484 to %scan3A_486 step %scan3A_487  : i32 {
        %mul3A_490 = arith.constant 16 : i32
        %mul3A_491 = arith.muli %scan3A_489, %mul3A_490 : i32
        %get3A = arith.index_cast %scan3A_482 : i32 to index
        %get3A_492 = arith.index_cast %mul3A_491 : i32 to index
        %get3A_493 = tpu.vector_load %arg5[%get3A, %get3A_492] {strides = array<i32>} : memref<32x1024xf32, #tpu.memory_space<vmem>>, vector<1x16xf32>,
        %get3A_494 = vector.shape_cast %get3A_493 : vector<1x16xf32> to vector<16xf32>
        %add3A_495 = arith.constant 16 : i32
        %add3A_496 = arith.addi %scan3A_482, %add3A_495 : i32
        %get3A_497 = arith.index_cast %add3A_496 : i32 to index
        %get3A_498 = arith.index_cast %mul3A_491 : i32 to index
        %get3A_499 = tpu.vector_load %arg5[%get3A_497, %get3A_498] {strides = array<i32>} : memref<32x1024xf32, #tpu.memory_space<vmem>>, vector<1x16xf32>,
        %get3A_500 = vector.shape_cast %get3A_499 : vector<1x16xf32> to vector<16xf32>
        %add3A_501 = arith.addf %get3A_494, %get3A_500 : vector<16xf32>
        %swap3A = arith.index_cast %scan3A_482 : i32 to index
        %swap3A_502 = arith.index_cast %mul3A_491 : i32 to index
        %swap3A_503 = tpu.vector_load %arg7[%swap3A, %swap3A_502] {strides = array<i32>} : memref<16x1024xf32, #tpu.memory_space<vmem>>, vector<1x16xf32>,
        %swap3A_504 = vector.shape_cast %swap3A_503 : vector<1x16xf32> to vector<16xf32>
        %swap3A_505 = vector.shape_cast %add3A_501 : vector<16xf32> to vector<1x16xf32>
        tpu.vector_store %arg7[%swap3A, %swap3A_502], %swap3A_505 {strides = array<i32>} : memref<16x1024xf32, #tpu.memory_space<vmem>>, vector<1x16xf32>,
      }
      %scan3A_488 = arith.constant 64 : i32
    }
    %scan3A_84 = arith.constant 16 : i32
    %add3A_85 = arith.constant 32 : i32
    %add3A_86 = arith.addi %mul3A_2, %add3A_85 : i32
    %dma_start3A_87 = arith.constant 0 : i32
    %dma_start3A_88 = tpu.memref_slice %arg4[%add3A_86, %dma_start3A_87] : memref<8192x1024xf32, #tpu.memory_space<hbm>> -> memref<16x1024xf32, #tpu.memory_space<hbm>>
    %dma_start3A_89 = arith.constant 0 : i32
    %dma_start3A_90 = tpu.memref_slice %arg4[%add3A_86, %dma_start3A_89] : memref<8192x1024xf32, #tpu.memory_space<hbm>> -> memref<16x1024xf32, #tpu.memory_space<hbm>>
    tpu.enqueue_dma source(%arg7 : memref<16x1024xf32, #tpu.memory_space<vmem>>) target(%dma_start3A_90 : memref<16x1024xf32, #tpu.memory_space<hbm>>) target_semaphore(%arg12 : memref<!tpu.dma_semaphore, #tpu.memory_space<semaphore_mem>>)
    %dma_wait3A_91 = arith.constant 3 : i32
    %dma_wait3A_92 = arith.constant 0 : i32
    %dma_wait3A_93 = tpu.memref_slice %arg9[%dma_wait3A_91, %dma_wait3A_92] : memref<16x32xi32, #tpu.memory_space<vmem>> -> memref<1x32xi32, #tpu.memory_space<vmem>>
    %dma_wait3A_94 = tpu.memref_squeeze %dma_wait3A_93 : memref<1x32xi32, #tpu.memory_space<vmem>> -> memref<32xi32, #tpu.memory_space<vmem>>
    %dma_wait3A_95 = arith.constant 0 : i32
    %dma_wait3A_96 = arith.constant 0 : i32
    %dma_wait3A_97 = tpu.memref_slice %arg2[%dma_wait3A_95, %dma_wait3A_96] : memref<20480x1024xf32, #tpu.memory_space<hbm>> -> memref<20480x1024xf32, #tpu.memory_space<hbm>>
    tpu.wait_indirect_dma semaphore(%arg11 : memref<!tpu.dma_semaphore, #tpu.memory_space<semaphore_mem>>) src(%dma_wait3A_97 : memref<20480x1024xf32, #tpu.memory_space<hbm>>) dst(%arg6 : memref<32x1024xf32, #tpu.memory_space<vmem>>)
    %dma_start3A_98 = arith.constant 4 : i32
    %dma_start3A_99 = arith.constant 0 : i32
    %dma_start3A_100 = tpu.memref_slice %arg9[%dma_start3A_98, %dma_start3A_99] : memref<16x32xi32, #tpu.memory_space<vmem>> -> memref<1x32xi32, #tpu.memory_space<vmem>>
    %dma_start3A_101 = tpu.memref_squeeze %dma_start3A_100 : memref<1x32xi32, #tpu.memory_space<vmem>> -> memref<32xi32, #tpu.memory_space<vmem>>
    %dma_start3A_102 = arith.constant 0 : i32
    %dma_start3A_103 = arith.constant 0 : i32
    %dma_start3A_104 = tpu.memref_slice %arg2[%dma_start3A_102, %dma_start3A_103] : memref<20480x1024xf32, #tpu.memory_space<hbm>> -> memref<20480x1024xf32, #tpu.memory_space<hbm>>
    tpu.enqueue_indirect_dma source(%dma_start3A_104 : memref<20480x1024xf32, #tpu.memory_space<hbm>>) target(%arg5 : memref<32x1024xf32, #tpu.memory_space<vmem>>) offsets(%dma_start3A_101 : memref<32xi32, #tpu.memory_space<vmem>>) semaphore(%arg10 : memref<!tpu.dma_semaphore, #tpu.memory_space<semaphore_mem>>)
    %dma_wait3A_105 = arith.constant 0 : i32
    %dma_wait3A_106 = tpu.memref_slice %arg4[%add3A_56, %dma_wait3A_105] : memref<8192x1024xf32, #tpu.memory_space<hbm>> -> memref<16x1024xf32, #tpu.memory_space<hbm>>
    %dma_wait3A_107 = arith.constant 0 : i32
    %dma_wait3A_108 = tpu.memref_slice %arg4[%add3A_56, %dma_wait3A_107] : memref<8192x1024xf32, #tpu.memory_space<hbm>> -> memref<16x1024xf32, #tpu.memory_space<hbm>>
    tpu.wait_dma2 semaphore(%arg13 : memref<!tpu.dma_semaphore, #tpu.memory_space<semaphore_mem>>) src(%arg8 : memref<16x1024xf32, #tpu.memory_space<vmem>>) dst(%dma_wait3A_108 : memref<16x1024xf32, #tpu.memory_space<hbm>>)
    %scan3A_109 = arith.constant 0 : i32
    %scan3A_110 = arith.constant 0 : i32
    %scan3A_111 = arith.constant 16 : i32
    %scan3A_112 = arith.addi %scan3A_110, %scan3A_111 : i32
    %scan3A_113 = arith.constant 1 : i32
    scf.for %scan3A_482 = %scan3A_110 to %scan3A_112 step %scan3A_113  : i32 {
      %scan3A_483 = arith.constant 0 : i32
      %scan3A_484 = arith.constant 0 : i32
      %scan3A_485 = arith.constant 64 : i32
      %scan3A_486 = arith.addi %scan3A_484, %scan3A_485 : i32
      %scan3A_487 = arith.constant 1 : i32
      scf.for %scan3A_489 = %scan3A_484 to %scan3A_486 step %scan3A_487  : i32 {
        %mul3A_490 = arith.constant 16 : i32
        %mul3A_491 = arith.muli %scan3A_489, %mul3A_490 : i32
        %get3A = arith.index_cast %scan3A_482 : i32 to index
        %get3A_492 = arith.index_cast %mul3A_491 : i32 to index
        %get3A_493 = tpu.vector_load %arg6[%get3A, %get3A_492] {strides = array<i32>} : memref<32x1024xf32, #tpu.memory_space<vmem>>, vector<1x16xf32>,
        %get3A_494 = vector.shape_cast %get3A_493 : vector<1x16xf32> to vector<16xf32>
        %add3A_495 = arith.constant 16 : i32
        %add3A_496 = arith.addi %scan3A_482, %add3A_495 : i32
        %get3A_497 = arith.index_cast %add3A_496 : i32 to index
        %get3A_498 = arith.index_cast %mul3A_491 : i32 to index
        %get3A_499 = tpu.vector_load %arg6[%get3A_497, %get3A_498] {strides = array<i32>} : memref<32x1024xf32, #tpu.memory_space<vmem>>, vector<1x16xf32>,
        %get3A_500 = vector.shape_cast %get3A_499 : vector<1x16xf32> to vector<16xf32>
        %add3A_501 = arith.addf %get3A_494, %get3A_500 : vector<16xf32>
        %swap3A = arith.index_cast %scan3A_482 : i32 to index
        %swap3A_502 = arith.index_cast %mul3A_491 : i32 to index
        %swap3A_503 = tpu.vector_load %arg8[%swap3A, %swap3A_502] {strides = array<i32>} : memref<16x1024xf32, #tpu.memory_space<vmem>>, vector<1x16xf32>,
        %swap3A_504 = vector.shape_cast %swap3A_503 : vector<1x16xf32> to vector<16xf32>
        %swap3A_505 = vector.shape_cast %add3A_501 : vector<16xf32> to vector<1x16xf32>
        tpu.vector_store %arg8[%swap3A, %swap3A_502], %swap3A_505 {strides = array<i32>} : memref<16x1024xf32, #tpu.memory_space<vmem>>, vector<1x16xf32>,
      }
      %scan3A_488 = arith.constant 64 : i32
    }
    %scan3A_114 = arith.constant 16 : i32
    %add3A_115 = arith.constant 48 : i32
    %add3A_116 = arith.addi %mul3A_2, %add3A_115 : i32
    %dma_start3A_117 = arith.constant 0 : i32
    %dma_start3A_118 = tpu.memref_slice %arg4[%add3A_116, %dma_start3A_117] : memref<8192x1024xf32, #tpu.memory_space<hbm>> -> memref<16x1024xf32, #tpu.memory_space<hbm>>
    %dma_start3A_119 = arith.constant 0 : i32
    %dma_start3A_120 = tpu.memref_slice %arg4[%add3A_116, %dma_start3A_119] : memref<8192x1024xf32, #tpu.memory_space<hbm>> -> memref<16x1024xf32, #tpu.memory_space<hbm>>
    tpu.enqueue_dma source(%arg8 : memref<16x1024xf32, #tpu.memory_space<vmem>>) target(%dma_start3A_120 : memref<16x1024xf32, #tpu.memory_space<hbm>>) target_semaphore(%arg13 : memref<!tpu.dma_semaphore, #tpu.memory_space<semaphore_mem>>)
    %dma_wait3A_121 = arith.constant 4 : i32
    %dma_wait3A_122 = arith.constant 0 : i32
    %dma_wait3A_123 = tpu.memref_slice %arg9[%dma_wait3A_121, %dma_wait3A_122] : memref<16x32xi32, #tpu.memory_space<vmem>> -> memref<1x32xi32, #tpu.memory_space<vmem>>
    %dma_wait3A_124 = tpu.memref_squeeze %dma_wait3A_123 : memref<1x32xi32, #tpu.memory_space<vmem>> -> memref<32xi32, #tpu.memory_space<vmem>>
    %dma_wait3A_125 = arith.constant 0 : i32
    %dma_wait3A_126 = arith.constant 0 : i32
    %dma_wait3A_127 = tpu.memref_slice %arg2[%dma_wait3A_125, %dma_wait3A_126] : memref<20480x1024xf32, #tpu.memory_space<hbm>> -> memref<20480x1024xf32, #tpu.memory_space<hbm>>
    tpu.wait_indirect_dma semaphore(%arg10 : memref<!tpu.dma_semaphore, #tpu.memory_space<semaphore_mem>>) src(%dma_wait3A_127 : memref<20480x1024xf32, #tpu.memory_space<hbm>>) dst(%arg5 : memref<32x1024xf32, #tpu.memory_space<vmem>>)
    %dma_start3A_128 = arith.constant 5 : i32
    %dma_start3A_129 = arith.constant 0 : i32
    %dma_start3A_130 = tpu.memref_slice %arg9[%dma_start3A_128, %dma_start3A_129] : memref<16x32xi32, #tpu.memory_space<vmem>> -> memref<1x32xi32, #tpu.memory_space<vmem>>
    %dma_start3A_131 = tpu.memref_squeeze %dma_start3A_130 : memref<1x32xi32, #tpu.memory_space<vmem>> -> memref<32xi32, #tpu.memory_space<vmem>>
    %dma_start3A_132 = arith.constant 0 : i32
    %dma_start3A_133 = arith.constant 0 : i32
    %dma_start3A_134 = tpu.memref_slice %arg2[%dma_start3A_132, %dma_start3A_133] : memref<20480x1024xf32, #tpu.memory_space<hbm>> -> memref<20480x1024xf32, #tpu.memory_space<hbm>>
    tpu.enqueue_indirect_dma source(%dma_start3A_134 : memref<20480x1024xf32, #tpu.memory_space<hbm>>) target(%arg6 : memref<32x1024xf32, #tpu.memory_space<vmem>>) offsets(%dma_start3A_131 : memref<32xi32, #tpu.memory_space<vmem>>) semaphore(%arg11 : memref<!tpu.dma_semaphore, #tpu.memory_space<semaphore_mem>>)
    %dma_wait3A_135 = arith.constant 0 : i32
    %dma_wait3A_136 = tpu.memref_slice %arg4[%add3A_86, %dma_wait3A_135] : memref<8192x1024xf32, #tpu.memory_space<hbm>> -> memref<16x1024xf32, #tpu.memory_space<hbm>>
    %dma_wait3A_137 = arith.constant 0 : i32
    %dma_wait3A_138 = tpu.memref_slice %arg4[%add3A_86, %dma_wait3A_137] : memref<8192x1024xf32, #tpu.memory_space<hbm>> -> memref<16x1024xf32, #tpu.memory_space<hbm>>
    tpu.wait_dma2 semaphore(%arg12 : memref<!tpu.dma_semaphore, #tpu.memory_space<semaphore_mem>>) src(%arg7 : memref<16x1024xf32, #tpu.memory_space<vmem>>) dst(%dma_wait3A_138 : memref<16x1024xf32, #tpu.memory_space<hbm>>)
    %scan3A_139 = arith.constant 0 : i32
    %scan3A_140 = arith.constant 0 : i32
    %scan3A_141 = arith.constant 16 : i32
    %scan3A_142 = arith.addi %scan3A_140, %scan3A_141 : i32
    %scan3A_143 = arith.constant 1 : i32
    scf.for %scan3A_482 = %scan3A_140 to %scan3A_142 step %scan3A_143  : i32 {
      %scan3A_483 = arith.constant 0 : i32
      %scan3A_484 = arith.constant 0 : i32
      %scan3A_485 = arith.constant 64 : i32
      %scan3A_486 = arith.addi %scan3A_484, %scan3A_485 : i32
      %scan3A_487 = arith.constant 1 : i32
      scf.for %scan3A_489 = %scan3A_484 to %scan3A_486 step %scan3A_487  : i32 {
        %mul3A_490 = arith.constant 16 : i32
        %mul3A_491 = arith.muli %scan3A_489, %mul3A_490 : i32
        %get3A = arith.index_cast %scan3A_482 : i32 to index
        %get3A_492 = arith.index_cast %mul3A_491 : i32 to index
        %get3A_493 = tpu.vector_load %arg5[%get3A, %get3A_492] {strides = array<i32>} : memref<32x1024xf32, #tpu.memory_space<vmem>>, vector<1x16xf32>,
        %get3A_494 = vector.shape_cast %get3A_493 : vector<1x16xf32> to vector<16xf32>
        %add3A_495 = arith.constant 16 : i32
        %add3A_496 = arith.addi %scan3A_482, %add3A_495 : i32
        %get3A_497 = arith.index_cast %add3A_496 : i32 to index
        %get3A_498 = arith.index_cast %mul3A_491 : i32 to index
        %get3A_499 = tpu.vector_load %arg5[%get3A_497, %get3A_498] {strides = array<i32>} : memref<32x1024xf32, #tpu.memory_space<vmem>>, vector<1x16xf32>,
        %get3A_500 = vector.shape_cast %get3A_499 : vector<1x16xf32> to vector<16xf32>
        %add3A_501 = arith.addf %get3A_494, %get3A_500 : vector<16xf32>
        %swap3A = arith.index_cast %scan3A_482 : i32 to index
        %swap3A_502 = arith.index_cast %mul3A_491 : i32 to index
        %swap3A_503 = tpu.vector_load %arg7[%swap3A, %swap3A_502] {strides = array<i32>} : memref<16x1024xf32, #tpu.memory_space<vmem>>, vector<1x16xf32>,
        %swap3A_504 = vector.shape_cast %swap3A_503 : vector<1x16xf32> to vector<16xf32>
        %swap3A_505 = vector.shape_cast %add3A_501 : vector<16xf32> to vector<1x16xf32>
        tpu.vector_store %arg7[%swap3A, %swap3A_502], %swap3A_505 {strides = array<i32>} : memref<16x1024xf32, #tpu.memory_space<vmem>>, vector<1x16xf32>,
      }
      %scan3A_488 = arith.constant 64 : i32
    }
    %scan3A_144 = arith.constant 16 : i32
    %add3A_145 = arith.constant 64 : i32
    %add3A_146 = arith.addi %mul3A_2, %add3A_145 : i32
    %dma_start3A_147 = arith.constant 0 : i32
    %dma_start3A_148 = tpu.memref_slice %arg4[%add3A_146, %dma_start3A_147] : memref<8192x1024xf32, #tpu.memory_space<hbm>> -> memref<16x1024xf32, #tpu.memory_space<hbm>>
    %dma_start3A_149 = arith.constant 0 : i32
    %dma_start3A_150 = tpu.memref_slice %arg4[%add3A_146, %dma_start3A_149] : memref<8192x1024xf32, #tpu.memory_space<hbm>> -> memref<16x1024xf32, #tpu.memory_space<hbm>>
    tpu.enqueue_dma source(%arg7 : memref<16x1024xf32, #tpu.memory_space<vmem>>) target(%dma_start3A_150 : memref<16x1024xf32, #tpu.memory_space<hbm>>) target_semaphore(%arg12 : memref<!tpu.dma_semaphore, #tpu.memory_space<semaphore_mem>>)
    %dma_wait3A_151 = arith.constant 5 : i32
    %dma_wait3A_152 = arith.constant 0 : i32
    %dma_wait3A_153 = tpu.memref_slice %arg9[%dma_wait3A_151, %dma_wait3A_152] : memref<16x32xi32, #tpu.memory_space<vmem>> -> memref<1x32xi32, #tpu.memory_space<vmem>>
    %dma_wait3A_154 = tpu.memref_squeeze %dma_wait3A_153 : memref<1x32xi32, #tpu.memory_space<vmem>> -> memref<32xi32, #tpu.memory_space<vmem>>
    %dma_wait3A_155 = arith.constant 0 : i32
    %dma_wait3A_156 = arith.constant 0 : i32
    %dma_wait3A_157 = tpu.memref_slice %arg2[%dma_wait3A_155, %dma_wait3A_156] : memref<20480x1024xf32, #tpu.memory_space<hbm>> -> memref<20480x1024xf32, #tpu.memory_space<hbm>>
    tpu.wait_indirect_dma semaphore(%arg11 : memref<!tpu.dma_semaphore, #tpu.memory_space<semaphore_mem>>) src(%dma_wait3A_157 : memref<20480x1024xf32, #tpu.memory_space<hbm>>) dst(%arg6 : memref<32x1024xf32, #tpu.memory_space<vmem>>)
    %dma_start3A_158 = arith.constant 6 : i32
    %dma_start3A_159 = arith.constant 0 : i32
    %dma_start3A_160 = tpu.memref_slice %arg9[%dma_start3A_158, %dma_start3A_159] : memref<16x32xi32, #tpu.memory_space<vmem>> -> memref<1x32xi32, #tpu.memory_space<vmem>>
    %dma_start3A_161 = tpu.memref_squeeze %dma_start3A_160 : memref<1x32xi32, #tpu.memory_space<vmem>> -> memref<32xi32, #tpu.memory_space<vmem>>
    %dma_start3A_162 = arith.constant 0 : i32
    %dma_start3A_163 = arith.constant 0 : i32
    %dma_start3A_164 = tpu.memref_slice %arg2[%dma_start3A_162, %dma_start3A_163] : memref<20480x1024xf32, #tpu.memory_space<hbm>> -> memref<20480x1024xf32, #tpu.memory_space<hbm>>
    tpu.enqueue_indirect_dma source(%dma_start3A_164 : memref<20480x1024xf32, #tpu.memory_space<hbm>>) target(%arg5 : memref<32x1024xf32, #tpu.memory_space<vmem>>) offsets(%dma_start3A_161 : memref<32xi32, #tpu.memory_space<vmem>>) semaphore(%arg10 : memref<!tpu.dma_semaphore, #tpu.memory_space<semaphore_mem>>)
    %dma_wait3A_165 = arith.constant 0 : i32
    %dma_wait3A_166 = tpu.memref_slice %arg4[%add3A_116, %dma_wait3A_165] : memref<8192x1024xf32, #tpu.memory_space<hbm>> -> memref<16x1024xf32, #tpu.memory_space<hbm>>
    %dma_wait3A_167 = arith.constant 0 : i32
    %dma_wait3A_168 = tpu.memref_slice %arg4[%add3A_116, %dma_wait3A_167] : memref<8192x1024xf32, #tpu.memory_space<hbm>> -> memref<16x1024xf32, #tpu.memory_space<hbm>>
    tpu.wait_dma2 semaphore(%arg13 : memref<!tpu.dma_semaphore, #tpu.memory_space<semaphore_mem>>) src(%arg8 : memref<16x1024xf32, #tpu.memory_space<vmem>>) dst(%dma_wait3A_168 : memref<16x1024xf32, #tpu.memory_space<hbm>>)
    %scan3A_169 = arith.constant 0 : i32
    %scan3A_170 = arith.constant 0 : i32
    %scan3A_171 = arith.constant 16 : i32
    %scan3A_172 = arith.addi %scan3A_170, %scan3A_171 : i32
    %scan3A_173 = arith.constant 1 : i32
    scf.for %scan3A_482 = %scan3A_170 to %scan3A_172 step %scan3A_173  : i32 {
      %scan3A_483 = arith.constant 0 : i32
      %scan3A_484 = arith.constant 0 : i32
      %scan3A_485 = arith.constant 64 : i32
      %scan3A_486 = arith.addi %scan3A_484, %scan3A_485 : i32
      %scan3A_487 = arith.constant 1 : i32
      scf.for %scan3A_489 = %scan3A_484 to %scan3A_486 step %scan3A_487  : i32 {
        %mul3A_490 = arith.constant 16 : i32
        %mul3A_491 = arith.muli %scan3A_489, %mul3A_490 : i32
        %get3A = arith.index_cast %scan3A_482 : i32 to index
        %get3A_492 = arith.index_cast %mul3A_491 : i32 to index
        %get3A_493 = tpu.vector_load %arg6[%get3A, %get3A_492] {strides = array<i32>} : memref<32x1024xf32, #tpu.memory_space<vmem>>, vector<1x16xf32>,
        %get3A_494 = vector.shape_cast %get3A_493 : vector<1x16xf32> to vector<16xf32>
        %add3A_495 = arith.constant 16 : i32
        %add3A_496 = arith.addi %scan3A_482, %add3A_495 : i32
        %get3A_497 = arith.index_cast %add3A_496 : i32 to index
        %get3A_498 = arith.index_cast %mul3A_491 : i32 to index
        %get3A_499 = tpu.vector_load %arg6[%get3A_497, %get3A_498] {strides = array<i32>} : memref<32x1024xf32, #tpu.memory_space<vmem>>, vector<1x16xf32>,
        %get3A_500 = vector.shape_cast %get3A_499 : vector<1x16xf32> to vector<16xf32>
        %add3A_501 = arith.addf %get3A_494, %get3A_500 : vector<16xf32>
        %swap3A = arith.index_cast %scan3A_482 : i32 to index
        %swap3A_502 = arith.index_cast %mul3A_491 : i32 to index
        %swap3A_503 = tpu.vector_load %arg8[%swap3A, %swap3A_502] {strides = array<i32>} : memref<16x1024xf32, #tpu.memory_space<vmem>>, vector<1x16xf32>,
        %swap3A_504 = vector.shape_cast %swap3A_503 : vector<1x16xf32> to vector<16xf32>
        %swap3A_505 = vector.shape_cast %add3A_501 : vector<16xf32> to vector<1x16xf32>
        tpu.vector_store %arg8[%swap3A, %swap3A_502], %swap3A_505 {strides = array<i32>} : memref<16x1024xf32, #tpu.memory_space<vmem>>, vector<1x16xf32>,
      }
      %scan3A_488 = arith.constant 64 : i32
    }
    %scan3A_174 = arith.constant 16 : i32
    %add3A_175 = arith.constant 80 : i32
    %add3A_176 = arith.addi %mul3A_2, %add3A_175 : i32
    %dma_start3A_177 = arith.constant 0 : i32
    %dma_start3A_178 = tpu.memref_slice %arg4[%add3A_176, %dma_start3A_177] : memref<8192x1024xf32, #tpu.memory_space<hbm>> -> memref<16x1024xf32, #tpu.memory_space<hbm>>
    %dma_start3A_179 = arith.constant 0 : i32
    %dma_start3A_180 = tpu.memref_slice %arg4[%add3A_176, %dma_start3A_179] : memref<8192x1024xf32, #tpu.memory_space<hbm>> -> memref<16x1024xf32, #tpu.memory_space<hbm>>
    tpu.enqueue_dma source(%arg8 : memref<16x1024xf32, #tpu.memory_space<vmem>>) target(%dma_start3A_180 : memref<16x1024xf32, #tpu.memory_space<hbm>>) target_semaphore(%arg13 : memref<!tpu.dma_semaphore, #tpu.memory_space<semaphore_mem>>)
    %dma_wait3A_181 = arith.constant 6 : i32
    %dma_wait3A_182 = arith.constant 0 : i32
    %dma_wait3A_183 = tpu.memref_slice %arg9[%dma_wait3A_181, %dma_wait3A_182] : memref<16x32xi32, #tpu.memory_space<vmem>> -> memref<1x32xi32, #tpu.memory_space<vmem>>
    %dma_wait3A_184 = tpu.memref_squeeze %dma_wait3A_183 : memref<1x32xi32, #tpu.memory_space<vmem>> -> memref<32xi32, #tpu.memory_space<vmem>>
    %dma_wait3A_185 = arith.constant 0 : i32
    %dma_wait3A_186 = arith.constant 0 : i32
    %dma_wait3A_187 = tpu.memref_slice %arg2[%dma_wait3A_185, %dma_wait3A_186] : memref<20480x1024xf32, #tpu.memory_space<hbm>> -> memref<20480x1024xf32, #tpu.memory_space<hbm>>
    tpu.wait_indirect_dma semaphore(%arg10 : memref<!tpu.dma_semaphore, #tpu.memory_space<semaphore_mem>>) src(%dma_wait3A_187 : memref<20480x1024xf32, #tpu.memory_space<hbm>>) dst(%arg5 : memref<32x1024xf32, #tpu.memory_space<vmem>>)
    %dma_start3A_188 = arith.constant 7 : i32
    %dma_start3A_189 = arith.constant 0 : i32
    %dma_start3A_190 = tpu.memref_slice %arg9[%dma_start3A_188, %dma_start3A_189] : memref<16x32xi32, #tpu.memory_space<vmem>> -> memref<1x32xi32, #tpu.memory_space<vmem>>
    %dma_start3A_191 = tpu.memref_squeeze %dma_start3A_190 : memref<1x32xi32, #tpu.memory_space<vmem>> -> memref<32xi32, #tpu.memory_space<vmem>>
    %dma_start3A_192 = arith.constant 0 : i32
    %dma_start3A_193 = arith.constant 0 : i32
    %dma_start3A_194 = tpu.memref_slice %arg2[%dma_start3A_192, %dma_start3A_193] : memref<20480x1024xf32, #tpu.memory_space<hbm>> -> memref<20480x1024xf32, #tpu.memory_space<hbm>>
    tpu.enqueue_indirect_dma source(%dma_start3A_194 : memref<20480x1024xf32, #tpu.memory_space<hbm>>) target(%arg6 : memref<32x1024xf32, #tpu.memory_space<vmem>>) offsets(%dma_start3A_191 : memref<32xi32, #tpu.memory_space<vmem>>) semaphore(%arg11 : memref<!tpu.dma_semaphore, #tpu.memory_space<semaphore_mem>>)
    %dma_wait3A_195 = arith.constant 0 : i32
    %dma_wait3A_196 = tpu.memref_slice %arg4[%add3A_146, %dma_wait3A_195] : memref<8192x1024xf32, #tpu.memory_space<hbm>> -> memref<16x1024xf32, #tpu.memory_space<hbm>>
    %dma_wait3A_197 = arith.constant 0 : i32
    %dma_wait3A_198 = tpu.memref_slice %arg4[%add3A_146, %dma_wait3A_197] : memref<8192x1024xf32, #tpu.memory_space<hbm>> -> memref<16x1024xf32, #tpu.memory_space<hbm>>
    tpu.wait_dma2 semaphore(%arg12 : memref<!tpu.dma_semaphore, #tpu.memory_space<semaphore_mem>>) src(%arg7 : memref<16x1024xf32, #tpu.memory_space<vmem>>) dst(%dma_wait3A_198 : memref<16x1024xf32, #tpu.memory_space<hbm>>)
    %scan3A_199 = arith.constant 0 : i32
    %scan3A_200 = arith.constant 0 : i32
    %scan3A_201 = arith.constant 16 : i32
    %scan3A_202 = arith.addi %scan3A_200, %scan3A_201 : i32
    %scan3A_203 = arith.constant 1 : i32
    scf.for %scan3A_482 = %scan3A_200 to %scan3A_202 step %scan3A_203  : i32 {
      %scan3A_483 = arith.constant 0 : i32
      %scan3A_484 = arith.constant 0 : i32
      %scan3A_485 = arith.constant 64 : i32
      %scan3A_486 = arith.addi %scan3A_484, %scan3A_485 : i32
      %scan3A_487 = arith.constant 1 : i32
      scf.for %scan3A_489 = %scan3A_484 to %scan3A_486 step %scan3A_487  : i32 {
        %mul3A_490 = arith.constant 16 : i32
        %mul3A_491 = arith.muli %scan3A_489, %mul3A_490 : i32
        %get3A = arith.index_cast %scan3A_482 : i32 to index
        %get3A_492 = arith.index_cast %mul3A_491 : i32 to index
        %get3A_493 = tpu.vector_load %arg5[%get3A, %get3A_492] {strides = array<i32>} : memref<32x1024xf32, #tpu.memory_space<vmem>>, vector<1x16xf32>,
        %get3A_494 = vector.shape_cast %get3A_493 : vector<1x16xf32> to vector<16xf32>
        %add3A_495 = arith.constant 16 : i32
        %add3A_496 = arith.addi %scan3A_482, %add3A_495 : i32
        %get3A_497 = arith.index_cast %add3A_496 : i32 to index
        %get3A_498 = arith.index_cast %mul3A_491 : i32 to index
        %get3A_499 = tpu.vector_load %arg5[%get3A_497, %get3A_498] {strides = array<i32>} : memref<32x1024xf32, #tpu.memory_space<vmem>>, vector<1x16xf32>,
        %get3A_500 = vector.shape_cast %get3A_499 : vector<1x16xf32> to vector<16xf32>
        %add3A_501 = arith.addf %get3A_494, %get3A_500 : vector<16xf32>
        %swap3A = arith.index_cast %scan3A_482 : i32 to index
        %swap3A_502 = arith.index_cast %mul3A_491 : i32 to index
        %swap3A_503 = tpu.vector_load %arg7[%swap3A, %swap3A_502] {strides = array<i32>} : memref<16x1024xf32, #tpu.memory_space<vmem>>, vector<1x16xf32>,
        %swap3A_504 = vector.shape_cast %swap3A_503 : vector<1x16xf32> to vector<16xf32>
        %swap3A_505 = vector.shape_cast %add3A_501 : vector<16xf32> to vector<1x16xf32>
        tpu.vector_store %arg7[%swap3A, %swap3A_502], %swap3A_505 {strides = array<i32>} : memref<16x1024xf32, #tpu.memory_space<vmem>>, vector<1x16xf32>,
      }
      %scan3A_488 = arith.constant 64 : i32
    }
    %scan3A_204 = arith.constant 16 : i32
    %add3A_205 = arith.constant 96 : i32
    %add3A_206 = arith.addi %mul3A_2, %add3A_205 : i32
    %dma_start3A_207 = arith.constant 0 : i32
    %dma_start3A_208 = tpu.memref_slice %arg4[%add3A_206, %dma_start3A_207] : memref<8192x1024xf32, #tpu.memory_space<hbm>> -> memref<16x1024xf32, #tpu.memory_space<hbm>>
    %dma_start3A_209 = arith.constant 0 : i32
    %dma_start3A_210 = tpu.memref_slice %arg4[%add3A_206, %dma_start3A_209] : memref<8192x1024xf32, #tpu.memory_space<hbm>> -> memref<16x1024xf32, #tpu.memory_space<hbm>>
    tpu.enqueue_dma source(%arg7 : memref<16x1024xf32, #tpu.memory_space<vmem>>) target(%dma_start3A_210 : memref<16x1024xf32, #tpu.memory_space<hbm>>) target_semaphore(%arg12 : memref<!tpu.dma_semaphore, #tpu.memory_space<semaphore_mem>>)
    %dma_wait3A_211 = arith.constant 7 : i32
    %dma_wait3A_212 = arith.constant 0 : i32
    %dma_wait3A_213 = tpu.memref_slice %arg9[%dma_wait3A_211, %dma_wait3A_212] : memref<16x32xi32, #tpu.memory_space<vmem>> -> memref<1x32xi32, #tpu.memory_space<vmem>>
    %dma_wait3A_214 = tpu.memref_squeeze %dma_wait3A_213 : memref<1x32xi32, #tpu.memory_space<vmem>> -> memref<32xi32, #tpu.memory_space<vmem>>
    %dma_wait3A_215 = arith.constant 0 : i32
    %dma_wait3A_216 = arith.constant 0 : i32
    %dma_wait3A_217 = tpu.memref_slice %arg2[%dma_wait3A_215, %dma_wait3A_216] : memref<20480x1024xf32, #tpu.memory_space<hbm>> -> memref<20480x1024xf32, #tpu.memory_space<hbm>>
    tpu.wait_indirect_dma semaphore(%arg11 : memref<!tpu.dma_semaphore, #tpu.memory_space<semaphore_mem>>) src(%dma_wait3A_217 : memref<20480x1024xf32, #tpu.memory_space<hbm>>) dst(%arg6 : memref<32x1024xf32, #tpu.memory_space<vmem>>)
    %dma_start3A_218 = arith.constant 8 : i32
    %dma_start3A_219 = arith.constant 0 : i32
    %dma_start3A_220 = tpu.memref_slice %arg9[%dma_start3A_218, %dma_start3A_219] : memref<16x32xi32, #tpu.memory_space<vmem>> -> memref<1x32xi32, #tpu.memory_space<vmem>>
    %dma_start3A_221 = tpu.memref_squeeze %dma_start3A_220 : memref<1x32xi32, #tpu.memory_space<vmem>> -> memref<32xi32, #tpu.memory_space<vmem>>
    %dma_start3A_222 = arith.constant 0 : i32
    %dma_start3A_223 = arith.constant 0 : i32
    %dma_start3A_224 = tpu.memref_slice %arg2[%dma_start3A_222, %dma_start3A_223] : memref<20480x1024xf32, #tpu.memory_space<hbm>> -> memref<20480x1024xf32, #tpu.memory_space<hbm>>
    tpu.enqueue_indirect_dma source(%dma_start3A_224 : memref<20480x1024xf32, #tpu.memory_space<hbm>>) target(%arg5 : memref<32x1024xf32, #tpu.memory_space<vmem>>) offsets(%dma_start3A_221 : memref<32xi32, #tpu.memory_space<vmem>>) semaphore(%arg10 : memref<!tpu.dma_semaphore, #tpu.memory_space<semaphore_mem>>)
    %dma_wait3A_225 = arith.constant 0 : i32
    %dma_wait3A_226 = tpu.memref_slice %arg4[%add3A_176, %dma_wait3A_225] : memref<8192x1024xf32, #tpu.memory_space<hbm>> -> memref<16x1024xf32, #tpu.memory_space<hbm>>
    %dma_wait3A_227 = arith.constant 0 : i32
    %dma_wait3A_228 = tpu.memref_slice %arg4[%add3A_176, %dma_wait3A_227] : memref<8192x1024xf32, #tpu.memory_space<hbm>> -> memref<16x1024xf32, #tpu.memory_space<hbm>>
    tpu.wait_dma2 semaphore(%arg13 : memref<!tpu.dma_semaphore, #tpu.memory_space<semaphore_mem>>) src(%arg8 : memref<16x1024xf32, #tpu.memory_space<vmem>>) dst(%dma_wait3A_228 : memref<16x1024xf32, #tpu.memory_space<hbm>>)
    %scan3A_229 = arith.constant 0 : i32
    %scan3A_230 = arith.constant 0 : i32
    %scan3A_231 = arith.constant 16 : i32
    %scan3A_232 = arith.addi %scan3A_230, %scan3A_231 : i32
    %scan3A_233 = arith.constant 1 : i32
    scf.for %scan3A_482 = %scan3A_230 to %scan3A_232 step %scan3A_233  : i32 {
      %scan3A_483 = arith.constant 0 : i32
      %scan3A_484 = arith.constant 0 : i32
      %scan3A_485 = arith.constant 64 : i32
      %scan3A_486 = arith.addi %scan3A_484, %scan3A_485 : i32
      %scan3A_487 = arith.constant 1 : i32
      scf.for %scan3A_489 = %scan3A_484 to %scan3A_486 step %scan3A_487  : i32 {
        %mul3A_490 = arith.constant 16 : i32
        %mul3A_491 = arith.muli %scan3A_489, %mul3A_490 : i32
        %get3A = arith.index_cast %scan3A_482 : i32 to index
        %get3A_492 = arith.index_cast %mul3A_491 : i32 to index
        %get3A_493 = tpu.vector_load %arg6[%get3A, %get3A_492] {strides = array<i32>} : memref<32x1024xf32, #tpu.memory_space<vmem>>, vector<1x16xf32>,
        %get3A_494 = vector.shape_cast %get3A_493 : vector<1x16xf32> to vector<16xf32>
        %add3A_495 = arith.constant 16 : i32
        %add3A_496 = arith.addi %scan3A_482, %add3A_495 : i32
        %get3A_497 = arith.index_cast %add3A_496 : i32 to index
        %get3A_498 = arith.index_cast %mul3A_491 : i32 to index
        %get3A_499 = tpu.vector_load %arg6[%get3A_497, %get3A_498] {strides = array<i32>} : memref<32x1024xf32, #tpu.memory_space<vmem>>, vector<1x16xf32>,
        %get3A_500 = vector.shape_cast %get3A_499 : vector<1x16xf32> to vector<16xf32>
        %add3A_501 = arith.addf %get3A_494, %get3A_500 : vector<16xf32>
        %swap3A = arith.index_cast %scan3A_482 : i32 to index
        %swap3A_502 = arith.index_cast %mul3A_491 : i32 to index
        %swap3A_503 = tpu.vector_load %arg8[%swap3A, %swap3A_502] {strides = array<i32>} : memref<16x1024xf32, #tpu.memory_space<vmem>>, vector<1x16xf32>,
        %swap3A_504 = vector.shape_cast %swap3A_503 : vector<1x16xf32> to vector<16xf32>
        %swap3A_505 = vector.shape_cast %add3A_501 : vector<16xf32> to vector<1x16xf32>
        tpu.vector_store %arg8[%swap3A, %swap3A_502], %swap3A_505 {strides = array<i32>} : memref<16x1024xf32, #tpu.memory_space<vmem>>, vector<1x16xf32>,
      }
      %scan3A_488 = arith.constant 64 : i32
    }
    %scan3A_234 = arith.constant 16 : i32
    %add3A_235 = arith.constant 112 : i32
    %add3A_236 = arith.addi %mul3A_2, %add3A_235 : i32
    %dma_start3A_237 = arith.constant 0 : i32
    %dma_start3A_238 = tpu.memref_slice %arg4[%add3A_236, %dma_start3A_237] : memref<8192x1024xf32, #tpu.memory_space<hbm>> -> memref<16x1024xf32, #tpu.memory_space<hbm>>
    %dma_start3A_239 = arith.constant 0 : i32
    %dma_start3A_240 = tpu.memref_slice %arg4[%add3A_236, %dma_start3A_239] : memref<8192x1024xf32, #tpu.memory_space<hbm>> -> memref<16x1024xf32, #tpu.memory_space<hbm>>
    tpu.enqueue_dma source(%arg8 : memref<16x1024xf32, #tpu.memory_space<vmem>>) target(%dma_start3A_240 : memref<16x1024xf32, #tpu.memory_space<hbm>>) target_semaphore(%arg13 : memref<!tpu.dma_semaphore, #tpu.memory_space<semaphore_mem>>)
    %dma_wait3A_241 = arith.constant 8 : i32
    %dma_wait3A_242 = arith.constant 0 : i32
    %dma_wait3A_243 = tpu.memref_slice %arg9[%dma_wait3A_241, %dma_wait3A_242] : memref<16x32xi32, #tpu.memory_space<vmem>> -> memref<1x32xi32, #tpu.memory_space<vmem>>
    %dma_wait3A_244 = tpu.memref_squeeze %dma_wait3A_243 : memref<1x32xi32, #tpu.memory_space<vmem>> -> memref<32xi32, #tpu.memory_space<vmem>>
    %dma_wait3A_245 = arith.constant 0 : i32
    %dma_wait3A_246 = arith.constant 0 : i32
    %dma_wait3A_247 = tpu.memref_slice %arg2[%dma_wait3A_245, %dma_wait3A_246] : memref<20480x1024xf32, #tpu.memory_space<hbm>> -> memref<20480x1024xf32, #tpu.memory_space<hbm>>
    tpu.wait_indirect_dma semaphore(%arg10 : memref<!tpu.dma_semaphore, #tpu.memory_space<semaphore_mem>>) src(%dma_wait3A_247 : memref<20480x1024xf32, #tpu.memory_space<hbm>>) dst(%arg5 : memref<32x1024xf32, #tpu.memory_space<vmem>>)
    %dma_start3A_248 = arith.constant 9 : i32
    %dma_start3A_249 = arith.constant 0 : i32
    %dma_start3A_250 = tpu.memref_slice %arg9[%dma_start3A_248, %dma_start3A_249] : memref<16x32xi32, #tpu.memory_space<vmem>> -> memref<1x32xi32, #tpu.memory_space<vmem>>
    %dma_start3A_251 = tpu.memref_squeeze %dma_start3A_250 : memref<1x32xi32, #tpu.memory_space<vmem>> -> memref<32xi32, #tpu.memory_space<vmem>>
    %dma_start3A_252 = arith.constant 0 : i32
    %dma_start3A_253 = arith.constant 0 : i32
    %dma_start3A_254 = tpu.memref_slice %arg2[%dma_start3A_252, %dma_start3A_253] : memref<20480x1024xf32, #tpu.memory_space<hbm>> -> memref<20480x1024xf32, #tpu.memory_space<hbm>>
    tpu.enqueue_indirect_dma source(%dma_start3A_254 : memref<20480x1024xf32, #tpu.memory_space<hbm>>) target(%arg6 : memref<32x1024xf32, #tpu.memory_space<vmem>>) offsets(%dma_start3A_251 : memref<32xi32, #tpu.memory_space<vmem>>) semaphore(%arg11 : memref<!tpu.dma_semaphore, #tpu.memory_space<semaphore_mem>>)
    %dma_wait3A_255 = arith.constant 0 : i32
    %dma_wait3A_256 = tpu.memref_slice %arg4[%add3A_206, %dma_wait3A_255] : memref<8192x1024xf32, #tpu.memory_space<hbm>> -> memref<16x1024xf32, #tpu.memory_space<hbm>>
    %dma_wait3A_257 = arith.constant 0 : i32
    %dma_wait3A_258 = tpu.memref_slice %arg4[%add3A_206, %dma_wait3A_257] : memref<8192x1024xf32, #tpu.memory_space<hbm>> -> memref<16x1024xf32, #tpu.memory_space<hbm>>
    tpu.wait_dma2 semaphore(%arg12 : memref<!tpu.dma_semaphore, #tpu.memory_space<semaphore_mem>>) src(%arg7 : memref<16x1024xf32, #tpu.memory_space<vmem>>) dst(%dma_wait3A_258 : memref<16x1024xf32, #tpu.memory_space<hbm>>)
    %scan3A_259 = arith.constant 0 : i32
    %scan3A_260 = arith.constant 0 : i32
    %scan3A_261 = arith.constant 16 : i32
    %scan3A_262 = arith.addi %scan3A_260, %scan3A_261 : i32
    %scan3A_263 = arith.constant 1 : i32
    scf.for %scan3A_482 = %scan3A_260 to %scan3A_262 step %scan3A_263  : i32 {
      %scan3A_483 = arith.constant 0 : i32
      %scan3A_484 = arith.constant 0 : i32
      %scan3A_485 = arith.constant 64 : i32
      %scan3A_486 = arith.addi %scan3A_484, %scan3A_485 : i32
      %scan3A_487 = arith.constant 1 : i32
      scf.for %scan3A_489 = %scan3A_484 to %scan3A_486 step %scan3A_487  : i32 {
        %mul3A_490 = arith.constant 16 : i32
        %mul3A_491 = arith.muli %scan3A_489, %mul3A_490 : i32
        %get3A = arith.index_cast %scan3A_482 : i32 to index
        %get3A_492 = arith.index_cast %mul3A_491 : i32 to index
        %get3A_493 = tpu.vector_load %arg5[%get3A, %get3A_492] {strides = array<i32>} : memref<32x1024xf32, #tpu.memory_space<vmem>>, vector<1x16xf32>,
        %get3A_494 = vector.shape_cast %get3A_493 : vector<1x16xf32> to vector<16xf32>
        %add3A_495 = arith.constant 16 : i32
        %add3A_496 = arith.addi %scan3A_482, %add3A_495 : i32
        %get3A_497 = arith.index_cast %add3A_496 : i32 to index
        %get3A_498 = arith.index_cast %mul3A_491 : i32 to index
        %get3A_499 = tpu.vector_load %arg5[%get3A_497, %get3A_498] {strides = array<i32>} : memref<32x1024xf32, #tpu.memory_space<vmem>>, vector<1x16xf32>,
        %get3A_500 = vector.shape_cast %get3A_499 : vector<1x16xf32> to vector<16xf32>
        %add3A_501 = arith.addf %get3A_494, %get3A_500 : vector<16xf32>
        %swap3A = arith.index_cast %scan3A_482 : i32 to index
        %swap3A_502 = arith.index_cast %mul3A_491 : i32 to index
        %swap3A_503 = tpu.vector_load %arg7[%swap3A, %swap3A_502] {strides = array<i32>} : memref<16x1024xf32, #tpu.memory_space<vmem>>, vector<1x16xf32>,
        %swap3A_504 = vector.shape_cast %swap3A_503 : vector<1x16xf32> to vector<16xf32>
        %swap3A_505 = vector.shape_cast %add3A_501 : vector<16xf32> to vector<1x16xf32>
        tpu.vector_store %arg7[%swap3A, %swap3A_502], %swap3A_505 {strides = array<i32>} : memref<16x1024xf32, #tpu.memory_space<vmem>>, vector<1x16xf32>,
      }
      %scan3A_488 = arith.constant 64 : i32
    }
    %scan3A_264 = arith.constant 16 : i32
    %add3A_265 = arith.constant 128 : i32
    %add3A_266 = arith.addi %mul3A_2, %add3A_265 : i32
    %dma_start3A_267 = arith.constant 0 : i32
    %dma_start3A_268 = tpu.memref_slice %arg4[%add3A_266, %dma_start3A_267] : memref<8192x1024xf32, #tpu.memory_space<hbm>> -> memref<16x1024xf32, #tpu.memory_space<hbm>>
    %dma_start3A_269 = arith.constant 0 : i32
    %dma_start3A_270 = tpu.memref_slice %arg4[%add3A_266, %dma_start3A_269] : memref<8192x1024xf32, #tpu.memory_space<hbm>> -> memref<16x1024xf32, #tpu.memory_space<hbm>>
    tpu.enqueue_dma source(%arg7 : memref<16x1024xf32, #tpu.memory_space<vmem>>) target(%dma_start3A_270 : memref<16x1024xf32, #tpu.memory_space<hbm>>) target_semaphore(%arg12 : memref<!tpu.dma_semaphore, #tpu.memory_space<semaphore_mem>>)
    %dma_wait3A_271 = arith.constant 9 : i32
    %dma_wait3A_272 = arith.constant 0 : i32
    %dma_wait3A_273 = tpu.memref_slice %arg9[%dma_wait3A_271, %dma_wait3A_272] : memref<16x32xi32, #tpu.memory_space<vmem>> -> memref<1x32xi32, #tpu.memory_space<vmem>>
    %dma_wait3A_274 = tpu.memref_squeeze %dma_wait3A_273 : memref<1x32xi32, #tpu.memory_space<vmem>> -> memref<32xi32, #tpu.memory_space<vmem>>
    %dma_wait3A_275 = arith.constant 0 : i32
    %dma_wait3A_276 = arith.constant 0 : i32
    %dma_wait3A_277 = tpu.memref_slice %arg2[%dma_wait3A_275, %dma_wait3A_276] : memref<20480x1024xf32, #tpu.memory_space<hbm>> -> memref<20480x1024xf32, #tpu.memory_space<hbm>>
    tpu.wait_indirect_dma semaphore(%arg11 : memref<!tpu.dma_semaphore, #tpu.memory_space<semaphore_mem>>) src(%dma_wait3A_277 : memref<20480x1024xf32, #tpu.memory_space<hbm>>) dst(%arg6 : memref<32x1024xf32, #tpu.memory_space<vmem>>)
    %dma_start3A_278 = arith.constant 10 : i32
    %dma_start3A_279 = arith.constant 0 : i32
    %dma_start3A_280 = tpu.memref_slice %arg9[%dma_start3A_278, %dma_start3A_279] : memref<16x32xi32, #tpu.memory_space<vmem>> -> memref<1x32xi32, #tpu.memory_space<vmem>>
    %dma_start3A_281 = tpu.memref_squeeze %dma_start3A_280 : memref<1x32xi32, #tpu.memory_space<vmem>> -> memref<32xi32, #tpu.memory_space<vmem>>
    %dma_start3A_282 = arith.constant 0 : i32
    %dma_start3A_283 = arith.constant 0 : i32
    %dma_start3A_284 = tpu.memref_slice %arg2[%dma_start3A_282, %dma_start3A_283] : memref<20480x1024xf32, #tpu.memory_space<hbm>> -> memref<20480x1024xf32, #tpu.memory_space<hbm>>
    tpu.enqueue_indirect_dma source(%dma_start3A_284 : memref<20480x1024xf32, #tpu.memory_space<hbm>>) target(%arg5 : memref<32x1024xf32, #tpu.memory_space<vmem>>) offsets(%dma_start3A_281 : memref<32xi32, #tpu.memory_space<vmem>>) semaphore(%arg10 : memref<!tpu.dma_semaphore, #tpu.memory_space<semaphore_mem>>)
    %dma_wait3A_285 = arith.constant 0 : i32
    %dma_wait3A_286 = tpu.memref_slice %arg4[%add3A_236, %dma_wait3A_285] : memref<8192x1024xf32, #tpu.memory_space<hbm>> -> memref<16x1024xf32, #tpu.memory_space<hbm>>
    %dma_wait3A_287 = arith.constant 0 : i32
    %dma_wait3A_288 = tpu.memref_slice %arg4[%add3A_236, %dma_wait3A_287] : memref<8192x1024xf32, #tpu.memory_space<hbm>> -> memref<16x1024xf32, #tpu.memory_space<hbm>>
    tpu.wait_dma2 semaphore(%arg13 : memref<!tpu.dma_semaphore, #tpu.memory_space<semaphore_mem>>) src(%arg8 : memref<16x1024xf32, #tpu.memory_space<vmem>>) dst(%dma_wait3A_288 : memref<16x1024xf32, #tpu.memory_space<hbm>>)
    %scan3A_289 = arith.constant 0 : i32
    %scan3A_290 = arith.constant 0 : i32
    %scan3A_291 = arith.constant 16 : i32
    %scan3A_292 = arith.addi %scan3A_290, %scan3A_291 : i32
    %scan3A_293 = arith.constant 1 : i32
    scf.for %scan3A_482 = %scan3A_290 to %scan3A_292 step %scan3A_293  : i32 {
      %scan3A_483 = arith.constant 0 : i32
      %scan3A_484 = arith.constant 0 : i32
      %scan3A_485 = arith.constant 64 : i32
      %scan3A_486 = arith.addi %scan3A_484, %scan3A_485 : i32
      %scan3A_487 = arith.constant 1 : i32
      scf.for %scan3A_489 = %scan3A_484 to %scan3A_486 step %scan3A_487  : i32 {
        %mul3A_490 = arith.constant 16 : i32
        %mul3A_491 = arith.muli %scan3A_489, %mul3A_490 : i32
        %get3A = arith.index_cast %scan3A_482 : i32 to index
        %get3A_492 = arith.index_cast %mul3A_491 : i32 to index
        %get3A_493 = tpu.vector_load %arg6[%get3A, %get3A_492] {strides = array<i32>} : memref<32x1024xf32, #tpu.memory_space<vmem>>, vector<1x16xf32>,
        %get3A_494 = vector.shape_cast %get3A_493 : vector<1x16xf32> to vector<16xf32>
        %add3A_495 = arith.constant 16 : i32
        %add3A_496 = arith.addi %scan3A_482, %add3A_495 : i32
        %get3A_497 = arith.index_cast %add3A_496 : i32 to index
        %get3A_498 = arith.index_cast %mul3A_491 : i32 to index
        %get3A_499 = tpu.vector_load %arg6[%get3A_497, %get3A_498] {strides = array<i32>} : memref<32x1024xf32, #tpu.memory_space<vmem>>, vector<1x16xf32>,
        %get3A_500 = vector.shape_cast %get3A_499 : vector<1x16xf32> to vector<16xf32>
        %add3A_501 = arith.addf %get3A_494, %get3A_500 : vector<16xf32>
        %swap3A = arith.index_cast %scan3A_482 : i32 to index
        %swap3A_502 = arith.index_cast %mul3A_491 : i32 to index
        %swap3A_503 = tpu.vector_load %arg8[%swap3A, %swap3A_502] {strides = array<i32>} : memref<16x1024xf32, #tpu.memory_space<vmem>>, vector<1x16xf32>,
        %swap3A_504 = vector.shape_cast %swap3A_503 : vector<1x16xf32> to vector<16xf32>
        %swap3A_505 = vector.shape_cast %add3A_501 : vector<16xf32> to vector<1x16xf32>
        tpu.vector_store %arg8[%swap3A, %swap3A_502], %swap3A_505 {strides = array<i32>} : memref<16x1024xf32, #tpu.memory_space<vmem>>, vector<1x16xf32>,
      }
      %scan3A_488 = arith.constant 64 : i32
    }
    %scan3A_294 = arith.constant 16 : i32
    %add3A_295 = arith.constant 144 : i32
    %add3A_296 = arith.addi %mul3A_2, %add3A_295 : i32
    %dma_start3A_297 = arith.constant 0 : i32
    %dma_start3A_298 = tpu.memref_slice %arg4[%add3A_296, %dma_start3A_297] : memref<8192x1024xf32, #tpu.memory_space<hbm>> -> memref<16x1024xf32, #tpu.memory_space<hbm>>
    %dma_start3A_299 = arith.constant 0 : i32
    %dma_start3A_300 = tpu.memref_slice %arg4[%add3A_296, %dma_start3A_299] : memref<8192x1024xf32, #tpu.memory_space<hbm>> -> memref<16x1024xf32, #tpu.memory_space<hbm>>
    tpu.enqueue_dma source(%arg8 : memref<16x1024xf32, #tpu.memory_space<vmem>>) target(%dma_start3A_300 : memref<16x1024xf32, #tpu.memory_space<hbm>>) target_semaphore(%arg13 : memref<!tpu.dma_semaphore, #tpu.memory_space<semaphore_mem>>)
    %dma_wait3A_301 = arith.constant 10 : i32
    %dma_wait3A_302 = arith.constant 0 : i32
    %dma_wait3A_303 = tpu.memref_slice %arg9[%dma_wait3A_301, %dma_wait3A_302] : memref<16x32xi32, #tpu.memory_space<vmem>> -> memref<1x32xi32, #tpu.memory_space<vmem>>
    %dma_wait3A_304 = tpu.memref_squeeze %dma_wait3A_303 : memref<1x32xi32, #tpu.memory_space<vmem>> -> memref<32xi32, #tpu.memory_space<vmem>>
    %dma_wait3A_305 = arith.constant 0 : i32
    %dma_wait3A_306 = arith.constant 0 : i32
    %dma_wait3A_307 = tpu.memref_slice %arg2[%dma_wait3A_305, %dma_wait3A_306] : memref<20480x1024xf32, #tpu.memory_space<hbm>> -> memref<20480x1024xf32, #tpu.memory_space<hbm>>
    tpu.wait_indirect_dma semaphore(%arg10 : memref<!tpu.dma_semaphore, #tpu.memory_space<semaphore_mem>>) src(%dma_wait3A_307 : memref<20480x1024xf32, #tpu.memory_space<hbm>>) dst(%arg5 : memref<32x1024xf32, #tpu.memory_space<vmem>>)
    %dma_start3A_308 = arith.constant 11 : i32
    %dma_start3A_309 = arith.constant 0 : i32
    %dma_start3A_310 = tpu.memref_slice %arg9[%dma_start3A_308, %dma_start3A_309] : memref<16x32xi32, #tpu.memory_space<vmem>> -> memref<1x32xi32, #tpu.memory_space<vmem>>
    %dma_start3A_311 = tpu.memref_squeeze %dma_start3A_310 : memref<1x32xi32, #tpu.memory_space<vmem>> -> memref<32xi32, #tpu.memory_space<vmem>>
    %dma_start3A_312 = arith.constant 0 : i32
    %dma_start3A_313 = arith.constant 0 : i32
    %dma_start3A_314 = tpu.memref_slice %arg2[%dma_start3A_312, %dma_start3A_313] : memref<20480x1024xf32, #tpu.memory_space<hbm>> -> memref<20480x1024xf32, #tpu.memory_space<hbm>>
    tpu.enqueue_indirect_dma source(%dma_start3A_314 : memref<20480x1024xf32, #tpu.memory_space<hbm>>) target(%arg6 : memref<32x1024xf32, #tpu.memory_space<vmem>>) offsets(%dma_start3A_311 : memref<32xi32, #tpu.memory_space<vmem>>) semaphore(%arg11 : memref<!tpu.dma_semaphore, #tpu.memory_space<semaphore_mem>>)
    %dma_wait3A_315 = arith.constant 0 : i32
    %dma_wait3A_316 = tpu.memref_slice %arg4[%add3A_266, %dma_wait3A_315] : memref<8192x1024xf32, #tpu.memory_space<hbm>> -> memref<16x1024xf32, #tpu.memory_space<hbm>>
    %dma_wait3A_317 = arith.constant 0 : i32
    %dma_wait3A_318 = tpu.memref_slice %arg4[%add3A_266, %dma_wait3A_317] : memref<8192x1024xf32, #tpu.memory_space<hbm>> -> memref<16x1024xf32, #tpu.memory_space<hbm>>
    tpu.wait_dma2 semaphore(%arg12 : memref<!tpu.dma_semaphore, #tpu.memory_space<semaphore_mem>>) src(%arg7 : memref<16x1024xf32, #tpu.memory_space<vmem>>) dst(%dma_wait3A_318 : memref<16x1024xf32, #tpu.memory_space<hbm>>)
    %scan3A_319 = arith.constant 0 : i32
    %scan3A_320 = arith.constant 0 : i32
    %scan3A_321 = arith.constant 16 : i32
    %scan3A_322 = arith.addi %scan3A_320, %scan3A_321 : i32
    %scan3A_323 = arith.constant 1 : i32
    scf.for %scan3A_482 = %scan3A_320 to %scan3A_322 step %scan3A_323  : i32 {
      %scan3A_483 = arith.constant 0 : i32
      %scan3A_484 = arith.constant 0 : i32
      %scan3A_485 = arith.constant 64 : i32
      %scan3A_486 = arith.addi %scan3A_484, %scan3A_485 : i32
      %scan3A_487 = arith.constant 1 : i32
      scf.for %scan3A_489 = %scan3A_484 to %scan3A_486 step %scan3A_487  : i32 {
        %mul3A_490 = arith.constant 16 : i32
        %mul3A_491 = arith.muli %scan3A_489, %mul3A_490 : i32
        %get3A = arith.index_cast %scan3A_482 : i32 to index
        %get3A_492 = arith.index_cast %mul3A_491 : i32 to index
        %get3A_493 = tpu.vector_load %arg5[%get3A, %get3A_492] {strides = array<i32>} : memref<32x1024xf32, #tpu.memory_space<vmem>>, vector<1x16xf32>,
        %get3A_494 = vector.shape_cast %get3A_493 : vector<1x16xf32> to vector<16xf32>
        %add3A_495 = arith.constant 16 : i32
        %add3A_496 = arith.addi %scan3A_482, %add3A_495 : i32
        %get3A_497 = arith.index_cast %add3A_496 : i32 to index
        %get3A_498 = arith.index_cast %mul3A_491 : i32 to index
        %get3A_499 = tpu.vector_load %arg5[%get3A_497, %get3A_498] {strides = array<i32>} : memref<32x1024xf32, #tpu.memory_space<vmem>>, vector<1x16xf32>,
        %get3A_500 = vector.shape_cast %get3A_499 : vector<1x16xf32> to vector<16xf32>
        %add3A_501 = arith.addf %get3A_494, %get3A_500 : vector<16xf32>
        %swap3A = arith.index_cast %scan3A_482 : i32 to index
        %swap3A_502 = arith.index_cast %mul3A_491 : i32 to index
        %swap3A_503 = tpu.vector_load %arg7[%swap3A, %swap3A_502] {strides = array<i32>} : memref<16x1024xf32, #tpu.memory_space<vmem>>, vector<1x16xf32>,
        %swap3A_504 = vector.shape_cast %swap3A_503 : vector<1x16xf32> to vector<16xf32>
        %swap3A_505 = vector.shape_cast %add3A_501 : vector<16xf32> to vector<1x16xf32>
        tpu.vector_store %arg7[%swap3A, %swap3A_502], %swap3A_505 {strides = array<i32>} : memref<16x1024xf32, #tpu.memory_space<vmem>>, vector<1x16xf32>,
      }
      %scan3A_488 = arith.constant 64 : i32
    }
    %scan3A_324 = arith.constant 16 : i32
    %add3A_325 = arith.constant 160 : i32
    %add3A_326 = arith.addi %mul3A_2, %add3A_325 : i32
    %dma_start3A_327 = arith.constant 0 : i32
    %dma_start3A_328 = tpu.memref_slice %arg4[%add3A_326, %dma_start3A_327] : memref<8192x1024xf32, #tpu.memory_space<hbm>> -> memref<16x1024xf32, #tpu.memory_space<hbm>>
    %dma_start3A_329 = arith.constant 0 : i32
    %dma_start3A_330 = tpu.memref_slice %arg4[%add3A_326, %dma_start3A_329] : memref<8192x1024xf32, #tpu.memory_space<hbm>> -> memref<16x1024xf32, #tpu.memory_space<hbm>>
    tpu.enqueue_dma source(%arg7 : memref<16x1024xf32, #tpu.memory_space<vmem>>) target(%dma_start3A_330 : memref<16x1024xf32, #tpu.memory_space<hbm>>) target_semaphore(%arg12 : memref<!tpu.dma_semaphore, #tpu.memory_space<semaphore_mem>>)
    %dma_wait3A_331 = arith.constant 11 : i32
    %dma_wait3A_332 = arith.constant 0 : i32
    %dma_wait3A_333 = tpu.memref_slice %arg9[%dma_wait3A_331, %dma_wait3A_332] : memref<16x32xi32, #tpu.memory_space<vmem>> -> memref<1x32xi32, #tpu.memory_space<vmem>>
    %dma_wait3A_334 = tpu.memref_squeeze %dma_wait3A_333 : memref<1x32xi32, #tpu.memory_space<vmem>> -> memref<32xi32, #tpu.memory_space<vmem>>
    %dma_wait3A_335 = arith.constant 0 : i32
    %dma_wait3A_336 = arith.constant 0 : i32
    %dma_wait3A_337 = tpu.memref_slice %arg2[%dma_wait3A_335, %dma_wait3A_336] : memref<20480x1024xf32, #tpu.memory_space<hbm>> -> memref<20480x1024xf32, #tpu.memory_space<hbm>>
    tpu.wait_indirect_dma semaphore(%arg11 : memref<!tpu.dma_semaphore, #tpu.memory_space<semaphore_mem>>) src(%dma_wait3A_337 : memref<20480x1024xf32, #tpu.memory_space<hbm>>) dst(%arg6 : memref<32x1024xf32, #tpu.memory_space<vmem>>)
    %dma_start3A_338 = arith.constant 12 : i32
    %dma_start3A_339 = arith.constant 0 : i32
    %dma_start3A_340 = tpu.memref_slice %arg9[%dma_start3A_338, %dma_start3A_339] : memref<16x32xi32, #tpu.memory_space<vmem>> -> memref<1x32xi32, #tpu.memory_space<vmem>>
    %dma_start3A_341 = tpu.memref_squeeze %dma_start3A_340 : memref<1x32xi32, #tpu.memory_space<vmem>> -> memref<32xi32, #tpu.memory_space<vmem>>
    %dma_start3A_342 = arith.constant 0 : i32
    %dma_start3A_343 = arith.constant 0 : i32
    %dma_start3A_344 = tpu.memref_slice %arg2[%dma_start3A_342, %dma_start3A_343] : memref<20480x1024xf32, #tpu.memory_space<hbm>> -> memref<20480x1024xf32, #tpu.memory_space<hbm>>
    tpu.enqueue_indirect_dma source(%dma_start3A_344 : memref<20480x1024xf32, #tpu.memory_space<hbm>>) target(%arg5 : memref<32x1024xf32, #tpu.memory_space<vmem>>) offsets(%dma_start3A_341 : memref<32xi32, #tpu.memory_space<vmem>>) semaphore(%arg10 : memref<!tpu.dma_semaphore, #tpu.memory_space<semaphore_mem>>)
    %dma_wait3A_345 = arith.constant 0 : i32
    %dma_wait3A_346 = tpu.memref_slice %arg4[%add3A_296, %dma_wait3A_345] : memref<8192x1024xf32, #tpu.memory_space<hbm>> -> memref<16x1024xf32, #tpu.memory_space<hbm>>
    %dma_wait3A_347 = arith.constant 0 : i32
    %dma_wait3A_348 = tpu.memref_slice %arg4[%add3A_296, %dma_wait3A_347] : memref<8192x1024xf32, #tpu.memory_space<hbm>> -> memref<16x1024xf32, #tpu.memory_space<hbm>>
    tpu.wait_dma2 semaphore(%arg13 : memref<!tpu.dma_semaphore, #tpu.memory_space<semaphore_mem>>) src(%arg8 : memref<16x1024xf32, #tpu.memory_space<vmem>>) dst(%dma_wait3A_348 : memref<16x1024xf32, #tpu.memory_space<hbm>>)
    %scan3A_349 = arith.constant 0 : i32
    %scan3A_350 = arith.constant 0 : i32
    %scan3A_351 = arith.constant 16 : i32
    %scan3A_352 = arith.addi %scan3A_350, %scan3A_351 : i32
    %scan3A_353 = arith.constant 1 : i32
    scf.for %scan3A_482 = %scan3A_350 to %scan3A_352 step %scan3A_353  : i32 {
      %scan3A_483 = arith.constant 0 : i32
      %scan3A_484 = arith.constant 0 : i32
      %scan3A_485 = arith.constant 64 : i32
      %scan3A_486 = arith.addi %scan3A_484, %scan3A_485 : i32
      %scan3A_487 = arith.constant 1 : i32
      scf.for %scan3A_489 = %scan3A_484 to %scan3A_486 step %scan3A_487  : i32 {
        %mul3A_490 = arith.constant 16 : i32
        %mul3A_491 = arith.muli %scan3A_489, %mul3A_490 : i32
        %get3A = arith.index_cast %scan3A_482 : i32 to index
        %get3A_492 = arith.index_cast %mul3A_491 : i32 to index
        %get3A_493 = tpu.vector_load %arg6[%get3A, %get3A_492] {strides = array<i32>} : memref<32x1024xf32, #tpu.memory_space<vmem>>, vector<1x16xf32>,
        %get3A_494 = vector.shape_cast %get3A_493 : vector<1x16xf32> to vector<16xf32>
        %add3A_495 = arith.constant 16 : i32
        %add3A_496 = arith.addi %scan3A_482, %add3A_495 : i32
        %get3A_497 = arith.index_cast %add3A_496 : i32 to index
        %get3A_498 = arith.index_cast %mul3A_491 : i32 to index
        %get3A_499 = tpu.vector_load %arg6[%get3A_497, %get3A_498] {strides = array<i32>} : memref<32x1024xf32, #tpu.memory_space<vmem>>, vector<1x16xf32>,
        %get3A_500 = vector.shape_cast %get3A_499 : vector<1x16xf32> to vector<16xf32>
        %add3A_501 = arith.addf %get3A_494, %get3A_500 : vector<16xf32>
        %swap3A = arith.index_cast %scan3A_482 : i32 to index
        %swap3A_502 = arith.index_cast %mul3A_491 : i32 to index
        %swap3A_503 = tpu.vector_load %arg8[%swap3A, %swap3A_502] {strides = array<i32>} : memref<16x1024xf32, #tpu.memory_space<vmem>>, vector<1x16xf32>,
        %swap3A_504 = vector.shape_cast %swap3A_503 : vector<1x16xf32> to vector<16xf32>
        %swap3A_505 = vector.shape_cast %add3A_501 : vector<16xf32> to vector<1x16xf32>
        tpu.vector_store %arg8[%swap3A, %swap3A_502], %swap3A_505 {strides = array<i32>} : memref<16x1024xf32, #tpu.memory_space<vmem>>, vector<1x16xf32>,
      }
      %scan3A_488 = arith.constant 64 : i32
    }
    %scan3A_354 = arith.constant 16 : i32
    %add3A_355 = arith.constant 176 : i32
    %add3A_356 = arith.addi %mul3A_2, %add3A_355 : i32
    %dma_start3A_357 = arith.constant 0 : i32
    %dma_start3A_358 = tpu.memref_slice %arg4[%add3A_356, %dma_start3A_357] : memref<8192x1024xf32, #tpu.memory_space<hbm>> -> memref<16x1024xf32, #tpu.memory_space<hbm>>
    %dma_start3A_359 = arith.constant 0 : i32
    %dma_start3A_360 = tpu.memref_slice %arg4[%add3A_356, %dma_start3A_359] : memref<8192x1024xf32, #tpu.memory_space<hbm>> -> memref<16x1024xf32, #tpu.memory_space<hbm>>
    tpu.enqueue_dma source(%arg8 : memref<16x1024xf32, #tpu.memory_space<vmem>>) target(%dma_start3A_360 : memref<16x1024xf32, #tpu.memory_space<hbm>>) target_semaphore(%arg13 : memref<!tpu.dma_semaphore, #tpu.memory_space<semaphore_mem>>)
    %dma_wait3A_361 = arith.constant 12 : i32
    %dma_wait3A_362 = arith.constant 0 : i32
    %dma_wait3A_363 = tpu.memref_slice %arg9[%dma_wait3A_361, %dma_wait3A_362] : memref<16x32xi32, #tpu.memory_space<vmem>> -> memref<1x32xi32, #tpu.memory_space<vmem>>
    %dma_wait3A_364 = tpu.memref_squeeze %dma_wait3A_363 : memref<1x32xi32, #tpu.memory_space<vmem>> -> memref<32xi32, #tpu.memory_space<vmem>>
    %dma_wait3A_365 = arith.constant 0 : i32
    %dma_wait3A_366 = arith.constant 0 : i32
    %dma_wait3A_367 = tpu.memref_slice %arg2[%dma_wait3A_365, %dma_wait3A_366] : memref<20480x1024xf32, #tpu.memory_space<hbm>> -> memref<20480x1024xf32, #tpu.memory_space<hbm>>
    tpu.wait_indirect_dma semaphore(%arg10 : memref<!tpu.dma_semaphore, #tpu.memory_space<semaphore_mem>>) src(%dma_wait3A_367 : memref<20480x1024xf32, #tpu.memory_space<hbm>>) dst(%arg5 : memref<32x1024xf32, #tpu.memory_space<vmem>>)
    %dma_start3A_368 = arith.constant 13 : i32
    %dma_start3A_369 = arith.constant 0 : i32
    %dma_start3A_370 = tpu.memref_slice %arg9[%dma_start3A_368, %dma_start3A_369] : memref<16x32xi32, #tpu.memory_space<vmem>> -> memref<1x32xi32, #tpu.memory_space<vmem>>
    %dma_start3A_371 = tpu.memref_squeeze %dma_start3A_370 : memref<1x32xi32, #tpu.memory_space<vmem>> -> memref<32xi32, #tpu.memory_space<vmem>>
    %dma_start3A_372 = arith.constant 0 : i32
    %dma_start3A_373 = arith.constant 0 : i32
    %dma_start3A_374 = tpu.memref_slice %arg2[%dma_start3A_372, %dma_start3A_373] : memref<20480x1024xf32, #tpu.memory_space<hbm>> -> memref<20480x1024xf32, #tpu.memory_space<hbm>>
    tpu.enqueue_indirect_dma source(%dma_start3A_374 : memref<20480x1024xf32, #tpu.memory_space<hbm>>) target(%arg6 : memref<32x1024xf32, #tpu.memory_space<vmem>>) offsets(%dma_start3A_371 : memref<32xi32, #tpu.memory_space<vmem>>) semaphore(%arg11 : memref<!tpu.dma_semaphore, #tpu.memory_space<semaphore_mem>>)
    %dma_wait3A_375 = arith.constant 0 : i32
    %dma_wait3A_376 = tpu.memref_slice %arg4[%add3A_326, %dma_wait3A_375] : memref<8192x1024xf32, #tpu.memory_space<hbm>> -> memref<16x1024xf32, #tpu.memory_space<hbm>>
    %dma_wait3A_377 = arith.constant 0 : i32
    %dma_wait3A_378 = tpu.memref_slice %arg4[%add3A_326, %dma_wait3A_377] : memref<8192x1024xf32, #tpu.memory_space<hbm>> -> memref<16x1024xf32, #tpu.memory_space<hbm>>
    tpu.wait_dma2 semaphore(%arg12 : memref<!tpu.dma_semaphore, #tpu.memory_space<semaphore_mem>>) src(%arg7 : memref<16x1024xf32, #tpu.memory_space<vmem>>) dst(%dma_wait3A_378 : memref<16x1024xf32, #tpu.memory_space<hbm>>)
    %scan3A_379 = arith.constant 0 : i32
    %scan3A_380 = arith.constant 0 : i32
    %scan3A_381 = arith.constant 16 : i32
    %scan3A_382 = arith.addi %scan3A_380, %scan3A_381 : i32
    %scan3A_383 = arith.constant 1 : i32
    scf.for %scan3A_482 = %scan3A_380 to %scan3A_382 step %scan3A_383  : i32 {
      %scan3A_483 = arith.constant 0 : i32
      %scan3A_484 = arith.constant 0 : i32
      %scan3A_485 = arith.constant 64 : i32
      %scan3A_486 = arith.addi %scan3A_484, %scan3A_485 : i32
      %scan3A_487 = arith.constant 1 : i32
      scf.for %scan3A_489 = %scan3A_484 to %scan3A_486 step %scan3A_487  : i32 {
        %mul3A_490 = arith.constant 16 : i32
        %mul3A_491 = arith.muli %scan3A_489, %mul3A_490 : i32
        %get3A = arith.index_cast %scan3A_482 : i32 to index
        %get3A_492 = arith.index_cast %mul3A_491 : i32 to index
        %get3A_493 = tpu.vector_load %arg5[%get3A, %get3A_492] {strides = array<i32>} : memref<32x1024xf32, #tpu.memory_space<vmem>>, vector<1x16xf32>,
        %get3A_494 = vector.shape_cast %get3A_493 : vector<1x16xf32> to vector<16xf32>
        %add3A_495 = arith.constant 16 : i32
        %add3A_496 = arith.addi %scan3A_482, %add3A_495 : i32
        %get3A_497 = arith.index_cast %add3A_496 : i32 to index
        %get3A_498 = arith.index_cast %mul3A_491 : i32 to index
        %get3A_499 = tpu.vector_load %arg5[%get3A_497, %get3A_498] {strides = array<i32>} : memref<32x1024xf32, #tpu.memory_space<vmem>>, vector<1x16xf32>,
        %get3A_500 = vector.shape_cast %get3A_499 : vector<1x16xf32> to vector<16xf32>
        %add3A_501 = arith.addf %get3A_494, %get3A_500 : vector<16xf32>
        %swap3A = arith.index_cast %scan3A_482 : i32 to index
        %swap3A_502 = arith.index_cast %mul3A_491 : i32 to index
        %swap3A_503 = tpu.vector_load %arg7[%swap3A, %swap3A_502] {strides = array<i32>} : memref<16x1024xf32, #tpu.memory_space<vmem>>, vector<1x16xf32>,
        %swap3A_504 = vector.shape_cast %swap3A_503 : vector<1x16xf32> to vector<16xf32>
        %swap3A_505 = vector.shape_cast %add3A_501 : vector<16xf32> to vector<1x16xf32>
        tpu.vector_store %arg7[%swap3A, %swap3A_502], %swap3A_505 {strides = array<i32>} : memref<16x1024xf32, #tpu.memory_space<vmem>>, vector<1x16xf32>,
      }
      %scan3A_488 = arith.constant 64 : i32
    }
    %scan3A_384 = arith.constant 16 : i32
    %add3A_385 = arith.constant 192 : i32
    %add3A_386 = arith.addi %mul3A_2, %add3A_385 : i32
    %dma_start3A_387 = arith.constant 0 : i32
    %dma_start3A_388 = tpu.memref_slice %arg4[%add3A_386, %dma_start3A_387] : memref<8192x1024xf32, #tpu.memory_space<hbm>> -> memref<16x1024xf32, #tpu.memory_space<hbm>>
    %dma_start3A_389 = arith.constant 0 : i32
    %dma_start3A_390 = tpu.memref_slice %arg4[%add3A_386, %dma_start3A_389] : memref<8192x1024xf32, #tpu.memory_space<hbm>> -> memref<16x1024xf32, #tpu.memory_space<hbm>>
    tpu.enqueue_dma source(%arg7 : memref<16x1024xf32, #tpu.memory_space<vmem>>) target(%dma_start3A_390 : memref<16x1024xf32, #tpu.memory_space<hbm>>) target_semaphore(%arg12 : memref<!tpu.dma_semaphore, #tpu.memory_space<semaphore_mem>>)
    %dma_wait3A_391 = arith.constant 13 : i32
    %dma_wait3A_392 = arith.constant 0 : i32
    %dma_wait3A_393 = tpu.memref_slice %arg9[%dma_wait3A_391, %dma_wait3A_392] : memref<16x32xi32, #tpu.memory_space<vmem>> -> memref<1x32xi32, #tpu.memory_space<vmem>>
    %dma_wait3A_394 = tpu.memref_squeeze %dma_wait3A_393 : memref<1x32xi32, #tpu.memory_space<vmem>> -> memref<32xi32, #tpu.memory_space<vmem>>
    %dma_wait3A_395 = arith.constant 0 : i32
    %dma_wait3A_396 = arith.constant 0 : i32
    %dma_wait3A_397 = tpu.memref_slice %arg2[%dma_wait3A_395, %dma_wait3A_396] : memref<20480x1024xf32, #tpu.memory_space<hbm>> -> memref<20480x1024xf32, #tpu.memory_space<hbm>>
    tpu.wait_indirect_dma semaphore(%arg11 : memref<!tpu.dma_semaphore, #tpu.memory_space<semaphore_mem>>) src(%dma_wait3A_397 : memref<20480x1024xf32, #tpu.memory_space<hbm>>) dst(%arg6 : memref<32x1024xf32, #tpu.memory_space<vmem>>)
    %dma_start3A_398 = arith.constant 14 : i32
    %dma_start3A_399 = arith.constant 0 : i32
    %dma_start3A_400 = tpu.memref_slice %arg9[%dma_start3A_398, %dma_start3A_399] : memref<16x32xi32, #tpu.memory_space<vmem>> -> memref<1x32xi32, #tpu.memory_space<vmem>>
    %dma_start3A_401 = tpu.memref_squeeze %dma_start3A_400 : memref<1x32xi32, #tpu.memory_space<vmem>> -> memref<32xi32, #tpu.memory_space<vmem>>
    %dma_start3A_402 = arith.constant 0 : i32
    %dma_start3A_403 = arith.constant 0 : i32
    %dma_start3A_404 = tpu.memref_slice %arg2[%dma_start3A_402, %dma_start3A_403] : memref<20480x1024xf32, #tpu.memory_space<hbm>> -> memref<20480x1024xf32, #tpu.memory_space<hbm>>
    tpu.enqueue_indirect_dma source(%dma_start3A_404 : memref<20480x1024xf32, #tpu.memory_space<hbm>>) target(%arg5 : memref<32x1024xf32, #tpu.memory_space<vmem>>) offsets(%dma_start3A_401 : memref<32xi32, #tpu.memory_space<vmem>>) semaphore(%arg10 : memref<!tpu.dma_semaphore, #tpu.memory_space<semaphore_mem>>)
    %dma_wait3A_405 = arith.constant 0 : i32
    %dma_wait3A_406 = tpu.memref_slice %arg4[%add3A_356, %dma_wait3A_405] : memref<8192x1024xf32, #tpu.memory_space<hbm>> -> memref<16x1024xf32, #tpu.memory_space<hbm>>
    %dma_wait3A_407 = arith.constant 0 : i32
    %dma_wait3A_408 = tpu.memref_slice %arg4[%add3A_356, %dma_wait3A_407] : memref<8192x1024xf32, #tpu.memory_space<hbm>> -> memref<16x1024xf32, #tpu.memory_space<hbm>>
    tpu.wait_dma2 semaphore(%arg13 : memref<!tpu.dma_semaphore, #tpu.memory_space<semaphore_mem>>) src(%arg8 : memref<16x1024xf32, #tpu.memory_space<vmem>>) dst(%dma_wait3A_408 : memref<16x1024xf32, #tpu.memory_space<hbm>>)
    %scan3A_409 = arith.constant 0 : i32
    %scan3A_410 = arith.constant 0 : i32
    %scan3A_411 = arith.constant 16 : i32
    %scan3A_412 = arith.addi %scan3A_410, %scan3A_411 : i32
    %scan3A_413 = arith.constant 1 : i32
    scf.for %scan3A_482 = %scan3A_410 to %scan3A_412 step %scan3A_413  : i32 {
      %scan3A_483 = arith.constant 0 : i32
      %scan3A_484 = arith.constant 0 : i32
      %scan3A_485 = arith.constant 64 : i32
      %scan3A_486 = arith.addi %scan3A_484, %scan3A_485 : i32
      %scan3A_487 = arith.constant 1 : i32
      scf.for %scan3A_489 = %scan3A_484 to %scan3A_486 step %scan3A_487  : i32 {
        %mul3A_490 = arith.constant 16 : i32
        %mul3A_491 = arith.muli %scan3A_489, %mul3A_490 : i32
        %get3A = arith.index_cast %scan3A_482 : i32 to index
        %get3A_492 = arith.index_cast %mul3A_491 : i32 to index
        %get3A_493 = tpu.vector_load %arg6[%get3A, %get3A_492] {strides = array<i32>} : memref<32x1024xf32, #tpu.memory_space<vmem>>, vector<1x16xf32>,
        %get3A_494 = vector.shape_cast %get3A_493 : vector<1x16xf32> to vector<16xf32>
        %add3A_495 = arith.constant 16 : i32
        %add3A_496 = arith.addi %scan3A_482, %add3A_495 : i32
        %get3A_497 = arith.index_cast %add3A_496 : i32 to index
        %get3A_498 = arith.index_cast %mul3A_491 : i32 to index
        %get3A_499 = tpu.vector_load %arg6[%get3A_497, %get3A_498] {strides = array<i32>} : memref<32x1024xf32, #tpu.memory_space<vmem>>, vector<1x16xf32>,
        %get3A_500 = vector.shape_cast %get3A_499 : vector<1x16xf32> to vector<16xf32>
        %add3A_501 = arith.addf %get3A_494, %get3A_500 : vector<16xf32>
        %swap3A = arith.index_cast %scan3A_482 : i32 to index
        %swap3A_502 = arith.index_cast %mul3A_491 : i32 to index
        %swap3A_503 = tpu.vector_load %arg8[%swap3A, %swap3A_502] {strides = array<i32>} : memref<16x1024xf32, #tpu.memory_space<vmem>>, vector<1x16xf32>,
        %swap3A_504 = vector.shape_cast %swap3A_503 : vector<1x16xf32> to vector<16xf32>
        %swap3A_505 = vector.shape_cast %add3A_501 : vector<16xf32> to vector<1x16xf32>
        tpu.vector_store %arg8[%swap3A, %swap3A_502], %swap3A_505 {strides = array<i32>} : memref<16x1024xf32, #tpu.memory_space<vmem>>, vector<1x16xf32>,
      }
      %scan3A_488 = arith.constant 64 : i32
    }
    %scan3A_414 = arith.constant 16 : i32
    %add3A_415 = arith.constant 208 : i32
    %add3A_416 = arith.addi %mul3A_2, %add3A_415 : i32
    %dma_start3A_417 = arith.constant 0 : i32
    %dma_start3A_418 = tpu.memref_slice %arg4[%add3A_416, %dma_start3A_417] : memref<8192x1024xf32, #tpu.memory_space<hbm>> -> memref<16x1024xf32, #tpu.memory_space<hbm>>
    %dma_start3A_419 = arith.constant 0 : i32
    %dma_start3A_420 = tpu.memref_slice %arg4[%add3A_416, %dma_start3A_419] : memref<8192x1024xf32, #tpu.memory_space<hbm>> -> memref<16x1024xf32, #tpu.memory_space<hbm>>
    tpu.enqueue_dma source(%arg8 : memref<16x1024xf32, #tpu.memory_space<vmem>>) target(%dma_start3A_420 : memref<16x1024xf32, #tpu.memory_space<hbm>>) target_semaphore(%arg13 : memref<!tpu.dma_semaphore, #tpu.memory_space<semaphore_mem>>)
    %dma_wait3A_421 = arith.constant 14 : i32
    %dma_wait3A_422 = arith.constant 0 : i32
    %dma_wait3A_423 = tpu.memref_slice %arg9[%dma_wait3A_421, %dma_wait3A_422] : memref<16x32xi32, #tpu.memory_space<vmem>> -> memref<1x32xi32, #tpu.memory_space<vmem>>
    %dma_wait3A_424 = tpu.memref_squeeze %dma_wait3A_423 : memref<1x32xi32, #tpu.memory_space<vmem>> -> memref<32xi32, #tpu.memory_space<vmem>>
    %dma_wait3A_425 = arith.constant 0 : i32
    %dma_wait3A_426 = arith.constant 0 : i32
    %dma_wait3A_427 = tpu.memref_slice %arg2[%dma_wait3A_425, %dma_wait3A_426] : memref<20480x1024xf32, #tpu.memory_space<hbm>> -> memref<20480x1024xf32, #tpu.memory_space<hbm>>
    tpu.wait_indirect_dma semaphore(%arg10 : memref<!tpu.dma_semaphore, #tpu.memory_space<semaphore_mem>>) src(%dma_wait3A_427 : memref<20480x1024xf32, #tpu.memory_space<hbm>>) dst(%arg5 : memref<32x1024xf32, #tpu.memory_space<vmem>>)
    %dma_start3A_428 = arith.constant 15 : i32
    %dma_start3A_429 = arith.constant 0 : i32
    %dma_start3A_430 = tpu.memref_slice %arg9[%dma_start3A_428, %dma_start3A_429] : memref<16x32xi32, #tpu.memory_space<vmem>> -> memref<1x32xi32, #tpu.memory_space<vmem>>
    %dma_start3A_431 = tpu.memref_squeeze %dma_start3A_430 : memref<1x32xi32, #tpu.memory_space<vmem>> -> memref<32xi32, #tpu.memory_space<vmem>>
    %dma_start3A_432 = arith.constant 0 : i32
    %dma_start3A_433 = arith.constant 0 : i32
    %dma_start3A_434 = tpu.memref_slice %arg2[%dma_start3A_432, %dma_start3A_433] : memref<20480x1024xf32, #tpu.memory_space<hbm>> -> memref<20480x1024xf32, #tpu.memory_space<hbm>>
    tpu.enqueue_indirect_dma source(%dma_start3A_434 : memref<20480x1024xf32, #tpu.memory_space<hbm>>) target(%arg6 : memref<32x1024xf32, #tpu.memory_space<vmem>>) offsets(%dma_start3A_431 : memref<32xi32, #tpu.memory_space<vmem>>) semaphore(%arg11 : memref<!tpu.dma_semaphore, #tpu.memory_space<semaphore_mem>>)
    %dma_wait3A_435 = arith.constant 0 : i32
    %dma_wait3A_436 = tpu.memref_slice %arg4[%add3A_386, %dma_wait3A_435] : memref<8192x1024xf32, #tpu.memory_space<hbm>> -> memref<16x1024xf32, #tpu.memory_space<hbm>>
    %dma_wait3A_437 = arith.constant 0 : i32
    %dma_wait3A_438 = tpu.memref_slice %arg4[%add3A_386, %dma_wait3A_437] : memref<8192x1024xf32, #tpu.memory_space<hbm>> -> memref<16x1024xf32, #tpu.memory_space<hbm>>
    tpu.wait_dma2 semaphore(%arg12 : memref<!tpu.dma_semaphore, #tpu.memory_space<semaphore_mem>>) src(%arg7 : memref<16x1024xf32, #tpu.memory_space<vmem>>) dst(%dma_wait3A_438 : memref<16x1024xf32, #tpu.memory_space<hbm>>)
    %scan3A_439 = arith.constant 0 : i32
    %scan3A_440 = arith.constant 0 : i32
    %scan3A_441 = arith.constant 16 : i32
    %scan3A_442 = arith.addi %scan3A_440, %scan3A_441 : i32
    %scan3A_443 = arith.constant 1 : i32
    scf.for %scan3A_482 = %scan3A_440 to %scan3A_442 step %scan3A_443  : i32 {
      %scan3A_483 = arith.constant 0 : i32
      %scan3A_484 = arith.constant 0 : i32
      %scan3A_485 = arith.constant 64 : i32
      %scan3A_486 = arith.addi %scan3A_484, %scan3A_485 : i32
      %scan3A_487 = arith.constant 1 : i32
      scf.for %scan3A_489 = %scan3A_484 to %scan3A_486 step %scan3A_487  : i32 {
        %mul3A_490 = arith.constant 16 : i32
        %mul3A_491 = arith.muli %scan3A_489, %mul3A_490 : i32
        %get3A = arith.index_cast %scan3A_482 : i32 to index
        %get3A_492 = arith.index_cast %mul3A_491 : i32 to index
        %get3A_493 = tpu.vector_load %arg5[%get3A, %get3A_492] {strides = array<i32>} : memref<32x1024xf32, #tpu.memory_space<vmem>>, vector<1x16xf32>,
        %get3A_494 = vector.shape_cast %get3A_493 : vector<1x16xf32> to vector<16xf32>
        %add3A_495 = arith.constant 16 : i32
        %add3A_496 = arith.addi %scan3A_482, %add3A_495 : i32
        %get3A_497 = arith.index_cast %add3A_496 : i32 to index
        %get3A_498 = arith.index_cast %mul3A_491 : i32 to index
        %get3A_499 = tpu.vector_load %arg5[%get3A_497, %get3A_498] {strides = array<i32>} : memref<32x1024xf32, #tpu.memory_space<vmem>>, vector<1x16xf32>,
        %get3A_500 = vector.shape_cast %get3A_499 : vector<1x16xf32> to vector<16xf32>
        %add3A_501 = arith.addf %get3A_494, %get3A_500 : vector<16xf32>
        %swap3A = arith.index_cast %scan3A_482 : i32 to index
        %swap3A_502 = arith.index_cast %mul3A_491 : i32 to index
        %swap3A_503 = tpu.vector_load %arg7[%swap3A, %swap3A_502] {strides = array<i32>} : memref<16x1024xf32, #tpu.memory_space<vmem>>, vector<1x16xf32>,
        %swap3A_504 = vector.shape_cast %swap3A_503 : vector<1x16xf32> to vector<16xf32>
        %swap3A_505 = vector.shape_cast %add3A_501 : vector<16xf32> to vector<1x16xf32>
        tpu.vector_store %arg7[%swap3A, %swap3A_502], %swap3A_505 {strides = array<i32>} : memref<16x1024xf32, #tpu.memory_space<vmem>>, vector<1x16xf32>,
      }
      %scan3A_488 = arith.constant 64 : i32
    }
    %scan3A_444 = arith.constant 16 : i32
    %add3A_445 = arith.constant 224 : i32
    %add3A_446 = arith.addi %mul3A_2, %add3A_445 : i32
    %dma_start3A_447 = arith.constant 0 : i32
    %dma_start3A_448 = tpu.memref_slice %arg4[%add3A_446, %dma_start3A_447] : memref<8192x1024xf32, #tpu.memory_space<hbm>> -> memref<16x1024xf32, #tpu.memory_space<hbm>>
    %dma_start3A_449 = arith.constant 0 : i32
    %dma_start3A_450 = tpu.memref_slice %arg4[%add3A_446, %dma_start3A_449] : memref<8192x1024xf32, #tpu.memory_space<hbm>> -> memref<16x1024xf32, #tpu.memory_space<hbm>>
    tpu.enqueue_dma source(%arg7 : memref<16x1024xf32, #tpu.memory_space<vmem>>) target(%dma_start3A_450 : memref<16x1024xf32, #tpu.memory_space<hbm>>) target_semaphore(%arg12 : memref<!tpu.dma_semaphore, #tpu.memory_space<semaphore_mem>>)
    %dma_wait3A_451 = arith.constant 15 : i32
    %dma_wait3A_452 = arith.constant 0 : i32
    %dma_wait3A_453 = tpu.memref_slice %arg9[%dma_wait3A_451, %dma_wait3A_452] : memref<16x32xi32, #tpu.memory_space<vmem>> -> memref<1x32xi32, #tpu.memory_space<vmem>>
    %dma_wait3A_454 = tpu.memref_squeeze %dma_wait3A_453 : memref<1x32xi32, #tpu.memory_space<vmem>> -> memref<32xi32, #tpu.memory_space<vmem>>
    %dma_wait3A_455 = arith.constant 0 : i32
    %dma_wait3A_456 = arith.constant 0 : i32
    %dma_wait3A_457 = tpu.memref_slice %arg2[%dma_wait3A_455, %dma_wait3A_456] : memref<20480x1024xf32, #tpu.memory_space<hbm>> -> memref<20480x1024xf32, #tpu.memory_space<hbm>>
    tpu.wait_indirect_dma semaphore(%arg11 : memref<!tpu.dma_semaphore, #tpu.memory_space<semaphore_mem>>) src(%dma_wait3A_457 : memref<20480x1024xf32, #tpu.memory_space<hbm>>) dst(%arg6 : memref<32x1024xf32, #tpu.memory_space<vmem>>)
    %dma_wait3A_458 = arith.constant 0 : i32
    %dma_wait3A_459 = tpu.memref_slice %arg4[%add3A_416, %dma_wait3A_458] : memref<8192x1024xf32, #tpu.memory_space<hbm>> -> memref<16x1024xf32, #tpu.memory_space<hbm>>
    %dma_wait3A_460 = arith.constant 0 : i32
    %dma_wait3A_461 = tpu.memref_slice %arg4[%add3A_416, %dma_wait3A_460] : memref<8192x1024xf32, #tpu.memory_space<hbm>> -> memref<16x1024xf32, #tpu.memory_space<hbm>>
    tpu.wait_dma2 semaphore(%arg13 : memref<!tpu.dma_semaphore, #tpu.memory_space<semaphore_mem>>) src(%arg8 : memref<16x1024xf32, #tpu.memory_space<vmem>>) dst(%dma_wait3A_461 : memref<16x1024xf32, #tpu.memory_space<hbm>>)
    %scan3A_462 = arith.constant 0 : i32
    %scan3A_463 = arith.constant 0 : i32
    %scan3A_464 = arith.constant 16 : i32
    %scan3A_465 = arith.addi %scan3A_463, %scan3A_464 : i32
    %scan3A_466 = arith.constant 1 : i32
    scf.for %scan3A_482 = %scan3A_463 to %scan3A_465 step %scan3A_466  : i32 {
      %scan3A_483 = arith.constant 0 : i32
      %scan3A_484 = arith.constant 0 : i32
      %scan3A_485 = arith.constant 64 : i32
      %scan3A_486 = arith.addi %scan3A_484, %scan3A_485 : i32
      %scan3A_487 = arith.constant 1 : i32
      scf.for %scan3A_489 = %scan3A_484 to %scan3A_486 step %scan3A_487  : i32 {
        %mul3A_490 = arith.constant 16 : i32
        %mul3A_491 = arith.muli %scan3A_489, %mul3A_490 : i32
        %get3A = arith.index_cast %scan3A_482 : i32 to index
        %get3A_492 = arith.index_cast %mul3A_491 : i32 to index
        %get3A_493 = tpu.vector_load %arg6[%get3A, %get3A_492] {strides = array<i32>} : memref<32x1024xf32, #tpu.memory_space<vmem>>, vector<1x16xf32>,
        %get3A_494 = vector.shape_cast %get3A_493 : vector<1x16xf32> to vector<16xf32>
        %add3A_495 = arith.constant 16 : i32
        %add3A_496 = arith.addi %scan3A_482, %add3A_495 : i32
        %get3A_497 = arith.index_cast %add3A_496 : i32 to index
        %get3A_498 = arith.index_cast %mul3A_491 : i32 to index
        %get3A_499 = tpu.vector_load %arg6[%get3A_497, %get3A_498] {strides = array<i32>} : memref<32x1024xf32, #tpu.memory_space<vmem>>, vector<1x16xf32>,
        %get3A_500 = vector.shape_cast %get3A_499 : vector<1x16xf32> to vector<16xf32>
        %add3A_501 = arith.addf %get3A_494, %get3A_500 : vector<16xf32>
        %swap3A = arith.index_cast %scan3A_482 : i32 to index
        %swap3A_502 = arith.index_cast %mul3A_491 : i32 to index
        %swap3A_503 = tpu.vector_load %arg8[%swap3A, %swap3A_502] {strides = array<i32>} : memref<16x1024xf32, #tpu.memory_space<vmem>>, vector<1x16xf32>,
        %swap3A_504 = vector.shape_cast %swap3A_503 : vector<1x16xf32> to vector<16xf32>
        %swap3A_505 = vector.shape_cast %add3A_501 : vector<16xf32> to vector<1x16xf32>
        tpu.vector_store %arg8[%swap3A, %swap3A_502], %swap3A_505 {strides = array<i32>} : memref<16x1024xf32, #tpu.memory_space<vmem>>, vector<1x16xf32>,
      }
      %scan3A_488 = arith.constant 64 : i32
    }
    %scan3A_467 = arith.constant 16 : i32
    %add3A_468 = arith.constant 240 : i32
    %add3A_469 = arith.addi %mul3A_2, %add3A_468 : i32
    %dma_start3A_470 = arith.constant 0 : i32
    %dma_start3A_471 = tpu.memref_slice %arg4[%add3A_469, %dma_start3A_470] : memref<8192x1024xf32, #tpu.memory_space<hbm>> -> memref<16x1024xf32, #tpu.memory_space<hbm>>
    %dma_start3A_472 = arith.constant 0 : i32
    %dma_start3A_473 = tpu.memref_slice %arg4[%add3A_469, %dma_start3A_472] : memref<8192x1024xf32, #tpu.memory_space<hbm>> -> memref<16x1024xf32, #tpu.memory_space<hbm>>
    tpu.enqueue_dma source(%arg8 : memref<16x1024xf32, #tpu.memory_space<vmem>>) target(%dma_start3A_473 : memref<16x1024xf32, #tpu.memory_space<hbm>>) target_semaphore(%arg13 : memref<!tpu.dma_semaphore, #tpu.memory_space<semaphore_mem>>)
    %dma_wait3A_474 = arith.constant 0 : i32
    %dma_wait3A_475 = tpu.memref_slice %arg4[%add3A_446, %dma_wait3A_474] : memref<8192x1024xf32, #tpu.memory_space<hbm>> -> memref<16x1024xf32, #tpu.memory_space<hbm>>
    %dma_wait3A_476 = arith.constant 0 : i32
    %dma_wait3A_477 = tpu.memref_slice %arg4[%add3A_446, %dma_wait3A_476] : memref<8192x1024xf32, #tpu.memory_space<hbm>> -> memref<16x1024xf32, #tpu.memory_space<hbm>>
    tpu.wait_dma2 semaphore(%arg12 : memref<!tpu.dma_semaphore, #tpu.memory_space<semaphore_mem>>) src(%arg7 : memref<16x1024xf32, #tpu.memory_space<vmem>>) dst(%dma_wait3A_477 : memref<16x1024xf32, #tpu.memory_space<hbm>>)
    %dma_wait3A_478 = arith.constant 0 : i32
    %dma_wait3A_479 = tpu.memref_slice %arg4[%add3A_469, %dma_wait3A_478] : memref<8192x1024xf32, #tpu.memory_space<hbm>> -> memref<16x1024xf32, #tpu.memory_space<hbm>>
    %dma_wait3A_480 = arith.constant 0 : i32
    %dma_wait3A_481 = tpu.memref_slice %arg4[%add3A_469, %dma_wait3A_480] : memref<8192x1024xf32, #tpu.memory_space<hbm>> -> memref<16x1024xf32, #tpu.memory_space<hbm>>
    tpu.wait_dma2 semaphore(%arg13 : memref<!tpu.dma_semaphore, #tpu.memory_space<semaphore_mem>>) src(%arg8 : memref<16x1024xf32, #tpu.memory_space<vmem>>) dst(%dma_wait3A_481 : memref<16x1024xf32, #tpu.memory_space<hbm>>)
    return
  }
}

module attributes {stable_mosaic.version = 14 : i64} {
  func.func @_book_body(%arg0: memref<64x128xi32, #tpu.memory_space<vmem>>, %arg1: memref<64x128xi32, #tpu.memory_space<vmem>>, %arg2: memref<64x128xi32, #tpu.memory_space<vmem>>, %arg3: memref<64x128xi32, #tpu.memory_space<vmem>>, %arg4: memref<8x128xi32, #tpu.memory_space<vmem>>) attributes {dimension_semantics = [], scalar_prefetch = 0 : i64, scratch_operands = 0 : i64, tpu.core_type = #tpu.core_type<tc>} {
    %get3A = arith.constant 0 : index
    %get3A_0 = arith.constant 0 : index
    %get3A_1 = vector.load %arg0[%get3A, %get3A_0] : memref<64x128xi32, #tpu.memory_space<vmem>>, vector<64x128xi32>
    %get3A_2 = arith.constant 0 : index
    %get3A_3 = arith.constant 0 : index
    %get3A_4 = vector.load %arg1[%get3A_2, %get3A_3] : memref<64x128xi32, #tpu.memory_space<vmem>>, vector<64x128xi32>
    %concatenate3A = tpu.concatenate %get3A_1, %get3A_4 in 0 : vector<64x128xi32>, vector<64x128xi32> -> vector<128x128xi32>
    %iota3A = tpu.iota {dimensions = array<i32: 0>} : vector<128x128xi32>
    %iota3A_5 = tpu.iota {dimensions = array<i32: 1>} : vector<128x128xi32>
    %le3A = arith.cmpi sle, %iota3A, %iota3A_5 : vector<128x128xi32>
    %convert_element_type3A = arith.extui %le3A : vector<128x128xi1> to vector<128x128xi32>
    %convert_element_type3A_6 = arith.sitofp %convert_element_type3A : vector<128x128xi32> to vector<128x128xf32>
    %lt3A = arith.cmpi slt, %iota3A_5, %iota3A : vector<128x128xi32>
    %convert_element_type3A_7 = arith.extui %lt3A : vector<128x128xi1> to vector<128x128xi32>
    %convert_element_type3A_8 = arith.sitofp %convert_element_type3A_7 : vector<128x128xi32> to vector<128x128xf32>
    %eq3A = arith.constant 0 : i32
    %eq3A_9 = vector.broadcast %eq3A : i32 to vector<128x128xi32>
    %eq3A_10 = arith.cmpi eq, %concatenate3A, %eq3A_9 : vector<128x128xi32>
    %convert_element_type3A_11 = arith.extui %eq3A_10 : vector<128x128xi1> to vector<128x128xi32>
    %convert_element_type3A_12 = arith.sitofp %convert_element_type3A_11 : vector<128x128xi32> to vector<128x128xf32>
    %dot_general3A = arith.constant dense<0.000000e+00> : vector<128x128xf32>
    %dot_general3A_13 = tpu.matmul %convert_element_type3A_12, %convert_element_type3A_6, %dot_general3A {dimension_numbers = #tpu.dot_dimension_numbers<[1], [0], [0], [1], [0, 0, 1, 1], [], []>, transpose_lhs_hint = false} : vector<128x128xf32>, vector<128x128xf32>, vector<128x128xf32> -> vector<128x128xf32>
    %slice3A = vector.extract_strided_slice %dot_general3A_13 {offsets = [0, 127], sizes = [128, 1], strides = [1, 1]} : vector<128x128xf32> to vector<128x1xf32>
    %dot_general3A_14 = arith.constant dense<0.000000e+00> : vector<128x1xf32>
    %dot_general3A_15 = tpu.matmul %convert_element_type3A_8, %slice3A, %dot_general3A_14 {dimension_numbers = #tpu.dot_dimension_numbers<[1], [0], [0], [1], [0, 0, 1, 1], [], []>, transpose_lhs_hint = false} : vector<128x128xf32>, vector<128x1xf32>, vector<128x1xf32> -> vector<128x1xf32>
    %add3A = vector.broadcast %dot_general3A_15 : vector<128x1xf32> to vector<128x128xf32>
    %add3A_16 = arith.addf %add3A, %dot_general3A_13 : vector<128x128xf32>
    %convert_element_type3A_17 = arith.fptosi %add3A_16 : vector<128x128xf32> to vector<128x128xi32>
    %sub3A = arith.constant 1 : i32
    %sub3A_18 = vector.broadcast %sub3A : i32 to vector<128x128xi32>
    %sub3A_19 = arith.subi %convert_element_type3A_17, %sub3A_18 : vector<128x128xi32>
    %convert_element_type3A_20 = arith.fptosi %convert_element_type3A_12 : vector<128x128xf32> to vector<128x128xi32>
    %reduce_sum3A = vector.shape_cast %slice3A : vector<128x1xf32> to vector<1x128x1xf32>
    %reduce_sum3A_21 = arith.constant dense<0.000000e+00> : vector<1xf32>
    %reduce_sum3A_22 = vector.multi_reduction <add>, %reduce_sum3A, %reduce_sum3A_21 [1, 2] : vector<1x128x1xf32> to vector<1xf32>
    %reduce_sum3A_23 = vector.shape_cast %reduce_sum3A_22 : vector<1xf32> to vector<1x1x1xf32>
    %reduce_sum3A_24 = vector.extract %reduce_sum3A_23[0, 0, 0] : f32 from vector<1x1x1xf32>
    %convert_element_type3A_25 = arith.fptosi %reduce_sum3A_24 : f32 to i32
    %eq3A_26 = arith.constant 1 : i32
    %eq3A_27 = vector.broadcast %eq3A_26 : i32 to vector<128x128xi32>
    %eq3A_28 = arith.cmpi eq, %concatenate3A, %eq3A_27 : vector<128x128xi32>
    %convert_element_type3A_29 = arith.extui %eq3A_28 : vector<128x128xi1> to vector<128x128xi32>
    %convert_element_type3A_30 = arith.sitofp %convert_element_type3A_29 : vector<128x128xi32> to vector<128x128xf32>
    %dot_general3A_31 = arith.constant dense<0.000000e+00> : vector<128x128xf32>
    %dot_general3A_32 = tpu.matmul %convert_element_type3A_30, %convert_element_type3A_6, %dot_general3A_31 {dimension_numbers = #tpu.dot_dimension_numbers<[1], [0], [0], [1], [0, 0, 1, 1], [], []>, transpose_lhs_hint = false} : vector<128x128xf32>, vector<128x128xf32>, vector<128x128xf32> -> vector<128x128xf32>
    %slice3A_33 = vector.extract_strided_slice %dot_general3A_32 {offsets = [0, 127], sizes = [128, 1], strides = [1, 1]} : vector<128x128xf32> to vector<128x1xf32>
    %dot_general3A_34 = arith.constant dense<0.000000e+00> : vector<128x1xf32>
    %dot_general3A_35 = tpu.matmul %convert_element_type3A_8, %slice3A_33, %dot_general3A_34 {dimension_numbers = #tpu.dot_dimension_numbers<[1], [0], [0], [1], [0, 0, 1, 1], [], []>, transpose_lhs_hint = false} : vector<128x128xf32>, vector<128x1xf32>, vector<128x1xf32> -> vector<128x1xf32>
    %add3A_36 = vector.broadcast %dot_general3A_35 : vector<128x1xf32> to vector<128x128xf32>
    %add3A_37 = arith.addf %add3A_36, %dot_general3A_32 : vector<128x128xf32>
    %convert_element_type3A_38 = arith.fptosi %add3A_37 : vector<128x128xf32> to vector<128x128xi32>
    %sub3A_39 = arith.constant 1 : i32
    %sub3A_40 = vector.broadcast %sub3A_39 : i32 to vector<128x128xi32>
    %sub3A_41 = arith.subi %convert_element_type3A_38, %sub3A_40 : vector<128x128xi32>
    %convert_element_type3A_42 = arith.fptosi %convert_element_type3A_30 : vector<128x128xf32> to vector<128x128xi32>
    %reduce_sum3A_43 = vector.shape_cast %slice3A_33 : vector<128x1xf32> to vector<1x128x1xf32>
    %reduce_sum3A_44 = arith.constant dense<0.000000e+00> : vector<1xf32>
    %reduce_sum3A_45 = vector.multi_reduction <add>, %reduce_sum3A_43, %reduce_sum3A_44 [1, 2] : vector<1x128x1xf32> to vector<1xf32>
    %reduce_sum3A_46 = vector.shape_cast %reduce_sum3A_45 : vector<1xf32> to vector<1x1x1xf32>
    %reduce_sum3A_47 = vector.extract %reduce_sum3A_46[0, 0, 0] : f32 from vector<1x1x1xf32>
    %convert_element_type3A_48 = arith.fptosi %reduce_sum3A_47 : f32 to i32
    %eq3A_49 = arith.constant 2 : i32
    %eq3A_50 = vector.broadcast %eq3A_49 : i32 to vector<128x128xi32>
    %eq3A_51 = arith.cmpi eq, %concatenate3A, %eq3A_50 : vector<128x128xi32>
    %convert_element_type3A_52 = arith.extui %eq3A_51 : vector<128x128xi1> to vector<128x128xi32>
    %convert_element_type3A_53 = arith.sitofp %convert_element_type3A_52 : vector<128x128xi32> to vector<128x128xf32>
    %dot_general3A_54 = arith.constant dense<0.000000e+00> : vector<128x128xf32>
    %dot_general3A_55 = tpu.matmul %convert_element_type3A_53, %convert_element_type3A_6, %dot_general3A_54 {dimension_numbers = #tpu.dot_dimension_numbers<[1], [0], [0], [1], [0, 0, 1, 1], [], []>, transpose_lhs_hint = false} : vector<128x128xf32>, vector<128x128xf32>, vector<128x128xf32> -> vector<128x128xf32>
    %slice3A_56 = vector.extract_strided_slice %dot_general3A_55 {offsets = [0, 127], sizes = [128, 1], strides = [1, 1]} : vector<128x128xf32> to vector<128x1xf32>
    %dot_general3A_57 = arith.constant dense<0.000000e+00> : vector<128x1xf32>
    %dot_general3A_58 = tpu.matmul %convert_element_type3A_8, %slice3A_56, %dot_general3A_57 {dimension_numbers = #tpu.dot_dimension_numbers<[1], [0], [0], [1], [0, 0, 1, 1], [], []>, transpose_lhs_hint = false} : vector<128x128xf32>, vector<128x1xf32>, vector<128x1xf32> -> vector<128x1xf32>
    %add3A_59 = vector.broadcast %dot_general3A_58 : vector<128x1xf32> to vector<128x128xf32>
    %add3A_60 = arith.addf %add3A_59, %dot_general3A_55 : vector<128x128xf32>
    %convert_element_type3A_61 = arith.fptosi %add3A_60 : vector<128x128xf32> to vector<128x128xi32>
    %sub3A_62 = arith.constant 1 : i32
    %sub3A_63 = vector.broadcast %sub3A_62 : i32 to vector<128x128xi32>
    %sub3A_64 = arith.subi %convert_element_type3A_61, %sub3A_63 : vector<128x128xi32>
    %convert_element_type3A_65 = arith.fptosi %convert_element_type3A_53 : vector<128x128xf32> to vector<128x128xi32>
    %reduce_sum3A_66 = vector.shape_cast %slice3A_56 : vector<128x1xf32> to vector<1x128x1xf32>
    %reduce_sum3A_67 = arith.constant dense<0.000000e+00> : vector<1xf32>
    %reduce_sum3A_68 = vector.multi_reduction <add>, %reduce_sum3A_66, %reduce_sum3A_67 [1, 2] : vector<1x128x1xf32> to vector<1xf32>
    %reduce_sum3A_69 = vector.shape_cast %reduce_sum3A_68 : vector<1xf32> to vector<1x1x1xf32>
    %reduce_sum3A_70 = vector.extract %reduce_sum3A_69[0, 0, 0] : f32 from vector<1x1x1xf32>
    %convert_element_type3A_71 = arith.fptosi %reduce_sum3A_70 : f32 to i32
    %eq3A_72 = arith.constant 3 : i32
    %eq3A_73 = vector.broadcast %eq3A_72 : i32 to vector<128x128xi32>
    %eq3A_74 = arith.cmpi eq, %concatenate3A, %eq3A_73 : vector<128x128xi32>
    %convert_element_type3A_75 = arith.extui %eq3A_74 : vector<128x128xi1> to vector<128x128xi32>
    %convert_element_type3A_76 = arith.sitofp %convert_element_type3A_75 : vector<128x128xi32> to vector<128x128xf32>
    %dot_general3A_77 = arith.constant dense<0.000000e+00> : vector<128x128xf32>
    %dot_general3A_78 = tpu.matmul %convert_element_type3A_76, %convert_element_type3A_6, %dot_general3A_77 {dimension_numbers = #tpu.dot_dimension_numbers<[1], [0], [0], [1], [0, 0, 1, 1], [], []>, transpose_lhs_hint = false} : vector<128x128xf32>, vector<128x128xf32>, vector<128x128xf32> -> vector<128x128xf32>
    %slice3A_79 = vector.extract_strided_slice %dot_general3A_78 {offsets = [0, 127], sizes = [128, 1], strides = [1, 1]} : vector<128x128xf32> to vector<128x1xf32>
    %dot_general3A_80 = arith.constant dense<0.000000e+00> : vector<128x1xf32>
    %dot_general3A_81 = tpu.matmul %convert_element_type3A_8, %slice3A_79, %dot_general3A_80 {dimension_numbers = #tpu.dot_dimension_numbers<[1], [0], [0], [1], [0, 0, 1, 1], [], []>, transpose_lhs_hint = false} : vector<128x128xf32>, vector<128x1xf32>, vector<128x1xf32> -> vector<128x1xf32>
    %add3A_82 = vector.broadcast %dot_general3A_81 : vector<128x1xf32> to vector<128x128xf32>
    %add3A_83 = arith.addf %add3A_82, %dot_general3A_78 : vector<128x128xf32>
    %convert_element_type3A_84 = arith.fptosi %add3A_83 : vector<128x128xf32> to vector<128x128xi32>
    %sub3A_85 = arith.constant 1 : i32
    %sub3A_86 = vector.broadcast %sub3A_85 : i32 to vector<128x128xi32>
    %sub3A_87 = arith.subi %convert_element_type3A_84, %sub3A_86 : vector<128x128xi32>
    %convert_element_type3A_88 = arith.fptosi %convert_element_type3A_76 : vector<128x128xf32> to vector<128x128xi32>
    %reduce_sum3A_89 = vector.shape_cast %slice3A_79 : vector<128x1xf32> to vector<1x128x1xf32>
    %reduce_sum3A_90 = arith.constant dense<0.000000e+00> : vector<1xf32>
    %reduce_sum3A_91 = vector.multi_reduction <add>, %reduce_sum3A_89, %reduce_sum3A_90 [1, 2] : vector<1x128x1xf32> to vector<1xf32>
    %reduce_sum3A_92 = vector.shape_cast %reduce_sum3A_91 : vector<1xf32> to vector<1x1x1xf32>
    %reduce_sum3A_93 = vector.extract %reduce_sum3A_92[0, 0, 0] : f32 from vector<1x1x1xf32>
    %convert_element_type3A_94 = arith.fptosi %reduce_sum3A_93 : f32 to i32
    %eq3A_95 = arith.constant 4 : i32
    %eq3A_96 = vector.broadcast %eq3A_95 : i32 to vector<128x128xi32>
    %eq3A_97 = arith.cmpi eq, %concatenate3A, %eq3A_96 : vector<128x128xi32>
    %convert_element_type3A_98 = arith.extui %eq3A_97 : vector<128x128xi1> to vector<128x128xi32>
    %convert_element_type3A_99 = arith.sitofp %convert_element_type3A_98 : vector<128x128xi32> to vector<128x128xf32>
    %dot_general3A_100 = arith.constant dense<0.000000e+00> : vector<128x128xf32>
    %dot_general3A_101 = tpu.matmul %convert_element_type3A_99, %convert_element_type3A_6, %dot_general3A_100 {dimension_numbers = #tpu.dot_dimension_numbers<[1], [0], [0], [1], [0, 0, 1, 1], [], []>, transpose_lhs_hint = false} : vector<128x128xf32>, vector<128x128xf32>, vector<128x128xf32> -> vector<128x128xf32>
    %slice3A_102 = vector.extract_strided_slice %dot_general3A_101 {offsets = [0, 127], sizes = [128, 1], strides = [1, 1]} : vector<128x128xf32> to vector<128x1xf32>
    %dot_general3A_103 = arith.constant dense<0.000000e+00> : vector<128x1xf32>
    %dot_general3A_104 = tpu.matmul %convert_element_type3A_8, %slice3A_102, %dot_general3A_103 {dimension_numbers = #tpu.dot_dimension_numbers<[1], [0], [0], [1], [0, 0, 1, 1], [], []>, transpose_lhs_hint = false} : vector<128x128xf32>, vector<128x1xf32>, vector<128x1xf32> -> vector<128x1xf32>
    %add3A_105 = vector.broadcast %dot_general3A_104 : vector<128x1xf32> to vector<128x128xf32>
    %add3A_106 = arith.addf %add3A_105, %dot_general3A_101 : vector<128x128xf32>
    %convert_element_type3A_107 = arith.fptosi %add3A_106 : vector<128x128xf32> to vector<128x128xi32>
    %sub3A_108 = arith.constant 1 : i32
    %sub3A_109 = vector.broadcast %sub3A_108 : i32 to vector<128x128xi32>
    %sub3A_110 = arith.subi %convert_element_type3A_107, %sub3A_109 : vector<128x128xi32>
    %convert_element_type3A_111 = arith.fptosi %convert_element_type3A_99 : vector<128x128xf32> to vector<128x128xi32>
    %reduce_sum3A_112 = vector.shape_cast %slice3A_102 : vector<128x1xf32> to vector<1x128x1xf32>
    %reduce_sum3A_113 = arith.constant dense<0.000000e+00> : vector<1xf32>
    %reduce_sum3A_114 = vector.multi_reduction <add>, %reduce_sum3A_112, %reduce_sum3A_113 [1, 2] : vector<1x128x1xf32> to vector<1xf32>
    %reduce_sum3A_115 = vector.shape_cast %reduce_sum3A_114 : vector<1xf32> to vector<1x1x1xf32>
    %reduce_sum3A_116 = vector.extract %reduce_sum3A_115[0, 0, 0] : f32 from vector<1x1x1xf32>
    %convert_element_type3A_117 = arith.fptosi %reduce_sum3A_116 : f32 to i32
    %eq3A_118 = arith.constant 5 : i32
    %eq3A_119 = vector.broadcast %eq3A_118 : i32 to vector<128x128xi32>
    %eq3A_120 = arith.cmpi eq, %concatenate3A, %eq3A_119 : vector<128x128xi32>
    %convert_element_type3A_121 = arith.extui %eq3A_120 : vector<128x128xi1> to vector<128x128xi32>
    %convert_element_type3A_122 = arith.sitofp %convert_element_type3A_121 : vector<128x128xi32> to vector<128x128xf32>
    %dot_general3A_123 = arith.constant dense<0.000000e+00> : vector<128x128xf32>
    %dot_general3A_124 = tpu.matmul %convert_element_type3A_122, %convert_element_type3A_6, %dot_general3A_123 {dimension_numbers = #tpu.dot_dimension_numbers<[1], [0], [0], [1], [0, 0, 1, 1], [], []>, transpose_lhs_hint = false} : vector<128x128xf32>, vector<128x128xf32>, vector<128x128xf32> -> vector<128x128xf32>
    %slice3A_125 = vector.extract_strided_slice %dot_general3A_124 {offsets = [0, 127], sizes = [128, 1], strides = [1, 1]} : vector<128x128xf32> to vector<128x1xf32>
    %dot_general3A_126 = arith.constant dense<0.000000e+00> : vector<128x1xf32>
    %dot_general3A_127 = tpu.matmul %convert_element_type3A_8, %slice3A_125, %dot_general3A_126 {dimension_numbers = #tpu.dot_dimension_numbers<[1], [0], [0], [1], [0, 0, 1, 1], [], []>, transpose_lhs_hint = false} : vector<128x128xf32>, vector<128x1xf32>, vector<128x1xf32> -> vector<128x1xf32>
    %add3A_128 = vector.broadcast %dot_general3A_127 : vector<128x1xf32> to vector<128x128xf32>
    %add3A_129 = arith.addf %add3A_128, %dot_general3A_124 : vector<128x128xf32>
    %convert_element_type3A_130 = arith.fptosi %add3A_129 : vector<128x128xf32> to vector<128x128xi32>
    %sub3A_131 = arith.constant 1 : i32
    %sub3A_132 = vector.broadcast %sub3A_131 : i32 to vector<128x128xi32>
    %sub3A_133 = arith.subi %convert_element_type3A_130, %sub3A_132 : vector<128x128xi32>
    %convert_element_type3A_134 = arith.fptosi %convert_element_type3A_122 : vector<128x128xf32> to vector<128x128xi32>
    %reduce_sum3A_135 = vector.shape_cast %slice3A_125 : vector<128x1xf32> to vector<1x128x1xf32>
    %reduce_sum3A_136 = arith.constant dense<0.000000e+00> : vector<1xf32>
    %reduce_sum3A_137 = vector.multi_reduction <add>, %reduce_sum3A_135, %reduce_sum3A_136 [1, 2] : vector<1x128x1xf32> to vector<1xf32>
    %reduce_sum3A_138 = vector.shape_cast %reduce_sum3A_137 : vector<1xf32> to vector<1x1x1xf32>
    %reduce_sum3A_139 = vector.extract %reduce_sum3A_138[0, 0, 0] : f32 from vector<1x1x1xf32>
    %convert_element_type3A_140 = arith.fptosi %reduce_sum3A_139 : f32 to i32
    %eq3A_141 = arith.constant 6 : i32
    %eq3A_142 = vector.broadcast %eq3A_141 : i32 to vector<128x128xi32>
    %eq3A_143 = arith.cmpi eq, %concatenate3A, %eq3A_142 : vector<128x128xi32>
    %convert_element_type3A_144 = arith.extui %eq3A_143 : vector<128x128xi1> to vector<128x128xi32>
    %convert_element_type3A_145 = arith.sitofp %convert_element_type3A_144 : vector<128x128xi32> to vector<128x128xf32>
    %dot_general3A_146 = arith.constant dense<0.000000e+00> : vector<128x128xf32>
    %dot_general3A_147 = tpu.matmul %convert_element_type3A_145, %convert_element_type3A_6, %dot_general3A_146 {dimension_numbers = #tpu.dot_dimension_numbers<[1], [0], [0], [1], [0, 0, 1, 1], [], []>, transpose_lhs_hint = false} : vector<128x128xf32>, vector<128x128xf32>, vector<128x128xf32> -> vector<128x128xf32>
    %slice3A_148 = vector.extract_strided_slice %dot_general3A_147 {offsets = [0, 127], sizes = [128, 1], strides = [1, 1]} : vector<128x128xf32> to vector<128x1xf32>
    %dot_general3A_149 = arith.constant dense<0.000000e+00> : vector<128x1xf32>
    %dot_general3A_150 = tpu.matmul %convert_element_type3A_8, %slice3A_148, %dot_general3A_149 {dimension_numbers = #tpu.dot_dimension_numbers<[1], [0], [0], [1], [0, 0, 1, 1], [], []>, transpose_lhs_hint = false} : vector<128x128xf32>, vector<128x1xf32>, vector<128x1xf32> -> vector<128x1xf32>
    %add3A_151 = vector.broadcast %dot_general3A_150 : vector<128x1xf32> to vector<128x128xf32>
    %add3A_152 = arith.addf %add3A_151, %dot_general3A_147 : vector<128x128xf32>
    %convert_element_type3A_153 = arith.fptosi %add3A_152 : vector<128x128xf32> to vector<128x128xi32>
    %sub3A_154 = arith.constant 1 : i32
    %sub3A_155 = vector.broadcast %sub3A_154 : i32 to vector<128x128xi32>
    %sub3A_156 = arith.subi %convert_element_type3A_153, %sub3A_155 : vector<128x128xi32>
    %convert_element_type3A_157 = arith.fptosi %convert_element_type3A_145 : vector<128x128xf32> to vector<128x128xi32>
    %reduce_sum3A_158 = vector.shape_cast %slice3A_148 : vector<128x1xf32> to vector<1x128x1xf32>
    %reduce_sum3A_159 = arith.constant dense<0.000000e+00> : vector<1xf32>
    %reduce_sum3A_160 = vector.multi_reduction <add>, %reduce_sum3A_158, %reduce_sum3A_159 [1, 2] : vector<1x128x1xf32> to vector<1xf32>
    %reduce_sum3A_161 = vector.shape_cast %reduce_sum3A_160 : vector<1xf32> to vector<1x1x1xf32>
    %reduce_sum3A_162 = vector.extract %reduce_sum3A_161[0, 0, 0] : f32 from vector<1x1x1xf32>
    %convert_element_type3A_163 = arith.fptosi %reduce_sum3A_162 : f32 to i32
    %eq3A_164 = arith.constant 7 : i32
    %eq3A_165 = vector.broadcast %eq3A_164 : i32 to vector<128x128xi32>
    %eq3A_166 = arith.cmpi eq, %concatenate3A, %eq3A_165 : vector<128x128xi32>
    %convert_element_type3A_167 = arith.extui %eq3A_166 : vector<128x128xi1> to vector<128x128xi32>
    %convert_element_type3A_168 = arith.sitofp %convert_element_type3A_167 : vector<128x128xi32> to vector<128x128xf32>
    %dot_general3A_169 = arith.constant dense<0.000000e+00> : vector<128x128xf32>
    %dot_general3A_170 = tpu.matmul %convert_element_type3A_168, %convert_element_type3A_6, %dot_general3A_169 {dimension_numbers = #tpu.dot_dimension_numbers<[1], [0], [0], [1], [0, 0, 1, 1], [], []>, transpose_lhs_hint = false} : vector<128x128xf32>, vector<128x128xf32>, vector<128x128xf32> -> vector<128x128xf32>
    %slice3A_171 = vector.extract_strided_slice %dot_general3A_170 {offsets = [0, 127], sizes = [128, 1], strides = [1, 1]} : vector<128x128xf32> to vector<128x1xf32>
    %dot_general3A_172 = arith.constant dense<0.000000e+00> : vector<128x1xf32>
    %dot_general3A_173 = tpu.matmul %convert_element_type3A_8, %slice3A_171, %dot_general3A_172 {dimension_numbers = #tpu.dot_dimension_numbers<[1], [0], [0], [1], [0, 0, 1, 1], [], []>, transpose_lhs_hint = false} : vector<128x128xf32>, vector<128x1xf32>, vector<128x1xf32> -> vector<128x1xf32>
    %add3A_174 = vector.broadcast %dot_general3A_173 : vector<128x1xf32> to vector<128x128xf32>
    %add3A_175 = arith.addf %add3A_174, %dot_general3A_170 : vector<128x128xf32>
    %convert_element_type3A_176 = arith.fptosi %add3A_175 : vector<128x128xf32> to vector<128x128xi32>
    %sub3A_177 = arith.constant 1 : i32
    %sub3A_178 = vector.broadcast %sub3A_177 : i32 to vector<128x128xi32>
    %sub3A_179 = arith.subi %convert_element_type3A_176, %sub3A_178 : vector<128x128xi32>
    %convert_element_type3A_180 = arith.fptosi %convert_element_type3A_168 : vector<128x128xf32> to vector<128x128xi32>
    %reduce_sum3A_181 = vector.shape_cast %slice3A_171 : vector<128x1xf32> to vector<1x128x1xf32>
    %reduce_sum3A_182 = arith.constant dense<0.000000e+00> : vector<1xf32>
    %reduce_sum3A_183 = vector.multi_reduction <add>, %reduce_sum3A_181, %reduce_sum3A_182 [1, 2] : vector<1x128x1xf32> to vector<1xf32>
    %reduce_sum3A_184 = vector.shape_cast %reduce_sum3A_183 : vector<1xf32> to vector<1x1x1xf32>
    %reduce_sum3A_185 = vector.extract %reduce_sum3A_184[0, 0, 0] : f32 from vector<1x1x1xf32>
    %convert_element_type3A_186 = arith.fptosi %reduce_sum3A_185 : f32 to i32
    %eq3A_187 = arith.constant 8 : i32
    %eq3A_188 = vector.broadcast %eq3A_187 : i32 to vector<128x128xi32>
    %eq3A_189 = arith.cmpi eq, %concatenate3A, %eq3A_188 : vector<128x128xi32>
    %convert_element_type3A_190 = arith.extui %eq3A_189 : vector<128x128xi1> to vector<128x128xi32>
    %convert_element_type3A_191 = arith.sitofp %convert_element_type3A_190 : vector<128x128xi32> to vector<128x128xf32>
    %dot_general3A_192 = arith.constant dense<0.000000e+00> : vector<128x128xf32>
    %dot_general3A_193 = tpu.matmul %convert_element_type3A_191, %convert_element_type3A_6, %dot_general3A_192 {dimension_numbers = #tpu.dot_dimension_numbers<[1], [0], [0], [1], [0, 0, 1, 1], [], []>, transpose_lhs_hint = false} : vector<128x128xf32>, vector<128x128xf32>, vector<128x128xf32> -> vector<128x128xf32>
    %slice3A_194 = vector.extract_strided_slice %dot_general3A_193 {offsets = [0, 127], sizes = [128, 1], strides = [1, 1]} : vector<128x128xf32> to vector<128x1xf32>
    %dot_general3A_195 = arith.constant dense<0.000000e+00> : vector<128x1xf32>
    %dot_general3A_196 = tpu.matmul %convert_element_type3A_8, %slice3A_194, %dot_general3A_195 {dimension_numbers = #tpu.dot_dimension_numbers<[1], [0], [0], [1], [0, 0, 1, 1], [], []>, transpose_lhs_hint = false} : vector<128x128xf32>, vector<128x1xf32>, vector<128x1xf32> -> vector<128x1xf32>
    %add3A_197 = vector.broadcast %dot_general3A_196 : vector<128x1xf32> to vector<128x128xf32>
    %add3A_198 = arith.addf %add3A_197, %dot_general3A_193 : vector<128x128xf32>
    %convert_element_type3A_199 = arith.fptosi %add3A_198 : vector<128x128xf32> to vector<128x128xi32>
    %sub3A_200 = arith.constant 1 : i32
    %sub3A_201 = vector.broadcast %sub3A_200 : i32 to vector<128x128xi32>
    %sub3A_202 = arith.subi %convert_element_type3A_199, %sub3A_201 : vector<128x128xi32>
    %convert_element_type3A_203 = arith.fptosi %convert_element_type3A_191 : vector<128x128xf32> to vector<128x128xi32>
    %reduce_sum3A_204 = vector.shape_cast %slice3A_194 : vector<128x1xf32> to vector<1x128x1xf32>
    %reduce_sum3A_205 = arith.constant dense<0.000000e+00> : vector<1xf32>
    %reduce_sum3A_206 = vector.multi_reduction <add>, %reduce_sum3A_204, %reduce_sum3A_205 [1, 2] : vector<1x128x1xf32> to vector<1xf32>
    %reduce_sum3A_207 = vector.shape_cast %reduce_sum3A_206 : vector<1xf32> to vector<1x1x1xf32>
    %reduce_sum3A_208 = vector.extract %reduce_sum3A_207[0, 0, 0] : f32 from vector<1x1x1xf32>
    %convert_element_type3A_209 = arith.fptosi %reduce_sum3A_208 : f32 to i32
    %eq3A_210 = arith.constant 9 : i32
    %eq3A_211 = vector.broadcast %eq3A_210 : i32 to vector<128x128xi32>
    %eq3A_212 = arith.cmpi eq, %concatenate3A, %eq3A_211 : vector<128x128xi32>
    %convert_element_type3A_213 = arith.extui %eq3A_212 : vector<128x128xi1> to vector<128x128xi32>
    %convert_element_type3A_214 = arith.sitofp %convert_element_type3A_213 : vector<128x128xi32> to vector<128x128xf32>
    %dot_general3A_215 = arith.constant dense<0.000000e+00> : vector<128x128xf32>
    %dot_general3A_216 = tpu.matmul %convert_element_type3A_214, %convert_element_type3A_6, %dot_general3A_215 {dimension_numbers = #tpu.dot_dimension_numbers<[1], [0], [0], [1], [0, 0, 1, 1], [], []>, transpose_lhs_hint = false} : vector<128x128xf32>, vector<128x128xf32>, vector<128x128xf32> -> vector<128x128xf32>
    %slice3A_217 = vector.extract_strided_slice %dot_general3A_216 {offsets = [0, 127], sizes = [128, 1], strides = [1, 1]} : vector<128x128xf32> to vector<128x1xf32>
    %dot_general3A_218 = arith.constant dense<0.000000e+00> : vector<128x1xf32>
    %dot_general3A_219 = tpu.matmul %convert_element_type3A_8, %slice3A_217, %dot_general3A_218 {dimension_numbers = #tpu.dot_dimension_numbers<[1], [0], [0], [1], [0, 0, 1, 1], [], []>, transpose_lhs_hint = false} : vector<128x128xf32>, vector<128x1xf32>, vector<128x1xf32> -> vector<128x1xf32>
    %add3A_220 = vector.broadcast %dot_general3A_219 : vector<128x1xf32> to vector<128x128xf32>
    %add3A_221 = arith.addf %add3A_220, %dot_general3A_216 : vector<128x128xf32>
    %convert_element_type3A_222 = arith.fptosi %add3A_221 : vector<128x128xf32> to vector<128x128xi32>
    %sub3A_223 = arith.constant 1 : i32
    %sub3A_224 = vector.broadcast %sub3A_223 : i32 to vector<128x128xi32>
    %sub3A_225 = arith.subi %convert_element_type3A_222, %sub3A_224 : vector<128x128xi32>
    %convert_element_type3A_226 = arith.fptosi %convert_element_type3A_214 : vector<128x128xf32> to vector<128x128xi32>
    %reduce_sum3A_227 = vector.shape_cast %slice3A_217 : vector<128x1xf32> to vector<1x128x1xf32>
    %reduce_sum3A_228 = arith.constant dense<0.000000e+00> : vector<1xf32>
    %reduce_sum3A_229 = vector.multi_reduction <add>, %reduce_sum3A_227, %reduce_sum3A_228 [1, 2] : vector<1x128x1xf32> to vector<1xf32>
    %reduce_sum3A_230 = vector.shape_cast %reduce_sum3A_229 : vector<1xf32> to vector<1x1x1xf32>
    %reduce_sum3A_231 = vector.extract %reduce_sum3A_230[0, 0, 0] : f32 from vector<1x1x1xf32>
    %convert_element_type3A_232 = arith.fptosi %reduce_sum3A_231 : f32 to i32
    %eq3A_233 = arith.constant 10 : i32
    %eq3A_234 = vector.broadcast %eq3A_233 : i32 to vector<128x128xi32>
    %eq3A_235 = arith.cmpi eq, %concatenate3A, %eq3A_234 : vector<128x128xi32>
    %convert_element_type3A_236 = arith.extui %eq3A_235 : vector<128x128xi1> to vector<128x128xi32>
    %convert_element_type3A_237 = arith.sitofp %convert_element_type3A_236 : vector<128x128xi32> to vector<128x128xf32>
    %dot_general3A_238 = arith.constant dense<0.000000e+00> : vector<128x128xf32>
    %dot_general3A_239 = tpu.matmul %convert_element_type3A_237, %convert_element_type3A_6, %dot_general3A_238 {dimension_numbers = #tpu.dot_dimension_numbers<[1], [0], [0], [1], [0, 0, 1, 1], [], []>, transpose_lhs_hint = false} : vector<128x128xf32>, vector<128x128xf32>, vector<128x128xf32> -> vector<128x128xf32>
    %slice3A_240 = vector.extract_strided_slice %dot_general3A_239 {offsets = [0, 127], sizes = [128, 1], strides = [1, 1]} : vector<128x128xf32> to vector<128x1xf32>
    %dot_general3A_241 = arith.constant dense<0.000000e+00> : vector<128x1xf32>
    %dot_general3A_242 = tpu.matmul %convert_element_type3A_8, %slice3A_240, %dot_general3A_241 {dimension_numbers = #tpu.dot_dimension_numbers<[1], [0], [0], [1], [0, 0, 1, 1], [], []>, transpose_lhs_hint = false} : vector<128x128xf32>, vector<128x1xf32>, vector<128x1xf32> -> vector<128x1xf32>
    %add3A_243 = vector.broadcast %dot_general3A_242 : vector<128x1xf32> to vector<128x128xf32>
    %add3A_244 = arith.addf %add3A_243, %dot_general3A_239 : vector<128x128xf32>
    %convert_element_type3A_245 = arith.fptosi %add3A_244 : vector<128x128xf32> to vector<128x128xi32>
    %sub3A_246 = arith.constant 1 : i32
    %sub3A_247 = vector.broadcast %sub3A_246 : i32 to vector<128x128xi32>
    %sub3A_248 = arith.subi %convert_element_type3A_245, %sub3A_247 : vector<128x128xi32>
    %convert_element_type3A_249 = arith.fptosi %convert_element_type3A_237 : vector<128x128xf32> to vector<128x128xi32>
    %reduce_sum3A_250 = vector.shape_cast %slice3A_240 : vector<128x1xf32> to vector<1x128x1xf32>
    %reduce_sum3A_251 = arith.constant dense<0.000000e+00> : vector<1xf32>
    %reduce_sum3A_252 = vector.multi_reduction <add>, %reduce_sum3A_250, %reduce_sum3A_251 [1, 2] : vector<1x128x1xf32> to vector<1xf32>
    %reduce_sum3A_253 = vector.shape_cast %reduce_sum3A_252 : vector<1xf32> to vector<1x1x1xf32>
    %reduce_sum3A_254 = vector.extract %reduce_sum3A_253[0, 0, 0] : f32 from vector<1x1x1xf32>
    %convert_element_type3A_255 = arith.fptosi %reduce_sum3A_254 : f32 to i32
    %eq3A_256 = arith.constant 11 : i32
    %eq3A_257 = vector.broadcast %eq3A_256 : i32 to vector<128x128xi32>
    %eq3A_258 = arith.cmpi eq, %concatenate3A, %eq3A_257 : vector<128x128xi32>
    %convert_element_type3A_259 = arith.extui %eq3A_258 : vector<128x128xi1> to vector<128x128xi32>
    %convert_element_type3A_260 = arith.sitofp %convert_element_type3A_259 : vector<128x128xi32> to vector<128x128xf32>
    %dot_general3A_261 = arith.constant dense<0.000000e+00> : vector<128x128xf32>
    %dot_general3A_262 = tpu.matmul %convert_element_type3A_260, %convert_element_type3A_6, %dot_general3A_261 {dimension_numbers = #tpu.dot_dimension_numbers<[1], [0], [0], [1], [0, 0, 1, 1], [], []>, transpose_lhs_hint = false} : vector<128x128xf32>, vector<128x128xf32>, vector<128x128xf32> -> vector<128x128xf32>
    %slice3A_263 = vector.extract_strided_slice %dot_general3A_262 {offsets = [0, 127], sizes = [128, 1], strides = [1, 1]} : vector<128x128xf32> to vector<128x1xf32>
    %dot_general3A_264 = arith.constant dense<0.000000e+00> : vector<128x1xf32>
    %dot_general3A_265 = tpu.matmul %convert_element_type3A_8, %slice3A_263, %dot_general3A_264 {dimension_numbers = #tpu.dot_dimension_numbers<[1], [0], [0], [1], [0, 0, 1, 1], [], []>, transpose_lhs_hint = false} : vector<128x128xf32>, vector<128x1xf32>, vector<128x1xf32> -> vector<128x1xf32>
    %add3A_266 = vector.broadcast %dot_general3A_265 : vector<128x1xf32> to vector<128x128xf32>
    %add3A_267 = arith.addf %add3A_266, %dot_general3A_262 : vector<128x128xf32>
    %convert_element_type3A_268 = arith.fptosi %add3A_267 : vector<128x128xf32> to vector<128x128xi32>
    %sub3A_269 = arith.constant 1 : i32
    %sub3A_270 = vector.broadcast %sub3A_269 : i32 to vector<128x128xi32>
    %sub3A_271 = arith.subi %convert_element_type3A_268, %sub3A_270 : vector<128x128xi32>
    %convert_element_type3A_272 = arith.fptosi %convert_element_type3A_260 : vector<128x128xf32> to vector<128x128xi32>
    %reduce_sum3A_273 = vector.shape_cast %slice3A_263 : vector<128x1xf32> to vector<1x128x1xf32>
    %reduce_sum3A_274 = arith.constant dense<0.000000e+00> : vector<1xf32>
    %reduce_sum3A_275 = vector.multi_reduction <add>, %reduce_sum3A_273, %reduce_sum3A_274 [1, 2] : vector<1x128x1xf32> to vector<1xf32>
    %reduce_sum3A_276 = vector.shape_cast %reduce_sum3A_275 : vector<1xf32> to vector<1x1x1xf32>
    %reduce_sum3A_277 = vector.extract %reduce_sum3A_276[0, 0, 0] : f32 from vector<1x1x1xf32>
    %convert_element_type3A_278 = arith.fptosi %reduce_sum3A_277 : f32 to i32
    %eq3A_279 = arith.constant 12 : i32
    %eq3A_280 = vector.broadcast %eq3A_279 : i32 to vector<128x128xi32>
    %eq3A_281 = arith.cmpi eq, %concatenate3A, %eq3A_280 : vector<128x128xi32>
    %convert_element_type3A_282 = arith.extui %eq3A_281 : vector<128x128xi1> to vector<128x128xi32>
    %convert_element_type3A_283 = arith.sitofp %convert_element_type3A_282 : vector<128x128xi32> to vector<128x128xf32>
    %dot_general3A_284 = arith.constant dense<0.000000e+00> : vector<128x128xf32>
    %dot_general3A_285 = tpu.matmul %convert_element_type3A_283, %convert_element_type3A_6, %dot_general3A_284 {dimension_numbers = #tpu.dot_dimension_numbers<[1], [0], [0], [1], [0, 0, 1, 1], [], []>, transpose_lhs_hint = false} : vector<128x128xf32>, vector<128x128xf32>, vector<128x128xf32> -> vector<128x128xf32>
    %slice3A_286 = vector.extract_strided_slice %dot_general3A_285 {offsets = [0, 127], sizes = [128, 1], strides = [1, 1]} : vector<128x128xf32> to vector<128x1xf32>
    %dot_general3A_287 = arith.constant dense<0.000000e+00> : vector<128x1xf32>
    %dot_general3A_288 = tpu.matmul %convert_element_type3A_8, %slice3A_286, %dot_general3A_287 {dimension_numbers = #tpu.dot_dimension_numbers<[1], [0], [0], [1], [0, 0, 1, 1], [], []>, transpose_lhs_hint = false} : vector<128x128xf32>, vector<128x1xf32>, vector<128x1xf32> -> vector<128x1xf32>
    %add3A_289 = vector.broadcast %dot_general3A_288 : vector<128x1xf32> to vector<128x128xf32>
    %add3A_290 = arith.addf %add3A_289, %dot_general3A_285 : vector<128x128xf32>
    %convert_element_type3A_291 = arith.fptosi %add3A_290 : vector<128x128xf32> to vector<128x128xi32>
    %sub3A_292 = arith.constant 1 : i32
    %sub3A_293 = vector.broadcast %sub3A_292 : i32 to vector<128x128xi32>
    %sub3A_294 = arith.subi %convert_element_type3A_291, %sub3A_293 : vector<128x128xi32>
    %convert_element_type3A_295 = arith.fptosi %convert_element_type3A_283 : vector<128x128xf32> to vector<128x128xi32>
    %reduce_sum3A_296 = vector.shape_cast %slice3A_286 : vector<128x1xf32> to vector<1x128x1xf32>
    %reduce_sum3A_297 = arith.constant dense<0.000000e+00> : vector<1xf32>
    %reduce_sum3A_298 = vector.multi_reduction <add>, %reduce_sum3A_296, %reduce_sum3A_297 [1, 2] : vector<1x128x1xf32> to vector<1xf32>
    %reduce_sum3A_299 = vector.shape_cast %reduce_sum3A_298 : vector<1xf32> to vector<1x1x1xf32>
    %reduce_sum3A_300 = vector.extract %reduce_sum3A_299[0, 0, 0] : f32 from vector<1x1x1xf32>
    %convert_element_type3A_301 = arith.fptosi %reduce_sum3A_300 : f32 to i32
    %eq3A_302 = arith.constant 13 : i32
    %eq3A_303 = vector.broadcast %eq3A_302 : i32 to vector<128x128xi32>
    %eq3A_304 = arith.cmpi eq, %concatenate3A, %eq3A_303 : vector<128x128xi32>
    %convert_element_type3A_305 = arith.extui %eq3A_304 : vector<128x128xi1> to vector<128x128xi32>
    %convert_element_type3A_306 = arith.sitofp %convert_element_type3A_305 : vector<128x128xi32> to vector<128x128xf32>
    %dot_general3A_307 = arith.constant dense<0.000000e+00> : vector<128x128xf32>
    %dot_general3A_308 = tpu.matmul %convert_element_type3A_306, %convert_element_type3A_6, %dot_general3A_307 {dimension_numbers = #tpu.dot_dimension_numbers<[1], [0], [0], [1], [0, 0, 1, 1], [], []>, transpose_lhs_hint = false} : vector<128x128xf32>, vector<128x128xf32>, vector<128x128xf32> -> vector<128x128xf32>
    %slice3A_309 = vector.extract_strided_slice %dot_general3A_308 {offsets = [0, 127], sizes = [128, 1], strides = [1, 1]} : vector<128x128xf32> to vector<128x1xf32>
    %dot_general3A_310 = arith.constant dense<0.000000e+00> : vector<128x1xf32>
    %dot_general3A_311 = tpu.matmul %convert_element_type3A_8, %slice3A_309, %dot_general3A_310 {dimension_numbers = #tpu.dot_dimension_numbers<[1], [0], [0], [1], [0, 0, 1, 1], [], []>, transpose_lhs_hint = false} : vector<128x128xf32>, vector<128x1xf32>, vector<128x1xf32> -> vector<128x1xf32>
    %add3A_312 = vector.broadcast %dot_general3A_311 : vector<128x1xf32> to vector<128x128xf32>
    %add3A_313 = arith.addf %add3A_312, %dot_general3A_308 : vector<128x128xf32>
    %convert_element_type3A_314 = arith.fptosi %add3A_313 : vector<128x128xf32> to vector<128x128xi32>
    %sub3A_315 = arith.constant 1 : i32
    %sub3A_316 = vector.broadcast %sub3A_315 : i32 to vector<128x128xi32>
    %sub3A_317 = arith.subi %convert_element_type3A_314, %sub3A_316 : vector<128x128xi32>
    %convert_element_type3A_318 = arith.fptosi %convert_element_type3A_306 : vector<128x128xf32> to vector<128x128xi32>
    %reduce_sum3A_319 = vector.shape_cast %slice3A_309 : vector<128x1xf32> to vector<1x128x1xf32>
    %reduce_sum3A_320 = arith.constant dense<0.000000e+00> : vector<1xf32>
    %reduce_sum3A_321 = vector.multi_reduction <add>, %reduce_sum3A_319, %reduce_sum3A_320 [1, 2] : vector<1x128x1xf32> to vector<1xf32>
    %reduce_sum3A_322 = vector.shape_cast %reduce_sum3A_321 : vector<1xf32> to vector<1x1x1xf32>
    %reduce_sum3A_323 = vector.extract %reduce_sum3A_322[0, 0, 0] : f32 from vector<1x1x1xf32>
    %convert_element_type3A_324 = arith.fptosi %reduce_sum3A_323 : f32 to i32
    %eq3A_325 = arith.constant 14 : i32
    %eq3A_326 = vector.broadcast %eq3A_325 : i32 to vector<128x128xi32>
    %eq3A_327 = arith.cmpi eq, %concatenate3A, %eq3A_326 : vector<128x128xi32>
    %convert_element_type3A_328 = arith.extui %eq3A_327 : vector<128x128xi1> to vector<128x128xi32>
    %convert_element_type3A_329 = arith.sitofp %convert_element_type3A_328 : vector<128x128xi32> to vector<128x128xf32>
    %dot_general3A_330 = arith.constant dense<0.000000e+00> : vector<128x128xf32>
    %dot_general3A_331 = tpu.matmul %convert_element_type3A_329, %convert_element_type3A_6, %dot_general3A_330 {dimension_numbers = #tpu.dot_dimension_numbers<[1], [0], [0], [1], [0, 0, 1, 1], [], []>, transpose_lhs_hint = false} : vector<128x128xf32>, vector<128x128xf32>, vector<128x128xf32> -> vector<128x128xf32>
    %slice3A_332 = vector.extract_strided_slice %dot_general3A_331 {offsets = [0, 127], sizes = [128, 1], strides = [1, 1]} : vector<128x128xf32> to vector<128x1xf32>
    %dot_general3A_333 = arith.constant dense<0.000000e+00> : vector<128x1xf32>
    %dot_general3A_334 = tpu.matmul %convert_element_type3A_8, %slice3A_332, %dot_general3A_333 {dimension_numbers = #tpu.dot_dimension_numbers<[1], [0], [0], [1], [0, 0, 1, 1], [], []>, transpose_lhs_hint = false} : vector<128x128xf32>, vector<128x1xf32>, vector<128x1xf32> -> vector<128x1xf32>
    %add3A_335 = vector.broadcast %dot_general3A_334 : vector<128x1xf32> to vector<128x128xf32>
    %add3A_336 = arith.addf %add3A_335, %dot_general3A_331 : vector<128x128xf32>
    %convert_element_type3A_337 = arith.fptosi %add3A_336 : vector<128x128xf32> to vector<128x128xi32>
    %sub3A_338 = arith.constant 1 : i32
    %sub3A_339 = vector.broadcast %sub3A_338 : i32 to vector<128x128xi32>
    %sub3A_340 = arith.subi %convert_element_type3A_337, %sub3A_339 : vector<128x128xi32>
    %convert_element_type3A_341 = arith.fptosi %convert_element_type3A_329 : vector<128x128xf32> to vector<128x128xi32>
    %reduce_sum3A_342 = vector.shape_cast %slice3A_332 : vector<128x1xf32> to vector<1x128x1xf32>
    %reduce_sum3A_343 = arith.constant dense<0.000000e+00> : vector<1xf32>
    %reduce_sum3A_344 = vector.multi_reduction <add>, %reduce_sum3A_342, %reduce_sum3A_343 [1, 2] : vector<1x128x1xf32> to vector<1xf32>
    %reduce_sum3A_345 = vector.shape_cast %reduce_sum3A_344 : vector<1xf32> to vector<1x1x1xf32>
    %reduce_sum3A_346 = vector.extract %reduce_sum3A_345[0, 0, 0] : f32 from vector<1x1x1xf32>
    %convert_element_type3A_347 = arith.fptosi %reduce_sum3A_346 : f32 to i32
    %eq3A_348 = arith.constant 15 : i32
    %eq3A_349 = vector.broadcast %eq3A_348 : i32 to vector<128x128xi32>
    %eq3A_350 = arith.cmpi eq, %concatenate3A, %eq3A_349 : vector<128x128xi32>
    %convert_element_type3A_351 = arith.extui %eq3A_350 : vector<128x128xi1> to vector<128x128xi32>
    %convert_element_type3A_352 = arith.sitofp %convert_element_type3A_351 : vector<128x128xi32> to vector<128x128xf32>
    %dot_general3A_353 = arith.constant dense<0.000000e+00> : vector<128x128xf32>
    %dot_general3A_354 = tpu.matmul %convert_element_type3A_352, %convert_element_type3A_6, %dot_general3A_353 {dimension_numbers = #tpu.dot_dimension_numbers<[1], [0], [0], [1], [0, 0, 1, 1], [], []>, transpose_lhs_hint = false} : vector<128x128xf32>, vector<128x128xf32>, vector<128x128xf32> -> vector<128x128xf32>
    %slice3A_355 = vector.extract_strided_slice %dot_general3A_354 {offsets = [0, 127], sizes = [128, 1], strides = [1, 1]} : vector<128x128xf32> to vector<128x1xf32>
    %dot_general3A_356 = arith.constant dense<0.000000e+00> : vector<128x1xf32>
    %dot_general3A_357 = tpu.matmul %convert_element_type3A_8, %slice3A_355, %dot_general3A_356 {dimension_numbers = #tpu.dot_dimension_numbers<[1], [0], [0], [1], [0, 0, 1, 1], [], []>, transpose_lhs_hint = false} : vector<128x128xf32>, vector<128x1xf32>, vector<128x1xf32> -> vector<128x1xf32>
    %add3A_358 = vector.broadcast %dot_general3A_357 : vector<128x1xf32> to vector<128x128xf32>
    %add3A_359 = arith.addf %add3A_358, %dot_general3A_354 : vector<128x128xf32>
    %convert_element_type3A_360 = arith.fptosi %add3A_359 : vector<128x128xf32> to vector<128x128xi32>
    %sub3A_361 = arith.constant 1 : i32
    %sub3A_362 = vector.broadcast %sub3A_361 : i32 to vector<128x128xi32>
    %sub3A_363 = arith.subi %convert_element_type3A_360, %sub3A_362 : vector<128x128xi32>
    %convert_element_type3A_364 = arith.fptosi %convert_element_type3A_352 : vector<128x128xf32> to vector<128x128xi32>
    %broadcast_in_dim3A = arith.constant 0 : i32
    %broadcast_in_dim3A_365 = vector.broadcast %broadcast_in_dim3A : i32 to vector<128x128xi32>
    %mul3A = arith.constant 0 : i32
    %mul3A_366 = arith.constant 256 : i32
    %mul3A_367 = arith.muli %mul3A, %mul3A_366 : i32
    %add3A_368 = vector.broadcast %mul3A_367 : i32 to vector<128x128xi32>
    %add3A_369 = arith.addi %add3A_368, %sub3A_19 : vector<128x128xi32>
    %mul3A_370 = arith.muli %convert_element_type3A_20, %add3A_369 : vector<128x128xi32>
    %add3A_371 = arith.addi %broadcast_in_dim3A_365, %mul3A_370 : vector<128x128xi32>
    %add3A_372 = arith.constant 255 : i32
    %add3A_373 = arith.addi %convert_element_type3A_25, %add3A_372 : i32
    %jit3A = arith.constant 256 : i32
    %div3A = arith.divsi %add3A_373, %jit3A : i32
    %sign3A = arith.constant 0 : i32
    %sign3A_374 = arith.cmpi sgt, %add3A_373, %sign3A : i32
    %sign3A_375 = arith.extui %sign3A_374 : i1 to i32
    %sign3A_376 = arith.constant 0 : i32
    %sign3A_377 = arith.cmpi slt, %add3A_373, %sign3A_376 : i32
    %sign3A_378 = arith.extui %sign3A_377 : i1 to i32
    %sign3A_379 = arith.subi %sign3A_375, %sign3A_378 : i32
    %sign3A_380 = arith.constant 0 : i32
    %sign3A_381 = arith.cmpi sgt, %jit3A, %sign3A_380 : i32
    %sign3A_382 = arith.extui %sign3A_381 : i1 to i32
    %sign3A_383 = arith.constant 0 : i32
    %sign3A_384 = arith.cmpi slt, %jit3A, %sign3A_383 : i32
    %sign3A_385 = arith.extui %sign3A_384 : i1 to i32
    %sign3A_386 = arith.subi %sign3A_382, %sign3A_385 : i32
    %ne3A = arith.cmpi ne, %sign3A_379, %sign3A_386 : i32
    %rem3A = arith.remsi %add3A_373, %jit3A : i32
    %ne3A_387 = arith.constant 0 : i32
    %ne3A_388 = arith.cmpi ne, %rem3A, %ne3A_387 : i32
    %and3A = arith.andi %ne3A, %ne3A_388 : i1
    %sub3A_389 = arith.constant 1 : i32
    %sub3A_390 = arith.subi %div3A, %sub3A_389 : i32
    %select_n3A = arith.select %and3A, %sub3A_390, %div3A : i32
    %add3A_391 = arith.constant 0 : i32
    %add3A_392 = arith.addi %add3A_391, %select_n3A : i32
    %mul3A_393 = arith.constant 256 : i32
    %mul3A_394 = arith.muli %add3A_392, %mul3A_393 : i32
    %add3A_395 = vector.broadcast %mul3A_394 : i32 to vector<128x128xi32>
    %add3A_396 = arith.addi %add3A_395, %sub3A_41 : vector<128x128xi32>
    %mul3A_397 = arith.muli %convert_element_type3A_42, %add3A_396 : vector<128x128xi32>
    %add3A_398 = arith.addi %add3A_371, %mul3A_397 : vector<128x128xi32>
    %add3A_399 = arith.constant 255 : i32
    %add3A_400 = arith.addi %convert_element_type3A_48, %add3A_399 : i32
    %jit3A_401 = arith.constant 256 : i32
    %div3A_402 = arith.divsi %add3A_400, %jit3A_401 : i32
    %sign3A_403 = arith.constant 0 : i32
    %sign3A_404 = arith.cmpi sgt, %add3A_400, %sign3A_403 : i32
    %sign3A_405 = arith.extui %sign3A_404 : i1 to i32
    %sign3A_406 = arith.constant 0 : i32
    %sign3A_407 = arith.cmpi slt, %add3A_400, %sign3A_406 : i32
    %sign3A_408 = arith.extui %sign3A_407 : i1 to i32
    %sign3A_409 = arith.subi %sign3A_405, %sign3A_408 : i32
    %sign3A_410 = arith.constant 0 : i32
    %sign3A_411 = arith.cmpi sgt, %jit3A_401, %sign3A_410 : i32
    %sign3A_412 = arith.extui %sign3A_411 : i1 to i32
    %sign3A_413 = arith.constant 0 : i32
    %sign3A_414 = arith.cmpi slt, %jit3A_401, %sign3A_413 : i32
    %sign3A_415 = arith.extui %sign3A_414 : i1 to i32
    %sign3A_416 = arith.subi %sign3A_412, %sign3A_415 : i32
    %ne3A_417 = arith.cmpi ne, %sign3A_409, %sign3A_416 : i32
    %rem3A_418 = arith.remsi %add3A_400, %jit3A_401 : i32
    %ne3A_419 = arith.constant 0 : i32
    %ne3A_420 = arith.cmpi ne, %rem3A_418, %ne3A_419 : i32
    %and3A_421 = arith.andi %ne3A_417, %ne3A_420 : i1
    %sub3A_422 = arith.constant 1 : i32
    %sub3A_423 = arith.subi %div3A_402, %sub3A_422 : i32
    %select_n3A_424 = arith.select %and3A_421, %sub3A_423, %div3A_402 : i32
    %add3A_425 = arith.addi %add3A_392, %select_n3A_424 : i32
    %mul3A_426 = arith.constant 256 : i32
    %mul3A_427 = arith.muli %add3A_425, %mul3A_426 : i32
    %add3A_428 = vector.broadcast %mul3A_427 : i32 to vector<128x128xi32>
    %add3A_429 = arith.addi %add3A_428, %sub3A_64 : vector<128x128xi32>
    %mul3A_430 = arith.muli %convert_element_type3A_65, %add3A_429 : vector<128x128xi32>
    %add3A_431 = arith.addi %add3A_398, %mul3A_430 : vector<128x128xi32>
    %add3A_432 = arith.constant 255 : i32
    %add3A_433 = arith.addi %convert_element_type3A_71, %add3A_432 : i32
    %jit3A_434 = arith.constant 256 : i32
    %div3A_435 = arith.divsi %add3A_433, %jit3A_434 : i32
    %sign3A_436 = arith.constant 0 : i32
    %sign3A_437 = arith.cmpi sgt, %add3A_433, %sign3A_436 : i32
    %sign3A_438 = arith.extui %sign3A_437 : i1 to i32
    %sign3A_439 = arith.constant 0 : i32
    %sign3A_440 = arith.cmpi slt, %add3A_433, %sign3A_439 : i32
    %sign3A_441 = arith.extui %sign3A_440 : i1 to i32
    %sign3A_442 = arith.subi %sign3A_438, %sign3A_441 : i32
    %sign3A_443 = arith.constant 0 : i32
    %sign3A_444 = arith.cmpi sgt, %jit3A_434, %sign3A_443 : i32
    %sign3A_445 = arith.extui %sign3A_444 : i1 to i32
    %sign3A_446 = arith.constant 0 : i32
    %sign3A_447 = arith.cmpi slt, %jit3A_434, %sign3A_446 : i32
    %sign3A_448 = arith.extui %sign3A_447 : i1 to i32
    %sign3A_449 = arith.subi %sign3A_445, %sign3A_448 : i32
    %ne3A_450 = arith.cmpi ne, %sign3A_442, %sign3A_449 : i32
    %rem3A_451 = arith.remsi %add3A_433, %jit3A_434 : i32
    %ne3A_452 = arith.constant 0 : i32
    %ne3A_453 = arith.cmpi ne, %rem3A_451, %ne3A_452 : i32
    %and3A_454 = arith.andi %ne3A_450, %ne3A_453 : i1
    %sub3A_455 = arith.constant 1 : i32
    %sub3A_456 = arith.subi %div3A_435, %sub3A_455 : i32
    %select_n3A_457 = arith.select %and3A_454, %sub3A_456, %div3A_435 : i32
    %add3A_458 = arith.addi %add3A_425, %select_n3A_457 : i32
    %mul3A_459 = arith.constant 256 : i32
    %mul3A_460 = arith.muli %add3A_458, %mul3A_459 : i32
    %add3A_461 = vector.broadcast %mul3A_460 : i32 to vector<128x128xi32>
    %add3A_462 = arith.addi %add3A_461, %sub3A_87 : vector<128x128xi32>
    %mul3A_463 = arith.muli %convert_element_type3A_88, %add3A_462 : vector<128x128xi32>
    %add3A_464 = arith.addi %add3A_431, %mul3A_463 : vector<128x128xi32>
    %add3A_465 = arith.constant 255 : i32
    %add3A_466 = arith.addi %convert_element_type3A_94, %add3A_465 : i32
    %jit3A_467 = arith.constant 256 : i32
    %div3A_468 = arith.divsi %add3A_466, %jit3A_467 : i32
    %sign3A_469 = arith.constant 0 : i32
    %sign3A_470 = arith.cmpi sgt, %add3A_466, %sign3A_469 : i32
    %sign3A_471 = arith.extui %sign3A_470 : i1 to i32
    %sign3A_472 = arith.constant 0 : i32
    %sign3A_473 = arith.cmpi slt, %add3A_466, %sign3A_472 : i32
    %sign3A_474 = arith.extui %sign3A_473 : i1 to i32
    %sign3A_475 = arith.subi %sign3A_471, %sign3A_474 : i32
    %sign3A_476 = arith.constant 0 : i32
    %sign3A_477 = arith.cmpi sgt, %jit3A_467, %sign3A_476 : i32
    %sign3A_478 = arith.extui %sign3A_477 : i1 to i32
    %sign3A_479 = arith.constant 0 : i32
    %sign3A_480 = arith.cmpi slt, %jit3A_467, %sign3A_479 : i32
    %sign3A_481 = arith.extui %sign3A_480 : i1 to i32
    %sign3A_482 = arith.subi %sign3A_478, %sign3A_481 : i32
    %ne3A_483 = arith.cmpi ne, %sign3A_475, %sign3A_482 : i32
    %rem3A_484 = arith.remsi %add3A_466, %jit3A_467 : i32
    %ne3A_485 = arith.constant 0 : i32
    %ne3A_486 = arith.cmpi ne, %rem3A_484, %ne3A_485 : i32
    %and3A_487 = arith.andi %ne3A_483, %ne3A_486 : i1
    %sub3A_488 = arith.constant 1 : i32
    %sub3A_489 = arith.subi %div3A_468, %sub3A_488 : i32
    %select_n3A_490 = arith.select %and3A_487, %sub3A_489, %div3A_468 : i32
    %add3A_491 = arith.addi %add3A_458, %select_n3A_490 : i32
    %mul3A_492 = arith.constant 256 : i32
    %mul3A_493 = arith.muli %add3A_491, %mul3A_492 : i32
    %add3A_494 = vector.broadcast %mul3A_493 : i32 to vector<128x128xi32>
    %add3A_495 = arith.addi %add3A_494, %sub3A_110 : vector<128x128xi32>
    %mul3A_496 = arith.muli %convert_element_type3A_111, %add3A_495 : vector<128x128xi32>
    %add3A_497 = arith.addi %add3A_464, %mul3A_496 : vector<128x128xi32>
    %add3A_498 = arith.constant 255 : i32
    %add3A_499 = arith.addi %convert_element_type3A_117, %add3A_498 : i32
    %jit3A_500 = arith.constant 256 : i32
    %div3A_501 = arith.divsi %add3A_499, %jit3A_500 : i32
    %sign3A_502 = arith.constant 0 : i32
    %sign3A_503 = arith.cmpi sgt, %add3A_499, %sign3A_502 : i32
    %sign3A_504 = arith.extui %sign3A_503 : i1 to i32
    %sign3A_505 = arith.constant 0 : i32
    %sign3A_506 = arith.cmpi slt, %add3A_499, %sign3A_505 : i32
    %sign3A_507 = arith.extui %sign3A_506 : i1 to i32
    %sign3A_508 = arith.subi %sign3A_504, %sign3A_507 : i32
    %sign3A_509 = arith.constant 0 : i32
    %sign3A_510 = arith.cmpi sgt, %jit3A_500, %sign3A_509 : i32
    %sign3A_511 = arith.extui %sign3A_510 : i1 to i32
    %sign3A_512 = arith.constant 0 : i32
    %sign3A_513 = arith.cmpi slt, %jit3A_500, %sign3A_512 : i32
    %sign3A_514 = arith.extui %sign3A_513 : i1 to i32
    %sign3A_515 = arith.subi %sign3A_511, %sign3A_514 : i32
    %ne3A_516 = arith.cmpi ne, %sign3A_508, %sign3A_515 : i32
    %rem3A_517 = arith.remsi %add3A_499, %jit3A_500 : i32
    %ne3A_518 = arith.constant 0 : i32
    %ne3A_519 = arith.cmpi ne, %rem3A_517, %ne3A_518 : i32
    %and3A_520 = arith.andi %ne3A_516, %ne3A_519 : i1
    %sub3A_521 = arith.constant 1 : i32
    %sub3A_522 = arith.subi %div3A_501, %sub3A_521 : i32
    %select_n3A_523 = arith.select %and3A_520, %sub3A_522, %div3A_501 : i32
    %add3A_524 = arith.addi %add3A_491, %select_n3A_523 : i32
    %mul3A_525 = arith.constant 256 : i32
    %mul3A_526 = arith.muli %add3A_524, %mul3A_525 : i32
    %add3A_527 = vector.broadcast %mul3A_526 : i32 to vector<128x128xi32>
    %add3A_528 = arith.addi %add3A_527, %sub3A_133 : vector<128x128xi32>
    %mul3A_529 = arith.muli %convert_element_type3A_134, %add3A_528 : vector<128x128xi32>
    %add3A_530 = arith.addi %add3A_497, %mul3A_529 : vector<128x128xi32>
    %add3A_531 = arith.constant 255 : i32
    %add3A_532 = arith.addi %convert_element_type3A_140, %add3A_531 : i32
    %jit3A_533 = arith.constant 256 : i32
    %div3A_534 = arith.divsi %add3A_532, %jit3A_533 : i32
    %sign3A_535 = arith.constant 0 : i32
    %sign3A_536 = arith.cmpi sgt, %add3A_532, %sign3A_535 : i32
    %sign3A_537 = arith.extui %sign3A_536 : i1 to i32
    %sign3A_538 = arith.constant 0 : i32
    %sign3A_539 = arith.cmpi slt, %add3A_532, %sign3A_538 : i32
    %sign3A_540 = arith.extui %sign3A_539 : i1 to i32
    %sign3A_541 = arith.subi %sign3A_537, %sign3A_540 : i32
    %sign3A_542 = arith.constant 0 : i32
    %sign3A_543 = arith.cmpi sgt, %jit3A_533, %sign3A_542 : i32
    %sign3A_544 = arith.extui %sign3A_543 : i1 to i32
    %sign3A_545 = arith.constant 0 : i32
    %sign3A_546 = arith.cmpi slt, %jit3A_533, %sign3A_545 : i32
    %sign3A_547 = arith.extui %sign3A_546 : i1 to i32
    %sign3A_548 = arith.subi %sign3A_544, %sign3A_547 : i32
    %ne3A_549 = arith.cmpi ne, %sign3A_541, %sign3A_548 : i32
    %rem3A_550 = arith.remsi %add3A_532, %jit3A_533 : i32
    %ne3A_551 = arith.constant 0 : i32
    %ne3A_552 = arith.cmpi ne, %rem3A_550, %ne3A_551 : i32
    %and3A_553 = arith.andi %ne3A_549, %ne3A_552 : i1
    %sub3A_554 = arith.constant 1 : i32
    %sub3A_555 = arith.subi %div3A_534, %sub3A_554 : i32
    %select_n3A_556 = arith.select %and3A_553, %sub3A_555, %div3A_534 : i32
    %add3A_557 = arith.addi %add3A_524, %select_n3A_556 : i32
    %mul3A_558 = arith.constant 256 : i32
    %mul3A_559 = arith.muli %add3A_557, %mul3A_558 : i32
    %add3A_560 = vector.broadcast %mul3A_559 : i32 to vector<128x128xi32>
    %add3A_561 = arith.addi %add3A_560, %sub3A_156 : vector<128x128xi32>
    %mul3A_562 = arith.muli %convert_element_type3A_157, %add3A_561 : vector<128x128xi32>
    %add3A_563 = arith.addi %add3A_530, %mul3A_562 : vector<128x128xi32>
    %add3A_564 = arith.constant 255 : i32
    %add3A_565 = arith.addi %convert_element_type3A_163, %add3A_564 : i32
    %jit3A_566 = arith.constant 256 : i32
    %div3A_567 = arith.divsi %add3A_565, %jit3A_566 : i32
    %sign3A_568 = arith.constant 0 : i32
    %sign3A_569 = arith.cmpi sgt, %add3A_565, %sign3A_568 : i32
    %sign3A_570 = arith.extui %sign3A_569 : i1 to i32
    %sign3A_571 = arith.constant 0 : i32
    %sign3A_572 = arith.cmpi slt, %add3A_565, %sign3A_571 : i32
    %sign3A_573 = arith.extui %sign3A_572 : i1 to i32
    %sign3A_574 = arith.subi %sign3A_570, %sign3A_573 : i32
    %sign3A_575 = arith.constant 0 : i32
    %sign3A_576 = arith.cmpi sgt, %jit3A_566, %sign3A_575 : i32
    %sign3A_577 = arith.extui %sign3A_576 : i1 to i32
    %sign3A_578 = arith.constant 0 : i32
    %sign3A_579 = arith.cmpi slt, %jit3A_566, %sign3A_578 : i32
    %sign3A_580 = arith.extui %sign3A_579 : i1 to i32
    %sign3A_581 = arith.subi %sign3A_577, %sign3A_580 : i32
    %ne3A_582 = arith.cmpi ne, %sign3A_574, %sign3A_581 : i32
    %rem3A_583 = arith.remsi %add3A_565, %jit3A_566 : i32
    %ne3A_584 = arith.constant 0 : i32
    %ne3A_585 = arith.cmpi ne, %rem3A_583, %ne3A_584 : i32
    %and3A_586 = arith.andi %ne3A_582, %ne3A_585 : i1
    %sub3A_587 = arith.constant 1 : i32
    %sub3A_588 = arith.subi %div3A_567, %sub3A_587 : i32
    %select_n3A_589 = arith.select %and3A_586, %sub3A_588, %div3A_567 : i32
    %add3A_590 = arith.addi %add3A_557, %select_n3A_589 : i32
    %mul3A_591 = arith.constant 256 : i32
    %mul3A_592 = arith.muli %add3A_590, %mul3A_591 : i32
    %add3A_593 = vector.broadcast %mul3A_592 : i32 to vector<128x128xi32>
    %add3A_594 = arith.addi %add3A_593, %sub3A_179 : vector<128x128xi32>
    %mul3A_595 = arith.muli %convert_element_type3A_180, %add3A_594 : vector<128x128xi32>
    %add3A_596 = arith.addi %add3A_563, %mul3A_595 : vector<128x128xi32>
    %add3A_597 = arith.constant 255 : i32
    %add3A_598 = arith.addi %convert_element_type3A_186, %add3A_597 : i32
    %jit3A_599 = arith.constant 256 : i32
    %div3A_600 = arith.divsi %add3A_598, %jit3A_599 : i32
    %sign3A_601 = arith.constant 0 : i32
    %sign3A_602 = arith.cmpi sgt, %add3A_598, %sign3A_601 : i32
    %sign3A_603 = arith.extui %sign3A_602 : i1 to i32
    %sign3A_604 = arith.constant 0 : i32
    %sign3A_605 = arith.cmpi slt, %add3A_598, %sign3A_604 : i32
    %sign3A_606 = arith.extui %sign3A_605 : i1 to i32
    %sign3A_607 = arith.subi %sign3A_603, %sign3A_606 : i32
    %sign3A_608 = arith.constant 0 : i32
    %sign3A_609 = arith.cmpi sgt, %jit3A_599, %sign3A_608 : i32
    %sign3A_610 = arith.extui %sign3A_609 : i1 to i32
    %sign3A_611 = arith.constant 0 : i32
    %sign3A_612 = arith.cmpi slt, %jit3A_599, %sign3A_611 : i32
    %sign3A_613 = arith.extui %sign3A_612 : i1 to i32
    %sign3A_614 = arith.subi %sign3A_610, %sign3A_613 : i32
    %ne3A_615 = arith.cmpi ne, %sign3A_607, %sign3A_614 : i32
    %rem3A_616 = arith.remsi %add3A_598, %jit3A_599 : i32
    %ne3A_617 = arith.constant 0 : i32
    %ne3A_618 = arith.cmpi ne, %rem3A_616, %ne3A_617 : i32
    %and3A_619 = arith.andi %ne3A_615, %ne3A_618 : i1
    %sub3A_620 = arith.constant 1 : i32
    %sub3A_621 = arith.subi %div3A_600, %sub3A_620 : i32
    %select_n3A_622 = arith.select %and3A_619, %sub3A_621, %div3A_600 : i32
    %add3A_623 = arith.addi %add3A_590, %select_n3A_622 : i32
    %mul3A_624 = arith.constant 256 : i32
    %mul3A_625 = arith.muli %add3A_623, %mul3A_624 : i32
    %add3A_626 = vector.broadcast %mul3A_625 : i32 to vector<128x128xi32>
    %add3A_627 = arith.addi %add3A_626, %sub3A_202 : vector<128x128xi32>
    %mul3A_628 = arith.muli %convert_element_type3A_203, %add3A_627 : vector<128x128xi32>
    %add3A_629 = arith.addi %add3A_596, %mul3A_628 : vector<128x128xi32>
    %add3A_630 = arith.constant 255 : i32
    %add3A_631 = arith.addi %convert_element_type3A_209, %add3A_630 : i32
    %jit3A_632 = arith.constant 256 : i32
    %div3A_633 = arith.divsi %add3A_631, %jit3A_632 : i32
    %sign3A_634 = arith.constant 0 : i32
    %sign3A_635 = arith.cmpi sgt, %add3A_631, %sign3A_634 : i32
    %sign3A_636 = arith.extui %sign3A_635 : i1 to i32
    %sign3A_637 = arith.constant 0 : i32
    %sign3A_638 = arith.cmpi slt, %add3A_631, %sign3A_637 : i32
    %sign3A_639 = arith.extui %sign3A_638 : i1 to i32
    %sign3A_640 = arith.subi %sign3A_636, %sign3A_639 : i32
    %sign3A_641 = arith.constant 0 : i32
    %sign3A_642 = arith.cmpi sgt, %jit3A_632, %sign3A_641 : i32
    %sign3A_643 = arith.extui %sign3A_642 : i1 to i32
    %sign3A_644 = arith.constant 0 : i32
    %sign3A_645 = arith.cmpi slt, %jit3A_632, %sign3A_644 : i32
    %sign3A_646 = arith.extui %sign3A_645 : i1 to i32
    %sign3A_647 = arith.subi %sign3A_643, %sign3A_646 : i32
    %ne3A_648 = arith.cmpi ne, %sign3A_640, %sign3A_647 : i32
    %rem3A_649 = arith.remsi %add3A_631, %jit3A_632 : i32
    %ne3A_650 = arith.constant 0 : i32
    %ne3A_651 = arith.cmpi ne, %rem3A_649, %ne3A_650 : i32
    %and3A_652 = arith.andi %ne3A_648, %ne3A_651 : i1
    %sub3A_653 = arith.constant 1 : i32
    %sub3A_654 = arith.subi %div3A_633, %sub3A_653 : i32
    %select_n3A_655 = arith.select %and3A_652, %sub3A_654, %div3A_633 : i32
    %add3A_656 = arith.addi %add3A_623, %select_n3A_655 : i32
    %mul3A_657 = arith.constant 256 : i32
    %mul3A_658 = arith.muli %add3A_656, %mul3A_657 : i32
    %add3A_659 = vector.broadcast %mul3A_658 : i32 to vector<128x128xi32>
    %add3A_660 = arith.addi %add3A_659, %sub3A_225 : vector<128x128xi32>
    %mul3A_661 = arith.muli %convert_element_type3A_226, %add3A_660 : vector<128x128xi32>
    %add3A_662 = arith.addi %add3A_629, %mul3A_661 : vector<128x128xi32>
    %add3A_663 = arith.constant 255 : i32
    %add3A_664 = arith.addi %convert_element_type3A_232, %add3A_663 : i32
    %jit3A_665 = arith.constant 256 : i32
    %div3A_666 = arith.divsi %add3A_664, %jit3A_665 : i32
    %sign3A_667 = arith.constant 0 : i32
    %sign3A_668 = arith.cmpi sgt, %add3A_664, %sign3A_667 : i32
    %sign3A_669 = arith.extui %sign3A_668 : i1 to i32
    %sign3A_670 = arith.constant 0 : i32
    %sign3A_671 = arith.cmpi slt, %add3A_664, %sign3A_670 : i32
    %sign3A_672 = arith.extui %sign3A_671 : i1 to i32
    %sign3A_673 = arith.subi %sign3A_669, %sign3A_672 : i32
    %sign3A_674 = arith.constant 0 : i32
    %sign3A_675 = arith.cmpi sgt, %jit3A_665, %sign3A_674 : i32
    %sign3A_676 = arith.extui %sign3A_675 : i1 to i32
    %sign3A_677 = arith.constant 0 : i32
    %sign3A_678 = arith.cmpi slt, %jit3A_665, %sign3A_677 : i32
    %sign3A_679 = arith.extui %sign3A_678 : i1 to i32
    %sign3A_680 = arith.subi %sign3A_676, %sign3A_679 : i32
    %ne3A_681 = arith.cmpi ne, %sign3A_673, %sign3A_680 : i32
    %rem3A_682 = arith.remsi %add3A_664, %jit3A_665 : i32
    %ne3A_683 = arith.constant 0 : i32
    %ne3A_684 = arith.cmpi ne, %rem3A_682, %ne3A_683 : i32
    %and3A_685 = arith.andi %ne3A_681, %ne3A_684 : i1
    %sub3A_686 = arith.constant 1 : i32
    %sub3A_687 = arith.subi %div3A_666, %sub3A_686 : i32
    %select_n3A_688 = arith.select %and3A_685, %sub3A_687, %div3A_666 : i32
    %add3A_689 = arith.addi %add3A_656, %select_n3A_688 : i32
    %mul3A_690 = arith.constant 256 : i32
    %mul3A_691 = arith.muli %add3A_689, %mul3A_690 : i32
    %add3A_692 = vector.broadcast %mul3A_691 : i32 to vector<128x128xi32>
    %add3A_693 = arith.addi %add3A_692, %sub3A_248 : vector<128x128xi32>
    %mul3A_694 = arith.muli %convert_element_type3A_249, %add3A_693 : vector<128x128xi32>
    %add3A_695 = arith.addi %add3A_662, %mul3A_694 : vector<128x128xi32>
    %add3A_696 = arith.constant 255 : i32
    %add3A_697 = arith.addi %convert_element_type3A_255, %add3A_696 : i32
    %jit3A_698 = arith.constant 256 : i32
    %div3A_699 = arith.divsi %add3A_697, %jit3A_698 : i32
    %sign3A_700 = arith.constant 0 : i32
    %sign3A_701 = arith.cmpi sgt, %add3A_697, %sign3A_700 : i32
    %sign3A_702 = arith.extui %sign3A_701 : i1 to i32
    %sign3A_703 = arith.constant 0 : i32
    %sign3A_704 = arith.cmpi slt, %add3A_697, %sign3A_703 : i32
    %sign3A_705 = arith.extui %sign3A_704 : i1 to i32
    %sign3A_706 = arith.subi %sign3A_702, %sign3A_705 : i32
    %sign3A_707 = arith.constant 0 : i32
    %sign3A_708 = arith.cmpi sgt, %jit3A_698, %sign3A_707 : i32
    %sign3A_709 = arith.extui %sign3A_708 : i1 to i32
    %sign3A_710 = arith.constant 0 : i32
    %sign3A_711 = arith.cmpi slt, %jit3A_698, %sign3A_710 : i32
    %sign3A_712 = arith.extui %sign3A_711 : i1 to i32
    %sign3A_713 = arith.subi %sign3A_709, %sign3A_712 : i32
    %ne3A_714 = arith.cmpi ne, %sign3A_706, %sign3A_713 : i32
    %rem3A_715 = arith.remsi %add3A_697, %jit3A_698 : i32
    %ne3A_716 = arith.constant 0 : i32
    %ne3A_717 = arith.cmpi ne, %rem3A_715, %ne3A_716 : i32
    %and3A_718 = arith.andi %ne3A_714, %ne3A_717 : i1
    %sub3A_719 = arith.constant 1 : i32
    %sub3A_720 = arith.subi %div3A_699, %sub3A_719 : i32
    %select_n3A_721 = arith.select %and3A_718, %sub3A_720, %div3A_699 : i32
    %add3A_722 = arith.addi %add3A_689, %select_n3A_721 : i32
    %mul3A_723 = arith.constant 256 : i32
    %mul3A_724 = arith.muli %add3A_722, %mul3A_723 : i32
    %add3A_725 = vector.broadcast %mul3A_724 : i32 to vector<128x128xi32>
    %add3A_726 = arith.addi %add3A_725, %sub3A_271 : vector<128x128xi32>
    %mul3A_727 = arith.muli %convert_element_type3A_272, %add3A_726 : vector<128x128xi32>
    %add3A_728 = arith.addi %add3A_695, %mul3A_727 : vector<128x128xi32>
    %add3A_729 = arith.constant 255 : i32
    %add3A_730 = arith.addi %convert_element_type3A_278, %add3A_729 : i32
    %jit3A_731 = arith.constant 256 : i32
    %div3A_732 = arith.divsi %add3A_730, %jit3A_731 : i32
    %sign3A_733 = arith.constant 0 : i32
    %sign3A_734 = arith.cmpi sgt, %add3A_730, %sign3A_733 : i32
    %sign3A_735 = arith.extui %sign3A_734 : i1 to i32
    %sign3A_736 = arith.constant 0 : i32
    %sign3A_737 = arith.cmpi slt, %add3A_730, %sign3A_736 : i32
    %sign3A_738 = arith.extui %sign3A_737 : i1 to i32
    %sign3A_739 = arith.subi %sign3A_735, %sign3A_738 : i32
    %sign3A_740 = arith.constant 0 : i32
    %sign3A_741 = arith.cmpi sgt, %jit3A_731, %sign3A_740 : i32
    %sign3A_742 = arith.extui %sign3A_741 : i1 to i32
    %sign3A_743 = arith.constant 0 : i32
    %sign3A_744 = arith.cmpi slt, %jit3A_731, %sign3A_743 : i32
    %sign3A_745 = arith.extui %sign3A_744 : i1 to i32
    %sign3A_746 = arith.subi %sign3A_742, %sign3A_745 : i32
    %ne3A_747 = arith.cmpi ne, %sign3A_739, %sign3A_746 : i32
    %rem3A_748 = arith.remsi %add3A_730, %jit3A_731 : i32
    %ne3A_749 = arith.constant 0 : i32
    %ne3A_750 = arith.cmpi ne, %rem3A_748, %ne3A_749 : i32
    %and3A_751 = arith.andi %ne3A_747, %ne3A_750 : i1
    %sub3A_752 = arith.constant 1 : i32
    %sub3A_753 = arith.subi %div3A_732, %sub3A_752 : i32
    %select_n3A_754 = arith.select %and3A_751, %sub3A_753, %div3A_732 : i32
    %add3A_755 = arith.addi %add3A_722, %select_n3A_754 : i32
    %mul3A_756 = arith.constant 256 : i32
    %mul3A_757 = arith.muli %add3A_755, %mul3A_756 : i32
    %add3A_758 = vector.broadcast %mul3A_757 : i32 to vector<128x128xi32>
    %add3A_759 = arith.addi %add3A_758, %sub3A_294 : vector<128x128xi32>
    %mul3A_760 = arith.muli %convert_element_type3A_295, %add3A_759 : vector<128x128xi32>
    %add3A_761 = arith.addi %add3A_728, %mul3A_760 : vector<128x128xi32>
    %add3A_762 = arith.constant 255 : i32
    %add3A_763 = arith.addi %convert_element_type3A_301, %add3A_762 : i32
    %jit3A_764 = arith.constant 256 : i32
    %div3A_765 = arith.divsi %add3A_763, %jit3A_764 : i32
    %sign3A_766 = arith.constant 0 : i32
    %sign3A_767 = arith.cmpi sgt, %add3A_763, %sign3A_766 : i32
    %sign3A_768 = arith.extui %sign3A_767 : i1 to i32
    %sign3A_769 = arith.constant 0 : i32
    %sign3A_770 = arith.cmpi slt, %add3A_763, %sign3A_769 : i32
    %sign3A_771 = arith.extui %sign3A_770 : i1 to i32
    %sign3A_772 = arith.subi %sign3A_768, %sign3A_771 : i32
    %sign3A_773 = arith.constant 0 : i32
    %sign3A_774 = arith.cmpi sgt, %jit3A_764, %sign3A_773 : i32
    %sign3A_775 = arith.extui %sign3A_774 : i1 to i32
    %sign3A_776 = arith.constant 0 : i32
    %sign3A_777 = arith.cmpi slt, %jit3A_764, %sign3A_776 : i32
    %sign3A_778 = arith.extui %sign3A_777 : i1 to i32
    %sign3A_779 = arith.subi %sign3A_775, %sign3A_778 : i32
    %ne3A_780 = arith.cmpi ne, %sign3A_772, %sign3A_779 : i32
    %rem3A_781 = arith.remsi %add3A_763, %jit3A_764 : i32
    %ne3A_782 = arith.constant 0 : i32
    %ne3A_783 = arith.cmpi ne, %rem3A_781, %ne3A_782 : i32
    %and3A_784 = arith.andi %ne3A_780, %ne3A_783 : i1
    %sub3A_785 = arith.constant 1 : i32
    %sub3A_786 = arith.subi %div3A_765, %sub3A_785 : i32
    %select_n3A_787 = arith.select %and3A_784, %sub3A_786, %div3A_765 : i32
    %add3A_788 = arith.addi %add3A_755, %select_n3A_787 : i32
    %mul3A_789 = arith.constant 256 : i32
    %mul3A_790 = arith.muli %add3A_788, %mul3A_789 : i32
    %add3A_791 = vector.broadcast %mul3A_790 : i32 to vector<128x128xi32>
    %add3A_792 = arith.addi %add3A_791, %sub3A_317 : vector<128x128xi32>
    %mul3A_793 = arith.muli %convert_element_type3A_318, %add3A_792 : vector<128x128xi32>
    %add3A_794 = arith.addi %add3A_761, %mul3A_793 : vector<128x128xi32>
    %add3A_795 = arith.constant 255 : i32
    %add3A_796 = arith.addi %convert_element_type3A_324, %add3A_795 : i32
    %jit3A_797 = arith.constant 256 : i32
    %div3A_798 = arith.divsi %add3A_796, %jit3A_797 : i32
    %sign3A_799 = arith.constant 0 : i32
    %sign3A_800 = arith.cmpi sgt, %add3A_796, %sign3A_799 : i32
    %sign3A_801 = arith.extui %sign3A_800 : i1 to i32
    %sign3A_802 = arith.constant 0 : i32
    %sign3A_803 = arith.cmpi slt, %add3A_796, %sign3A_802 : i32
    %sign3A_804 = arith.extui %sign3A_803 : i1 to i32
    %sign3A_805 = arith.subi %sign3A_801, %sign3A_804 : i32
    %sign3A_806 = arith.constant 0 : i32
    %sign3A_807 = arith.cmpi sgt, %jit3A_797, %sign3A_806 : i32
    %sign3A_808 = arith.extui %sign3A_807 : i1 to i32
    %sign3A_809 = arith.constant 0 : i32
    %sign3A_810 = arith.cmpi slt, %jit3A_797, %sign3A_809 : i32
    %sign3A_811 = arith.extui %sign3A_810 : i1 to i32
    %sign3A_812 = arith.subi %sign3A_808, %sign3A_811 : i32
    %ne3A_813 = arith.cmpi ne, %sign3A_805, %sign3A_812 : i32
    %rem3A_814 = arith.remsi %add3A_796, %jit3A_797 : i32
    %ne3A_815 = arith.constant 0 : i32
    %ne3A_816 = arith.cmpi ne, %rem3A_814, %ne3A_815 : i32
    %and3A_817 = arith.andi %ne3A_813, %ne3A_816 : i1
    %sub3A_818 = arith.constant 1 : i32
    %sub3A_819 = arith.subi %div3A_798, %sub3A_818 : i32
    %select_n3A_820 = arith.select %and3A_817, %sub3A_819, %div3A_798 : i32
    %add3A_821 = arith.addi %add3A_788, %select_n3A_820 : i32
    %mul3A_822 = arith.constant 256 : i32
    %mul3A_823 = arith.muli %add3A_821, %mul3A_822 : i32
    %add3A_824 = vector.broadcast %mul3A_823 : i32 to vector<128x128xi32>
    %add3A_825 = arith.addi %add3A_824, %sub3A_340 : vector<128x128xi32>
    %mul3A_826 = arith.muli %convert_element_type3A_341, %add3A_825 : vector<128x128xi32>
    %add3A_827 = arith.addi %add3A_794, %mul3A_826 : vector<128x128xi32>
    %add3A_828 = arith.constant 255 : i32
    %add3A_829 = arith.addi %convert_element_type3A_347, %add3A_828 : i32
    %jit3A_830 = arith.constant 256 : i32
    %div3A_831 = arith.divsi %add3A_829, %jit3A_830 : i32
    %sign3A_832 = arith.constant 0 : i32
    %sign3A_833 = arith.cmpi sgt, %add3A_829, %sign3A_832 : i32
    %sign3A_834 = arith.extui %sign3A_833 : i1 to i32
    %sign3A_835 = arith.constant 0 : i32
    %sign3A_836 = arith.cmpi slt, %add3A_829, %sign3A_835 : i32
    %sign3A_837 = arith.extui %sign3A_836 : i1 to i32
    %sign3A_838 = arith.subi %sign3A_834, %sign3A_837 : i32
    %sign3A_839 = arith.constant 0 : i32
    %sign3A_840 = arith.cmpi sgt, %jit3A_830, %sign3A_839 : i32
    %sign3A_841 = arith.extui %sign3A_840 : i1 to i32
    %sign3A_842 = arith.constant 0 : i32
    %sign3A_843 = arith.cmpi slt, %jit3A_830, %sign3A_842 : i32
    %sign3A_844 = arith.extui %sign3A_843 : i1 to i32
    %sign3A_845 = arith.subi %sign3A_841, %sign3A_844 : i32
    %ne3A_846 = arith.cmpi ne, %sign3A_838, %sign3A_845 : i32
    %rem3A_847 = arith.remsi %add3A_829, %jit3A_830 : i32
    %ne3A_848 = arith.constant 0 : i32
    %ne3A_849 = arith.cmpi ne, %rem3A_847, %ne3A_848 : i32
    %and3A_850 = arith.andi %ne3A_846, %ne3A_849 : i1
    %sub3A_851 = arith.constant 1 : i32
    %sub3A_852 = arith.subi %div3A_831, %sub3A_851 : i32
    %select_n3A_853 = arith.select %and3A_850, %sub3A_852, %div3A_831 : i32
    %add3A_854 = arith.addi %add3A_821, %select_n3A_853 : i32
    %mul3A_855 = arith.constant 256 : i32
    %mul3A_856 = arith.muli %add3A_854, %mul3A_855 : i32
    %add3A_857 = vector.broadcast %mul3A_856 : i32 to vector<128x128xi32>
    %add3A_858 = arith.addi %add3A_857, %sub3A_363 : vector<128x128xi32>
    %mul3A_859 = arith.muli %convert_element_type3A_364, %add3A_858 : vector<128x128xi32>
    %add3A_860 = arith.addi %add3A_827, %mul3A_859 : vector<128x128xi32>
    %slice3A_861 = vector.extract_strided_slice %add3A_860 {offsets = [0, 0], sizes = [64, 128], strides = [1, 1]} : vector<128x128xi32> to vector<64x128xi32>
    %swap3A = arith.constant 0 : index
    %swap3A_862 = arith.constant 0 : index
    %swap3A_863 = vector.load %arg2[%swap3A, %swap3A_862] : memref<64x128xi32, #tpu.memory_space<vmem>>, vector<64x128xi32>
    tpu.vector_store %arg2[%swap3A, %swap3A_862], %slice3A_861 {strides = array<i32>} : memref<64x128xi32, #tpu.memory_space<vmem>>, vector<64x128xi32>,
    %slice3A_864 = vector.extract_strided_slice %add3A_860 {offsets = [64, 0], sizes = [64, 128], strides = [1, 1]} : vector<128x128xi32> to vector<64x128xi32>
    %swap3A_865 = arith.constant 0 : index
    %swap3A_866 = arith.constant 0 : index
    %swap3A_867 = vector.load %arg3[%swap3A_865, %swap3A_866] : memref<64x128xi32, #tpu.memory_space<vmem>>, vector<64x128xi32>
    tpu.vector_store %arg3[%swap3A_865, %swap3A_866], %slice3A_864 {strides = array<i32>} : memref<64x128xi32, #tpu.memory_space<vmem>>, vector<64x128xi32>,
    %iota3A_868 = tpu.iota {dimensions = array<i32: 1>} : vector<8x128xi32>
    %iota3A_869 = tpu.iota {dimensions = array<i32: 0>} : vector<8x128xi32>
    %mul3A_870 = arith.constant 128 : i32
    %mul3A_871 = vector.broadcast %mul3A_870 : i32 to vector<8x128xi32>
    %mul3A_872 = arith.muli %mul3A_871, %iota3A_869 : vector<8x128xi32>
    %add3A_873 = arith.addi %iota3A_868, %mul3A_872 : vector<8x128xi32>
    %broadcast_in_dim3A_874 = arith.constant 0 : i32
    %broadcast_in_dim3A_875 = vector.broadcast %broadcast_in_dim3A_874 : i32 to vector<8x128xi32>
    %ge3A = arith.constant 0 : i32
    %ge3A_876 = vector.broadcast %ge3A : i32 to vector<8x128xi32>
    %ge3A_877 = arith.cmpi sge, %add3A_873, %ge3A_876 : vector<8x128xi32>
    %convert_element_type3A_878 = arith.extui %ge3A_877 : vector<8x128xi1> to vector<8x128xi32>
    %add3A_879 = arith.addi %broadcast_in_dim3A_875, %convert_element_type3A_878 : vector<8x128xi32>
    %ge3A_880 = vector.broadcast %add3A_392 : i32 to vector<8x128xi32>
    %ge3A_881 = arith.cmpi sge, %add3A_873, %ge3A_880 : vector<8x128xi32>
    %convert_element_type3A_882 = arith.extui %ge3A_881 : vector<8x128xi1> to vector<8x128xi32>
    %add3A_883 = arith.addi %add3A_879, %convert_element_type3A_882 : vector<8x128xi32>
    %ge3A_884 = vector.broadcast %add3A_425 : i32 to vector<8x128xi32>
    %ge3A_885 = arith.cmpi sge, %add3A_873, %ge3A_884 : vector<8x128xi32>
    %convert_element_type3A_886 = arith.extui %ge3A_885 : vector<8x128xi1> to vector<8x128xi32>
    %add3A_887 = arith.addi %add3A_883, %convert_element_type3A_886 : vector<8x128xi32>
    %ge3A_888 = vector.broadcast %add3A_458 : i32 to vector<8x128xi32>
    %ge3A_889 = arith.cmpi sge, %add3A_873, %ge3A_888 : vector<8x128xi32>
    %convert_element_type3A_890 = arith.extui %ge3A_889 : vector<8x128xi1> to vector<8x128xi32>
    %add3A_891 = arith.addi %add3A_887, %convert_element_type3A_890 : vector<8x128xi32>
    %ge3A_892 = vector.broadcast %add3A_491 : i32 to vector<8x128xi32>
    %ge3A_893 = arith.cmpi sge, %add3A_873, %ge3A_892 : vector<8x128xi32>
    %convert_element_type3A_894 = arith.extui %ge3A_893 : vector<8x128xi1> to vector<8x128xi32>
    %add3A_895 = arith.addi %add3A_891, %convert_element_type3A_894 : vector<8x128xi32>
    %ge3A_896 = vector.broadcast %add3A_524 : i32 to vector<8x128xi32>
    %ge3A_897 = arith.cmpi sge, %add3A_873, %ge3A_896 : vector<8x128xi32>
    %convert_element_type3A_898 = arith.extui %ge3A_897 : vector<8x128xi1> to vector<8x128xi32>
    %add3A_899 = arith.addi %add3A_895, %convert_element_type3A_898 : vector<8x128xi32>
    %ge3A_900 = vector.broadcast %add3A_557 : i32 to vector<8x128xi32>
    %ge3A_901 = arith.cmpi sge, %add3A_873, %ge3A_900 : vector<8x128xi32>
    %convert_element_type3A_902 = arith.extui %ge3A_901 : vector<8x128xi1> to vector<8x128xi32>
    %add3A_903 = arith.addi %add3A_899, %convert_element_type3A_902 : vector<8x128xi32>
    %ge3A_904 = vector.broadcast %add3A_590 : i32 to vector<8x128xi32>
    %ge3A_905 = arith.cmpi sge, %add3A_873, %ge3A_904 : vector<8x128xi32>
    %convert_element_type3A_906 = arith.extui %ge3A_905 : vector<8x128xi1> to vector<8x128xi32>
    %add3A_907 = arith.addi %add3A_903, %convert_element_type3A_906 : vector<8x128xi32>
    %ge3A_908 = vector.broadcast %add3A_623 : i32 to vector<8x128xi32>
    %ge3A_909 = arith.cmpi sge, %add3A_873, %ge3A_908 : vector<8x128xi32>
    %convert_element_type3A_910 = arith.extui %ge3A_909 : vector<8x128xi1> to vector<8x128xi32>
    %add3A_911 = arith.addi %add3A_907, %convert_element_type3A_910 : vector<8x128xi32>
    %ge3A_912 = vector.broadcast %add3A_656 : i32 to vector<8x128xi32>
    %ge3A_913 = arith.cmpi sge, %add3A_873, %ge3A_912 : vector<8x128xi32>
    %convert_element_type3A_914 = arith.extui %ge3A_913 : vector<8x128xi1> to vector<8x128xi32>
    %add3A_915 = arith.addi %add3A_911, %convert_element_type3A_914 : vector<8x128xi32>
    %ge3A_916 = vector.broadcast %add3A_689 : i32 to vector<8x128xi32>
    %ge3A_917 = arith.cmpi sge, %add3A_873, %ge3A_916 : vector<8x128xi32>
    %convert_element_type3A_918 = arith.extui %ge3A_917 : vector<8x128xi1> to vector<8x128xi32>
    %add3A_919 = arith.addi %add3A_915, %convert_element_type3A_918 : vector<8x128xi32>
    %ge3A_920 = vector.broadcast %add3A_722 : i32 to vector<8x128xi32>
    %ge3A_921 = arith.cmpi sge, %add3A_873, %ge3A_920 : vector<8x128xi32>
    %convert_element_type3A_922 = arith.extui %ge3A_921 : vector<8x128xi1> to vector<8x128xi32>
    %add3A_923 = arith.addi %add3A_919, %convert_element_type3A_922 : vector<8x128xi32>
    %ge3A_924 = vector.broadcast %add3A_755 : i32 to vector<8x128xi32>
    %ge3A_925 = arith.cmpi sge, %add3A_873, %ge3A_924 : vector<8x128xi32>
    %convert_element_type3A_926 = arith.extui %ge3A_925 : vector<8x128xi1> to vector<8x128xi32>
    %add3A_927 = arith.addi %add3A_923, %convert_element_type3A_926 : vector<8x128xi32>
    %ge3A_928 = vector.broadcast %add3A_788 : i32 to vector<8x128xi32>
    %ge3A_929 = arith.cmpi sge, %add3A_873, %ge3A_928 : vector<8x128xi32>
    %convert_element_type3A_930 = arith.extui %ge3A_929 : vector<8x128xi1> to vector<8x128xi32>
    %add3A_931 = arith.addi %add3A_927, %convert_element_type3A_930 : vector<8x128xi32>
    %ge3A_932 = vector.broadcast %add3A_821 : i32 to vector<8x128xi32>
    %ge3A_933 = arith.cmpi sge, %add3A_873, %ge3A_932 : vector<8x128xi32>
    %convert_element_type3A_934 = arith.extui %ge3A_933 : vector<8x128xi1> to vector<8x128xi32>
    %add3A_935 = arith.addi %add3A_931, %convert_element_type3A_934 : vector<8x128xi32>
    %ge3A_936 = vector.broadcast %add3A_854 : i32 to vector<8x128xi32>
    %ge3A_937 = arith.cmpi sge, %add3A_873, %ge3A_936 : vector<8x128xi32>
    %convert_element_type3A_938 = arith.extui %ge3A_937 : vector<8x128xi1> to vector<8x128xi32>
    %add3A_939 = arith.addi %add3A_935, %convert_element_type3A_938 : vector<8x128xi32>
    %sub3A_940 = arith.constant 1 : i32
    %sub3A_941 = vector.broadcast %sub3A_940 : i32 to vector<8x128xi32>
    %sub3A_942 = arith.subi %add3A_939, %sub3A_941 : vector<8x128xi32>
    %swap3A_943 = arith.constant 0 : index
    %swap3A_944 = arith.constant 0 : index
    %swap3A_945 = vector.load %arg4[%swap3A_943, %swap3A_944] : memref<8x128xi32, #tpu.memory_space<vmem>>, vector<8x128xi32>
    tpu.vector_store %arg4[%swap3A_943, %swap3A_944], %sub3A_942 {strides = array<i32>} : memref<8x128xi32, #tpu.memory_space<vmem>>, vector<8x128xi32>,
    return
  }
}

module attributes {stable_mosaic.version = 14 : i64} {
  func.func @_gmm_body(%arg0: i32, %arg1: memref<80xi32, #tpu.memory_space<smem>>, %arg2: memref<256x1024xf32, #tpu.memory_space<vmem>>, %arg3: memref<1x1024x1024xf32, #tpu.memory_space<vmem>>, %arg4: memref<1x1x1024xf32, #tpu.memory_space<vmem>>, %arg5: memref<256x128xf32, #tpu.memory_space<vmem>>, %arg6: memref<256x1024xf32, #tpu.memory_space<vmem>>) attributes {dimension_semantics = [#tpu.dimension_semantics<arbitrary>], iteration_bounds = array<i64: 80>, scalar_prefetch = 1 : i64, scratch_operands = 0 : i64, tpu.core_type = #tpu.core_type<tc>, window_params = [{transform_indices = @transform_0, window_bounds = array<i64: 256, 1024>}, {transform_indices = @transform_1, window_bounds = array<i64: 1, 1024, 1024>}, {transform_indices = @transform_2, window_bounds = array<i64: 1, 1, 1024>}, {transform_indices = @transform_3, window_bounds = array<i64: 256, 128>}, {transform_indices = @transform_4, window_bounds = array<i64: 256, 1024>}]} {
    %get3A = arith.constant 0 : index
    %get3A_0 = arith.constant 0 : index
    %get3A_1 = vector.load %arg2[%get3A, %get3A_0] : memref<256x1024xf32, #tpu.memory_space<vmem>>, vector<256x1024xf32>
    %get3A_2 = arith.constant 0 : index
    %get3A_3 = arith.constant 0 : index
    %get3A_4 = arith.constant 0 : index
    %get3A_5 = vector.load %arg3[%get3A_2, %get3A_3, %get3A_4] : memref<1x1024x1024xf32, #tpu.memory_space<vmem>>, vector<1x1024x1024xf32>
    %get3A_6 = vector.shape_cast %get3A_5 : vector<1x1024x1024xf32> to vector<1024x1024xf32>
    %dot_general3A = arith.constant dense<0.000000e+00> : vector<256x1024xf32>
    %dot_general3A_7 = tpu.matmul %get3A_1, %get3A_6, %dot_general3A {dimension_numbers = #tpu.dot_dimension_numbers<[1], [1], [0], [0], [0, 0, 1, 0], [], []>, transpose_lhs_hint = false} : vector<256x1024xf32>, vector<1024x1024xf32>, vector<256x1024xf32> -> vector<256x1024xf32>
    %get3A_8 = arith.constant 0 : index
    %get3A_9 = arith.constant 0 : index
    %get3A_10 = arith.constant 0 : index
    %get3A_11 = vector.load %arg4[%get3A_8, %get3A_9, %get3A_10] : memref<1x1x1024xf32, #tpu.memory_space<vmem>>, vector<1x1x1024xf32>
    %get3A_12 = vector.shape_cast %get3A_11 : vector<1x1x1024xf32> to vector<1x1024xf32>
    %add3A = vector.broadcast %get3A_12 : vector<1x1024xf32> to vector<256x1024xf32>
    %add3A_13 = arith.addf %dot_general3A_7, %add3A : vector<256x1024xf32>
    %get3A_14 = arith.constant 0 : index
    %get3A_15 = arith.constant 0 : index
    %get3A_16 = vector.load %arg5[%get3A_14, %get3A_15] : memref<256x128xf32, #tpu.memory_space<vmem>>, vector<256x1xf32>
    %mul3A = vector.broadcast %get3A_16 : vector<256x1xf32> to vector<256x1024xf32>
    %mul3A_17 = arith.mulf %add3A_13, %mul3A : vector<256x1024xf32>
    %swap3A = arith.constant 0 : index
    %swap3A_18 = arith.constant 0 : index
    %swap3A_19 = vector.load %arg6[%swap3A, %swap3A_18] : memref<256x1024xf32, #tpu.memory_space<vmem>>, vector<256x1024xf32>
    tpu.vector_store %arg6[%swap3A, %swap3A_18], %mul3A_17 {strides = array<i32>} : memref<256x1024xf32, #tpu.memory_space<vmem>>, vector<256x1024xf32>,
    return
  }
  func.func @transform_0(%arg0: i32, %arg1: memref<80xi32, #tpu.memory_space<smem>>) -> (i32, i32) {
    %c0_i32 = arith.constant 0 : i32
    %c0_i32_0 = arith.constant 0 : i32
    return %arg0, %c0_i32 : i32, i32
  }
  func.func @transform_1(%arg0: i32, %arg1: memref<80xi32, #tpu.memory_space<smem>>) -> (i32, i32, i32) {
    %get3A = arith.index_cast %arg0 : i32 to index
    %get3A_0 = memref.load %arg1[%get3A] : memref<80xi32, #tpu.memory_space<smem>>
    %c0_i32 = arith.constant 0 : i32
    %c0_i32_1 = arith.constant 0 : i32
    %c0_i32_2 = arith.constant 0 : i32
    return %get3A_0, %c0_i32, %c0_i32_1 : i32, i32, i32
  }
  func.func @transform_2(%arg0: i32, %arg1: memref<80xi32, #tpu.memory_space<smem>>) -> (i32, i32, i32) {
    %get3A = arith.index_cast %arg0 : i32 to index
    %get3A_0 = memref.load %arg1[%get3A] : memref<80xi32, #tpu.memory_space<smem>>
    %c0_i32 = arith.constant 0 : i32
    %c0_i32_1 = arith.constant 0 : i32
    %c0_i32_2 = arith.constant 0 : i32
    return %get3A_0, %c0_i32, %c0_i32_1 : i32, i32, i32
  }
  func.func @transform_3(%arg0: i32, %arg1: memref<80xi32, #tpu.memory_space<smem>>) -> (i32, i32) {
    %c0_i32 = arith.constant 0 : i32
    %c0_i32_0 = arith.constant 0 : i32
    return %arg0, %c0_i32 : i32, i32
  }
  func.func @transform_4(%arg0: i32, %arg1: memref<80xi32, #tpu.memory_space<smem>>) -> (i32, i32) {
    %c0_i32 = arith.constant 0 : i32
    %c0_i32_0 = arith.constant 0 : i32
    return %arg0, %c0_i32 : i32, i32
  }
}

module attributes {stable_mosaic.version = 14 : i64} {
  func.func @_router_body(%arg0: i32, %arg1: memref<512x1024xf32, #tpu.memory_space<vmem>>, %arg2: memref<16x1024xf32, #tpu.memory_space<vmem>>, %arg3: memref<1x16xf32, #tpu.memory_space<vmem>>, %arg4: memref<1x1x512xi32, #tpu.memory_space<vmem>>, %arg5: memref<1x1x512xi32, #tpu.memory_space<vmem>>, %arg6: memref<512x128xf32, #tpu.memory_space<vmem>>, %arg7: memref<512x128xf32, #tpu.memory_space<vmem>>) attributes {dimension_semantics = [#tpu.dimension_semantics<arbitrary>], iteration_bounds = array<i64: 16>, scalar_prefetch = 0 : i64, scratch_operands = 0 : i64, tpu.core_type = #tpu.core_type<tc>, window_params = [{transform_indices = @transform_0, window_bounds = array<i64: 512, 1024>}, {pipeline_mode = #tpu.pipeline_mode<synchronous>, transform_indices = @transform_1, window_bounds = array<i64: 16, 1024>}, {pipeline_mode = #tpu.pipeline_mode<synchronous>, transform_indices = @transform_2, window_bounds = array<i64: 1, 16>}, {transform_indices = @transform_3, window_bounds = array<i64: 1, 1, 512>}, {transform_indices = @transform_4, window_bounds = array<i64: 1, 1, 512>}, {transform_indices = @transform_5, window_bounds = array<i64: 512, 128>}, {transform_indices = @transform_6, window_bounds = array<i64: 512, 128>}]} {
    %get3A = arith.constant 0 : index
    %get3A_0 = arith.constant 0 : index
    %get3A_1 = vector.load %arg1[%get3A, %get3A_0] : memref<512x1024xf32, #tpu.memory_space<vmem>>, vector<512x1024xf32>
    %get3A_2 = arith.constant 0 : index
    %get3A_3 = arith.constant 0 : index
    %get3A_4 = vector.load %arg2[%get3A_2, %get3A_3] : memref<16x1024xf32, #tpu.memory_space<vmem>>, vector<16x1024xf32>
    %dot_general3A = arith.constant dense<0.000000e+00> : vector<512x16xf32>
    %dot_general3A_5 = tpu.matmul %get3A_1, %get3A_4, %dot_general3A {dimension_numbers = #tpu.dot_dimension_numbers<[1], [1], [0], [0], [0, 0, 1, 0], [], []>, transpose_lhs_hint = false} : vector<512x1024xf32>, vector<16x1024xf32>, vector<512x16xf32> -> vector<512x16xf32>
    %get3A_6 = arith.constant 0 : index
    %get3A_7 = arith.constant 0 : index
    %get3A_8 = vector.load %arg3[%get3A_6, %get3A_7] : memref<1x16xf32, #tpu.memory_space<vmem>>, vector<1x16xf32>
    %get3A_9 = vector.shape_cast %get3A_8 : vector<1x16xf32> to vector<16xf32>
    %broadcast_in_dim3A = vector.shape_cast %get3A_9 : vector<16xf32> to vector<1x16xf32>
    %add3A = vector.broadcast %broadcast_in_dim3A : vector<1x16xf32> to vector<512x16xf32>
    %add3A_10 = arith.addf %dot_general3A_5, %add3A : vector<512x16xf32>
    %reduce_max3A = arith.constant dense<0xFF800000> : vector<512xf32>
    %reduce_max3A_11 = vector.multi_reduction <maximumf>, %add3A_10, %reduce_max3A [1] : vector<512x16xf32> to vector<512xf32>
    %max3A = arith.constant 0xFF800000 : f32
    %max3A_12 = vector.broadcast %max3A : f32 to vector<512xf32>
    %max3A_13 = arith.maximumf %max3A_12, %reduce_max3A_11 : vector<512xf32>
    %broadcast_in_dim3A_14 = vector.shape_cast %max3A_13 : vector<512xf32> to vector<512x1xf32>
    %sub3A = vector.broadcast %broadcast_in_dim3A_14 : vector<512x1xf32> to vector<512x16xf32>
    %sub3A_15 = arith.subf %add3A_10, %sub3A : vector<512x16xf32>
    %exp3A = math.exp %sub3A_15 : vector<512x16xf32>
    %reduce_sum3A = arith.constant dense<0.000000e+00> : vector<512xf32>
    %reduce_sum3A_16 = vector.multi_reduction <add>, %exp3A, %reduce_sum3A [1] : vector<512x16xf32> to vector<512xf32>
    %broadcast_in_dim3A_17 = vector.shape_cast %reduce_sum3A_16 : vector<512xf32> to vector<512x1xf32>
    %div3A = vector.broadcast %broadcast_in_dim3A_17 : vector<512x1xf32> to vector<512x16xf32>
    %div3A_18 = arith.divf %exp3A, %div3A : vector<512x16xf32>
    %iota3A = tpu.iota {dimensions = array<i32: 1>} : vector<512x16xi32>
    %reduce_max3A_19 = arith.constant dense<0xFF800000> : vector<512xf32>
    %reduce_max3A_20 = vector.multi_reduction <maximumf>, %div3A_18, %reduce_max3A_19 [1] : vector<512x16xf32> to vector<512xf32>
    %broadcast_in_dim3A_21 = vector.shape_cast %reduce_max3A_20 : vector<512xf32> to vector<512x1xf32>
    %argmax3A = tpu.reduce_index %div3A_18 {axis = 1 : i32, kind = #tpu.reduction_kind<arg_max>} : vector<512x16xf32> -> vector<512xi32>
    %broadcast_in_dim3A_22 = vector.shape_cast %argmax3A : vector<512xi32> to vector<512x1xi32>
    %eq3A = vector.broadcast %broadcast_in_dim3A_22 : vector<512x1xi32> to vector<512x16xi32>
    %eq3A_23 = arith.cmpi eq, %iota3A, %eq3A : vector<512x16xi32>
    %jit3A = arith.constant 0xFF800000 : f32
    %broadcast_in_dim3A_24 = vector.broadcast %jit3A : f32 to vector<512x16xf32>
    %select_n3A = arith.select %eq3A_23, %broadcast_in_dim3A_24, %div3A_18 : vector<512x16xi1>, vector<512x16xf32>
    %reduce_max3A_25 = arith.constant dense<0xFF800000> : vector<512xf32>
    %reduce_max3A_26 = vector.multi_reduction <maximumf>, %select_n3A, %reduce_max3A_25 [1] : vector<512x16xf32> to vector<512xf32>
    %broadcast_in_dim3A_27 = vector.shape_cast %reduce_max3A_26 : vector<512xf32> to vector<512x1xf32>
    %argmax3A_28 = tpu.reduce_index %select_n3A {axis = 1 : i32, kind = #tpu.reduction_kind<arg_max>} : vector<512x16xf32> -> vector<512xi32>
    %reshape3A = vector.shape_cast %argmax3A : vector<512xi32> to vector<1x1x512xi32>
    %swap3A = arith.constant 0 : index
    %swap3A_29 = arith.constant 0 : index
    %swap3A_30 = arith.constant 0 : index
    %swap3A_31 = vector.load %arg4[%swap3A, %swap3A_29, %swap3A_30] : memref<1x1x512xi32, #tpu.memory_space<vmem>>, vector<1x1x512xi32>
    tpu.vector_store %arg4[%swap3A, %swap3A_29, %swap3A_30], %reshape3A {strides = array<i32>} : memref<1x1x512xi32, #tpu.memory_space<vmem>>, vector<1x1x512xi32>,
    %reshape3A_32 = vector.shape_cast %argmax3A_28 : vector<512xi32> to vector<1x1x512xi32>
    %swap3A_33 = arith.constant 0 : index
    %swap3A_34 = arith.constant 0 : index
    %swap3A_35 = arith.constant 0 : index
    %swap3A_36 = vector.load %arg5[%swap3A_33, %swap3A_34, %swap3A_35] : memref<1x1x512xi32, #tpu.memory_space<vmem>>, vector<1x1x512xi32>
    tpu.vector_store %arg5[%swap3A_33, %swap3A_34, %swap3A_35], %reshape3A_32 {strides = array<i32>} : memref<1x1x512xi32, #tpu.memory_space<vmem>>, vector<1x1x512xi32>,
    %broadcast_in_dim3A_37 = vector.shape_cast %broadcast_in_dim3A_21 : vector<512x1xf32> to vector<512x1xf32>
    %broadcast_in_dim3A_38 = vector.broadcast %broadcast_in_dim3A_37 : vector<512x1xf32> to vector<512x128xf32>
    %swap3A_39 = arith.constant 0 : index
    %swap3A_40 = arith.constant 0 : index
    %swap3A_41 = vector.load %arg6[%swap3A_39, %swap3A_40] : memref<512x128xf32, #tpu.memory_space<vmem>>, vector<512x128xf32>
    tpu.vector_store %arg6[%swap3A_39, %swap3A_40], %broadcast_in_dim3A_38 {strides = array<i32>} : memref<512x128xf32, #tpu.memory_space<vmem>>, vector<512x128xf32>,
    %broadcast_in_dim3A_42 = vector.shape_cast %broadcast_in_dim3A_27 : vector<512x1xf32> to vector<512x1xf32>
    %broadcast_in_dim3A_43 = vector.broadcast %broadcast_in_dim3A_42 : vector<512x1xf32> to vector<512x128xf32>
    %swap3A_44 = arith.constant 0 : index
    %swap3A_45 = arith.constant 0 : index
    %swap3A_46 = vector.load %arg7[%swap3A_44, %swap3A_45] : memref<512x128xf32, #tpu.memory_space<vmem>>, vector<512x128xf32>
    tpu.vector_store %arg7[%swap3A_44, %swap3A_45], %broadcast_in_dim3A_43 {strides = array<i32>} : memref<512x128xf32, #tpu.memory_space<vmem>>, vector<512x128xf32>,
    return
  }
  func.func @transform_0(%arg0: i32) -> (i32, i32) {
    %c0_i32 = arith.constant 0 : i32
    %c0_i32_0 = arith.constant 0 : i32
    return %arg0, %c0_i32 : i32, i32
  }
  func.func @transform_1(%arg0: i32) -> (i32, i32) {
    %c0_i32 = arith.constant 0 : i32
    %c0_i32_0 = arith.constant 0 : i32
    %c0_i32_1 = arith.constant 0 : i32
    return %c0_i32, %c0_i32_0 : i32, i32
  }
  func.func @transform_2(%arg0: i32) -> (i32, i32) {
    %c0_i32 = arith.constant 0 : i32
    %c0_i32_0 = arith.constant 0 : i32
    %c0_i32_1 = arith.constant 0 : i32
    return %c0_i32, %c0_i32_0 : i32, i32
  }
  func.func @transform_3(%arg0: i32) -> (i32, i32, i32) {
    %c0_i32 = arith.constant 0 : i32
    %c0_i32_0 = arith.constant 0 : i32
    %c0_i32_1 = arith.constant 0 : i32
    return %arg0, %c0_i32, %c0_i32_0 : i32, i32, i32
  }
  func.func @transform_4(%arg0: i32) -> (i32, i32, i32) {
    %c0_i32 = arith.constant 0 : i32
    %c0_i32_0 = arith.constant 0 : i32
    %c0_i32_1 = arith.constant 0 : i32
    return %arg0, %c0_i32, %c0_i32_0 : i32, i32, i32
  }
  func.func @transform_5(%arg0: i32) -> (i32, i32) {
    %c0_i32 = arith.constant 0 : i32
    %c0_i32_0 = arith.constant 0 : i32
    return %arg0, %c0_i32 : i32, i32
  }
  func.func @transform_6(%arg0: i32) -> (i32, i32) {
    %c0_i32 = arith.constant 0 : i32
    %c0_i32_0 = arith.constant 0 : i32
    return %arg0, %c0_i32 : i32, i32
  }
}

</mosaic_0001>

<sc_bundles>
// kernel: kernel.10.cloned.1.call-start
scs
__scs_entry_jumppad:
0x0: {  	(pc) =	sbr.rel $0x88, $3  }
0x1: {  	(tag) =	ssettag $0x0;
	lr =	simm.s32 $0x1  }
0x2: {  	[smem:$0x3F9C] =	sst lr;
	_ =	strace $0xD0000000  }
0x3: {  	_ = 	snop  }
0x4: {  	_ = 	snop  }
0x5: {  	_ = 	snop  }
0x6: {  	_ = 	snop  }
0x7: {  	_ = 	snop  }
__scs_overlays_trampoline_lowered:
0x8: {  	[smem:$0x3FAB] =	sst s0  }
0x9: {  	[smem:$0x3FAC] =	sst s1  }
0xa: {  	[smem:$0x3FAD] =	sst s2  }
0xb: {  	[smem:$0x3FAE] =	sst s3  }
0xc: {  	[smem:$0x3FAF] =	sst s4  }
0xd: {  	[smem:$0x3FB0] =	sst s5  }
0xe: {  	[smem:$0x3FB1] =	sst s6  }
0xf: {  	[smem:$0x3FB2] =	sst s7  }
0x10: {  	[smem:$0x3FB3] =	sst s8  }
0x11: {  	[smem:$0x3FB4] =	sst s9;
	s0 =	simm.s32 @!p0 $0x0  }
0x12: {  	s1 =	sld [smem:$0x3F9A];
	s0 =	simm.s32 @p0 $0x1  }
0x13: {  	[smem:$0x3FB5] =	sst s0;
	s0 =	simm.s32 @!p1 $0x0  }
0x14: {  	s2 =	sld [smem:$0x3F99];
	s0 =	simm.s32 @p1 $0x1  }
0x15: {  	[smem:$0x3FB6] =	sst s0;
	s0 =	simm.s32 @!p2 $0x0  }
0x16: {  	s3 =	sld [smem:$0x3FDB];
	s0 =	simm.s32 @p2 $0x1  }
0x17: {  	s4 =	simm.s32 $0x1BF5;
	[smem:$0x3FB8] =	sst s0  }
0x18: {  	s0 =	sld [smem:$0x3F9B];
	_ =	swait.ge [sflag:s4], $0x0  }
0x19: {  	s7 =	sld [smem:$0x3F9C]  }
0x1a: {  	s8 =	sadd.s32 $0xFFFFE003, lr  }
0x1b: {  	s9 =	sadd.s32 $0xFFFFFEF7, lr;
	s5 =	simm.s32 $0xFFFFFFFF;
	p2 =	slt.u32 s8, $0xFFFFF086  }
0x1c: {  	p1 =	slt.u32 s9, $0xF7A;
	s5 =	simm.s32 @!p2 $0x0  }
0x1d: {  	s5 =	simm.s32 @p1 $0x1;
	p0 =	seq.s32 s7, s2  }
0x1e: {  	s7 =	smul.u32 @!p0 $0xF7A, s2;
	p2 =	seq.s32 @!p0 s5, $0x0  }
0x1f: {  	s9 =	smul.u32 $0xF7A, s1;
	s8 =	simm.s32 @!p0 $0x1BF5;
	p2 =	por !p2, p0  }
0x20: {  	[sflag:s8] =	ssyncset.s32 @!p0 $0xFFFFF086;
	s6 =	sadd.s32 @!p0 s3, s7;
	s7 =	simm.s32 @!p0 $0x108  }
0x21: {  	s3 =	sadd.s32 s3, s9;
	s6 =	sadd.s32 @!p0 $0x88, s6;
	s7 =	simm.s32 @p2 $0x1082  }
0x22: {  	[simem:s7], [sflag:s8] =	dma.local @!p0 [hbm:s6], $0xF7A  }
0x23: {  	s9 =	sor.u32 $0xD0000000, s2;
	s6 =	simm.s32 $0x108;
	_ =	swait.ge @!p0 [sflag:s8], $0x0  }
0x24: {  	s3 =	sadd.s32 $0x88, s3;
	s6 =	simm.s32 @!p1 $0x1082;
	[sflag:s4] =	ssyncset.s32 $0xFFFFF086  }
0x25: {  	[simem:s6], [sflag:s4] =	dma.local [hbm:s3], $0xF7A  }
0x26: {  	[smem:$0x3F9C] =	sst s1;
	(tag) =	ssettag s2;
	_ =	strace s9  }
0x27: {  	s1 =	sld [smem:$0x3FAC]  }
0x28: {  	s2 =	sld [smem:$0x3FAD]  }
0x29: {  	s4 =	sld [smem:$0x3FAF]  }
0x2a: {  	p0 =	seq.s32 s5, $0x0;
	s5 =	sld [smem:$0x3FB0]  }
0x2b: {  	s6 =	sld [smem:$0x3FB1]  }
0x2c: {  	s7 =	sld [smem:$0x3FB2]  }
0x2d: {  	s3 =	simm.s32 $0x108;
	s8 =	sld [smem:$0x3FB3]  }
0x2e: {  	s3 =	simm.s32 @!p0 $0x1082;
	s9 =	sld [smem:$0x3FB4]  }
0x2f: {  	lr =	sadd.s32 s0, s3;
	s0 =	sld [smem:$0x3FAB]  }
0x30: {  	s3 =	sld [smem:$0x3FAE]  }
0x31: {  	[smem:$0x3FB7] =	sst s10  }
0x32: {  	s10 =	sld [smem:$0x3FB5];
	_ =	sdelay $0x3  }
0x33: {  	p0 =	seq.s32 s10, $0x1;
	s10 =	sld [smem:$0x3FB7];
	_ =	sdelay $0x3  }
0x34: {  	[smem:$0x3FB7] =	sst s10  }
0x35: {  	s10 =	sld [smem:$0x3FB6];
	_ =	sdelay $0x3  }
0x36: {  	p1 =	seq.s32 s10, $0x1;
	s10 =	sld [smem:$0x3FB7];
	_ =	sdelay $0x3  }
0x37: {  	[smem:$0x3FB7] =	sst s10  }
0x38: {  	s10 =	sld [smem:$0x3FB8]  }
0x39: {  	_ = 	snop;
	(pc) =	sbr.ind lr, $3  }
0x3a: {  	_ = 	snop  }
0x3b: {  	_ = 	snop  }
0x3c: {  	p2 =	seq.s32 s10, $0x1;
	s10 =	sld [smem:$0x3FB7]  }
0x3d: {  	_ =	shalt  }
0x3e: {  	_ =	shalt  }
0x3f: {  	_ =	shalt  }
0x40: {  	_ =	shalt  }
0x41: {  	_ =	shalt  }
0x42: {  	_ =	shalt  }
0x43: {  	_ =	shalt  }
0x44: {  	_ =	shalt  }
0x45: {  	_ =	shalt  }
0x46: {  	_ =	shalt  }
0x47: {  	_ =	shalt  }
0x48: {  	_ =	shalt  }
0x49: {  	_ =	shalt  }
0x4a: {  	_ =	shalt  }
0x4b: {  	_ =	shalt  }
0x4c: {  	_ =	shalt  }
0x4d: {  	_ =	shalt  }
0x4e: {  	_ =	shalt  }
0x4f: {  	_ =	shalt  }
0x50: {  	_ =	shalt  }
0x51: {  	_ =	shalt  }
0x52: {  	_ =	shalt  }
0x53: {  	_ =	shalt  }
0x54: {  	_ =	shalt  }
0x55: {  	_ =	shalt  }
0x56: {  	_ =	shalt  }
0x57: {  	_ =	shalt  }
0x58: {  	_ =	shalt  }
0x59: {  	_ =	shalt  }
0x5a: {  	_ =	shalt  }
0x5b: {  	_ =	shalt  }
0x5c: {  	_ =	shalt  }
0x5d: {  	_ =	shalt  }
0x5e: {  	_ =	shalt  }
0x5f: {  	_ =	shalt  }
0x60: {  	_ =	shalt  }
0x61: {  	_ =	shalt  }
0x62: {  	_ =	shalt  }
0x63: {  	_ =	shalt  }
0x64: {  	_ =	shalt  }
0x65: {  	_ =	shalt  }
0x66: {  	_ =	shalt  }
0x67: {  	_ =	shalt  }
0x68: {  	_ =	shalt  }
0x69: {  	_ =	shalt  }
0x6a: {  	_ =	shalt  }
0x6b: {  	_ =	shalt  }
0x6c: {  	_ =	shalt  }
0x6d: {  	_ =	shalt  }
0x6e: {  	_ =	shalt  }
0x6f: {  	_ =	shalt  }
0x70: {  	_ =	shalt  }
0x71: {  	_ =	shalt  }
0x72: {  	_ =	shalt  }
0x73: {  	_ =	shalt  }
0x74: {  	_ =	shalt  }
0x75: {  	_ =	shalt  }
0x76: {  	_ =	shalt  }
0x77: {  	_ =	shalt  }
0x78: {  	_ =	shalt  }
0x79: {  	_ =	shalt  }
0x7a: {  	_ =	shalt  }
0x7b: {  	_ =	shalt  }
0x7c: {  	_ =	shalt  }
0x7d: {  	_ =	shalt  }
0x7e: {  	_ =	shalt  }
0x7f: {  	_ =	shalt  }
0x80: {  	_ =	shalt  }
0x81: {  	_ =	shalt  }
0x82: {  	_ =	shalt  }
0x83: {  	_ =	shalt  }
0x84: {  	_ =	shalt  }
0x85: {  	_ =	shalt  }
0x86: {  	_ =	shalt  }
0x87: {  	_ =	shalt  }
.Lfunc_end0:
.L_simem_size_0:
called_computation.1_lowered:
.L_overlay_start_0:
0x88: {  	s2 =	sld [smem:$0x3FD9]  }
0x89: {  	s3 =	sld [smem:$0x3FFE];
	_ =	sdelay $0x1  }
0x8a: {  	s1 =	srdreg.scid  }
0x8b: {  	s0 =	sand.u32 $0x1, s1  }
0x8c: {  	s17 =	sshll.u32 s0, $0xA;
	s2 =	sadd.s32 s3, s2  }
0x8d: {  	s2 =	sadd.s32 s2, s17  }
0x8e: {  	[smem:$0x3FC3] =	sst s2  }
0x8f: {  	_ = 	snop  }
0x90: {  	s2 =	sld [smem:$0x3FD0];
	(tm) =	ssettm $0x1  }
0x91: {  	s18 =	sld [smem:$0x3FFB];
	_ =	sdelay $0x3  }
0x92: {  	_ =	strace s18  }
0x93: {  	s3 =	sld [smem:$0x3FFC];
	_ =	sdelay $0x3  }
0x94: {  	_ =	strace s3  }
0x95: {  	s3 =	sld [smem:$0x3FFD];
	_ =	sdelay $0x3  }
0x96: {  	_ =	strace s3  }
0x97: {  	_ =	strace $0x8FFFFFFF  }
0x98: {  	s19 =	sld [smem:$0x3FDB];
	_ =	sdelay $0x1  }
0x99: {  	s4 =	simm.s32 $_scs_section_size  }
0x9a: {  	s5 =	simm.s32 $_size__tile_overlayer_lowered;
	s6 =	simm.s32 $_tile_overlayer_lowered  }
0x9b: {  	s22 =	simm.s32 $0x1BFF;
	s21 =	sshll.u32 s6, $0x1;
	s3 =	sadd.s32 s4, s19  }
0x9c: {  	s7 =	simm.s32 $0x0;
	s20 =	sshll.u32 s5, $0x1;
	s5 =	sadd.s32 s21, s3  }
0x9d: {  	[timem:s7], [sflag:s22] =	dma.local [hbm:s5], s20  }
0x9e: {  	_ =	swait.ge [sflag:s22], s20  }
0x9f: {  	s4 =	ssub.s32 $0x0, s20;
	[sflag:s22] =	ssyncset.done $0x0  }
0xa0: {  	[sflag:s22] =	ssyncadd.s32 s4;
	_ =	sdelay $0x1  }
0xa1: {  	s23 =	simm.s32 $0x1B8B  }
0xa2: {  	_ =	swait.ge [sflag:s23], $0x1  }
0xa3: {  	[sflag:s23] =	ssyncset.done $0x0  }
0xa4: {  	s25 =	simm.s32 $0x1B8E;
	s24 =	sld [smem:$0x3FFE];
	[sflag:s23] =	ssyncadd.s32 $0xFFFFFFFF  }
0xa5: {  	s26 =	simm.s32 $execute0_lowered;
	[smem:$0x3FD2] =	sst s25  }
0xa6: {  	s5 =	sshll.u32 s26, $0x1;
	_ =	strace $0x80000049;
	[dreg:$0x1] =	wrdreg $0xFFFFFFFF  }
0xa7: {  	s28 =	simm.s32 $_size_execute0_lowered;
	s3 =	sadd.s32 s3, s5;
	[dreg:$0x0] =	wrdreg $0x0  }
0xa8: {  	s5 =	sshll.u32 s28, $0x1;
	[dreg:$0x2] =	wrdreg s3  }
0xa9: {  	[dreg:$0x3] =	wrdreg s5  }
0xaa: {  	[dreg:$0x4] =	wrdreg $0xC0  }
0xab: {  	_ =	task [dreg:s7], $0x5FFFF  }
0xac: {  	[dreg:$0x1] =	wrdreg $0xFFFFFFFF  }
0xad: {  	[dreg:$0x0] =	wrdreg $0x60  }
0xae: {  	[dreg:$0x2] =	wrdreg s24  }
0xaf: {  	[dreg:$0x3] =	wrdreg s2  }
0xb0: {  	[dreg:$0x4] =	wrdreg $0x9  }
0xb1: {  	_ =	task.clear_ibuf [dreg:s7], $0x5FFFF;
	_ =	strace $0x90000049  }
0xb2: {  	s29 =	simm.s32 $0x9;
	_ =	strace $0x8000004B  }
0xb3: {  	_ =	swait.ge [sflag:s29], $0x1  }
0xb4: {  	[sflag:s29] =	ssyncadd.s32 $0xFFFFFFFF  }
0xb5: {  	_ =	strace $0x9000004B  }
0xb6: {  	_ =	sfence  }
0xb7: {  	s30 =	sld [smem:$0x0];
	_ =	sdelay $0x2  }
0xb8: {  	s31 =	sshll.u32 s1, $0xD;
	s1 =	sshrl.u32 s1, $0x2  }
0xb9: {  	s3 =	sand.u32 $0x4000, s31;
	s1 =	sadd.s32 s1, s30  }
0xba: {  	s0 =	sor.u32 s3, s0;
	s1 =	sshll.u32 s1, $0x11  }
0xbb: {  	s0 =	sor.u32 s1, s0  }
0xbc: {  	s0 =	sadd.s32 $0x8F2B, s0  }
0xbd: {  	[sflag:s0] =	ssyncadd.remote.s32 $0x1  }
0xbe: {  	_ =	sfence.sel $0xFFFF  }
0xbf: {  	[dreg:$0x0] =	wrdreg $0xFFFFFFFF;
	(pc) =	sbr.abs _section_cstart, $3  }
0xc0: {  	[dreg:$0x1] =	wrdreg $0xFFFFFFFF  }
0xc1: {  	_ =	task.clear_ibuf [dreg:s7], $0x2FFFF;
	_ =	strace $0x9FFFFFFF  }
0xc2: {  	(tm) =	ssettm $0x7FFFFFFF  }
0xc3: {  	_ =	shalt  }
tec
execute0_lowered:
.L_overlay_start_1:
0x0: {  	(tag) =	ssettag $0x1  }
0x1: {  	s3 =	srdreg.scid;
	s4 =	stileid.u32  }
0x2: {  	s0 =	rddreg [dreg:$0x0];
	s3 =	sand.u32 $0x1, s3;
	s4 =	sshll.u32 s4, $0x1  }
0x3: {  	s1 =	rddreg [dreg:$0x1];
	s4 =	sor.u32 s3, s4  }
0x4: {  	s2 =	simm.s32 $0x0;
	s5 =	sshll.u32 s4, $0x8;
	s4 =	sshll.u32 s4, $0xF  }
0x5: {  	[smem:$0x7FF] =	sst s2;
	s5 =	sadd.s32 s5, s0;
	s1 =	sadd.s32 s1, s4  }
0x6: {  	_ =	strace $0x8000004A;
	s5 =	sadd.s32 $0x2C3C00, s5;
	[dreg:$0x4] =	wrdreg s1  }
0x7: {  	s11 =	sadd.s32 $0x800, s1;
	[dreg:$0x3] =	wrdreg s5  }
0x8: {  	s28 =	simm.s32 $0xD000;
	s12 =	sadd.s32 $0x1000, s1;
	[dreg:$0x5] =	wrdreg s11  }
0x9: {  	s29 =	simm.s32 $0xD800;
	s13 =	sadd.s32 $0x1800, s1;
	[dreg:$0x6] =	wrdreg s12  }
0xa: {  	s30 =	simm.s32 $0xE000;
	s14 =	sadd.s32 $0x2000, s1;
	[dreg:$0x7] =	wrdreg s13  }
0xb: {  	s31 =	simm.s32 $0xE800;
	s15 =	sadd.s32 $0x2800, s1;
	[dreg:$0x8] =	wrdreg s14  }
0xc: {  	s9 =	simm.s32 $0x14000;
	s16 =	sadd.s32 $0x3000, s1;
	[dreg:$0x9] =	wrdreg s15  }
0xd: {  	s10 =	simm.s32 $0x3;
	s17 =	sadd.s32 $0x3800, s1;
	[dreg:$0xa] =	wrdreg s16  }
0xe: {  	s8 =	sadd.s32 $0x2C5F00, s0;
	s18 =	sadd.s32 $0x4000, s1;
	[dreg:$0xb] =	wrdreg s17  }
0xf: {  	s6 =	ssub.s32 $0x2, s3;
	s19 =	sadd.s32 $0x4800, s1;
	[dreg:$0xc] =	wrdreg s18  }
0x10: {  	s3 =	sadd.s32 $0x2C5C00, s0;
	s20 =	sadd.s32 $0x5000, s1;
	[dreg:$0xd] =	wrdreg s19  }
0x11: {  	s7 =	sshrl.u32 s6, $0x1;
	s21 =	sadd.s32 $0x5800, s1;
	[dreg:$0xe] =	wrdreg s20  }
0x12: {  	s7 =	ssub.s32 s6, s7;
	s22 =	sadd.s32 $0x6000, s1;
	[dreg:$0xf] =	wrdreg s21  }
0x13: {  	s6 =	sadd.s32 $0x2C5E00, s0;
	s23 =	sadd.s32 $0x6800, s1;
	[dreg:$0x10] =	wrdreg s22  }
0x14: {  	s4 =	simm.s32 $0x2;
	s24 =	sadd.s32 $0x7000, s1;
	[dreg:$0x11] =	wrdreg s23  }
0x15: {  	s25 =	sadd.s32 $0x7800, s1;
	s26 =	smax.u32 s7, $0x1;
	[dreg:$0x12] =	wrdreg s24  }
0x16: {  	s7 =	simm.s32 $0xC000;
	s1 =	simm.s32 $0xF800;
	[dreg:$0x13] =	wrdreg s25  }
0x17: {  	v2 =	vlaneseq.u32;
	s5 =	sadd.s32 $0x2C5D00, s0;
	[dreg:$0x14] =	wrdreg s26;
	s16 =	simm.s32 $0x1  }
0x18: {  	vm0 =	vmmov $0xffff;
	v1 =	vshrl.u32 v2, $0x3;
	s24 =	simm.s32 $0xB800;
	s26 =	simm.s32 $0xC800;
	s0 =	simm.s32 $0xF000  }
0x19: {  	v0 =	vand.u32 $0x7, v2;
	v2 =	vor.u32 $0x8, v2;
	v1 =	vmul.u32 $0x8, v1;
	s25 =	simm.s32 $0x10000;
	s11 =	simm.s32 $0x4;
	s12 =	simm.s32 $0x0  }
.LBB2_1:
0x1a: {  	s13 =	rddreg [dreg:$0x3];
	s14 =	simm.s32 $0x18000;
	s19 =	simm.s32 $0x5  }
0x1b: {  	[tilespmem:s14], [sflag:$0x5] =	stream.linear.gather [hbm4b:s13+s2], $0x800, $0x38;
	[tilespmem:$0x18800] =	vst v63  }
0x1c: {  	_ =	swait.ge [sflag:s19], $0x800  }
0x1d: {  	[sflag:s19] =	ssyncset.done $0x0  }
0x1e: {  	[sflag:s19] =	ssyncadd.s32 $0xFFFFF800  }
0x1f: {  	v3 =	vld [tilespmem:$0x18000];
	_ =	sdelay $0x4  }
0x20: {  	v4 =	vshll.u32 v3, $0x3  }
0x21: {  	v3 =	vand.u32 $0x7, v3;
	v4 =	vand.u32 $0xFFFFFFC0, v4  }
0x22: {  	v3 =	vor.u32 v3, v4  }
0x23: {  	v4 =	vperm.xlane v3, v0;
	_ =	sdelay $0x1  }
0x24: {  	v4 =	vadd.s32 v1, v4;
	_ =	sdelay $0x4  }
0x25: {  	[tilespmem:s2], [sflag:$0x1] =	stream.indirect_vreg.gather [hbm4b:s3+s2], $0x80, v4, vm0, $0xb8;
	[tilespmem:$0x18800] =	vst v63  }
0x26: {  	s20 =	simm.s32 $0x800;
	v3 =	vperm.xlane v3, v2  }
0x27: {  	[tilespmem:s20], [sflag:$0x1] =	stream.indirect_vreg.gather [hbm4b:s5+s2], $0x80, v4, vm0, $0xb8;
	[tilespmem:$0x18800] =	vst v63  }
0x28: {  	s21 =	simm.s32 $0x1000;
	v3 =	vadd.s32 v1, v3  }
0x29: {  	[tilespmem:s21], [sflag:$0x1] =	stream.indirect_vreg.gather [hbm4b:s6+s2], $0x80, v4, vm0, $0xb8;
	[tilespmem:$0x18800] =	vst v63  }
0x2a: {  	s22 =	simm.s32 $0x1800  }
0x2b: {  	[tilespmem:s22], [sflag:$0x1] =	stream.indirect_vreg.gather [hbm4b:s8+s2], $0x80, v4, vm0, $0xb8;
	[tilespmem:$0x18800] =	vst v63  }
0x2c: {  	s23 =	simm.s32 $0x2000  }
0x2d: {  	[tilespmem:s23], [sflag:$0x1] =	stream.indirect_vreg.gather [hbm4b:s3+s2], $0x80, v3, vm0, $0xb8;
	[tilespmem:$0x18800] =	vst v63  }
0x2e: {  	s14 =	simm.s32 $0x2800  }
0x2f: {  	[tilespmem:s14], [sflag:$0x1] =	stream.indirect_vreg.gather [hbm4b:s5+s2], $0x80, v3, vm0, $0xb8;
	[tilespmem:$0x18800] =	vst v63  }
0x30: {  	s15 =	simm.s32 $0x3000  }
0x31: {  	[tilespmem:s15], [sflag:$0x1] =	stream.indirect_vreg.gather [hbm4b:s6+s2], $0x80, v3, vm0, $0xb8;
	[tilespmem:$0x18800] =	vst v63  }
0x32: {  	s17 =	simm.s32 $0x3800  }
0x33: {  	[tilespmem:s17], [sflag:$0x1] =	stream.indirect_vreg.gather [hbm4b:s8+s2], $0x80, v3, vm0, $0xb8;
	[tilespmem:$0x18800] =	vst v63  }
0x34: {  	v3 =	vld [tilespmem:$0x18010];
	_ =	sdelay $0x4  }
0x35: {  	v61 =	vshll.u32 v3, $0x3  }
0x36: {  	v3 =	vand.u32 $0x7, v3;
	v4 =	vand.u32 $0xFFFFFFC0, v61  }
0x37: {  	v3 =	vor.u32 v3, v4  }
0x38: {  	v4 =	vperm.xlane v3, v0;
	_ =	sdelay $0x1  }
0x39: {  	v4 =	vadd.s32 v1, v4;
	_ =	sdelay $0x3  }
0x3a: {  	s18 =	simm.s32 $0x4000  }
0x3b: {  	[tilespmem:s18], [sflag:$0x1] =	stream.indirect_vreg.gather [hbm4b:s3+s2], $0x80, v4, vm0, $0xb8;
	[tilespmem:$0x18800] =	vst v63  }
0x3c: {  	s19 =	simm.s32 $0x4800;
	v3 =	vperm.xlane v3, v2  }
0x3d: {  	[tilespmem:s19], [sflag:$0x1] =	stream.indirect_vreg.gather [hbm4b:s5+s2], $0x80, v4, vm0, $0xb8;
	[tilespmem:$0x18800] =	vst v63  }
0x3e: {  	s20 =	simm.s32 $0x5000;
	v3 =	vadd.s32 v1, v3  }
0x3f: {  	[tilespmem:s20], [sflag:$0x1] =	stream.indirect_vreg.gather [hbm4b:s6+s2], $0x80, v4, vm0, $0xb8;
	[tilespmem:$0x18800] =	vst v63  }
0x40: {  	s21 =	simm.s32 $0x5800  }
0x41: {  	[tilespmem:s21], [sflag:$0x1] =	stream.indirect_vreg.gather [hbm4b:s8+s2], $0x80, v4, vm0, $0xb8;
	[tilespmem:$0x18800] =	vst v63  }
0x42: {  	s22 =	simm.s32 $0x6000  }
0x43: {  	[tilespmem:s22], [sflag:$0x1] =	stream.indirect_vreg.gather [hbm4b:s3+s2], $0x80, v3, vm0, $0xb8;
	[tilespmem:$0x18800] =	vst v63  }
0x44: {  	s23 =	simm.s32 $0x6800  }
0x45: {  	[tilespmem:s23], [sflag:$0x1] =	stream.indirect_vreg.gather [hbm4b:s5+s2], $0x80, v3, vm0, $0xb8;
	[tilespmem:$0x18800] =	vst v63  }
0x46: {  	s14 =	simm.s32 $0x7000  }
0x47: {  	[tilespmem:s14], [sflag:$0x1] =	stream.indirect_vreg.gather [hbm4b:s6+s2], $0x80, v3, vm0, $0xb8;
	[tilespmem:$0x18800] =	vst v63  }
0x48: {  	s15 =	simm.s32 $0x7800  }
0x49: {  	[tilespmem:s15], [sflag:$0x1] =	stream.indirect_vreg.gather [hbm4b:s8+s2], $0x80, v3, vm0, $0xb8;
	[tilespmem:$0x18800] =	vst v63  }
0x4a: {  	_ =	swait.ge [sflag:s16], $0x8000  }
0x4b: {  	[sflag:s16] =	ssyncset.done $0x0  }
0x4c: {  	[sflag:s16] =	ssyncadd.s32 $0xFFFF8000  }
0x4d: {  	v3 =	vld [tilespmem:$0x18080];
	_ =	sdelay $0x4  }
0x4e: {  	v62 =	vshll.u32 v3, $0x3  }
0x4f: {  	v3 =	vand.u32 $0x7, v3;
	v4 =	vand.u32 $0xFFFFFFC0, v62  }
0x50: {  	v3 =	vor.u32 v3, v4  }
0x51: {  	v4 =	vperm.xlane v3, v0;
	_ =	sdelay $0x1  }
0x52: {  	v4 =	vadd.s32 v1, v4;
	_ =	sdelay $0x3  }
0x53: {  	s17 =	simm.s32 $0x8000  }
0x54: {  	[tilespmem:s17], [sflag:$0x2] =	stream.indirect_vreg.gather [hbm4b:s3+s2], $0x80, v4, vm0, $0xb8;
	[tilespmem:$0x18800] =	vst v63  }
0x55: {  	s18 =	simm.s32 $0x8800;
	v3 =	vperm.xlane v3, v2  }
0x56: {  	[tilespmem:s18], [sflag:$0x2] =	stream.indirect_vreg.gather [hbm4b:s5+s2], $0x80, v4, vm0, $0xb8;
	[tilespmem:$0x18800] =	vst v63  }
0x57: {  	s19 =	simm.s32 $0x9000;
	v3 =	vadd.s32 v1, v3  }
0x58: {  	[tilespmem:s19], [sflag:$0x2] =	stream.indirect_vreg.gather [hbm4b:s6+s2], $0x80, v4, vm0, $0xb8;
	[tilespmem:$0x18800] =	vst v63  }
0x59: {  	s20 =	simm.s32 $0x9800  }
0x5a: {  	[tilespmem:s20], [sflag:$0x2] =	stream.indirect_vreg.gather [hbm4b:s8+s2], $0x80, v4, vm0, $0xb8;
	[tilespmem:$0x18800] =	vst v63  }
0x5b: {  	s21 =	simm.s32 $0xA000  }
0x5c: {  	[tilespmem:s21], [sflag:$0x2] =	stream.indirect_vreg.gather [hbm4b:s3+s2], $0x80, v3, vm0, $0xb8;
	[tilespmem:$0x18800] =	vst v63  }
0x5d: {  	s22 =	simm.s32 $0xA800  }
0x5e: {  	[tilespmem:s22], [sflag:$0x2] =	stream.indirect_vreg.gather [hbm4b:s5+s2], $0x80, v3, vm0, $0xb8;
	[tilespmem:$0x18800] =	vst v63  }
0x5f: {  	s23 =	simm.s32 $0xB000  }
0x60: {  	[tilespmem:s23], [sflag:$0x2] =	stream.indirect_vreg.gather [hbm4b:s6+s2], $0x80, v3, vm0, $0xb8;
	[tilespmem:$0x18800] =	vst v63  }
0x61: {  	_ = 	snop  }
0x62: {  	[tilespmem:s24], [sflag:$0x2] =	stream.indirect_vreg.gather [hbm4b:s8+s2], $0x80, v3, vm0, $0xb8;
	[tilespmem:$0x18800] =	vst v63  }
0x63: {  	v3 =	vld [tilespmem:$0x18090];
	_ =	sdelay $0x4  }
0x64: {  	v63 =	vshll.u32 v3, $0x3  }
0x65: {  	v3 =	vand.u32 $0x7, v3;
	v4 =	vand.u32 $0xFFFFFFC0, v63  }
0x66: {  	v3 =	vor.u32 v3, v4  }
0x67: {  	v4 =	vperm.xlane v3, v0;
	_ =	sdelay $0x1  }
0x68: {  	v4 =	vadd.s32 v1, v4;
	_ =	sdelay $0x4  }
0x69: {  	[tilespmem:s7], [sflag:$0x2] =	stream.indirect_vreg.gather [hbm4b:s3+s2], $0x80, v4, vm0, $0xb8;
	[tilespmem:$0x18800] =	vst v63  }
0x6a: {  	v3 =	vperm.xlane v3, v2  }
0x6b: {  	[tilespmem:s26], [sflag:$0x2] =	stream.indirect_vreg.gather [hbm4b:s5+s2], $0x80, v4, vm0, $0xb8;
	[tilespmem:$0x18800] =	vst v63  }
0x6c: {  	v3 =	vadd.s32 v1, v3  }
0x6d: {  	[tilespmem:s28], [sflag:$0x2] =	stream.indirect_vreg.gather [hbm4b:s6+s2], $0x80, v4, vm0, $0xb8;
	[tilespmem:$0x18800] =	vst v63  }
0x6e: {  	_ = 	snop  }
0x6f: {  	[tilespmem:s29], [sflag:$0x2] =	stream.indirect_vreg.gather [hbm4b:s8+s2], $0x80, v4, vm0, $0xb8;
	[tilespmem:$0x18800] =	vst v63  }
0x70: {  	_ = 	snop  }
0x71: {  	[tilespmem:s30], [sflag:$0x2] =	stream.indirect_vreg.gather [hbm4b:s3+s2], $0x80, v3, vm0, $0xb8;
	[tilespmem:$0x18800] =	vst v63  }
0x72: {  	_ = 	snop  }
0x73: {  	[tilespmem:s31], [sflag:$0x2] =	stream.indirect_vreg.gather [hbm4b:s5+s2], $0x80, v3, vm0, $0xb8;
	[tilespmem:$0x18800] =	vst v63  }
0x74: {  	_ = 	snop  }
0x75: {  	[tilespmem:s0], [sflag:$0x2] =	stream.indirect_vreg.gather [hbm4b:s6+s2], $0x80, v3, vm0, $0xb8;
	[tilespmem:$0x18800] =	vst v63  }
0x76: {  	s13 =	simm.s32 $0x0  }
0x77: {  	[tilespmem:s1], [sflag:$0x2] =	stream.indirect_vreg.gather [hbm4b:s8+s2], $0x80, v3, vm0, $0xb8;
	[tilespmem:$0x18800] =	vst v63  }
.LBB2_2:
0x78: {  	s14 =	sshll.u32 s13, $0xA;
	s15 =	sshll.u32 s13, $0x7  }
0x79: {  	s17 =	simm.s32 $0x0;
	s14 =	sand.u32 $0x2000, s14;
	s15 =	sand.u32 $0x380, s15  }
0x7a: {  	s18 =	sand.u32 $0x1C00, s17;
	s15 =	sor.u32 s15, s14  }
0x7b: {  	s19 =	sand.u32 $0x70, s17;
	s14 =	sor.u32 $0x4000, s15;
	s22 =	sor.u32 s18, s15  }
0x7c: {  	s17 =	sor.u32 s19, s22;
	s18 =	sadd.s32 s18, s14  }
0x7d: {  	v3 =	vld [tilespmem:s17+$0x0];
	s18 =	sadd.s32 s19, s18  }
0x7e: {  	v4 =	vld [tilespmem:s18+$0x0];
	_ =	sdelay $0x2  }
0x7f: {  	s18 =	simm.s32 $0x80  }
0x80: {  	s23 =	simm.s32 $0x10;
	s21 =	sand.u32 $0x1C00, s18  }
0x81: {  	s20 =	sand.u32 $0x70, s23;
	s19 =	simm.s32 $0x20;
	s22 =	sor.u32 s21, s15;
	v3 =	vadd.f32 v4, v3  }
.LBB2_3:
0x82: {  	p0 =	sne.s32 s19, $0x3F0;
	s22 =	sor.u32 s20, s22;
	s21 =	sadd.s32 s21, s14  }
0x83: {  	v4 =	vld [tilespmem:s22+$0x0];
	s20 =	sadd.s32 s20, s21;
	[tilespmem:s17+$0x10000] =	vst v3;
	s17 =	smov.u32 s22  }
0x84: {  	v3 =	vld [tilespmem:s20+$0x0]  }
.Ltmp0:
0x85: {  	(pc) =	sbr.rel @p0 .LBB2_3-.Ltmp0, $4  }
0x86: {  	_ = 	snop  }
0x87: {  	s18 =	sadd.s32 $0x80, s18  }
0x88: {  	s21 =	sand.u32 $0x1C00, s18  }
0x89: {  	s20 =	sand.u32 $0x70, s19;
	s22 =	sor.u32 s21, s15;
	s19 =	sadd.s32 $0x10, s19;
	v3 =	vadd.f32 v3, v4  }
0x8a: {  	s15 =	sor.u32 s20, s22;
	s14 =	sadd.s32 s21, s14  }
0x8b: {  	v4 =	vld [tilespmem:s15+$0x0];
	s14 =	sadd.s32 s20, s14;
	[tilespmem:s17+$0x10000] =	vst v3  }
0x8c: {  	v3 =	vld [tilespmem:s14+$0x0]  }
0x8d: {  	s13 =	sadd.s32 $0x1, s13  }
0x8e: {  	p0 =	sne.s32 s13, $0x10  }
.Ltmp1:
0x8f: {  	_ = 	snop;
	(pc) =	sbr.rel @p0 .LBB2_2-.Ltmp1, $3  }
0x90: {  	_ = 	snop  }
0x91: {  	v3 =	vadd.f32 v3, v4;
	_ =	sdelay $0x1  }
0x92: {  	[tilespmem:s15+$0x10000] =	vst v3  }
0x93: {  	s13 =	simm.s32 $0x0;
	s14 =	rddreg [dreg:$0x4]  }
0x94: {  	[hbm4b:s14+s13] =	stream.linear.scatter [tilespmem:s25], [sflag:$0x3], $0x4000, $0x38;
	[tilespmem:$0x18800] =	vst v63  }
0x95: {  	_ =	swait.ge [sflag:s4], $0x8000  }
0x96: {  	[sflag:s4] =	ssyncset.done $0x0  }
0x97: {  	[sflag:s4] =	ssyncadd.s32 $0xFFFF8000  }
0x98: {  	v3 =	vld [tilespmem:$0x18100];
	_ =	sdelay $0x4  }
0x99: {  	v4 =	vshll.u32 v3, $0x3  }
0x9a: {  	v3 =	vand.u32 $0x7, v3;
	v4 =	vand.u32 $0xFFFFFFC0, v4  }
0x9b: {  	v3 =	vor.u32 v3, v4  }
0x9c: {  	v4 =	vperm.xlane v3, v0;
	_ =	sdelay $0x1  }
0x9d: {  	v4 =	vadd.s32 v1, v4;
	_ =	sdelay $0x4  }
0x9e: {  	[tilespmem:s13], [sflag:$0x1] =	stream.indirect_vreg.gather [hbm4b:s3+s13], $0x80, v4, vm0, $0xb8;
	[tilespmem:$0x18800] =	vst v63  }
0x9f: {  	s17 =	simm.s32 $0x800;
	v3 =	vperm.xlane v3, v2  }
0xa0: {  	[tilespmem:s17], [sflag:$0x1] =	stream.indirect_vreg.gather [hbm4b:s5+s13], $0x80, v4, vm0, $0xb8;
	[tilespmem:$0x18800] =	vst v63  }
0xa1: {  	s18 =	simm.s32 $0x1000;
	v3 =	vadd.s32 v1, v3  }
0xa2: {  	[tilespmem:s18], [sflag:$0x1] =	stream.indirect_vreg.gather [hbm4b:s6+s13], $0x80, v4, vm0, $0xb8;
	[tilespmem:$0x18800] =	vst v63  }
0xa3: {  	s19 =	simm.s32 $0x1800  }
0xa4: {  	[tilespmem:s19], [sflag:$0x1] =	stream.indirect_vreg.gather [hbm4b:s8+s13], $0x80, v4, vm0, $0xb8;
	[tilespmem:$0x18800] =	vst v63  }
0xa5: {  	s20 =	simm.s32 $0x2000  }
0xa6: {  	[tilespmem:s20], [sflag:$0x1] =	stream.indirect_vreg.gather [hbm4b:s3+s13], $0x80, v3, vm0, $0xb8;
	[tilespmem:$0x18800] =	vst v63  }
0xa7: {  	s21 =	simm.s32 $0x2800  }
0xa8: {  	[tilespmem:s21], [sflag:$0x1] =	stream.indirect_vreg.gather [hbm4b:s5+s13], $0x80, v3, vm0, $0xb8;
	[tilespmem:$0x18800] =	vst v63  }
0xa9: {  	s22 =	simm.s32 $0x3000  }
0xaa: {  	[tilespmem:s22], [sflag:$0x1] =	stream.indirect_vreg.gather [hbm4b:s6+s13], $0x80, v3, vm0, $0xb8;
	[tilespmem:$0x18800] =	vst v63  }
0xab: {  	s23 =	simm.s32 $0x3800  }
0xac: {  	[tilespmem:s23], [sflag:$0x1] =	stream.indirect_vreg.gather [hbm4b:s8+s13], $0x80, v3, vm0, $0xb8;
	[tilespmem:$0x18800] =	vst v63  }
0xad: {  	v3 =	vld [tilespmem:$0x18110];
	_ =	sdelay $0x4  }
0xae: {  	v63 =	vshll.u32 v3, $0x3  }
0xaf: {  	v3 =	vand.u32 $0x7, v3;
	v4 =	vand.u32 $0xFFFFFFC0, v63  }
0xb0: {  	v3 =	vor.u32 v3, v4  }
0xb1: {  	v4 =	vperm.xlane v3, v0;
	_ =	sdelay $0x1  }
0xb2: {  	v4 =	vadd.s32 v1, v4;
	_ =	sdelay $0x3  }
0xb3: {  	s15 =	simm.s32 $0x4000  }
0xb4: {  	[tilespmem:s15], [sflag:$0x1] =	stream.indirect_vreg.gather [hbm4b:s3+s13], $0x80, v4, vm0, $0xb8;
	[tilespmem:$0x18800] =	vst v63  }
0xb5: {  	s17 =	simm.s32 $0x4800;
	v3 =	vperm.xlane v3, v2  }
0xb6: {  	[tilespmem:s17], [sflag:$0x1] =	stream.indirect_vreg.gather [hbm4b:s5+s13], $0x80, v4, vm0, $0xb8;
	[tilespmem:$0x18800] =	vst v63  }
0xb7: {  	s18 =	simm.s32 $0x5000;
	v3 =	vadd.s32 v1, v3  }
0xb8: {  	[tilespmem:s18], [sflag:$0x1] =	stream.indirect_vreg.gather [hbm4b:s6+s13], $0x80, v4, vm0, $0xb8;
	[tilespmem:$0x18800] =	vst v63  }
0xb9: {  	s19 =	simm.s32 $0x5800  }
0xba: {  	[tilespmem:s19], [sflag:$0x1] =	stream.indirect_vreg.gather [hbm4b:s8+s13], $0x80, v4, vm0, $0xb8;
	[tilespmem:$0x18800] =	vst v63  }
0xbb: {  	s20 =	simm.s32 $0x6000  }
0xbc: {  	[tilespmem:s20], [sflag:$0x1] =	stream.indirect_vreg.gather [hbm4b:s3+s13], $0x80, v3, vm0, $0xb8;
	[tilespmem:$0x18800] =	vst v63  }
0xbd: {  	s21 =	simm.s32 $0x6800  }
0xbe: {  	[tilespmem:s21], [sflag:$0x1] =	stream.indirect_vreg.gather [hbm4b:s5+s13], $0x80, v3, vm0, $0xb8;
	[tilespmem:$0x18800] =	vst v63  }
0xbf: {  	s22 =	simm.s32 $0x7000  }
0xc0: {  	[tilespmem:s22], [sflag:$0x1] =	stream.indirect_vreg.gather [hbm4b:s6+s13], $0x80, v3, vm0, $0xb8;
	[tilespmem:$0x18800] =	vst v63  }
0xc1: {  	s14 =	simm.s32 $0x0;
	s23 =	simm.s32 $0x7800  }
0xc2: {  	[tilespmem:s23], [sflag:$0x1] =	stream.indirect_vreg.gather [hbm4b:s8+s13], $0x80, v3, vm0, $0xb8;
	[tilespmem:$0x18800] =	vst v63  }
.LBB2_6:
0xc3: {  	s15 =	sshll.u32 s14, $0xA;
	s17 =	sshll.u32 s14, $0x7  }
0xc4: {  	s15 =	sand.u32 $0x2000, s15;
	s17 =	sand.u32 $0x380, s17  }
0xc5: {  	s19 =	sand.u32 $0x1C00, s13;
	s17 =	sor.u32 s17, s15  }
0xc6: {  	s20 =	sand.u32 $0x70, s13;
	s15 =	sor.u32 $0xC000, s17;
	s18 =	sor.u32 s19, s17  }
0xc7: {  	s18 =	sor.u32 s20, s18;
	s19 =	sadd.s32 s19, s15  }
0xc8: {  	v3 =	vld [tilespmem:s18+$0x8000];
	s19 =	sadd.s32 s20, s19  }
0xc9: {  	v4 =	vld [tilespmem:s19+$0x0];
	_ =	sdelay $0x2  }
0xca: {  	s19 =	simm.s32 $0x80  }
0xcb: {  	s23 =	simm.s32 $0x10;
	s22 =	sand.u32 $0x1C00, s19  }
0xcc: {  	s21 =	sand.u32 $0x70, s23;
	s20 =	simm.s32 $0x20;
	s23 =	sor.u32 s22, s17;
	v3 =	vadd.f32 v4, v3  }
.LBB2_7:
0xcd: {  	p0 =	sne.s32 s20, $0x3F0;
	s23 =	sor.u32 s21, s23;
	s22 =	sadd.s32 s22, s15  }
0xce: {  	v4 =	vld [tilespmem:s23+$0x8000];
	s21 =	sadd.s32 s21, s22;
	[tilespmem:s18+$0x14000] =	vst v3;
	s18 =	smov.u32 s23  }
0xcf: {  	v3 =	vld [tilespmem:s21+$0x0]  }
.Ltmp2:
0xd0: {  	(pc) =	sbr.rel @p0 .LBB2_7-.Ltmp2, $4  }
0xd1: {  	_ = 	snop  }
0xd2: {  	s19 =	sadd.s32 $0x80, s19  }
0xd3: {  	s22 =	sand.u32 $0x1C00, s19  }
0xd4: {  	s21 =	sand.u32 $0x70, s20;
	s23 =	sor.u32 s22, s17;
	s20 =	sadd.s32 $0x10, s20;
	v3 =	vadd.f32 v3, v4  }
0xd5: {  	s17 =	sor.u32 s21, s23;
	s15 =	sadd.s32 s22, s15  }
0xd6: {  	v4 =	vld [tilespmem:s17+$0x8000];
	s15 =	sadd.s32 s21, s15;
	[tilespmem:s18+$0x14000] =	vst v3  }
0xd7: {  	v3 =	vld [tilespmem:s15+$0x0]  }
0xd8: {  	s14 =	sadd.s32 $0x1, s14  }
0xd9: {  	p0 =	sne.s32 s14, $0x10  }
.Ltmp3:
0xda: {  	_ = 	snop;
	(pc) =	sbr.rel @p0 .LBB2_6-.Ltmp3, $3  }
0xdb: {  	_ = 	snop  }
0xdc: {  	v3 =	vadd.f32 v3, v4;
	_ =	sdelay $0x1  }
0xdd: {  	[tilespmem:s17+$0x14000] =	vst v3  }
0xde: {  	s13 =	simm.s32 $0x0;
	s14 =	rddreg [dreg:$0x5]  }
0xdf: {  	[hbm4b:s14+s13] =	stream.linear.scatter [tilespmem:s9], [sflag:$0x4], $0x4000, $0x38;
	[tilespmem:$0x18800] =	vst v63  }
0xe0: {  	_ =	swait.ge [sflag:s16], $0x8000  }
0xe1: {  	[sflag:s16] =	ssyncset.done $0x0  }
0xe2: {  	[sflag:s16] =	ssyncadd.s32 $0xFFFF8000  }
0xe3: {  	v3 =	vld [tilespmem:$0x18180];
	_ =	sdelay $0x4  }
0xe4: {  	v4 =	vshll.u32 v3, $0x3  }
0xe5: {  	v3 =	vand.u32 $0x7, v3;
	v4 =	vand.u32 $0xFFFFFFC0, v4  }
0xe6: {  	v3 =	vor.u32 v3, v4  }
0xe7: {  	v4 =	vperm.xlane v3, v0;
	_ =	sdelay $0x1  }
0xe8: {  	v4 =	vadd.s32 v1, v4;
	_ =	sdelay $0x3  }
0xe9: {  	s17 =	simm.s32 $0x8000  }
0xea: {  	[tilespmem:s17], [sflag:$0x2] =	stream.indirect_vreg.gather [hbm4b:s3+s13], $0x80, v4, vm0, $0xb8;
	[tilespmem:$0x18800] =	vst v63  }
0xeb: {  	s18 =	simm.s32 $0x8800;
	v3 =	vperm.xlane v3, v2  }
0xec: {  	[tilespmem:s18], [sflag:$0x2] =	stream.indirect_vreg.gather [hbm4b:s5+s13], $0x80, v4, vm0, $0xb8;
	[tilespmem:$0x18800] =	vst v63  }
0xed: {  	s19 =	simm.s32 $0x9000;
	v3 =	vadd.s32 v1, v3  }
0xee: {  	[tilespmem:s19], [sflag:$0x2] =	stream.indirect_vreg.gather [hbm4b:s6+s13], $0x80, v4, vm0, $0xb8;
	[tilespmem:$0x18800] =	vst v63  }
0xef: {  	s20 =	simm.s32 $0x9800  }
0xf0: {  	[tilespmem:s20], [sflag:$0x2] =	stream.indirect_vreg.gather [hbm4b:s8+s13], $0x80, v4, vm0, $0xb8;
	[tilespmem:$0x18800] =	vst v63  }
0xf1: {  	s21 =	simm.s32 $0xA000  }
0xf2: {  	[tilespmem:s21], [sflag:$0x2] =	stream.indirect_vreg.gather [hbm4b:s3+s13], $0x80, v3, vm0, $0xb8;
	[tilespmem:$0x18800] =	vst v63  }
0xf3: {  	s22 =	simm.s32 $0xA800  }
0xf4: {  	[tilespmem:s22], [sflag:$0x2] =	stream.indirect_vreg.gather [hbm4b:s5+s13], $0x80, v3, vm0, $0xb8;
	[tilespmem:$0x18800] =	vst v63  }
0xf5: {  	s23 =	simm.s32 $0xB000  }
0xf6: {  	[tilespmem:s23], [sflag:$0x2] =	stream.indirect_vreg.gather [hbm4b:s6+s13], $0x80, v3, vm0, $0xb8;
	[tilespmem:$0x18800] =	vst v63  }
0xf7: {  	_ = 	snop  }
0xf8: {  	[tilespmem:s24], [sflag:$0x2] =	stream.indirect_vreg.gather [hbm4b:s8+s13], $0x80, v3, vm0, $0xb8;
	[tilespmem:$0x18800] =	vst v63  }
0xf9: {  	v3 =	vld [tilespmem:$0x18190];
	_ =	sdelay $0x4  }
0xfa: {  	v63 =	vshll.u32 v3, $0x3  }
0xfb: {  	v3 =	vand.u32 $0x7, v3;
	v4 =	vand.u32 $0xFFFFFFC0, v63  }
0xfc: {  	v3 =	vor.u32 v3, v4  }
0xfd: {  	v4 =	vperm.xlane v3, v0;
	_ =	sdelay $0x1  }
0xfe: {  	v4 =	vadd.s32 v1, v4;
	_ =	sdelay $0x4  }
0xff: {  	[tilespmem:s7], [sflag:$0x2] =	stream.indirect_vreg.gather [hbm4b:s3+s13], $0x80, v4, vm0, $0xb8;
	[tilespmem:$0x18800] =	vst v63  }
0x100: {  	v3 =	vperm.xlane v3, v2  }
0x101: {  	[tilespmem:s26], [sflag:$0x2] =	stream.indirect_vreg.gather [hbm4b:s5+s13], $0x80, v4, vm0, $0xb8;
	[tilespmem:$0x18800] =	vst v63  }
0x102: {  	v3 =	vadd.s32 v1, v3  }
0x103: {  	[tilespmem:s28], [sflag:$0x2] =	stream.indirect_vreg.gather [hbm4b:s6+s13], $0x80, v4, vm0, $0xb8;
	[tilespmem:$0x18800] =	vst v63  }
0x104: {  	_ = 	snop  }
0x105: {  	[tilespmem:s29], [sflag:$0x2] =	stream.indirect_vreg.gather [hbm4b:s8+s13], $0x80, v4, vm0, $0xb8;
	[tilespmem:$0x18800] =	vst v63  }
0x106: {  	_ = 	snop  }
0x107: {  	[tilespmem:s30], [sflag:$0x2] =	stream.indirect_vreg.gather [hbm4b:s3+s13], $0x80, v3, vm0, $0xb8;
	[tilespmem:$0x18800] =	vst v63  }
0x108: {  	_ = 	snop  }
0x109: {  	[tilespmem:s31], [sflag:$0x2] =	stream.indirect_vreg.gather [hbm4b:s5+s13], $0x80, v3, vm0, $0xb8;
	[tilespmem:$0x18800] =	vst v63  }
0x10a: {  	_ = 	snop  }
0x10b: {  	[tilespmem:s0], [sflag:$0x2] =	stream.indirect_vreg.gather [hbm4b:s6+s13], $0x80, v3, vm0, $0xb8;
	[tilespmem:$0x18800] =	vst v63  }
0x10c: {  	_ = 	snop  }
0x10d: {  	[tilespmem:s1], [sflag:$0x2] =	stream.indirect_vreg.gather [hbm4b:s8+s13], $0x80, v3, vm0, $0xb8;
	[tilespmem:$0x18800] =	vst v63  }
0x10e: {  	_ =	swait.ge [sflag:s10], $0x4000  }
0x10f: {  	[sflag:s10] =	ssyncset.done $0x0  }
0x110: {  	s14 =	simm.s32 $0x0;
	[sflag:s10] =	ssyncadd.s32 $0xFFFFC000  }
.LBB2_10:
0x111: {  	s15 =	sshll.u32 s14, $0xA;
	s17 =	sshll.u32 s14, $0x7  }
0x112: {  	s15 =	sand.u32 $0x2000, s15;
	s17 =	sand.u32 $0x380, s17  }
0x113: {  	s19 =	sand.u32 $0x1C00, s13;
	s17 =	sor.u32 s17, s15  }
0x114: {  	s20 =	sand.u32 $0x70, s13;
	s15 =	sor.u32 $0x4000, s17;
	s18 =	sor.u32 s19, s17  }
0x115: {  	s18 =	sor.u32 s20, s18;
	s19 =	sadd.s32 s19, s15  }
0x116: {  	v3 =	vld [tilespmem:s18+$0x0];
	s19 =	sadd.s32 s20, s19  }
0x117: {  	v4 =	vld [tilespmem:s19+$0x0];
	_ =	sdelay $0x2  }
0x118: {  	s19 =	simm.s32 $0x80  }
0x119: {  	s23 =	simm.s32 $0x10;
	s22 =	sand.u32 $0x1C00, s19  }
0x11a: {  	s21 =	sand.u32 $0x70, s23;
	s20 =	simm.s32 $0x20;
	s23 =	sor.u32 s22, s17;
	v3 =	vadd.f32 v4, v3  }
.LBB2_11:
0x11b: {  	p0 =	sne.s32 s20, $0x3F0;
	s23 =	sor.u32 s21, s23;
	s22 =	sadd.s32 s22, s15  }
0x11c: {  	v4 =	vld [tilespmem:s23+$0x0];
	s21 =	sadd.s32 s21, s22;
	[tilespmem:s18+$0x10000] =	vst v3;
	s18 =	smov.u32 s23  }
0x11d: {  	v3 =	vld [tilespmem:s21+$0x0]  }
.Ltmp4:
0x11e: {  	(pc) =	sbr.rel @p0 .LBB2_11-.Ltmp4, $4  }
0x11f: {  	_ = 	snop  }
0x120: {  	s19 =	sadd.s32 $0x80, s19  }
0x121: {  	s22 =	sand.u32 $0x1C00, s19  }
0x122: {  	s21 =	sand.u32 $0x70, s20;
	s23 =	sor.u32 s22, s17;
	s20 =	sadd.s32 $0x10, s20;
	v3 =	vadd.f32 v3, v4  }
0x123: {  	s17 =	sor.u32 s21, s23;
	s15 =	sadd.s32 s22, s15  }
0x124: {  	v4 =	vld [tilespmem:s17+$0x0];
	s15 =	sadd.s32 s21, s15;
	[tilespmem:s18+$0x10000] =	vst v3  }
0x125: {  	v3 =	vld [tilespmem:s15+$0x0]  }
0x126: {  	s14 =	sadd.s32 $0x1, s14  }
0x127: {  	p0 =	sne.s32 s14, $0x10  }
.Ltmp5:
0x128: {  	_ = 	snop;
	(pc) =	sbr.rel @p0 .LBB2_10-.Ltmp5, $3  }
0x129: {  	_ = 	snop  }
0x12a: {  	v3 =	vadd.f32 v3, v4;
	_ =	sdelay $0x1  }
0x12b: {  	[tilespmem:s17+$0x10000] =	vst v3  }
0x12c: {  	s13 =	simm.s32 $0x0;
	s14 =	rddreg [dreg:$0x6]  }
0x12d: {  	[hbm4b:s14+s13] =	stream.linear.scatter [tilespmem:s25], [sflag:$0x3], $0x4000, $0x38;
	[tilespmem:$0x18800] =	vst v63  }
0x12e: {  	_ =	swait.ge [sflag:s4], $0x8000  }
0x12f: {  	[sflag:s4] =	ssyncset.done $0x0  }
0x130: {  	[sflag:s4] =	ssyncadd.s32 $0xFFFF8000  }
0x131: {  	v3 =	vld [tilespmem:$0x18200];
	_ =	sdelay $0x4  }
0x132: {  	v4 =	vshll.u32 v3, $0x3  }
0x133: {  	v3 =	vand.u32 $0x7, v3;
	v4 =	vand.u32 $0xFFFFFFC0, v4  }
0x134: {  	v3 =	vor.u32 v3, v4  }
0x135: {  	v4 =	vperm.xlane v3, v0;
	_ =	sdelay $0x1  }
0x136: {  	v4 =	vadd.s32 v1, v4;
	_ =	sdelay $0x4  }
0x137: {  	[tilespmem:s13], [sflag:$0x1] =	stream.indirect_vreg.gather [hbm4b:s3+s13], $0x80, v4, vm0, $0xb8;
	[tilespmem:$0x18800] =	vst v63  }
0x138: {  	s17 =	simm.s32 $0x800;
	v3 =	vperm.xlane v3, v2  }
0x139: {  	[tilespmem:s17], [sflag:$0x1] =	stream.indirect_vreg.gather [hbm4b:s5+s13], $0x80, v4, vm0, $0xb8;
	[tilespmem:$0x18800] =	vst v63  }
0x13a: {  	s18 =	simm.s32 $0x1000;
	v3 =	vadd.s32 v1, v3  }
0x13b: {  	[tilespmem:s18], [sflag:$0x1] =	stream.indirect_vreg.gather [hbm4b:s6+s13], $0x80, v4, vm0, $0xb8;
	[tilespmem:$0x18800] =	vst v63  }
0x13c: {  	s19 =	simm.s32 $0x1800  }
0x13d: {  	[tilespmem:s19], [sflag:$0x1] =	stream.indirect_vreg.gather [hbm4b:s8+s13], $0x80, v4, vm0, $0xb8;
	[tilespmem:$0x18800] =	vst v63  }
0x13e: {  	s20 =	simm.s32 $0x2000  }
0x13f: {  	[tilespmem:s20], [sflag:$0x1] =	stream.indirect_vreg.gather [hbm4b:s3+s13], $0x80, v3, vm0, $0xb8;
	[tilespmem:$0x18800] =	vst v63  }
0x140: {  	s21 =	simm.s32 $0x2800  }
0x141: {  	[tilespmem:s21], [sflag:$0x1] =	stream.indirect_vreg.gather [hbm4b:s5+s13], $0x80, v3, vm0, $0xb8;
	[tilespmem:$0x18800] =	vst v63  }
0x142: {  	s22 =	simm.s32 $0x3000  }
0x143: {  	[tilespmem:s22], [sflag:$0x1] =	stream.indirect_vreg.gather [hbm4b:s6+s13], $0x80, v3, vm0, $0xb8;
	[tilespmem:$0x18800] =	vst v63  }
0x144: {  	s23 =	simm.s32 $0x3800  }
0x145: {  	[tilespmem:s23], [sflag:$0x1] =	stream.indirect_vreg.gather [hbm4b:s8+s13], $0x80, v3, vm0, $0xb8;
	[tilespmem:$0x18800] =	vst v63  }
0x146: {  	v3 =	vld [tilespmem:$0x18210];
	_ =	sdelay $0x4  }
0x147: {  	v63 =	vshll.u32 v3, $0x3  }
0x148: {  	v3 =	vand.u32 $0x7, v3;
	v4 =	vand.u32 $0xFFFFFFC0, v63  }
0x149: {  	v3 =	vor.u32 v3, v4  }
0x14a: {  	v4 =	vperm.xlane v3, v0;
	_ =	sdelay $0x1  }
0x14b: {  	v4 =	vadd.s32 v1, v4;
	_ =	sdelay $0x3  }
0x14c: {  	s15 =	simm.s32 $0x4000  }
0x14d: {  	[tilespmem:s15], [sflag:$0x1] =	stream.indirect_vreg.gather [hbm4b:s3+s13], $0x80, v4, vm0, $0xb8;
	[tilespmem:$0x18800] =	vst v63  }
0x14e: {  	s17 =	simm.s32 $0x4800;
	v3 =	vperm.xlane v3, v2  }
0x14f: {  	[tilespmem:s17], [sflag:$0x1] =	stream.indirect_vreg.gather [hbm4b:s5+s13], $0x80, v4, vm0, $0xb8;
	[tilespmem:$0x18800] =	vst v63  }
0x150: {  	s18 =	simm.s32 $0x5000;
	v3 =	vadd.s32 v1, v3  }
0x151: {  	[tilespmem:s18], [sflag:$0x1] =	stream.indirect_vreg.gather [hbm4b:s6+s13], $0x80, v4, vm0, $0xb8;
	[tilespmem:$0x18800] =	vst v63  }
0x152: {  	s19 =	simm.s32 $0x5800  }
0x153: {  	[tilespmem:s19], [sflag:$0x1] =	stream.indirect_vreg.gather [hbm4b:s8+s13], $0x80, v4, vm0, $0xb8;
	[tilespmem:$0x18800] =	vst v63  }
0x154: {  	s20 =	simm.s32 $0x6000  }
0x155: {  	[tilespmem:s20], [sflag:$0x1] =	stream.indirect_vreg.gather [hbm4b:s3+s13], $0x80, v3, vm0, $0xb8;
	[tilespmem:$0x18800] =	vst v63  }
0x156: {  	s21 =	simm.s32 $0x6800  }
0x157: {  	[tilespmem:s21], [sflag:$0x1] =	stream.indirect_vreg.gather [hbm4b:s5+s13], $0x80, v3, vm0, $0xb8;
	[tilespmem:$0x18800] =	vst v63  }
0x158: {  	s22 =	simm.s32 $0x7000  }
0x159: {  	[tilespmem:s22], [sflag:$0x1] =	stream.indirect_vreg.gather [hbm4b:s6+s13], $0x80, v3, vm0, $0xb8;
	[tilespmem:$0x18800] =	vst v63  }
0x15a: {  	s23 =	simm.s32 $0x7800  }
0x15b: {  	[tilespmem:s23], [sflag:$0x1] =	stream.indirect_vreg.gather [hbm4b:s8+s13], $0x80, v3, vm0, $0xb8;
	[tilespmem:$0x18800] =	vst v63  }
0x15c: {  	_ =	swait.ge [sflag:s11], $0x4000  }
0x15d: {  	[sflag:s11] =	ssyncset.done $0x0  }
0x15e: {  	s14 =	simm.s32 $0x0;
	[sflag:s11] =	ssyncadd.s32 $0xFFFFC000  }
.LBB2_14:
0x15f: {  	s15 =	sshll.u32 s14, $0xA;
	s17 =	sshll.u32 s14, $0x7  }
0x160: {  	s15 =	sand.u32 $0x2000, s15;
	s17 =	sand.u32 $0x380, s17  }
0x161: {  	s19 =	sand.u32 $0x1C00, s13;
	s17 =	sor.u32 s17, s15  }
0x162: {  	s20 =	sand.u32 $0x70, s13;
	s15 =	sor.u32 $0xC000, s17;
	s18 =	sor.u32 s19, s17  }
0x163: {  	s18 =	sor.u32 s20, s18;
	s19 =	sadd.s32 s19, s15  }
0x164: {  	v3 =	vld [tilespmem:s18+$0x8000];
	s19 =	sadd.s32 s20, s19  }
0x165: {  	v4 =	vld [tilespmem:s19+$0x0];
	_ =	sdelay $0x2  }
0x166: {  	s19 =	simm.s32 $0x80  }
0x167: {  	s23 =	simm.s32 $0x10;
	s22 =	sand.u32 $0x1C00, s19  }
0x168: {  	s21 =	sand.u32 $0x70, s23;
	s20 =	simm.s32 $0x20;
	s23 =	sor.u32 s22, s17;
	v3 =	vadd.f32 v4, v3  }
.LBB2_15:
0x169: {  	p0 =	sne.s32 s20, $0x3F0;
	s23 =	sor.u32 s21, s23;
	s22 =	sadd.s32 s22, s15  }
0x16a: {  	v4 =	vld [tilespmem:s23+$0x8000];
	s21 =	sadd.s32 s21, s22;
	[tilespmem:s18+$0x14000] =	vst v3;
	s18 =	smov.u32 s23  }
0x16b: {  	v3 =	vld [tilespmem:s21+$0x0]  }
.Ltmp6:
0x16c: {  	(pc) =	sbr.rel @p0 .LBB2_15-.Ltmp6, $4  }
0x16d: {  	_ = 	snop  }
0x16e: {  	s19 =	sadd.s32 $0x80, s19  }
0x16f: {  	s22 =	sand.u32 $0x1C00, s19  }
0x170: {  	s21 =	sand.u32 $0x70, s20;
	s23 =	sor.u32 s22, s17;
	s20 =	sadd.s32 $0x10, s20;
	v3 =	vadd.f32 v3, v4  }
0x171: {  	s17 =	sor.u32 s21, s23;
	s15 =	sadd.s32 s22, s15  }
0x172: {  	v4 =	vld [tilespmem:s17+$0x8000];
	s15 =	sadd.s32 s21, s15;
	[tilespmem:s18+$0x14000] =	vst v3  }
0x173: {  	v3 =	vld [tilespmem:s15+$0x0]  }
0x174: {  	s14 =	sadd.s32 $0x1, s14  }
0x175: {  	p0 =	sne.s32 s14, $0x10  }
.Ltmp7:
0x176: {  	_ = 	snop;
	(pc) =	sbr.rel @p0 .LBB2_14-.Ltmp7, $3  }
0x177: {  	_ = 	snop  }
0x178: {  	v3 =	vadd.f32 v3, v4;
	_ =	sdelay $0x1  }
0x179: {  	[tilespmem:s17+$0x14000] =	vst v3  }
0x17a: {  	s13 =	simm.s32 $0x0;
	s14 =	rddreg [dreg:$0x7]  }
0x17b: {  	[hbm4b:s14+s13] =	stream.linear.scatter [tilespmem:s9], [sflag:$0x4], $0x4000, $0x38;
	[tilespmem:$0x18800] =	vst v63  }
0x17c: {  	_ =	swait.ge [sflag:s16], $0x8000  }
0x17d: {  	[sflag:s16] =	ssyncset.done $0x0  }
0x17e: {  	[sflag:s16] =	ssyncadd.s32 $0xFFFF8000  }
0x17f: {  	v3 =	vld [tilespmem:$0x18280];
	_ =	sdelay $0x4  }
0x180: {  	v4 =	vshll.u32 v3, $0x3  }
0x181: {  	v3 =	vand.u32 $0x7, v3;
	v4 =	vand.u32 $0xFFFFFFC0, v4  }
0x182: {  	v3 =	vor.u32 v3, v4  }
0x183: {  	v4 =	vperm.xlane v3, v0;
	_ =	sdelay $0x1  }
0x184: {  	v4 =	vadd.s32 v1, v4;
	_ =	sdelay $0x3  }
0x185: {  	s17 =	simm.s32 $0x8000  }
0x186: {  	[tilespmem:s17], [sflag:$0x2] =	stream.indirect_vreg.gather [hbm4b:s3+s13], $0x80, v4, vm0, $0xb8;
	[tilespmem:$0x18800] =	vst v63  }
0x187: {  	s18 =	simm.s32 $0x8800;
	v3 =	vperm.xlane v3, v2  }
0x188: {  	[tilespmem:s18], [sflag:$0x2] =	stream.indirect_vreg.gather [hbm4b:s5+s13], $0x80, v4, vm0, $0xb8;
	[tilespmem:$0x18800] =	vst v63  }
0x189: {  	s19 =	simm.s32 $0x9000;
	v3 =	vadd.s32 v1, v3  }
0x18a: {  	[tilespmem:s19], [sflag:$0x2] =	stream.indirect_vreg.gather [hbm4b:s6+s13], $0x80, v4, vm0, $0xb8;
	[tilespmem:$0x18800] =	vst v63  }
0x18b: {  	s20 =	simm.s32 $0x9800  }
0x18c: {  	[tilespmem:s20], [sflag:$0x2] =	stream.indirect_vreg.gather [hbm4b:s8+s13], $0x80, v4, vm0, $0xb8;
	[tilespmem:$0x18800] =	vst v63  }
0x18d: {  	s21 =	simm.s32 $0xA000  }
0x18e: {  	[tilespmem:s21], [sflag:$0x2] =	stream.indirect_vreg.gather [hbm4b:s3+s13], $0x80, v3, vm0, $0xb8;
	[tilespmem:$0x18800] =	vst v63  }
0x18f: {  	s22 =	simm.s32 $0xA800  }
0x190: {  	[tilespmem:s22], [sflag:$0x2] =	stream.indirect_vreg.gather [hbm4b:s5+s13], $0x80, v3, vm0, $0xb8;
	[tilespmem:$0x18800] =	vst v63  }
0x191: {  	s23 =	simm.s32 $0xB000  }
0x192: {  	[tilespmem:s23], [sflag:$0x2] =	stream.indirect_vreg.gather [hbm4b:s6+s13], $0x80, v3, vm0, $0xb8;
	[tilespmem:$0x18800] =	vst v63  }
0x193: {  	_ = 	snop  }
0x194: {  	[tilespmem:s24], [sflag:$0x2] =	stream.indirect_vreg.gather [hbm4b:s8+s13], $0x80, v3, vm0, $0xb8;
	[tilespmem:$0x18800] =	vst v63  }
0x195: {  	v3 =	vld [tilespmem:$0x18290];
	_ =	sdelay $0x4  }
0x196: {  	v63 =	vshll.u32 v3, $0x3  }
0x197: {  	v3 =	vand.u32 $0x7, v3;
	v4 =	vand.u32 $0xFFFFFFC0, v63  }
0x198: {  	v3 =	vor.u32 v3, v4  }
0x199: {  	v4 =	vperm.xlane v3, v0;
	_ =	sdelay $0x1  }
0x19a: {  	v4 =	vadd.s32 v1, v4;
	_ =	sdelay $0x4  }
0x19b: {  	[tilespmem:s7], [sflag:$0x2] =	stream.indirect_vreg.gather [hbm4b:s3+s13], $0x80, v4, vm0, $0xb8;
	[tilespmem:$0x18800] =	vst v63  }
0x19c: {  	v3 =	vperm.xlane v3, v2  }
0x19d: {  	[tilespmem:s26], [sflag:$0x2] =	stream.indirect_vreg.gather [hbm4b:s5+s13], $0x80, v4, vm0, $0xb8;
	[tilespmem:$0x18800] =	vst v63  }
0x19e: {  	v3 =	vadd.s32 v1, v3  }
0x19f: {  	[tilespmem:s28], [sflag:$0x2] =	stream.indirect_vreg.gather [hbm4b:s6+s13], $0x80, v4, vm0, $0xb8;
	[tilespmem:$0x18800] =	vst v63  }
0x1a0: {  	_ = 	snop  }
0x1a1: {  	[tilespmem:s29], [sflag:$0x2] =	stream.indirect_vreg.gather [hbm4b:s8+s13], $0x80, v4, vm0, $0xb8;
	[tilespmem:$0x18800] =	vst v63  }
0x1a2: {  	_ = 	snop  }
0x1a3: {  	[tilespmem:s30], [sflag:$0x2] =	stream.indirect_vreg.gather [hbm4b:s3+s13], $0x80, v3, vm0, $0xb8;
	[tilespmem:$0x18800] =	vst v63  }
0x1a4: {  	_ = 	snop  }
0x1a5: {  	[tilespmem:s31], [sflag:$0x2] =	stream.indirect_vreg.gather [hbm4b:s5+s13], $0x80, v3, vm0, $0xb8;
	[tilespmem:$0x18800] =	vst v63  }
0x1a6: {  	_ = 	snop  }
0x1a7: {  	[tilespmem:s0], [sflag:$0x2] =	stream.indirect_vreg.gather [hbm4b:s6+s13], $0x80, v3, vm0, $0xb8;
	[tilespmem:$0x18800] =	vst v63  }
0x1a8: {  	_ = 	snop  }
0x1a9: {  	[tilespmem:s1], [sflag:$0x2] =	stream.indirect_vreg.gather [hbm4b:s8+s13], $0x80, v3, vm0, $0xb8;
	[tilespmem:$0x18800] =	vst v63  }
0x1aa: {  	_ =	swait.ge [sflag:s10], $0x4000  }
0x1ab: {  	[sflag:s10] =	ssyncset.done $0x0  }
0x1ac: {  	s14 =	simm.s32 $0x0;
	[sflag:s10] =	ssyncadd.s32 $0xFFFFC000  }
.LBB2_18:
0x1ad: {  	s15 =	sshll.u32 s14, $0xA;
	s17 =	sshll.u32 s14, $0x7  }
0x1ae: {  	s15 =	sand.u32 $0x2000, s15;
	s17 =	sand.u32 $0x380, s17  }
0x1af: {  	s19 =	sand.u32 $0x1C00, s13;
	s17 =	sor.u32 s17, s15  }
0x1b0: {  	s20 =	sand.u32 $0x70, s13;
	s15 =	sor.u32 $0x4000, s17;
	s18 =	sor.u32 s19, s17  }
0x1b1: {  	s18 =	sor.u32 s20, s18;
	s19 =	sadd.s32 s19, s15  }
0x1b2: {  	v3 =	vld [tilespmem:s18+$0x0];
	s19 =	sadd.s32 s20, s19  }
0x1b3: {  	v4 =	vld [tilespmem:s19+$0x0];
	_ =	sdelay $0x2  }
0x1b4: {  	s19 =	simm.s32 $0x80  }
0x1b5: {  	s23 =	simm.s32 $0x10;
	s22 =	sand.u32 $0x1C00, s19  }
0x1b6: {  	s21 =	sand.u32 $0x70, s23;
	s20 =	simm.s32 $0x20;
	s23 =	sor.u32 s22, s17;
	v3 =	vadd.f32 v4, v3  }
.LBB2_19:
0x1b7: {  	p0 =	sne.s32 s20, $0x3F0;
	s23 =	sor.u32 s21, s23;
	s22 =	sadd.s32 s22, s15  }
0x1b8: {  	v4 =	vld [tilespmem:s23+$0x0];
	s21 =	sadd.s32 s21, s22;
	[tilespmem:s18+$0x10000] =	vst v3;
	s18 =	smov.u32 s23  }
0x1b9: {  	v3 =	vld [tilespmem:s21+$0x0]  }
.Ltmp8:
0x1ba: {  	(pc) =	sbr.rel @p0 .LBB2_19-.Ltmp8, $4  }
0x1bb: {  	_ = 	snop  }
0x1bc: {  	s19 =	sadd.s32 $0x80, s19  }
0x1bd: {  	s22 =	sand.u32 $0x1C00, s19  }
0x1be: {  	s21 =	sand.u32 $0x70, s20;
	s23 =	sor.u32 s22, s17;
	s20 =	sadd.s32 $0x10, s20;
	v3 =	vadd.f32 v3, v4  }
0x1bf: {  	s17 =	sor.u32 s21, s23;
	s15 =	sadd.s32 s22, s15  }
0x1c0: {  	v4 =	vld [tilespmem:s17+$0x0];
	s15 =	sadd.s32 s21, s15;
	[tilespmem:s18+$0x10000] =	vst v3  }
0x1c1: {  	v3 =	vld [tilespmem:s15+$0x0]  }
0x1c2: {  	s14 =	sadd.s32 $0x1, s14  }
0x1c3: {  	p0 =	sne.s32 s14, $0x10  }
.Ltmp9:
0x1c4: {  	_ = 	snop;
	(pc) =	sbr.rel @p0 .LBB2_18-.Ltmp9, $3  }
0x1c5: {  	_ = 	snop  }
0x1c6: {  	v3 =	vadd.f32 v3, v4;
	_ =	sdelay $0x1  }
0x1c7: {  	[tilespmem:s17+$0x10000] =	vst v3  }
0x1c8: {  	s13 =	simm.s32 $0x0;
	s14 =	rddreg [dreg:$0x8]  }
0x1c9: {  	[hbm4b:s14+s13] =	stream.linear.scatter [tilespmem:s25], [sflag:$0x3], $0x4000, $0x38;
	[tilespmem:$0x18800] =	vst v63  }
0x1ca: {  	_ =	swait.ge [sflag:s4], $0x8000  }
0x1cb: {  	[sflag:s4] =	ssyncset.done $0x0  }
0x1cc: {  	[sflag:s4] =	ssyncadd.s32 $0xFFFF8000  }
0x1cd: {  	v3 =	vld [tilespmem:$0x18300];
	_ =	sdelay $0x4  }
0x1ce: {  	v4 =	vshll.u32 v3, $0x3  }
0x1cf: {  	v3 =	vand.u32 $0x7, v3;
	v4 =	vand.u32 $0xFFFFFFC0, v4  }
0x1d0: {  	v3 =	vor.u32 v3, v4  }
0x1d1: {  	v4 =	vperm.xlane v3, v0;
	_ =	sdelay $0x1  }
0x1d2: {  	v4 =	vadd.s32 v1, v4;
	_ =	sdelay $0x4  }
0x1d3: {  	[tilespmem:s13], [sflag:$0x1] =	stream.indirect_vreg.gather [hbm4b:s3+s13], $0x80, v4, vm0, $0xb8;
	[tilespmem:$0x18800] =	vst v63  }
0x1d4: {  	s17 =	simm.s32 $0x800;
	v3 =	vperm.xlane v3, v2  }
0x1d5: {  	[tilespmem:s17], [sflag:$0x1] =	stream.indirect_vreg.gather [hbm4b:s5+s13], $0x80, v4, vm0, $0xb8;
	[tilespmem:$0x18800] =	vst v63  }
0x1d6: {  	s18 =	simm.s32 $0x1000;
	v3 =	vadd.s32 v1, v3  }
0x1d7: {  	[tilespmem:s18], [sflag:$0x1] =	stream.indirect_vreg.gather [hbm4b:s6+s13], $0x80, v4, vm0, $0xb8;
	[tilespmem:$0x18800] =	vst v63  }
0x1d8: {  	s19 =	simm.s32 $0x1800  }
0x1d9: {  	[tilespmem:s19], [sflag:$0x1] =	stream.indirect_vreg.gather [hbm4b:s8+s13], $0x80, v4, vm0, $0xb8;
	[tilespmem:$0x18800] =	vst v63  }
0x1da: {  	s20 =	simm.s32 $0x2000  }
0x1db: {  	[tilespmem:s20], [sflag:$0x1] =	stream.indirect_vreg.gather [hbm4b:s3+s13], $0x80, v3, vm0, $0xb8;
	[tilespmem:$0x18800] =	vst v63  }
0x1dc: {  	s21 =	simm.s32 $0x2800  }
0x1dd: {  	[tilespmem:s21], [sflag:$0x1] =	stream.indirect_vreg.gather [hbm4b:s5+s13], $0x80, v3, vm0, $0xb8;
	[tilespmem:$0x18800] =	vst v63  }
0x1de: {  	s22 =	simm.s32 $0x3000  }
0x1df: {  	[tilespmem:s22], [sflag:$0x1] =	stream.indirect_vreg.gather [hbm4b:s6+s13], $0x80, v3, vm0, $0xb8;
	[tilespmem:$0x18800] =	vst v63  }
0x1e0: {  	s23 =	simm.s32 $0x3800  }
0x1e1: {  	[tilespmem:s23], [sflag:$0x1] =	stream.indirect_vreg.gather [hbm4b:s8+s13], $0x80, v3, vm0, $0xb8;
	[tilespmem:$0x18800] =	vst v63  }
0x1e2: {  	v3 =	vld [tilespmem:$0x18310];
	_ =	sdelay $0x4  }
0x1e3: {  	v63 =	vshll.u32 v3, $0x3  }
0x1e4: {  	v3 =	vand.u32 $0x7, v3;
	v4 =	vand.u32 $0xFFFFFFC0, v63  }
0x1e5: {  	v3 =	vor.u32 v3, v4  }
0x1e6: {  	v4 =	vperm.xlane v3, v0;
	_ =	sdelay $0x1  }
0x1e7: {  	v4 =	vadd.s32 v1, v4;
	_ =	sdelay $0x3  }
0x1e8: {  	s15 =	simm.s32 $0x4000  }
0x1e9: {  	[tilespmem:s15], [sflag:$0x1] =	stream.indirect_vreg.gather [hbm4b:s3+s13], $0x80, v4, vm0, $0xb8;
	[tilespmem:$0x18800] =	vst v63  }
0x1ea: {  	s17 =	simm.s32 $0x4800;
	v3 =	vperm.xlane v3, v2  }
0x1eb: {  	[tilespmem:s17], [sflag:$0x1] =	stream.indirect_vreg.gather [hbm4b:s5+s13], $0x80, v4, vm0, $0xb8;
	[tilespmem:$0x18800] =	vst v63  }
0x1ec: {  	s18 =	simm.s32 $0x5000;
	v3 =	vadd.s32 v1, v3  }
0x1ed: {  	[tilespmem:s18], [sflag:$0x1] =	stream.indirect_vreg.gather [hbm4b:s6+s13], $0x80, v4, vm0, $0xb8;
	[tilespmem:$0x18800] =	vst v63  }
0x1ee: {  	s19 =	simm.s32 $0x5800  }
0x1ef: {  	[tilespmem:s19], [sflag:$0x1] =	stream.indirect_vreg.gather [hbm4b:s8+s13], $0x80, v4, vm0, $0xb8;
	[tilespmem:$0x18800] =	vst v63  }
0x1f0: {  	s20 =	simm.s32 $0x6000  }
0x1f1: {  	[tilespmem:s20], [sflag:$0x1] =	stream.indirect_vreg.gather [hbm4b:s3+s13], $0x80, v3, vm0, $0xb8;
	[tilespmem:$0x18800] =	vst v63  }
0x1f2: {  	s21 =	simm.s32 $0x6800  }
0x1f3: {  	[tilespmem:s21], [sflag:$0x1] =	stream.indirect_vreg.gather [hbm4b:s5+s13], $0x80, v3, vm0, $0xb8;
	[tilespmem:$0x18800] =	vst v63  }
0x1f4: {  	s22 =	simm.s32 $0x7000  }
0x1f5: {  	[tilespmem:s22], [sflag:$0x1] =	stream.indirect_vreg.gather [hbm4b:s6+s13], $0x80, v3, vm0, $0xb8;
	[tilespmem:$0x18800] =	vst v63  }
0x1f6: {  	s23 =	simm.s32 $0x7800  }
0x1f7: {  	[tilespmem:s23], [sflag:$0x1] =	stream.indirect_vreg.gather [hbm4b:s8+s13], $0x80, v3, vm0, $0xb8;
	[tilespmem:$0x18800] =	vst v63  }
0x1f8: {  	_ =	swait.ge [sflag:s11], $0x4000  }
0x1f9: {  	[sflag:s11] =	ssyncset.done $0x0  }
0x1fa: {  	s14 =	simm.s32 $0x0;
	[sflag:s11] =	ssyncadd.s32 $0xFFFFC000  }
.LBB2_22:
0x1fb: {  	s15 =	sshll.u32 s14, $0xA;
	s17 =	sshll.u32 s14, $0x7  }
0x1fc: {  	s15 =	sand.u32 $0x2000, s15;
	s17 =	sand.u32 $0x380, s17  }
0x1fd: {  	s19 =	sand.u32 $0x1C00, s13;
	s17 =	sor.u32 s17, s15  }
0x1fe: {  	s20 =	sand.u32 $0x70, s13;
	s15 =	sor.u32 $0xC000, s17;
	s18 =	sor.u32 s19, s17  }
0x1ff: {  	s18 =	sor.u32 s20, s18;
	s19 =	sadd.s32 s19, s15  }
0x200: {  	v3 =	vld [tilespmem:s18+$0x8000];
	s19 =	sadd.s32 s20, s19  }
0x201: {  	v4 =	vld [tilespmem:s19+$0x0];
	_ =	sdelay $0x2  }
0x202: {  	s19 =	simm.s32 $0x80  }
0x203: {  	s23 =	simm.s32 $0x10;
	s22 =	sand.u32 $0x1C00, s19  }
0x204: {  	s21 =	sand.u32 $0x70, s23;
	s20 =	simm.s32 $0x20;
	s23 =	sor.u32 s22, s17;
	v3 =	vadd.f32 v4, v3  }
.LBB2_23:
0x205: {  	p0 =	sne.s32 s20, $0x3F0;
	s23 =	sor.u32 s21, s23;
	s22 =	sadd.s32 s22, s15  }
0x206: {  	v4 =	vld [tilespmem:s23+$0x8000];
	s21 =	sadd.s32 s21, s22;
	[tilespmem:s18+$0x14000] =	vst v3;
	s18 =	smov.u32 s23  }
0x207: {  	v3 =	vld [tilespmem:s21+$0x0]  }
.Ltmp10:
0x208: {  	(pc) =	sbr.rel @p0 .LBB2_23-.Ltmp10, $4  }
0x209: {  	_ = 	snop  }
0x20a: {  	s19 =	sadd.s32 $0x80, s19  }
0x20b: {  	s22 =	sand.u32 $0x1C00, s19  }
0x20c: {  	s21 =	sand.u32 $0x70, s20;
	s23 =	sor.u32 s22, s17;
	s20 =	sadd.s32 $0x10, s20;
	v3 =	vadd.f32 v3, v4  }
0x20d: {  	s17 =	sor.u32 s21, s23;
	s15 =	sadd.s32 s22, s15  }
0x20e: {  	v4 =	vld [tilespmem:s17+$0x8000];
	s15 =	sadd.s32 s21, s15;
	[tilespmem:s18+$0x14000] =	vst v3  }
0x20f: {  	v3 =	vld [tilespmem:s15+$0x0]  }
0x210: {  	s14 =	sadd.s32 $0x1, s14  }
0x211: {  	p0 =	sne.s32 s14, $0x10  }
.Ltmp11:
0x212: {  	_ = 	snop;
	(pc) =	sbr.rel @p0 .LBB2_22-.Ltmp11, $3  }
0x213: {  	_ = 	snop  }
0x214: {  	v3 =	vadd.f32 v3, v4;
	_ =	sdelay $0x1  }
0x215: {  	[tilespmem:s17+$0x14000] =	vst v3  }
0x216: {  	s13 =	simm.s32 $0x0;
	s14 =	rddreg [dreg:$0x9]  }
0x217: {  	[hbm4b:s14+s13] =	stream.linear.scatter [tilespmem:s9], [sflag:$0x4], $0x4000, $0x38;
	[tilespmem:$0x18800] =	vst v63  }
0x218: {  	_ =	swait.ge [sflag:s16], $0x8000  }
0x219: {  	[sflag:s16] =	ssyncset.done $0x0  }
0x21a: {  	[sflag:s16] =	ssyncadd.s32 $0xFFFF8000  }
0x21b: {  	v3 =	vld [tilespmem:$0x18380];
	_ =	sdelay $0x4  }
0x21c: {  	v4 =	vshll.u32 v3, $0x3  }
0x21d: {  	v3 =	vand.u32 $0x7, v3;
	v4 =	vand.u32 $0xFFFFFFC0, v4  }
0x21e: {  	v3 =	vor.u32 v3, v4  }
0x21f: {  	v4 =	vperm.xlane v3, v0;
	_ =	sdelay $0x1  }
0x220: {  	v4 =	vadd.s32 v1, v4;
	_ =	sdelay $0x3  }
0x221: {  	s17 =	simm.s32 $0x8000  }
0x222: {  	[tilespmem:s17], [sflag:$0x2] =	stream.indirect_vreg.gather [hbm4b:s3+s13], $0x80, v4, vm0, $0xb8;
	[tilespmem:$0x18800] =	vst v63  }
0x223: {  	s18 =	simm.s32 $0x8800;
	v3 =	vperm.xlane v3, v2  }
0x224: {  	[tilespmem:s18], [sflag:$0x2] =	stream.indirect_vreg.gather [hbm4b:s5+s13], $0x80, v4, vm0, $0xb8;
	[tilespmem:$0x18800] =	vst v63  }
0x225: {  	s19 =	simm.s32 $0x9000;
	v3 =	vadd.s32 v1, v3  }
0x226: {  	[tilespmem:s19], [sflag:$0x2] =	stream.indirect_vreg.gather [hbm4b:s6+s13], $0x80, v4, vm0, $0xb8;
	[tilespmem:$0x18800] =	vst v63  }
0x227: {  	s20 =	simm.s32 $0x9800  }
0x228: {  	[tilespmem:s20], [sflag:$0x2] =	stream.indirect_vreg.gather [hbm4b:s8+s13], $0x80, v4, vm0, $0xb8;
	[tilespmem:$0x18800] =	vst v63  }
0x229: {  	s21 =	simm.s32 $0xA000  }
0x22a: {  	[tilespmem:s21], [sflag:$0x2] =	stream.indirect_vreg.gather [hbm4b:s3+s13], $0x80, v3, vm0, $0xb8;
	[tilespmem:$0x18800] =	vst v63  }
0x22b: {  	s22 =	simm.s32 $0xA800  }
0x22c: {  	[tilespmem:s22], [sflag:$0x2] =	stream.indirect_vreg.gather [hbm4b:s5+s13], $0x80, v3, vm0, $0xb8;
	[tilespmem:$0x18800] =	vst v63  }
0x22d: {  	s23 =	simm.s32 $0xB000  }
0x22e: {  	[tilespmem:s23], [sflag:$0x2] =	stream.indirect_vreg.gather [hbm4b:s6+s13], $0x80, v3, vm0, $0xb8;
	[tilespmem:$0x18800] =	vst v63  }
0x22f: {  	_ = 	snop  }
0x230: {  	[tilespmem:s24], [sflag:$0x2] =	stream.indirect_vreg.gather [hbm4b:s8+s13], $0x80, v3, vm0, $0xb8;
	[tilespmem:$0x18800] =	vst v63  }
0x231: {  	v3 =	vld [tilespmem:$0x18390];
	_ =	sdelay $0x4  }
0x232: {  	v63 =	vshll.u32 v3, $0x3  }
0x233: {  	v3 =	vand.u32 $0x7, v3;
	v4 =	vand.u32 $0xFFFFFFC0, v63  }
0x234: {  	v3 =	vor.u32 v3, v4  }
0x235: {  	v4 =	vperm.xlane v3, v0;
	_ =	sdelay $0x1  }
0x236: {  	v4 =	vadd.s32 v1, v4;
	_ =	sdelay $0x4  }
0x237: {  	[tilespmem:s7], [sflag:$0x2] =	stream.indirect_vreg.gather [hbm4b:s3+s13], $0x80, v4, vm0, $0xb8;
	[tilespmem:$0x18800] =	vst v63  }
0x238: {  	v3 =	vperm.xlane v3, v2  }
0x239: {  	[tilespmem:s26], [sflag:$0x2] =	stream.indirect_vreg.gather [hbm4b:s5+s13], $0x80, v4, vm0, $0xb8;
	[tilespmem:$0x18800] =	vst v63  }
0x23a: {  	v3 =	vadd.s32 v1, v3  }
0x23b: {  	[tilespmem:s28], [sflag:$0x2] =	stream.indirect_vreg.gather [hbm4b:s6+s13], $0x80, v4, vm0, $0xb8;
	[tilespmem:$0x18800] =	vst v63  }
0x23c: {  	_ = 	snop  }
0x23d: {  	[tilespmem:s29], [sflag:$0x2] =	stream.indirect_vreg.gather [hbm4b:s8+s13], $0x80, v4, vm0, $0xb8;
	[tilespmem:$0x18800] =	vst v63  }
0x23e: {  	_ = 	snop  }
0x23f: {  	[tilespmem:s30], [sflag:$0x2] =	stream.indirect_vreg.gather [hbm4b:s3+s13], $0x80, v3, vm0, $0xb8;
	[tilespmem:$0x18800] =	vst v63  }
0x240: {  	_ = 	snop  }
0x241: {  	[tilespmem:s31], [sflag:$0x2] =	stream.indirect_vreg.gather [hbm4b:s5+s13], $0x80, v3, vm0, $0xb8;
	[tilespmem:$0x18800] =	vst v63  }
0x242: {  	_ = 	snop  }
0x243: {  	[tilespmem:s0], [sflag:$0x2] =	stream.indirect_vreg.gather [hbm4b:s6+s13], $0x80, v3, vm0, $0xb8;
	[tilespmem:$0x18800] =	vst v63  }
0x244: {  	_ = 	snop  }
0x245: {  	[tilespmem:s1], [sflag:$0x2] =	stream.indirect_vreg.gather [hbm4b:s8+s13], $0x80, v3, vm0, $0xb8;
	[tilespmem:$0x18800] =	vst v63  }
0x246: {  	_ =	swait.ge [sflag:s10], $0x4000  }
0x247: {  	[sflag:s10] =	ssyncset.done $0x0  }
0x248: {  	s14 =	simm.s32 $0x0;
	[sflag:s10] =	ssyncadd.s32 $0xFFFFC000  }
.LBB2_26:
0x249: {  	s15 =	sshll.u32 s14, $0xA;
	s17 =	sshll.u32 s14, $0x7  }
0x24a: {  	s15 =	sand.u32 $0x2000, s15;
	s17 =	sand.u32 $0x380, s17  }
0x24b: {  	s19 =	sand.u32 $0x1C00, s13;
	s17 =	sor.u32 s17, s15  }
0x24c: {  	s20 =	sand.u32 $0x70, s13;
	s15 =	sor.u32 $0x4000, s17;
	s18 =	sor.u32 s19, s17  }
0x24d: {  	s18 =	sor.u32 s20, s18;
	s19 =	sadd.s32 s19, s15  }
0x24e: {  	v3 =	vld [tilespmem:s18+$0x0];
	s19 =	sadd.s32 s20, s19  }
0x24f: {  	v4 =	vld [tilespmem:s19+$0x0];
	_ =	sdelay $0x2  }
0x250: {  	s19 =	simm.s32 $0x80  }
0x251: {  	s23 =	simm.s32 $0x10;
	s22 =	sand.u32 $0x1C00, s19  }
0x252: {  	s21 =	sand.u32 $0x70, s23;
	s20 =	simm.s32 $0x20;
	s23 =	sor.u32 s22, s17;
	v3 =	vadd.f32 v4, v3  }
.LBB2_27:
0x253: {  	p0 =	sne.s32 s20, $0x3F0;
	s23 =	sor.u32 s21, s23;
	s22 =	sadd.s32 s22, s15  }
0x254: {  	v4 =	vld [tilespmem:s23+$0x0];
	s21 =	sadd.s32 s21, s22;
	[tilespmem:s18+$0x10000] =	vst v3;
	s18 =	smov.u32 s23  }
0x255: {  	v3 =	vld [tilespmem:s21+$0x0]  }
.Ltmp12:
0x256: {  	(pc) =	sbr.rel @p0 .LBB2_27-.Ltmp12, $4  }
0x257: {  	_ = 	snop  }
0x258: {  	s19 =	sadd.s32 $0x80, s19  }
0x259: {  	s22 =	sand.u32 $0x1C00, s19  }
0x25a: {  	s21 =	sand.u32 $0x70, s20;
	s23 =	sor.u32 s22, s17;
	s20 =	sadd.s32 $0x10, s20;
	v3 =	vadd.f32 v3, v4  }
0x25b: {  	s17 =	sor.u32 s21, s23;
	s15 =	sadd.s32 s22, s15  }
0x25c: {  	v4 =	vld [tilespmem:s17+$0x0];
	s15 =	sadd.s32 s21, s15;
	[tilespmem:s18+$0x10000] =	vst v3  }
0x25d: {  	v3 =	vld [tilespmem:s15+$0x0]  }
0x25e: {  	s14 =	sadd.s32 $0x1, s14  }
0x25f: {  	p0 =	sne.s32 s14, $0x10  }
.Ltmp13:
0x260: {  	_ = 	snop;
	(pc) =	sbr.rel @p0 .LBB2_26-.Ltmp13, $3  }
0x261: {  	_ = 	snop  }
0x262: {  	v3 =	vadd.f32 v3, v4;
	_ =	sdelay $0x1  }
0x263: {  	[tilespmem:s17+$0x10000] =	vst v3  }
0x264: {  	s13 =	simm.s32 $0x0;
	s14 =	rddreg [dreg:$0xa]  }
0x265: {  	[hbm4b:s14+s13] =	stream.linear.scatter [tilespmem:s25], [sflag:$0x3], $0x4000, $0x38;
	[tilespmem:$0x18800] =	vst v63  }
0x266: {  	_ =	swait.ge [sflag:s4], $0x8000  }
0x267: {  	[sflag:s4] =	ssyncset.done $0x0  }
0x268: {  	[sflag:s4] =	ssyncadd.s32 $0xFFFF8000  }
0x269: {  	v3 =	vld [tilespmem:$0x18400];
	_ =	sdelay $0x4  }
0x26a: {  	v4 =	vshll.u32 v3, $0x3  }
0x26b: {  	v3 =	vand.u32 $0x7, v3;
	v4 =	vand.u32 $0xFFFFFFC0, v4  }
0x26c: {  	v3 =	vor.u32 v3, v4  }
0x26d: {  	v4 =	vperm.xlane v3, v0;
	_ =	sdelay $0x1  }
0x26e: {  	v4 =	vadd.s32 v1, v4;
	_ =	sdelay $0x4  }
0x26f: {  	[tilespmem:s13], [sflag:$0x1] =	stream.indirect_vreg.gather [hbm4b:s3+s13], $0x80, v4, vm0, $0xb8;
	[tilespmem:$0x18800] =	vst v63  }
0x270: {  	s17 =	simm.s32 $0x800;
	v3 =	vperm.xlane v3, v2  }
0x271: {  	[tilespmem:s17], [sflag:$0x1] =	stream.indirect_vreg.gather [hbm4b:s5+s13], $0x80, v4, vm0, $0xb8;
	[tilespmem:$0x18800] =	vst v63  }
0x272: {  	s18 =	simm.s32 $0x1000;
	v3 =	vadd.s32 v1, v3  }
0x273: {  	[tilespmem:s18], [sflag:$0x1] =	stream.indirect_vreg.gather [hbm4b:s6+s13], $0x80, v4, vm0, $0xb8;
	[tilespmem:$0x18800] =	vst v63  }
0x274: {  	s19 =	simm.s32 $0x1800  }
0x275: {  	[tilespmem:s19], [sflag:$0x1] =	stream.indirect_vreg.gather [hbm4b:s8+s13], $0x80, v4, vm0, $0xb8;
	[tilespmem:$0x18800] =	vst v63  }
0x276: {  	s20 =	simm.s32 $0x2000  }
0x277: {  	[tilespmem:s20], [sflag:$0x1] =	stream.indirect_vreg.gather [hbm4b:s3+s13], $0x80, v3, vm0, $0xb8;
	[tilespmem:$0x18800] =	vst v63  }
0x278: {  	s21 =	simm.s32 $0x2800  }
0x279: {  	[tilespmem:s21], [sflag:$0x1] =	stream.indirect_vreg.gather [hbm4b:s5+s13], $0x80, v3, vm0, $0xb8;
	[tilespmem:$0x18800] =	vst v63  }
0x27a: {  	s22 =	simm.s32 $0x3000  }
0x27b: {  	[tilespmem:s22], [sflag:$0x1] =	stream.indirect_vreg.gather [hbm4b:s6+s13], $0x80, v3, vm0, $0xb8;
	[tilespmem:$0x18800] =	vst v63  }
0x27c: {  	s23 =	simm.s32 $0x3800  }
0x27d: {  	[tilespmem:s23], [sflag:$0x1] =	stream.indirect_vreg.gather [hbm4b:s8+s13], $0x80, v3, vm0, $0xb8;
	[tilespmem:$0x18800] =	vst v63  }
0x27e: {  	v3 =	vld [tilespmem:$0x18410];
	_ =	sdelay $0x4  }
0x27f: {  	v63 =	vshll.u32 v3, $0x3  }
0x280: {  	v3 =	vand.u32 $0x7, v3;
	v4 =	vand.u32 $0xFFFFFFC0, v63  }
0x281: {  	v3 =	vor.u32 v3, v4  }
0x282: {  	v4 =	vperm.xlane v3, v0;
	_ =	sdelay $0x1  }
0x283: {  	v4 =	vadd.s32 v1, v4;
	_ =	sdelay $0x3  }
0x284: {  	s15 =	simm.s32 $0x4000  }
0x285: {  	[tilespmem:s15], [sflag:$0x1] =	stream.indirect_vreg.gather [hbm4b:s3+s13], $0x80, v4, vm0, $0xb8;
	[tilespmem:$0x18800] =	vst v63  }
0x286: {  	s17 =	simm.s32 $0x4800;
	v3 =	vperm.xlane v3, v2  }
0x287: {  	[tilespmem:s17], [sflag:$0x1] =	stream.indirect_vreg.gather [hbm4b:s5+s13], $0x80, v4, vm0, $0xb8;
	[tilespmem:$0x18800] =	vst v63  }
0x288: {  	s18 =	simm.s32 $0x5000;
	v3 =	vadd.s32 v1, v3  }
0x289: {  	[tilespmem:s18], [sflag:$0x1] =	stream.indirect_vreg.gather [hbm4b:s6+s13], $0x80, v4, vm0, $0xb8;
	[tilespmem:$0x18800] =	vst v63  }
0x28a: {  	s19 =	simm.s32 $0x5800  }
0x28b: {  	[tilespmem:s19], [sflag:$0x1] =	stream.indirect_vreg.gather [hbm4b:s8+s13], $0x80, v4, vm0, $0xb8;
	[tilespmem:$0x18800] =	vst v63  }
0x28c: {  	s20 =	simm.s32 $0x6000  }
0x28d: {  	[tilespmem:s20], [sflag:$0x1] =	stream.indirect_vreg.gather [hbm4b:s3+s13], $0x80, v3, vm0, $0xb8;
	[tilespmem:$0x18800] =	vst v63  }
0x28e: {  	s21 =	simm.s32 $0x6800  }
0x28f: {  	[tilespmem:s21], [sflag:$0x1] =	stream.indirect_vreg.gather [hbm4b:s5+s13], $0x80, v3, vm0, $0xb8;
	[tilespmem:$0x18800] =	vst v63  }
0x290: {  	s22 =	simm.s32 $0x7000  }
0x291: {  	[tilespmem:s22], [sflag:$0x1] =	stream.indirect_vreg.gather [hbm4b:s6+s13], $0x80, v3, vm0, $0xb8;
	[tilespmem:$0x18800] =	vst v63  }
0x292: {  	s23 =	simm.s32 $0x7800  }
0x293: {  	[tilespmem:s23], [sflag:$0x1] =	stream.indirect_vreg.gather [hbm4b:s8+s13], $0x80, v3, vm0, $0xb8;
	[tilespmem:$0x18800] =	vst v63  }
0x294: {  	_ =	swait.ge [sflag:s11], $0x4000  }
0x295: {  	[sflag:s11] =	ssyncset.done $0x0  }
0x296: {  	s14 =	simm.s32 $0x0;
	[sflag:s11] =	ssyncadd.s32 $0xFFFFC000  }
.LBB2_30:
0x297: {  	s15 =	sshll.u32 s14, $0xA;
	s17 =	sshll.u32 s14, $0x7  }
0x298: {  	s15 =	sand.u32 $0x2000, s15;
	s17 =	sand.u32 $0x380, s17  }
0x299: {  	s19 =	sand.u32 $0x1C00, s13;
	s17 =	sor.u32 s17, s15  }
0x29a: {  	s20 =	sand.u32 $0x70, s13;
	s15 =	sor.u32 $0xC000, s17;
	s18 =	sor.u32 s19, s17  }
0x29b: {  	s18 =	sor.u32 s20, s18;
	s19 =	sadd.s32 s19, s15  }
0x29c: {  	v3 =	vld [tilespmem:s18+$0x8000];
	s19 =	sadd.s32 s20, s19  }
0x29d: {  	v4 =	vld [tilespmem:s19+$0x0];
	_ =	sdelay $0x2  }
0x29e: {  	s19 =	simm.s32 $0x80  }
0x29f: {  	s23 =	simm.s32 $0x10;
	s22 =	sand.u32 $0x1C00, s19  }
0x2a0: {  	s21 =	sand.u32 $0x70, s23;
	s20 =	simm.s32 $0x20;
	s23 =	sor.u32 s22, s17;
	v3 =	vadd.f32 v4, v3  }
.LBB2_31:
0x2a1: {  	p0 =	sne.s32 s20, $0x3F0;
	s23 =	sor.u32 s21, s23;
	s22 =	sadd.s32 s22, s15  }
0x2a2: {  	v4 =	vld [tilespmem:s23+$0x8000];
	s21 =	sadd.s32 s21, s22;
	[tilespmem:s18+$0x14000] =	vst v3;
	s18 =	smov.u32 s23  }
0x2a3: {  	v3 =	vld [tilespmem:s21+$0x0]  }
.Ltmp14:
0x2a4: {  	(pc) =	sbr.rel @p0 .LBB2_31-.Ltmp14, $4  }
0x2a5: {  	_ = 	snop  }
0x2a6: {  	s19 =	sadd.s32 $0x80, s19  }
0x2a7: {  	s22 =	sand.u32 $0x1C00, s19  }
0x2a8: {  	s21 =	sand.u32 $0x70, s20;
	s23 =	sor.u32 s22, s17;
	s20 =	sadd.s32 $0x10, s20;
	v3 =	vadd.f32 v3, v4  }
0x2a9: {  	s17 =	sor.u32 s21, s23;
	s15 =	sadd.s32 s22, s15  }
0x2aa: {  	v4 =	vld [tilespmem:s17+$0x8000];
	s15 =	sadd.s32 s21, s15;
	[tilespmem:s18+$0x14000] =	vst v3  }
0x2ab: {  	v3 =	vld [tilespmem:s15+$0x0]  }
0x2ac: {  	s14 =	sadd.s32 $0x1, s14  }
0x2ad: {  	p0 =	sne.s32 s14, $0x10  }
.Ltmp15:
0x2ae: {  	_ = 	snop;
	(pc) =	sbr.rel @p0 .LBB2_30-.Ltmp15, $3  }
0x2af: {  	_ = 	snop  }
0x2b0: {  	v3 =	vadd.f32 v3, v4;
	_ =	sdelay $0x1  }
0x2b1: {  	[tilespmem:s17+$0x14000] =	vst v3  }
0x2b2: {  	s13 =	simm.s32 $0x0;
	s14 =	rddreg [dreg:$0xb]  }
0x2b3: {  	[hbm4b:s14+s13] =	stream.linear.scatter [tilespmem:s9], [sflag:$0x4], $0x4000, $0x38;
	[tilespmem:$0x18800] =	vst v63  }
0x2b4: {  	_ =	swait.ge [sflag:s16], $0x8000  }
0x2b5: {  	[sflag:s16] =	ssyncset.done $0x0  }
0x2b6: {  	[sflag:s16] =	ssyncadd.s32 $0xFFFF8000  }
0x2b7: {  	v3 =	vld [tilespmem:$0x18480];
	_ =	sdelay $0x4  }
0x2b8: {  	v4 =	vshll.u32 v3, $0x3  }
0x2b9: {  	v3 =	vand.u32 $0x7, v3;
	v4 =	vand.u32 $0xFFFFFFC0, v4  }
0x2ba: {  	v3 =	vor.u32 v3, v4  }
0x2bb: {  	v4 =	vperm.xlane v3, v0;
	_ =	sdelay $0x1  }
0x2bc: {  	v4 =	vadd.s32 v1, v4;
	_ =	sdelay $0x3  }
0x2bd: {  	s17 =	simm.s32 $0x8000  }
0x2be: {  	[tilespmem:s17], [sflag:$0x2] =	stream.indirect_vreg.gather [hbm4b:s3+s13], $0x80, v4, vm0, $0xb8;
	[tilespmem:$0x18800] =	vst v63  }
0x2bf: {  	s18 =	simm.s32 $0x8800;
	v3 =	vperm.xlane v3, v2  }
0x2c0: {  	[tilespmem:s18], [sflag:$0x2] =	stream.indirect_vreg.gather [hbm4b:s5+s13], $0x80, v4, vm0, $0xb8;
	[tilespmem:$0x18800] =	vst v63  }
0x2c1: {  	s19 =	simm.s32 $0x9000;
	v3 =	vadd.s32 v1, v3  }
0x2c2: {  	[tilespmem:s19], [sflag:$0x2] =	stream.indirect_vreg.gather [hbm4b:s6+s13], $0x80, v4, vm0, $0xb8;
	[tilespmem:$0x18800] =	vst v63  }
0x2c3: {  	s20 =	simm.s32 $0x9800  }
0x2c4: {  	[tilespmem:s20], [sflag:$0x2] =	stream.indirect_vreg.gather [hbm4b:s8+s13], $0x80, v4, vm0, $0xb8;
	[tilespmem:$0x18800] =	vst v63  }
0x2c5: {  	s21 =	simm.s32 $0xA000  }
0x2c6: {  	[tilespmem:s21], [sflag:$0x2] =	stream.indirect_vreg.gather [hbm4b:s3+s13], $0x80, v3, vm0, $0xb8;
	[tilespmem:$0x18800] =	vst v63  }
0x2c7: {  	s22 =	simm.s32 $0xA800  }
0x2c8: {  	[tilespmem:s22], [sflag:$0x2] =	stream.indirect_vreg.gather [hbm4b:s5+s13], $0x80, v3, vm0, $0xb8;
	[tilespmem:$0x18800] =	vst v63  }
0x2c9: {  	s23 =	simm.s32 $0xB000  }
0x2ca: {  	[tilespmem:s23], [sflag:$0x2] =	stream.indirect_vreg.gather [hbm4b:s6+s13], $0x80, v3, vm0, $0xb8;
	[tilespmem:$0x18800] =	vst v63  }
0x2cb: {  	_ = 	snop  }
0x2cc: {  	[tilespmem:s24], [sflag:$0x2] =	stream.indirect_vreg.gather [hbm4b:s8+s13], $0x80, v3, vm0, $0xb8;
	[tilespmem:$0x18800] =	vst v63  }
0x2cd: {  	v3 =	vld [tilespmem:$0x18490];
	_ =	sdelay $0x4  }
0x2ce: {  	v63 =	vshll.u32 v3, $0x3  }
0x2cf: {  	v3 =	vand.u32 $0x7, v3;
	v4 =	vand.u32 $0xFFFFFFC0, v63  }
0x2d0: {  	v3 =	vor.u32 v3, v4  }
0x2d1: {  	v4 =	vperm.xlane v3, v0;
	_ =	sdelay $0x1  }
0x2d2: {  	v4 =	vadd.s32 v1, v4;
	_ =	sdelay $0x4  }
0x2d3: {  	[tilespmem:s7], [sflag:$0x2] =	stream.indirect_vreg.gather [hbm4b:s3+s13], $0x80, v4, vm0, $0xb8;
	[tilespmem:$0x18800] =	vst v63  }
0x2d4: {  	v3 =	vperm.xlane v3, v2  }
0x2d5: {  	[tilespmem:s26], [sflag:$0x2] =	stream.indirect_vreg.gather [hbm4b:s5+s13], $0x80, v4, vm0, $0xb8;
	[tilespmem:$0x18800] =	vst v63  }
0x2d6: {  	v3 =	vadd.s32 v1, v3  }
0x2d7: {  	[tilespmem:s28], [sflag:$0x2] =	stream.indirect_vreg.gather [hbm4b:s6+s13], $0x80, v4, vm0, $0xb8;
	[tilespmem:$0x18800] =	vst v63  }
0x2d8: {  	_ = 	snop  }
0x2d9: {  	[tilespmem:s29], [sflag:$0x2] =	stream.indirect_vreg.gather [hbm4b:s8+s13], $0x80, v4, vm0, $0xb8;
	[tilespmem:$0x18800] =	vst v63  }
0x2da: {  	_ = 	snop  }
0x2db: {  	[tilespmem:s30], [sflag:$0x2] =	stream.indirect_vreg.gather [hbm4b:s3+s13], $0x80, v3, vm0, $0xb8;
	[tilespmem:$0x18800] =	vst v63  }
0x2dc: {  	_ = 	snop  }
0x2dd: {  	[tilespmem:s31], [sflag:$0x2] =	stream.indirect_vreg.gather [hbm4b:s5+s13], $0x80, v3, vm0, $0xb8;
	[tilespmem:$0x18800] =	vst v63  }
0x2de: {  	_ = 	snop  }
0x2df: {  	[tilespmem:s0], [sflag:$0x2] =	stream.indirect_vreg.gather [hbm4b:s6+s13], $0x80, v3, vm0, $0xb8;
	[tilespmem:$0x18800] =	vst v63  }
0x2e0: {  	_ = 	snop  }
0x2e1: {  	[tilespmem:s1], [sflag:$0x2] =	stream.indirect_vreg.gather [hbm4b:s8+s13], $0x80, v3, vm0, $0xb8;
	[tilespmem:$0x18800] =	vst v63  }
0x2e2: {  	_ =	swait.ge [sflag:s10], $0x4000  }
0x2e3: {  	[sflag:s10] =	ssyncset.done $0x0  }
0x2e4: {  	s14 =	simm.s32 $0x0;
	[sflag:s10] =	ssyncadd.s32 $0xFFFFC000  }
.LBB2_34:
0x2e5: {  	s15 =	sshll.u32 s14, $0xA;
	s17 =	sshll.u32 s14, $0x7  }
0x2e6: {  	s15 =	sand.u32 $0x2000, s15;
	s17 =	sand.u32 $0x380, s17  }
0x2e7: {  	s19 =	sand.u32 $0x1C00, s13;
	s17 =	sor.u32 s17, s15  }
0x2e8: {  	s20 =	sand.u32 $0x70, s13;
	s15 =	sor.u32 $0x4000, s17;
	s18 =	sor.u32 s19, s17  }
0x2e9: {  	s18 =	sor.u32 s20, s18;
	s19 =	sadd.s32 s19, s15  }
0x2ea: {  	v3 =	vld [tilespmem:s18+$0x0];
	s19 =	sadd.s32 s20, s19  }
0x2eb: {  	v4 =	vld [tilespmem:s19+$0x0];
	_ =	sdelay $0x2  }
0x2ec: {  	s19 =	simm.s32 $0x80  }
0x2ed: {  	s23 =	simm.s32 $0x10;
	s22 =	sand.u32 $0x1C00, s19  }
0x2ee: {  	s21 =	sand.u32 $0x70, s23;
	s20 =	simm.s32 $0x20;
	s23 =	sor.u32 s22, s17;
	v3 =	vadd.f32 v4, v3  }
.LBB2_35:
0x2ef: {  	p0 =	sne.s32 s20, $0x3F0;
	s23 =	sor.u32 s21, s23;
	s22 =	sadd.s32 s22, s15  }
0x2f0: {  	v4 =	vld [tilespmem:s23+$0x0];
	s21 =	sadd.s32 s21, s22;
	[tilespmem:s18+$0x10000] =	vst v3;
	s18 =	smov.u32 s23  }
0x2f1: {  	v3 =	vld [tilespmem:s21+$0x0]  }
.Ltmp16:
0x2f2: {  	(pc) =	sbr.rel @p0 .LBB2_35-.Ltmp16, $4  }
0x2f3: {  	_ = 	snop  }
0x2f4: {  	s19 =	sadd.s32 $0x80, s19  }
0x2f5: {  	s22 =	sand.u32 $0x1C00, s19  }
0x2f6: {  	s21 =	sand.u32 $0x70, s20;
	s23 =	sor.u32 s22, s17;
	s20 =	sadd.s32 $0x10, s20;
	v3 =	vadd.f32 v3, v4  }
0x2f7: {  	s17 =	sor.u32 s21, s23;
	s15 =	sadd.s32 s22, s15  }
0x2f8: {  	v4 =	vld [tilespmem:s17+$0x0];
	s15 =	sadd.s32 s21, s15;
	[tilespmem:s18+$0x10000] =	vst v3  }
0x2f9: {  	v3 =	vld [tilespmem:s15+$0x0]  }
0x2fa: {  	s14 =	sadd.s32 $0x1, s14  }
0x2fb: {  	p0 =	sne.s32 s14, $0x10  }
.Ltmp17:
0x2fc: {  	_ = 	snop;
	(pc) =	sbr.rel @p0 .LBB2_34-.Ltmp17, $3  }
0x2fd: {  	_ = 	snop  }
0x2fe: {  	v3 =	vadd.f32 v3, v4;
	_ =	sdelay $0x1  }
0x2ff: {  	[tilespmem:s17+$0x10000] =	vst v3  }
0x300: {  	s13 =	simm.s32 $0x0;
	s14 =	rddreg [dreg:$0xc]  }
0x301: {  	[hbm4b:s14+s13] =	stream.linear.scatter [tilespmem:s25], [sflag:$0x3], $0x4000, $0x38;
	[tilespmem:$0x18800] =	vst v63  }
0x302: {  	_ =	swait.ge [sflag:s4], $0x8000  }
0x303: {  	[sflag:s4] =	ssyncset.done $0x0  }
0x304: {  	[sflag:s4] =	ssyncadd.s32 $0xFFFF8000  }
0x305: {  	v3 =	vld [tilespmem:$0x18500];
	_ =	sdelay $0x4  }
0x306: {  	v4 =	vshll.u32 v3, $0x3  }
0x307: {  	v3 =	vand.u32 $0x7, v3;
	v4 =	vand.u32 $0xFFFFFFC0, v4  }
0x308: {  	v3 =	vor.u32 v3, v4  }
0x309: {  	v4 =	vperm.xlane v3, v0;
	_ =	sdelay $0x1  }
0x30a: {  	v4 =	vadd.s32 v1, v4;
	_ =	sdelay $0x4  }
0x30b: {  	[tilespmem:s13], [sflag:$0x1] =	stream.indirect_vreg.gather [hbm4b:s3+s13], $0x80, v4, vm0, $0xb8;
	[tilespmem:$0x18800] =	vst v63  }
0x30c: {  	s17 =	simm.s32 $0x800;
	v3 =	vperm.xlane v3, v2  }
0x30d: {  	[tilespmem:s17], [sflag:$0x1] =	stream.indirect_vreg.gather [hbm4b:s5+s13], $0x80, v4, vm0, $0xb8;
	[tilespmem:$0x18800] =	vst v63  }
0x30e: {  	s18 =	simm.s32 $0x1000;
	v3 =	vadd.s32 v1, v3  }
0x30f: {  	[tilespmem:s18], [sflag:$0x1] =	stream.indirect_vreg.gather [hbm4b:s6+s13], $0x80, v4, vm0, $0xb8;
	[tilespmem:$0x18800] =	vst v63  }
0x310: {  	s19 =	simm.s32 $0x1800  }
0x311: {  	[tilespmem:s19], [sflag:$0x1] =	stream.indirect_vreg.gather [hbm4b:s8+s13], $0x80, v4, vm0, $0xb8;
	[tilespmem:$0x18800] =	vst v63  }
0x312: {  	s20 =	simm.s32 $0x2000  }
0x313: {  	[tilespmem:s20], [sflag:$0x1] =	stream.indirect_vreg.gather [hbm4b:s3+s13], $0x80, v3, vm0, $0xb8;
	[tilespmem:$0x18800] =	vst v63  }
0x314: {  	s21 =	simm.s32 $0x2800  }
0x315: {  	[tilespmem:s21], [sflag:$0x1] =	stream.indirect_vreg.gather [hbm4b:s5+s13], $0x80, v3, vm0, $0xb8;
	[tilespmem:$0x18800] =	vst v63  }
0x316: {  	s22 =	simm.s32 $0x3000  }
0x317: {  	[tilespmem:s22], [sflag:$0x1] =	stream.indirect_vreg.gather [hbm4b:s6+s13], $0x80, v3, vm0, $0xb8;
	[tilespmem:$0x18800] =	vst v63  }
0x318: {  	s23 =	simm.s32 $0x3800  }
0x319: {  	[tilespmem:s23], [sflag:$0x1] =	stream.indirect_vreg.gather [hbm4b:s8+s13], $0x80, v3, vm0, $0xb8;
	[tilespmem:$0x18800] =	vst v63  }
0x31a: {  	v3 =	vld [tilespmem:$0x18510];
	_ =	sdelay $0x4  }
0x31b: {  	v63 =	vshll.u32 v3, $0x3  }
0x31c: {  	v3 =	vand.u32 $0x7, v3;
	v4 =	vand.u32 $0xFFFFFFC0, v63  }
0x31d: {  	v3 =	vor.u32 v3, v4  }
0x31e: {  	v4 =	vperm.xlane v3, v0;
	_ =	sdelay $0x1  }
0x31f: {  	v4 =	vadd.s32 v1, v4;
	_ =	sdelay $0x3  }
0x320: {  	s15 =	simm.s32 $0x4000  }
0x321: {  	[tilespmem:s15], [sflag:$0x1] =	stream.indirect_vreg.gather [hbm4b:s3+s13], $0x80, v4, vm0, $0xb8;
	[tilespmem:$0x18800] =	vst v63  }
0x322: {  	s17 =	simm.s32 $0x4800;
	v3 =	vperm.xlane v3, v2  }
0x323: {  	[tilespmem:s17], [sflag:$0x1] =	stream.indirect_vreg.gather [hbm4b:s5+s13], $0x80, v4, vm0, $0xb8;
	[tilespmem:$0x18800] =	vst v63  }
0x324: {  	s18 =	simm.s32 $0x5000;
	v3 =	vadd.s32 v1, v3  }
0x325: {  	[tilespmem:s18], [sflag:$0x1] =	stream.indirect_vreg.gather [hbm4b:s6+s13], $0x80, v4, vm0, $0xb8;
	[tilespmem:$0x18800] =	vst v63  }
0x326: {  	s19 =	simm.s32 $0x5800  }
0x327: {  	[tilespmem:s19], [sflag:$0x1] =	stream.indirect_vreg.gather [hbm4b:s8+s13], $0x80, v4, vm0, $0xb8;
	[tilespmem:$0x18800] =	vst v63  }
0x328: {  	s20 =	simm.s32 $0x6000  }
0x329: {  	[tilespmem:s20], [sflag:$0x1] =	stream.indirect_vreg.gather [hbm4b:s3+s13], $0x80, v3, vm0, $0xb8;
	[tilespmem:$0x18800] =	vst v63  }
0x32a: {  	s21 =	simm.s32 $0x6800  }
0x32b: {  	[tilespmem:s21], [sflag:$0x1] =	stream.indirect_vreg.gather [hbm4b:s5+s13], $0x80, v3, vm0, $0xb8;
	[tilespmem:$0x18800] =	vst v63  }
0x32c: {  	s22 =	simm.s32 $0x7000  }
0x32d: {  	[tilespmem:s22], [sflag:$0x1] =	stream.indirect_vreg.gather [hbm4b:s6+s13], $0x80, v3, vm0, $0xb8;
	[tilespmem:$0x18800] =	vst v63  }
0x32e: {  	s23 =	simm.s32 $0x7800  }
0x32f: {  	[tilespmem:s23], [sflag:$0x1] =	stream.indirect_vreg.gather [hbm4b:s8+s13], $0x80, v3, vm0, $0xb8;
	[tilespmem:$0x18800] =	vst v63  }
0x330: {  	_ =	swait.ge [sflag:s11], $0x4000  }
0x331: {  	[sflag:s11] =	ssyncset.done $0x0  }
0x332: {  	s14 =	simm.s32 $0x0;
	[sflag:s11] =	ssyncadd.s32 $0xFFFFC000  }
.LBB2_38:
0x333: {  	s15 =	sshll.u32 s14, $0xA;
	s17 =	sshll.u32 s14, $0x7  }
0x334: {  	s15 =	sand.u32 $0x2000, s15;
	s17 =	sand.u32 $0x380, s17  }
0x335: {  	s19 =	sand.u32 $0x1C00, s13;
	s17 =	sor.u32 s17, s15  }
0x336: {  	s20 =	sand.u32 $0x70, s13;
	s15 =	sor.u32 $0xC000, s17;
	s18 =	sor.u32 s19, s17  }
0x337: {  	s18 =	sor.u32 s20, s18;
	s19 =	sadd.s32 s19, s15  }
0x338: {  	v3 =	vld [tilespmem:s18+$0x8000];
	s19 =	sadd.s32 s20, s19  }
0x339: {  	v4 =	vld [tilespmem:s19+$0x0];
	_ =	sdelay $0x2  }
0x33a: {  	s19 =	simm.s32 $0x80  }
0x33b: {  	s23 =	simm.s32 $0x10;
	s22 =	sand.u32 $0x1C00, s19  }
0x33c: {  	s21 =	sand.u32 $0x70, s23;
	s20 =	simm.s32 $0x20;
	s23 =	sor.u32 s22, s17;
	v3 =	vadd.f32 v4, v3  }
.LBB2_39:
0x33d: {  	p0 =	sne.s32 s20, $0x3F0;
	s23 =	sor.u32 s21, s23;
	s22 =	sadd.s32 s22, s15  }
0x33e: {  	v4 =	vld [tilespmem:s23+$0x8000];
	s21 =	sadd.s32 s21, s22;
	[tilespmem:s18+$0x14000] =	vst v3;
	s18 =	smov.u32 s23  }
0x33f: {  	v3 =	vld [tilespmem:s21+$0x0]  }
.Ltmp18:
0x340: {  	(pc) =	sbr.rel @p0 .LBB2_39-.Ltmp18, $4  }
0x341: {  	_ = 	snop  }
0x342: {  	s19 =	sadd.s32 $0x80, s19  }
0x343: {  	s22 =	sand.u32 $0x1C00, s19  }
0x344: {  	s21 =	sand.u32 $0x70, s20;
	s23 =	sor.u32 s22, s17;
	s20 =	sadd.s32 $0x10, s20;
	v3 =	vadd.f32 v3, v4  }
0x345: {  	s17 =	sor.u32 s21, s23;
	s15 =	sadd.s32 s22, s15  }
0x346: {  	v4 =	vld [tilespmem:s17+$0x8000];
	s15 =	sadd.s32 s21, s15;
	[tilespmem:s18+$0x14000] =	vst v3  }
0x347: {  	v3 =	vld [tilespmem:s15+$0x0]  }
0x348: {  	s14 =	sadd.s32 $0x1, s14  }
0x349: {  	p0 =	sne.s32 s14, $0x10  }
.Ltmp19:
0x34a: {  	_ = 	snop;
	(pc) =	sbr.rel @p0 .LBB2_38-.Ltmp19, $3  }
0x34b: {  	_ = 	snop  }
0x34c: {  	v3 =	vadd.f32 v3, v4;
	_ =	sdelay $0x1  }
0x34d: {  	[tilespmem:s17+$0x14000] =	vst v3  }
0x34e: {  	s13 =	simm.s32 $0x0;
	s14 =	rddreg [dreg:$0xd]  }
0x34f: {  	[hbm4b:s14+s13] =	stream.linear.scatter [tilespmem:s9], [sflag:$0x4], $0x4000, $0x38;
	[tilespmem:$0x18800] =	vst v63  }
0x350: {  	_ =	swait.ge [sflag:s16], $0x8000  }
0x351: {  	[sflag:s16] =	ssyncset.done $0x0  }
0x352: {  	[sflag:s16] =	ssyncadd.s32 $0xFFFF8000  }
0x353: {  	v3 =	vld [tilespmem:$0x18580];
	_ =	sdelay $0x4  }
0x354: {  	v4 =	vshll.u32 v3, $0x3  }
0x355: {  	v3 =	vand.u32 $0x7, v3;
	v4 =	vand.u32 $0xFFFFFFC0, v4  }
0x356: {  	v3 =	vor.u32 v3, v4  }
0x357: {  	v4 =	vperm.xlane v3, v0;
	_ =	sdelay $0x1  }
0x358: {  	v4 =	vadd.s32 v1, v4;
	_ =	sdelay $0x3  }
0x359: {  	s17 =	simm.s32 $0x8000  }
0x35a: {  	[tilespmem:s17], [sflag:$0x2] =	stream.indirect_vreg.gather [hbm4b:s3+s13], $0x80, v4, vm0, $0xb8;
	[tilespmem:$0x18800] =	vst v63  }
0x35b: {  	s18 =	simm.s32 $0x8800;
	v3 =	vperm.xlane v3, v2  }
0x35c: {  	[tilespmem:s18], [sflag:$0x2] =	stream.indirect_vreg.gather [hbm4b:s5+s13], $0x80, v4, vm0, $0xb8;
	[tilespmem:$0x18800] =	vst v63  }
0x35d: {  	s19 =	simm.s32 $0x9000;
	v3 =	vadd.s32 v1, v3  }
0x35e: {  	[tilespmem:s19], [sflag:$0x2] =	stream.indirect_vreg.gather [hbm4b:s6+s13], $0x80, v4, vm0, $0xb8;
	[tilespmem:$0x18800] =	vst v63  }
0x35f: {  	s20 =	simm.s32 $0x9800  }
0x360: {  	[tilespmem:s20], [sflag:$0x2] =	stream.indirect_vreg.gather [hbm4b:s8+s13], $0x80, v4, vm0, $0xb8;
	[tilespmem:$0x18800] =	vst v63  }
0x361: {  	s21 =	simm.s32 $0xA000  }
0x362: {  	[tilespmem:s21], [sflag:$0x2] =	stream.indirect_vreg.gather [hbm4b:s3+s13], $0x80, v3, vm0, $0xb8;
	[tilespmem:$0x18800] =	vst v63  }
0x363: {  	s22 =	simm.s32 $0xA800  }
0x364: {  	[tilespmem:s22], [sflag:$0x2] =	stream.indirect_vreg.gather [hbm4b:s5+s13], $0x80, v3, vm0, $0xb8;
	[tilespmem:$0x18800] =	vst v63  }
0x365: {  	s23 =	simm.s32 $0xB000  }
0x366: {  	[tilespmem:s23], [sflag:$0x2] =	stream.indirect_vreg.gather [hbm4b:s6+s13], $0x80, v3, vm0, $0xb8;
	[tilespmem:$0x18800] =	vst v63  }
0x367: {  	_ = 	snop  }
0x368: {  	[tilespmem:s24], [sflag:$0x2] =	stream.indirect_vreg.gather [hbm4b:s8+s13], $0x80, v3, vm0, $0xb8;
	[tilespmem:$0x18800] =	vst v63  }
0x369: {  	v3 =	vld [tilespmem:$0x18590];
	_ =	sdelay $0x4  }
0x36a: {  	v63 =	vshll.u32 v3, $0x3  }
0x36b: {  	v3 =	vand.u32 $0x7, v3;
	v4 =	vand.u32 $0xFFFFFFC0, v63  }
0x36c: {  	v3 =	vor.u32 v3, v4  }
0x36d: {  	v4 =	vperm.xlane v3, v0;
	_ =	sdelay $0x1  }
0x36e: {  	v4 =	vadd.s32 v1, v4;
	_ =	sdelay $0x4  }
0x36f: {  	[tilespmem:s7], [sflag:$0x2] =	stream.indirect_vreg.gather [hbm4b:s3+s13], $0x80, v4, vm0, $0xb8;
	[tilespmem:$0x18800] =	vst v63  }
0x370: {  	v3 =	vperm.xlane v3, v2  }
0x371: {  	[tilespmem:s26], [sflag:$0x2] =	stream.indirect_vreg.gather [hbm4b:s5+s13], $0x80, v4, vm0, $0xb8;
	[tilespmem:$0x18800] =	vst v63  }
0x372: {  	v3 =	vadd.s32 v1, v3  }
0x373: {  	[tilespmem:s28], [sflag:$0x2] =	stream.indirect_vreg.gather [hbm4b:s6+s13], $0x80, v4, vm0, $0xb8;
	[tilespmem:$0x18800] =	vst v63  }
0x374: {  	_ = 	snop  }
0x375: {  	[tilespmem:s29], [sflag:$0x2] =	stream.indirect_vreg.gather [hbm4b:s8+s13], $0x80, v4, vm0, $0xb8;
	[tilespmem:$0x18800] =	vst v63  }
0x376: {  	_ = 	snop  }
0x377: {  	[tilespmem:s30], [sflag:$0x2] =	stream.indirect_vreg.gather [hbm4b:s3+s13], $0x80, v3, vm0, $0xb8;
	[tilespmem:$0x18800] =	vst v63  }
0x378: {  	_ = 	snop  }
0x379: {  	[tilespmem:s31], [sflag:$0x2] =	stream.indirect_vreg.gather [hbm4b:s5+s13], $0x80, v3, vm0, $0xb8;
	[tilespmem:$0x18800] =	vst v63  }
0x37a: {  	_ = 	snop  }
0x37b: {  	[tilespmem:s0], [sflag:$0x2] =	stream.indirect_vreg.gather [hbm4b:s6+s13], $0x80, v3, vm0, $0xb8;
	[tilespmem:$0x18800] =	vst v63  }
0x37c: {  	_ = 	snop  }
0x37d: {  	[tilespmem:s1], [sflag:$0x2] =	stream.indirect_vreg.gather [hbm4b:s8+s13], $0x80, v3, vm0, $0xb8;
	[tilespmem:$0x18800] =	vst v63  }
0x37e: {  	_ =	swait.ge [sflag:s10], $0x4000  }
0x37f: {  	[sflag:s10] =	ssyncset.done $0x0  }
0x380: {  	s14 =	simm.s32 $0x0;
	[sflag:s10] =	ssyncadd.s32 $0xFFFFC000  }
.LBB2_42:
0x381: {  	s15 =	sshll.u32 s14, $0xA;
	s17 =	sshll.u32 s14, $0x7  }
0x382: {  	s15 =	sand.u32 $0x2000, s15;
	s17 =	sand.u32 $0x380, s17  }
0x383: {  	s19 =	sand.u32 $0x1C00, s13;
	s17 =	sor.u32 s17, s15  }
0x384: {  	s20 =	sand.u32 $0x70, s13;
	s15 =	sor.u32 $0x4000, s17;
	s18 =	sor.u32 s19, s17  }
0x385: {  	s18 =	sor.u32 s20, s18;
	s19 =	sadd.s32 s19, s15  }
0x386: {  	v3 =	vld [tilespmem:s18+$0x0];
	s19 =	sadd.s32 s20, s19  }
0x387: {  	v4 =	vld [tilespmem:s19+$0x0];
	_ =	sdelay $0x2  }
0x388: {  	s19 =	simm.s32 $0x80  }
0x389: {  	s23 =	simm.s32 $0x10;
	s22 =	sand.u32 $0x1C00, s19  }
0x38a: {  	s21 =	sand.u32 $0x70, s23;
	s20 =	simm.s32 $0x20;
	s23 =	sor.u32 s22, s17;
	v3 =	vadd.f32 v4, v3  }
.LBB2_43:
0x38b: {  	p0 =	sne.s32 s20, $0x3F0;
	s23 =	sor.u32 s21, s23;
	s22 =	sadd.s32 s22, s15  }
0x38c: {  	v4 =	vld [tilespmem:s23+$0x0];
	s21 =	sadd.s32 s21, s22;
	[tilespmem:s18+$0x10000] =	vst v3;
	s18 =	smov.u32 s23  }
0x38d: {  	v3 =	vld [tilespmem:s21+$0x0]  }
.Ltmp20:
0x38e: {  	(pc) =	sbr.rel @p0 .LBB2_43-.Ltmp20, $4  }
0x38f: {  	_ = 	snop  }
0x390: {  	s19 =	sadd.s32 $0x80, s19  }
0x391: {  	s22 =	sand.u32 $0x1C00, s19  }
0x392: {  	s21 =	sand.u32 $0x70, s20;
	s23 =	sor.u32 s22, s17;
	s20 =	sadd.s32 $0x10, s20;
	v3 =	vadd.f32 v3, v4  }
0x393: {  	s17 =	sor.u32 s21, s23;
	s15 =	sadd.s32 s22, s15  }
0x394: {  	v4 =	vld [tilespmem:s17+$0x0];
	s15 =	sadd.s32 s21, s15;
	[tilespmem:s18+$0x10000] =	vst v3  }
0x395: {  	v3 =	vld [tilespmem:s15+$0x0]  }
0x396: {  	s14 =	sadd.s32 $0x1, s14  }
0x397: {  	p0 =	sne.s32 s14, $0x10  }
.Ltmp21:
0x398: {  	_ = 	snop;
	(pc) =	sbr.rel @p0 .LBB2_42-.Ltmp21, $3  }
0x399: {  	_ = 	snop  }
0x39a: {  	v3 =	vadd.f32 v3, v4;
	_ =	sdelay $0x1  }
0x39b: {  	[tilespmem:s17+$0x10000] =	vst v3  }
0x39c: {  	s13 =	simm.s32 $0x0;
	s14 =	rddreg [dreg:$0xe]  }
0x39d: {  	[hbm4b:s14+s13] =	stream.linear.scatter [tilespmem:s25], [sflag:$0x3], $0x4000, $0x38;
	[tilespmem:$0x18800] =	vst v63  }
0x39e: {  	_ =	swait.ge [sflag:s4], $0x8000  }
0x39f: {  	[sflag:s4] =	ssyncset.done $0x0  }
0x3a0: {  	[sflag:s4] =	ssyncadd.s32 $0xFFFF8000  }
0x3a1: {  	v3 =	vld [tilespmem:$0x18600];
	_ =	sdelay $0x4  }
0x3a2: {  	v4 =	vshll.u32 v3, $0x3  }
0x3a3: {  	v3 =	vand.u32 $0x7, v3;
	v4 =	vand.u32 $0xFFFFFFC0, v4  }
0x3a4: {  	v3 =	vor.u32 v3, v4  }
0x3a5: {  	v4 =	vperm.xlane v3, v0;
	_ =	sdelay $0x1  }
0x3a6: {  	v4 =	vadd.s32 v1, v4;
	_ =	sdelay $0x4  }
0x3a7: {  	[tilespmem:s13], [sflag:$0x1] =	stream.indirect_vreg.gather [hbm4b:s3+s13], $0x80, v4, vm0, $0xb8;
	[tilespmem:$0x18800] =	vst v63  }
0x3a8: {  	s17 =	simm.s32 $0x800;
	v3 =	vperm.xlane v3, v2  }
0x3a9: {  	[tilespmem:s17], [sflag:$0x1] =	stream.indirect_vreg.gather [hbm4b:s5+s13], $0x80, v4, vm0, $0xb8;
	[tilespmem:$0x18800] =	vst v63  }
0x3aa: {  	s18 =	simm.s32 $0x1000;
	v3 =	vadd.s32 v1, v3  }
0x3ab: {  	[tilespmem:s18], [sflag:$0x1] =	stream.indirect_vreg.gather [hbm4b:s6+s13], $0x80, v4, vm0, $0xb8;
	[tilespmem:$0x18800] =	vst v63  }
0x3ac: {  	s19 =	simm.s32 $0x1800  }
0x3ad: {  	[tilespmem:s19], [sflag:$0x1] =	stream.indirect_vreg.gather [hbm4b:s8+s13], $0x80, v4, vm0, $0xb8;
	[tilespmem:$0x18800] =	vst v63  }
0x3ae: {  	s20 =	simm.s32 $0x2000  }
0x3af: {  	[tilespmem:s20], [sflag:$0x1] =	stream.indirect_vreg.gather [hbm4b:s3+s13], $0x80, v3, vm0, $0xb8;
	[tilespmem:$0x18800] =	vst v63  }
0x3b0: {  	s21 =	simm.s32 $0x2800  }
0x3b1: {  	[tilespmem:s21], [sflag:$0x1] =	stream.indirect_vreg.gather [hbm4b:s5+s13], $0x80, v3, vm0, $0xb8;
	[tilespmem:$0x18800] =	vst v63  }
0x3b2: {  	s22 =	simm.s32 $0x3000  }
0x3b3: {  	[tilespmem:s22], [sflag:$0x1] =	stream.indirect_vreg.gather [hbm4b:s6+s13], $0x80, v3, vm0, $0xb8;
	[tilespmem:$0x18800] =	vst v63  }
0x3b4: {  	s23 =	simm.s32 $0x3800  }
0x3b5: {  	[tilespmem:s23], [sflag:$0x1] =	stream.indirect_vreg.gather [hbm4b:s8+s13], $0x80, v3, vm0, $0xb8;
	[tilespmem:$0x18800] =	vst v63  }
0x3b6: {  	v3 =	vld [tilespmem:$0x18610];
	_ =	sdelay $0x4  }
0x3b7: {  	v63 =	vshll.u32 v3, $0x3  }
0x3b8: {  	v3 =	vand.u32 $0x7, v3;
	v4 =	vand.u32 $0xFFFFFFC0, v63  }
0x3b9: {  	v3 =	vor.u32 v3, v4  }
0x3ba: {  	v4 =	vperm.xlane v3, v0;
	_ =	sdelay $0x1  }
0x3bb: {  	v4 =	vadd.s32 v1, v4;
	_ =	sdelay $0x3  }
0x3bc: {  	s15 =	simm.s32 $0x4000  }
0x3bd: {  	[tilespmem:s15], [sflag:$0x1] =	stream.indirect_vreg.gather [hbm4b:s3+s13], $0x80, v4, vm0, $0xb8;
	[tilespmem:$0x18800] =	vst v63  }
0x3be: {  	s17 =	simm.s32 $0x4800;
	v3 =	vperm.xlane v3, v2  }
0x3bf: {  	[tilespmem:s17], [sflag:$0x1] =	stream.indirect_vreg.gather [hbm4b:s5+s13], $0x80, v4, vm0, $0xb8;
	[tilespmem:$0x18800] =	vst v63  }
0x3c0: {  	s18 =	simm.s32 $0x5000;
	v3 =	vadd.s32 v1, v3  }
0x3c1: {  	[tilespmem:s18], [sflag:$0x1] =	stream.indirect_vreg.gather [hbm4b:s6+s13], $0x80, v4, vm0, $0xb8;
	[tilespmem:$0x18800] =	vst v63  }
0x3c2: {  	s19 =	simm.s32 $0x5800  }
0x3c3: {  	[tilespmem:s19], [sflag:$0x1] =	stream.indirect_vreg.gather [hbm4b:s8+s13], $0x80, v4, vm0, $0xb8;
	[tilespmem:$0x18800] =	vst v63  }
0x3c4: {  	s20 =	simm.s32 $0x6000  }
0x3c5: {  	[tilespmem:s20], [sflag:$0x1] =	stream.indirect_vreg.gather [hbm4b:s3+s13], $0x80, v3, vm0, $0xb8;
	[tilespmem:$0x18800] =	vst v63  }
0x3c6: {  	s21 =	simm.s32 $0x6800  }
0x3c7: {  	[tilespmem:s21], [sflag:$0x1] =	stream.indirect_vreg.gather [hbm4b:s5+s13], $0x80, v3, vm0, $0xb8;
	[tilespmem:$0x18800] =	vst v63  }
0x3c8: {  	s22 =	simm.s32 $0x7000  }
0x3c9: {  	[tilespmem:s22], [sflag:$0x1] =	stream.indirect_vreg.gather [hbm4b:s6+s13], $0x80, v3, vm0, $0xb8;
	[tilespmem:$0x18800] =	vst v63  }
0x3ca: {  	s23 =	simm.s32 $0x7800  }
0x3cb: {  	[tilespmem:s23], [sflag:$0x1] =	stream.indirect_vreg.gather [hbm4b:s8+s13], $0x80, v3, vm0, $0xb8;
	[tilespmem:$0x18800] =	vst v63  }
0x3cc: {  	_ =	swait.ge [sflag:s11], $0x4000  }
0x3cd: {  	[sflag:s11] =	ssyncset.done $0x0  }
0x3ce: {  	s14 =	simm.s32 $0x0;
	[sflag:s11] =	ssyncadd.s32 $0xFFFFC000  }
.LBB2_46:
0x3cf: {  	s15 =	sshll.u32 s14, $0xA;
	s17 =	sshll.u32 s14, $0x7  }
0x3d0: {  	s15 =	sand.u32 $0x2000, s15;
	s17 =	sand.u32 $0x380, s17  }
0x3d1: {  	s19 =	sand.u32 $0x1C00, s13;
	s17 =	sor.u32 s17, s15  }
0x3d2: {  	s20 =	sand.u32 $0x70, s13;
	s15 =	sor.u32 $0xC000, s17;
	s18 =	sor.u32 s19, s17  }
0x3d3: {  	s18 =	sor.u32 s20, s18;
	s19 =	sadd.s32 s19, s15  }
0x3d4: {  	v3 =	vld [tilespmem:s18+$0x8000];
	s19 =	sadd.s32 s20, s19  }
0x3d5: {  	v4 =	vld [tilespmem:s19+$0x0];
	_ =	sdelay $0x2  }
0x3d6: {  	s19 =	simm.s32 $0x80  }
0x3d7: {  	s23 =	simm.s32 $0x10;
	s22 =	sand.u32 $0x1C00, s19  }
0x3d8: {  	s21 =	sand.u32 $0x70, s23;
	s20 =	simm.s32 $0x20;
	s23 =	sor.u32 s22, s17;
	v3 =	vadd.f32 v4, v3  }
.LBB2_47:
0x3d9: {  	p0 =	sne.s32 s20, $0x3F0;
	s23 =	sor.u32 s21, s23;
	s22 =	sadd.s32 s22, s15  }
0x3da: {  	v4 =	vld [tilespmem:s23+$0x8000];
	s21 =	sadd.s32 s21, s22;
	[tilespmem:s18+$0x14000] =	vst v3;
	s18 =	smov.u32 s23  }
0x3db: {  	v3 =	vld [tilespmem:s21+$0x0]  }
.Ltmp22:
0x3dc: {  	(pc) =	sbr.rel @p0 .LBB2_47-.Ltmp22, $4  }
0x3dd: {  	_ = 	snop  }
0x3de: {  	s19 =	sadd.s32 $0x80, s19  }
0x3df: {  	s22 =	sand.u32 $0x1C00, s19  }
0x3e0: {  	s21 =	sand.u32 $0x70, s20;
	s23 =	sor.u32 s22, s17;
	s20 =	sadd.s32 $0x10, s20;
	v3 =	vadd.f32 v3, v4  }
0x3e1: {  	s17 =	sor.u32 s21, s23;
	s15 =	sadd.s32 s22, s15  }
0x3e2: {  	v4 =	vld [tilespmem:s17+$0x8000];
	s15 =	sadd.s32 s21, s15;
	[tilespmem:s18+$0x14000] =	vst v3  }
0x3e3: {  	v3 =	vld [tilespmem:s15+$0x0]  }
0x3e4: {  	s14 =	sadd.s32 $0x1, s14  }
0x3e5: {  	p0 =	sne.s32 s14, $0x10  }
.Ltmp23:
0x3e6: {  	_ = 	snop;
	(pc) =	sbr.rel @p0 .LBB2_46-.Ltmp23, $3  }
0x3e7: {  	_ = 	snop  }
0x3e8: {  	v3 =	vadd.f32 v3, v4;
	_ =	sdelay $0x1  }
0x3e9: {  	[tilespmem:s17+$0x14000] =	vst v3  }
0x3ea: {  	s13 =	simm.s32 $0x0;
	s14 =	rddreg [dreg:$0xf]  }
0x3eb: {  	[hbm4b:s14+s13] =	stream.linear.scatter [tilespmem:s9], [sflag:$0x4], $0x4000, $0x38;
	[tilespmem:$0x18800] =	vst v63  }
0x3ec: {  	_ =	swait.ge [sflag:s16], $0x8000  }
0x3ed: {  	[sflag:s16] =	ssyncset.done $0x0  }
0x3ee: {  	[sflag:s16] =	ssyncadd.s32 $0xFFFF8000  }
0x3ef: {  	v3 =	vld [tilespmem:$0x18680];
	_ =	sdelay $0x4  }
0x3f0: {  	v4 =	vshll.u32 v3, $0x3  }
0x3f1: {  	v3 =	vand.u32 $0x7, v3;
	v4 =	vand.u32 $0xFFFFFFC0, v4  }
0x3f2: {  	v3 =	vor.u32 v3, v4  }
0x3f3: {  	v4 =	vperm.xlane v3, v0;
	_ =	sdelay $0x1  }
0x3f4: {  	v4 =	vadd.s32 v1, v4;
	_ =	sdelay $0x3  }
0x3f5: {  	s17 =	simm.s32 $0x8000  }
0x3f6: {  	[tilespmem:s17], [sflag:$0x2] =	stream.indirect_vreg.gather [hbm4b:s3+s13], $0x80, v4, vm0, $0xb8;
	[tilespmem:$0x18800] =	vst v63  }
0x3f7: {  	s18 =	simm.s32 $0x8800;
	v3 =	vperm.xlane v3, v2  }
0x3f8: {  	[tilespmem:s18], [sflag:$0x2] =	stream.indirect_vreg.gather [hbm4b:s5+s13], $0x80, v4, vm0, $0xb8;
	[tilespmem:$0x18800] =	vst v63  }
0x3f9: {  	s19 =	simm.s32 $0x9000;
	v3 =	vadd.s32 v1, v3  }
0x3fa: {  	[tilespmem:s19], [sflag:$0x2] =	stream.indirect_vreg.gather [hbm4b:s6+s13], $0x80, v4, vm0, $0xb8;
	[tilespmem:$0x18800] =	vst v63  }
0x3fb: {  	s20 =	simm.s32 $0x9800  }
0x3fc: {  	[tilespmem:s20], [sflag:$0x2] =	stream.indirect_vreg.gather [hbm4b:s8+s13], $0x80, v4, vm0, $0xb8;
	[tilespmem:$0x18800] =	vst v63  }
0x3fd: {  	s21 =	simm.s32 $0xA000  }
0x3fe: {  	[tilespmem:s21], [sflag:$0x2] =	stream.indirect_vreg.gather [hbm4b:s3+s13], $0x80, v3, vm0, $0xb8;
	[tilespmem:$0x18800] =	vst v63  }
0x3ff: {  	s22 =	simm.s32 $0xA800  }
0x400: {  	[tilespmem:s22], [sflag:$0x2] =	stream.indirect_vreg.gather [hbm4b:s5+s13], $0x80, v3, vm0, $0xb8;
	[tilespmem:$0x18800] =	vst v63  }
0x401: {  	s23 =	simm.s32 $0xB000  }
0x402: {  	[tilespmem:s23], [sflag:$0x2] =	stream.indirect_vreg.gather [hbm4b:s6+s13], $0x80, v3, vm0, $0xb8;
	[tilespmem:$0x18800] =	vst v63  }
0x403: {  	_ = 	snop  }
0x404: {  	[tilespmem:s24], [sflag:$0x2] =	stream.indirect_vreg.gather [hbm4b:s8+s13], $0x80, v3, vm0, $0xb8;
	[tilespmem:$0x18800] =	vst v63  }
0x405: {  	v3 =	vld [tilespmem:$0x18690];
	_ =	sdelay $0x4  }
0x406: {  	v63 =	vshll.u32 v3, $0x3  }
0x407: {  	v3 =	vand.u32 $0x7, v3;
	v4 =	vand.u32 $0xFFFFFFC0, v63  }
0x408: {  	v3 =	vor.u32 v3, v4  }
0x409: {  	v4 =	vperm.xlane v3, v0;
	_ =	sdelay $0x1  }
0x40a: {  	v4 =	vadd.s32 v1, v4;
	_ =	sdelay $0x4  }
0x40b: {  	[tilespmem:s7], [sflag:$0x2] =	stream.indirect_vreg.gather [hbm4b:s3+s13], $0x80, v4, vm0, $0xb8;
	[tilespmem:$0x18800] =	vst v63  }
0x40c: {  	v3 =	vperm.xlane v3, v2  }
0x40d: {  	[tilespmem:s26], [sflag:$0x2] =	stream.indirect_vreg.gather [hbm4b:s5+s13], $0x80, v4, vm0, $0xb8;
	[tilespmem:$0x18800] =	vst v63  }
0x40e: {  	v3 =	vadd.s32 v1, v3  }
0x40f: {  	[tilespmem:s28], [sflag:$0x2] =	stream.indirect_vreg.gather [hbm4b:s6+s13], $0x80, v4, vm0, $0xb8;
	[tilespmem:$0x18800] =	vst v63  }
0x410: {  	_ = 	snop  }
0x411: {  	[tilespmem:s29], [sflag:$0x2] =	stream.indirect_vreg.gather [hbm4b:s8+s13], $0x80, v4, vm0, $0xb8;
	[tilespmem:$0x18800] =	vst v63  }
0x412: {  	_ = 	snop  }
0x413: {  	[tilespmem:s30], [sflag:$0x2] =	stream.indirect_vreg.gather [hbm4b:s3+s13], $0x80, v3, vm0, $0xb8;
	[tilespmem:$0x18800] =	vst v63  }
0x414: {  	_ = 	snop  }
0x415: {  	[tilespmem:s31], [sflag:$0x2] =	stream.indirect_vreg.gather [hbm4b:s5+s13], $0x80, v3, vm0, $0xb8;
	[tilespmem:$0x18800] =	vst v63  }
0x416: {  	_ = 	snop  }
0x417: {  	[tilespmem:s0], [sflag:$0x2] =	stream.indirect_vreg.gather [hbm4b:s6+s13], $0x80, v3, vm0, $0xb8;
	[tilespmem:$0x18800] =	vst v63  }
0x418: {  	_ = 	snop  }
0x419: {  	[tilespmem:s1], [sflag:$0x2] =	stream.indirect_vreg.gather [hbm4b:s8+s13], $0x80, v3, vm0, $0xb8;
	[tilespmem:$0x18800] =	vst v63  }
0x41a: {  	_ =	swait.ge [sflag:s10], $0x4000  }
0x41b: {  	[sflag:s10] =	ssyncset.done $0x0  }
0x41c: {  	s14 =	simm.s32 $0x0;
	[sflag:s10] =	ssyncadd.s32 $0xFFFFC000  }
.LBB2_50:
0x41d: {  	s15 =	sshll.u32 s14, $0xA;
	s17 =	sshll.u32 s14, $0x7  }
0x41e: {  	s15 =	sand.u32 $0x2000, s15;
	s17 =	sand.u32 $0x380, s17  }
0x41f: {  	s19 =	sand.u32 $0x1C00, s13;
	s17 =	sor.u32 s17, s15  }
0x420: {  	s20 =	sand.u32 $0x70, s13;
	s15 =	sor.u32 $0x4000, s17;
	s18 =	sor.u32 s19, s17  }
0x421: {  	s18 =	sor.u32 s20, s18;
	s19 =	sadd.s32 s19, s15  }
0x422: {  	v3 =	vld [tilespmem:s18+$0x0];
	s19 =	sadd.s32 s20, s19  }
0x423: {  	v4 =	vld [tilespmem:s19+$0x0];
	_ =	sdelay $0x2  }
0x424: {  	s19 =	simm.s32 $0x80  }
0x425: {  	s23 =	simm.s32 $0x10;
	s22 =	sand.u32 $0x1C00, s19  }
0x426: {  	s21 =	sand.u32 $0x70, s23;
	s20 =	simm.s32 $0x20;
	s23 =	sor.u32 s22, s17;
	v3 =	vadd.f32 v4, v3  }
.LBB2_51:
0x427: {  	p0 =	sne.s32 s20, $0x3F0;
	s23 =	sor.u32 s21, s23;
	s22 =	sadd.s32 s22, s15  }
0x428: {  	v4 =	vld [tilespmem:s23+$0x0];
	s21 =	sadd.s32 s21, s22;
	[tilespmem:s18+$0x10000] =	vst v3;
	s18 =	smov.u32 s23  }
0x429: {  	v3 =	vld [tilespmem:s21+$0x0]  }
.Ltmp24:
0x42a: {  	(pc) =	sbr.rel @p0 .LBB2_51-.Ltmp24, $4  }
0x42b: {  	_ = 	snop  }
0x42c: {  	s19 =	sadd.s32 $0x80, s19  }
0x42d: {  	s22 =	sand.u32 $0x1C00, s19  }
0x42e: {  	s21 =	sand.u32 $0x70, s20;
	s23 =	sor.u32 s22, s17;
	s20 =	sadd.s32 $0x10, s20;
	v3 =	vadd.f32 v3, v4  }
0x42f: {  	s17 =	sor.u32 s21, s23;
	s15 =	sadd.s32 s22, s15  }
0x430: {  	v4 =	vld [tilespmem:s17+$0x0];
	s15 =	sadd.s32 s21, s15;
	[tilespmem:s18+$0x10000] =	vst v3  }
0x431: {  	v3 =	vld [tilespmem:s15+$0x0]  }
0x432: {  	s14 =	sadd.s32 $0x1, s14  }
0x433: {  	p0 =	sne.s32 s14, $0x10  }
.Ltmp25:
0x434: {  	_ = 	snop;
	(pc) =	sbr.rel @p0 .LBB2_50-.Ltmp25, $3  }
0x435: {  	_ = 	snop  }
0x436: {  	v3 =	vadd.f32 v3, v4;
	_ =	sdelay $0x1  }
0x437: {  	[tilespmem:s17+$0x10000] =	vst v3  }
0x438: {  	s13 =	simm.s32 $0x0;
	s14 =	rddreg [dreg:$0x10]  }
0x439: {  	[hbm4b:s14+s13] =	stream.linear.scatter [tilespmem:s25], [sflag:$0x3], $0x4000, $0x38;
	[tilespmem:$0x18800] =	vst v63  }
0x43a: {  	_ =	swait.ge [sflag:s4], $0x8000  }
0x43b: {  	[sflag:s4] =	ssyncset.done $0x0  }
0x43c: {  	[sflag:s4] =	ssyncadd.s32 $0xFFFF8000  }
0x43d: {  	v3 =	vld [tilespmem:$0x18700];
	_ =	sdelay $0x4  }
0x43e: {  	v4 =	vshll.u32 v3, $0x3  }
0x43f: {  	v3 =	vand.u32 $0x7, v3;
	v4 =	vand.u32 $0xFFFFFFC0, v4  }
0x440: {  	v3 =	vor.u32 v3, v4  }
0x441: {  	v4 =	vperm.xlane v3, v0;
	_ =	sdelay $0x1  }
0x442: {  	v4 =	vadd.s32 v1, v4;
	_ =	sdelay $0x4  }
0x443: {  	[tilespmem:s13], [sflag:$0x1] =	stream.indirect_vreg.gather [hbm4b:s3+s13], $0x80, v4, vm0, $0xb8;
	[tilespmem:$0x18800] =	vst v63  }
0x444: {  	s17 =	simm.s32 $0x800;
	v3 =	vperm.xlane v3, v2  }
0x445: {  	[tilespmem:s17], [sflag:$0x1] =	stream.indirect_vreg.gather [hbm4b:s5+s13], $0x80, v4, vm0, $0xb8;
	[tilespmem:$0x18800] =	vst v63  }
0x446: {  	s18 =	simm.s32 $0x1000;
	v3 =	vadd.s32 v1, v3  }
0x447: {  	[tilespmem:s18], [sflag:$0x1] =	stream.indirect_vreg.gather [hbm4b:s6+s13], $0x80, v4, vm0, $0xb8;
	[tilespmem:$0x18800] =	vst v63  }
0x448: {  	s19 =	simm.s32 $0x1800  }
0x449: {  	[tilespmem:s19], [sflag:$0x1] =	stream.indirect_vreg.gather [hbm4b:s8+s13], $0x80, v4, vm0, $0xb8;
	[tilespmem:$0x18800] =	vst v63  }
0x44a: {  	s20 =	simm.s32 $0x2000  }
0x44b: {  	[tilespmem:s20], [sflag:$0x1] =	stream.indirect_vreg.gather [hbm4b:s3+s13], $0x80, v3, vm0, $0xb8;
	[tilespmem:$0x18800] =	vst v63  }
0x44c: {  	s21 =	simm.s32 $0x2800  }
0x44d: {  	[tilespmem:s21], [sflag:$0x1] =	stream.indirect_vreg.gather [hbm4b:s5+s13], $0x80, v3, vm0, $0xb8;
	[tilespmem:$0x18800] =	vst v63  }
0x44e: {  	s22 =	simm.s32 $0x3000  }
0x44f: {  	[tilespmem:s22], [sflag:$0x1] =	stream.indirect_vreg.gather [hbm4b:s6+s13], $0x80, v3, vm0, $0xb8;
	[tilespmem:$0x18800] =	vst v63  }
0x450: {  	s23 =	simm.s32 $0x3800  }
0x451: {  	[tilespmem:s23], [sflag:$0x1] =	stream.indirect_vreg.gather [hbm4b:s8+s13], $0x80, v3, vm0, $0xb8;
	[tilespmem:$0x18800] =	vst v63  }
0x452: {  	v3 =	vld [tilespmem:$0x18710];
	_ =	sdelay $0x4  }
0x453: {  	v63 =	vshll.u32 v3, $0x3  }
0x454: {  	v3 =	vand.u32 $0x7, v3;
	v4 =	vand.u32 $0xFFFFFFC0, v63  }
0x455: {  	v3 =	vor.u32 v3, v4  }
0x456: {  	v4 =	vperm.xlane v3, v0;
	_ =	sdelay $0x1  }
0x457: {  	v4 =	vadd.s32 v1, v4;
	_ =	sdelay $0x3  }
0x458: {  	s15 =	simm.s32 $0x4000  }
0x459: {  	[tilespmem:s15], [sflag:$0x1] =	stream.indirect_vreg.gather [hbm4b:s3+s13], $0x80, v4, vm0, $0xb8;
	[tilespmem:$0x18800] =	vst v63  }
0x45a: {  	s17 =	simm.s32 $0x4800;
	v3 =	vperm.xlane v3, v2  }
0x45b: {  	[tilespmem:s17], [sflag:$0x1] =	stream.indirect_vreg.gather [hbm4b:s5+s13], $0x80, v4, vm0, $0xb8;
	[tilespmem:$0x18800] =	vst v63  }
0x45c: {  	s18 =	simm.s32 $0x5000;
	v3 =	vadd.s32 v1, v3  }
0x45d: {  	[tilespmem:s18], [sflag:$0x1] =	stream.indirect_vreg.gather [hbm4b:s6+s13], $0x80, v4, vm0, $0xb8;
	[tilespmem:$0x18800] =	vst v63  }
0x45e: {  	s19 =	simm.s32 $0x5800  }
0x45f: {  	[tilespmem:s19], [sflag:$0x1] =	stream.indirect_vreg.gather [hbm4b:s8+s13], $0x80, v4, vm0, $0xb8;
	[tilespmem:$0x18800] =	vst v63  }
0x460: {  	s20 =	simm.s32 $0x6000  }
0x461: {  	[tilespmem:s20], [sflag:$0x1] =	stream.indirect_vreg.gather [hbm4b:s3+s13], $0x80, v3, vm0, $0xb8;
	[tilespmem:$0x18800] =	vst v63  }
0x462: {  	s21 =	simm.s32 $0x6800  }
0x463: {  	[tilespmem:s21], [sflag:$0x1] =	stream.indirect_vreg.gather [hbm4b:s5+s13], $0x80, v3, vm0, $0xb8;
	[tilespmem:$0x18800] =	vst v63  }
0x464: {  	s22 =	simm.s32 $0x7000  }
0x465: {  	[tilespmem:s22], [sflag:$0x1] =	stream.indirect_vreg.gather [hbm4b:s6+s13], $0x80, v3, vm0, $0xb8;
	[tilespmem:$0x18800] =	vst v63  }
0x466: {  	s23 =	simm.s32 $0x7800  }
0x467: {  	[tilespmem:s23], [sflag:$0x1] =	stream.indirect_vreg.gather [hbm4b:s8+s13], $0x80, v3, vm0, $0xb8;
	[tilespmem:$0x18800] =	vst v63  }
0x468: {  	_ =	swait.ge [sflag:s11], $0x4000  }
0x469: {  	[sflag:s11] =	ssyncset.done $0x0  }
0x46a: {  	s14 =	simm.s32 $0x0;
	[sflag:s11] =	ssyncadd.s32 $0xFFFFC000  }
.LBB2_54:
0x46b: {  	s15 =	sshll.u32 s14, $0xA;
	s17 =	sshll.u32 s14, $0x7  }
0x46c: {  	s15 =	sand.u32 $0x2000, s15;
	s17 =	sand.u32 $0x380, s17  }
0x46d: {  	s19 =	sand.u32 $0x1C00, s13;
	s17 =	sor.u32 s17, s15  }
0x46e: {  	s20 =	sand.u32 $0x70, s13;
	s15 =	sor.u32 $0xC000, s17;
	s18 =	sor.u32 s19, s17  }
0x46f: {  	s18 =	sor.u32 s20, s18;
	s19 =	sadd.s32 s19, s15  }
0x470: {  	v3 =	vld [tilespmem:s18+$0x8000];
	s19 =	sadd.s32 s20, s19  }
0x471: {  	v4 =	vld [tilespmem:s19+$0x0];
	_ =	sdelay $0x2  }
0x472: {  	s19 =	simm.s32 $0x80  }
0x473: {  	s23 =	simm.s32 $0x10;
	s22 =	sand.u32 $0x1C00, s19  }
0x474: {  	s21 =	sand.u32 $0x70, s23;
	s20 =	simm.s32 $0x20;
	s23 =	sor.u32 s22, s17;
	v3 =	vadd.f32 v4, v3  }
.LBB2_55:
0x475: {  	p0 =	sne.s32 s20, $0x3F0;
	s23 =	sor.u32 s21, s23;
	s22 =	sadd.s32 s22, s15  }
0x476: {  	v4 =	vld [tilespmem:s23+$0x8000];
	s21 =	sadd.s32 s21, s22;
	[tilespmem:s18+$0x14000] =	vst v3;
	s18 =	smov.u32 s23  }
0x477: {  	v3 =	vld [tilespmem:s21+$0x0]  }
.Ltmp26:
0x478: {  	(pc) =	sbr.rel @p0 .LBB2_55-.Ltmp26, $4  }
0x479: {  	_ = 	snop  }
0x47a: {  	s19 =	sadd.s32 $0x80, s19  }
0x47b: {  	s22 =	sand.u32 $0x1C00, s19  }
0x47c: {  	s21 =	sand.u32 $0x70, s20;
	s23 =	sor.u32 s22, s17;
	s20 =	sadd.s32 $0x10, s20;
	v3 =	vadd.f32 v3, v4  }
0x47d: {  	s17 =	sor.u32 s21, s23;
	s15 =	sadd.s32 s22, s15  }
0x47e: {  	v4 =	vld [tilespmem:s17+$0x8000];
	s15 =	sadd.s32 s21, s15;
	[tilespmem:s18+$0x14000] =	vst v3  }
0x47f: {  	v3 =	vld [tilespmem:s15+$0x0]  }
0x480: {  	s14 =	sadd.s32 $0x1, s14  }
0x481: {  	p0 =	sne.s32 s14, $0x10  }
.Ltmp27:
0x482: {  	_ = 	snop;
	(pc) =	sbr.rel @p0 .LBB2_54-.Ltmp27, $3  }
0x483: {  	_ = 	snop  }
0x484: {  	v3 =	vadd.f32 v3, v4;
	_ =	sdelay $0x1  }
0x485: {  	[tilespmem:s17+$0x14000] =	vst v3  }
0x486: {  	s13 =	simm.s32 $0x0;
	s14 =	rddreg [dreg:$0x11]  }
0x487: {  	[hbm4b:s14+s13] =	stream.linear.scatter [tilespmem:s9], [sflag:$0x4], $0x4000, $0x38;
	[tilespmem:$0x18800] =	vst v63  }
0x488: {  	_ =	swait.ge [sflag:s16], $0x8000  }
0x489: {  	[sflag:s16] =	ssyncset.done $0x0  }
0x48a: {  	[sflag:s16] =	ssyncadd.s32 $0xFFFF8000  }
0x48b: {  	v3 =	vld [tilespmem:$0x18780];
	_ =	sdelay $0x4  }
0x48c: {  	v4 =	vshll.u32 v3, $0x3  }
0x48d: {  	v3 =	vand.u32 $0x7, v3;
	v4 =	vand.u32 $0xFFFFFFC0, v4  }
0x48e: {  	v3 =	vor.u32 v3, v4  }
0x48f: {  	v4 =	vperm.xlane v3, v0;
	_ =	sdelay $0x1  }
0x490: {  	v4 =	vadd.s32 v1, v4;
	_ =	sdelay $0x3  }
0x491: {  	s17 =	simm.s32 $0x8000  }
0x492: {  	[tilespmem:s17], [sflag:$0x2] =	stream.indirect_vreg.gather [hbm4b:s3+s13], $0x80, v4, vm0, $0xb8;
	[tilespmem:$0x18800] =	vst v63  }
0x493: {  	s18 =	simm.s32 $0x8800;
	v3 =	vperm.xlane v3, v2  }
0x494: {  	[tilespmem:s18], [sflag:$0x2] =	stream.indirect_vreg.gather [hbm4b:s5+s13], $0x80, v4, vm0, $0xb8;
	[tilespmem:$0x18800] =	vst v63  }
0x495: {  	s19 =	simm.s32 $0x9000;
	v3 =	vadd.s32 v1, v3  }
0x496: {  	[tilespmem:s19], [sflag:$0x2] =	stream.indirect_vreg.gather [hbm4b:s6+s13], $0x80, v4, vm0, $0xb8;
	[tilespmem:$0x18800] =	vst v63  }
0x497: {  	s20 =	simm.s32 $0x9800  }
0x498: {  	[tilespmem:s20], [sflag:$0x2] =	stream.indirect_vreg.gather [hbm4b:s8+s13], $0x80, v4, vm0, $0xb8;
	[tilespmem:$0x18800] =	vst v63  }
0x499: {  	s21 =	simm.s32 $0xA000  }
0x49a: {  	[tilespmem:s21], [sflag:$0x2] =	stream.indirect_vreg.gather [hbm4b:s3+s13], $0x80, v3, vm0, $0xb8;
	[tilespmem:$0x18800] =	vst v63  }
0x49b: {  	s22 =	simm.s32 $0xA800  }
0x49c: {  	[tilespmem:s22], [sflag:$0x2] =	stream.indirect_vreg.gather [hbm4b:s5+s13], $0x80, v3, vm0, $0xb8;
	[tilespmem:$0x18800] =	vst v63  }
0x49d: {  	s23 =	simm.s32 $0xB000  }
0x49e: {  	[tilespmem:s23], [sflag:$0x2] =	stream.indirect_vreg.gather [hbm4b:s6+s13], $0x80, v3, vm0, $0xb8;
	[tilespmem:$0x18800] =	vst v63  }
0x49f: {  	_ = 	snop  }
0x4a0: {  	[tilespmem:s24], [sflag:$0x2] =	stream.indirect_vreg.gather [hbm4b:s8+s13], $0x80, v3, vm0, $0xb8;
	[tilespmem:$0x18800] =	vst v63  }
0x4a1: {  	v3 =	vld [tilespmem:$0x18790];
	_ =	sdelay $0x4  }
0x4a2: {  	v63 =	vshll.u32 v3, $0x3  }
0x4a3: {  	v3 =	vand.u32 $0x7, v3;
	v4 =	vand.u32 $0xFFFFFFC0, v63  }
0x4a4: {  	v3 =	vor.u32 v3, v4  }
0x4a5: {  	v4 =	vperm.xlane v3, v0;
	_ =	sdelay $0x1  }
0x4a6: {  	v4 =	vadd.s32 v1, v4;
	_ =	sdelay $0x4  }
0x4a7: {  	[tilespmem:s7], [sflag:$0x2] =	stream.indirect_vreg.gather [hbm4b:s3+s13], $0x80, v4, vm0, $0xb8;
	[tilespmem:$0x18800] =	vst v63  }
0x4a8: {  	v3 =	vperm.xlane v3, v2  }
0x4a9: {  	[tilespmem:s26], [sflag:$0x2] =	stream.indirect_vreg.gather [hbm4b:s5+s13], $0x80, v4, vm0, $0xb8;
	[tilespmem:$0x18800] =	vst v63  }
0x4aa: {  	v3 =	vadd.s32 v1, v3  }
0x4ab: {  	[tilespmem:s28], [sflag:$0x2] =	stream.indirect_vreg.gather [hbm4b:s6+s13], $0x80, v4, vm0, $0xb8;
	[tilespmem:$0x18800] =	vst v63  }
0x4ac: {  	_ = 	snop  }
0x4ad: {  	[tilespmem:s29], [sflag:$0x2] =	stream.indirect_vreg.gather [hbm4b:s8+s13], $0x80, v4, vm0, $0xb8;
	[tilespmem:$0x18800] =	vst v63  }
0x4ae: {  	_ = 	snop  }
0x4af: {  	[tilespmem:s30], [sflag:$0x2] =	stream.indirect_vreg.gather [hbm4b:s3+s13], $0x80, v3, vm0, $0xb8;
	[tilespmem:$0x18800] =	vst v63  }
0x4b0: {  	_ = 	snop  }
0x4b1: {  	[tilespmem:s31], [sflag:$0x2] =	stream.indirect_vreg.gather [hbm4b:s5+s13], $0x80, v3, vm0, $0xb8;
	[tilespmem:$0x18800] =	vst v63  }
0x4b2: {  	_ = 	snop  }
0x4b3: {  	[tilespmem:s0], [sflag:$0x2] =	stream.indirect_vreg.gather [hbm4b:s6+s13], $0x80, v3, vm0, $0xb8;
	[tilespmem:$0x18800] =	vst v63  }
0x4b4: {  	_ = 	snop  }
0x4b5: {  	[tilespmem:s1], [sflag:$0x2] =	stream.indirect_vreg.gather [hbm4b:s8+s13], $0x80, v3, vm0, $0xb8;
	[tilespmem:$0x18800] =	vst v63  }
0x4b6: {  	_ =	swait.ge [sflag:s10], $0x4000  }
0x4b7: {  	[sflag:s10] =	ssyncset.done $0x0  }
0x4b8: {  	s14 =	simm.s32 $0x0;
	[sflag:s10] =	ssyncadd.s32 $0xFFFFC000  }
.LBB2_58:
0x4b9: {  	s15 =	sshll.u32 s14, $0xA;
	s17 =	sshll.u32 s14, $0x7  }
0x4ba: {  	s15 =	sand.u32 $0x2000, s15;
	s17 =	sand.u32 $0x380, s17  }
0x4bb: {  	s19 =	sand.u32 $0x1C00, s13;
	s17 =	sor.u32 s17, s15  }
0x4bc: {  	s20 =	sand.u32 $0x70, s13;
	s15 =	sor.u32 $0x4000, s17;
	s18 =	sor.u32 s19, s17  }
0x4bd: {  	s18 =	sor.u32 s20, s18;
	s19 =	sadd.s32 s19, s15  }
0x4be: {  	v3 =	vld [tilespmem:s18+$0x0];
	s19 =	sadd.s32 s20, s19  }
0x4bf: {  	v4 =	vld [tilespmem:s19+$0x0];
	_ =	sdelay $0x2  }
0x4c0: {  	s19 =	simm.s32 $0x80  }
0x4c1: {  	s23 =	simm.s32 $0x10;
	s22 =	sand.u32 $0x1C00, s19  }
0x4c2: {  	s21 =	sand.u32 $0x70, s23;
	s20 =	simm.s32 $0x20;
	s23 =	sor.u32 s22, s17;
	v3 =	vadd.f32 v4, v3  }
.LBB2_59:
0x4c3: {  	p0 =	sne.s32 s20, $0x3F0;
	s23 =	sor.u32 s21, s23;
	s22 =	sadd.s32 s22, s15  }
0x4c4: {  	v4 =	vld [tilespmem:s23+$0x0];
	s21 =	sadd.s32 s21, s22;
	[tilespmem:s18+$0x10000] =	vst v3;
	s18 =	smov.u32 s23  }
0x4c5: {  	v3 =	vld [tilespmem:s21+$0x0]  }
.Ltmp28:
0x4c6: {  	(pc) =	sbr.rel @p0 .LBB2_59-.Ltmp28, $4  }
0x4c7: {  	_ = 	snop  }
0x4c8: {  	s19 =	sadd.s32 $0x80, s19  }
0x4c9: {  	s22 =	sand.u32 $0x1C00, s19  }
0x4ca: {  	s21 =	sand.u32 $0x70, s20;
	s23 =	sor.u32 s22, s17;
	s20 =	sadd.s32 $0x10, s20;
	v3 =	vadd.f32 v3, v4  }
0x4cb: {  	s17 =	sor.u32 s21, s23;
	s15 =	sadd.s32 s22, s15  }
0x4cc: {  	v4 =	vld [tilespmem:s17+$0x0];
	s15 =	sadd.s32 s21, s15;
	[tilespmem:s18+$0x10000] =	vst v3  }
0x4cd: {  	v3 =	vld [tilespmem:s15+$0x0]  }
0x4ce: {  	s14 =	sadd.s32 $0x1, s14  }
0x4cf: {  	p0 =	sne.s32 s14, $0x10  }
.Ltmp29:
0x4d0: {  	_ = 	snop;
	(pc) =	sbr.rel @p0 .LBB2_58-.Ltmp29, $3  }
0x4d1: {  	_ = 	snop  }
0x4d2: {  	v3 =	vadd.f32 v3, v4;
	_ =	sdelay $0x1  }
0x4d3: {  	[tilespmem:s17+$0x10000] =	vst v3  }
0x4d4: {  	s13 =	simm.s32 $0x0;
	s14 =	rddreg [dreg:$0x12]  }
0x4d5: {  	[hbm4b:s14+s13] =	stream.linear.scatter [tilespmem:s25], [sflag:$0x3], $0x4000, $0x38;
	[tilespmem:$0x18800] =	vst v63  }
0x4d6: {  	_ =	swait.ge [sflag:s4], $0x8000  }
0x4d7: {  	[sflag:s4] =	ssyncset.done $0x0  }
0x4d8: {  	[sflag:s4] =	ssyncadd.s32 $0xFFFF8000  }
0x4d9: {  	_ =	swait.ge [sflag:s11], $0x4000  }
0x4da: {  	[sflag:s11] =	ssyncset.done $0x0  }
0x4db: {  	s14 =	simm.s32 $0x0;
	[sflag:s11] =	ssyncadd.s32 $0xFFFFC000  }
.LBB2_62:
0x4dc: {  	s15 =	sshll.u32 s14, $0xA;
	s17 =	sshll.u32 s14, $0x7  }
0x4dd: {  	s15 =	sand.u32 $0x2000, s15;
	s17 =	sand.u32 $0x380, s17  }
0x4de: {  	s19 =	sand.u32 $0x1C00, s13;
	s17 =	sor.u32 s17, s15  }
0x4df: {  	s20 =	sand.u32 $0x70, s13;
	s15 =	sor.u32 $0xC000, s17;
	s18 =	sor.u32 s19, s17  }
0x4e0: {  	s18 =	sor.u32 s20, s18;
	s19 =	sadd.s32 s19, s15  }
0x4e1: {  	v3 =	vld [tilespmem:s18+$0x8000];
	s19 =	sadd.s32 s20, s19  }
0x4e2: {  	v4 =	vld [tilespmem:s19+$0x0];
	_ =	sdelay $0x2  }
0x4e3: {  	s19 =	simm.s32 $0x80  }
0x4e4: {  	s23 =	simm.s32 $0x10;
	s22 =	sand.u32 $0x1C00, s19  }
0x4e5: {  	s21 =	sand.u32 $0x70, s23;
	s20 =	simm.s32 $0x20;
	s23 =	sor.u32 s22, s17;
	v3 =	vadd.f32 v4, v3  }
.LBB2_63:
0x4e6: {  	p0 =	sne.s32 s20, $0x3F0;
	s23 =	sor.u32 s21, s23;
	s22 =	sadd.s32 s22, s15  }
0x4e7: {  	v4 =	vld [tilespmem:s23+$0x8000];
	s21 =	sadd.s32 s21, s22;
	[tilespmem:s18+$0x14000] =	vst v3;
	s18 =	smov.u32 s23  }
0x4e8: {  	v3 =	vld [tilespmem:s21+$0x0]  }
.Ltmp30:
0x4e9: {  	(pc) =	sbr.rel @p0 .LBB2_63-.Ltmp30, $4  }
0x4ea: {  	_ = 	snop  }
0x4eb: {  	s19 =	sadd.s32 $0x80, s19  }
0x4ec: {  	s22 =	sand.u32 $0x1C00, s19  }
0x4ed: {  	s21 =	sand.u32 $0x70, s20;
	s23 =	sor.u32 s22, s17;
	s20 =	sadd.s32 $0x10, s20;
	v3 =	vadd.f32 v3, v4  }
0x4ee: {  	s17 =	sor.u32 s21, s23;
	s15 =	sadd.s32 s22, s15  }
0x4ef: {  	v4 =	vld [tilespmem:s17+$0x8000];
	s15 =	sadd.s32 s21, s15;
	[tilespmem:s18+$0x14000] =	vst v3  }
0x4f0: {  	v3 =	vld [tilespmem:s15+$0x0]  }
0x4f1: {  	s14 =	sadd.s32 $0x1, s14  }
0x4f2: {  	p0 =	sne.s32 s14, $0x10  }
.Ltmp31:
0x4f3: {  	_ = 	snop;
	(pc) =	sbr.rel @p0 .LBB2_62-.Ltmp31, $3  }
0x4f4: {  	_ = 	snop  }
0x4f5: {  	v3 =	vadd.f32 v3, v4;
	_ =	sdelay $0x1  }
0x4f6: {  	[tilespmem:s17+$0x14000] =	vst v3  }
0x4f7: {  	s13 =	rddreg [dreg:$0x13]  }
0x4f8: {  	[hbm4b:s13+s2] =	stream.linear.scatter [tilespmem:s9], [sflag:$0x4], $0x4000, $0x38;
	[tilespmem:$0x18800] =	vst v63  }
0x4f9: {  	_ =	swait.ge [sflag:s10], $0x4000  }
0x4fa: {  	[sflag:s10] =	ssyncset.done $0x0  }
0x4fb: {  	[sflag:s10] =	ssyncadd.s32 $0xFFFFC000  }
0x4fc: {  	_ =	swait.ge [sflag:s11], $0x4000  }
0x4fd: {  	s12 =	sadd.s32 $0x1, s12;
	s23 =	rddreg [dreg:$0x14]  }
0x4fe: {  	p0 =	sne.s32 s12, s23  }
.Ltmp32:
0x4ff: {  	_ = 	snop;
	(pc) =	sbr.rel @p0 .LBB2_1-.Ltmp32, $3  }
0x500: {  	_ =	sdelay $0x1  }
0x501: {  	[sflag:s11] =	ssyncset.done $0x0  }
0x502: {  	[sflag:s11] =	ssyncadd.s32 $0xFFFFC000  }
0x503: {  	_ =	sfence.sel $0x180000  }
0x504: {  	[bflag:$0x0] =	sbarrier.arrive $0xFFFF  }
0x505: {  	_ =	strace $0x9000004A  }
0x506: {  	s0 =	stileid.u32;
	[bflag:$0x2] =	sbarrier.arrive $0xFFFF  }
0x507: {  	p0 =	sne.s32 s0, $0x0;
	s0 =	rddreg [dreg:$0x2]  }
0x508: {  	s0 =	sadd.s32 @!p0 $0x100000, s0  }
0x509: {  	[sflag:s0] =	ssyncadd.tile.s32 @!p0 $0x1;
	_ =	shalt  }
.Lfunc_end2:
_tile_overlayer_lowered:
.L_overlay_start_2:
0x50a: {  	(tag) =	ssettag $0x2  }
0x50b: {  	s0 =	rddreg [dreg:$0x0];
	s2 =	stileid.u32  }
0x50c: {  	s1 =	rddreg [dreg:$0x1];
	p0 =	sne.s32 s2, $0x0  }
0x50d: {  	s3 =	rddreg [dreg:$0x2];
	[bflag:$0x3] =	sbarrier.arrive $0xFFFF;
	s2 =	simm.s32 @!p0 $0x1C05  }
0x50e: {  	[timem:s3], [sflag:s2] =	dma.local @!p0 [hbm:s0], s1  }
0x50f: {  	s0 =	simm.s32 @!p0 $0x5  }
0x510: {  	_ =	swait.ge @!p0 [sflag:s0], s1  }
0x511: {  	s1 =	ssub.s32 @!p0 $0x0, s1;
	[sflag:s0] =	ssyncset.done @!p0 $0x0  }
0x512: {  	[sflag:s0] =	ssyncadd.s32 @!p0 s1  }
0x513: {  	[bflag:$0x3] =	sbarrier.arrive $0xFFFF  }
0x514: {  	_ =	shalt  }

// kernel: kernel.7.cloned.1.call-start
scs
__scs_entry_jumppad:
0x0: {  	(pc) =	sbr.rel $0x88, $3  }
0x1: {  	(tag) =	ssettag $0x0;
	lr =	simm.s32 $0x1  }
0x2: {  	[smem:$0x3F9C] =	sst lr;
	_ =	strace $0xD0000000  }
0x3: {  	_ = 	snop  }
0x4: {  	_ = 	snop  }
0x5: {  	_ = 	snop  }
0x6: {  	_ = 	snop  }
0x7: {  	_ = 	snop  }
__scs_overlays_trampoline_lowered:
0x8: {  	[smem:$0x3FAB] =	sst s0  }
0x9: {  	[smem:$0x3FAC] =	sst s1  }
0xa: {  	[smem:$0x3FAD] =	sst s2  }
0xb: {  	[smem:$0x3FAE] =	sst s3  }
0xc: {  	[smem:$0x3FAF] =	sst s4  }
0xd: {  	[smem:$0x3FB0] =	sst s5  }
0xe: {  	[smem:$0x3FB1] =	sst s6  }
0xf: {  	[smem:$0x3FB2] =	sst s7  }
0x10: {  	[smem:$0x3FB3] =	sst s8  }
0x11: {  	[smem:$0x3FB4] =	sst s9;
	s0 =	simm.s32 @!p0 $0x0  }
0x12: {  	s1 =	sld [smem:$0x3F9A];
	s0 =	simm.s32 @p0 $0x1  }
0x13: {  	[smem:$0x3FB5] =	sst s0;
	s0 =	simm.s32 @!p1 $0x0  }
0x14: {  	s2 =	sld [smem:$0x3F99];
	s0 =	simm.s32 @p1 $0x1  }
0x15: {  	[smem:$0x3FB6] =	sst s0;
	s0 =	simm.s32 @!p2 $0x0  }
0x16: {  	s3 =	sld [smem:$0x3FDB];
	s0 =	simm.s32 @p2 $0x1  }
0x17: {  	s4 =	simm.s32 $0x1BF5;
	[smem:$0x3FB8] =	sst s0  }
0x18: {  	s0 =	sld [smem:$0x3F9B];
	_ =	swait.ge [sflag:s4], $0x0  }
0x19: {  	s7 =	sld [smem:$0x3F9C]  }
0x1a: {  	s8 =	sadd.s32 $0xFFFFE003, lr  }
0x1b: {  	s9 =	sadd.s32 $0xFFFFFEF7, lr;
	s5 =	simm.s32 $0xFFFFFFFF;
	p2 =	slt.u32 s8, $0xFFFFF086  }
0x1c: {  	p1 =	slt.u32 s9, $0xF7A;
	s5 =	simm.s32 @!p2 $0x0  }
0x1d: {  	s5 =	simm.s32 @p1 $0x1;
	p0 =	seq.s32 s7, s2  }
0x1e: {  	s7 =	smul.u32 @!p0 $0xF7A, s2;
	p2 =	seq.s32 @!p0 s5, $0x0  }
0x1f: {  	s9 =	smul.u32 $0xF7A, s1;
	s8 =	simm.s32 @!p0 $0x1BF5;
	p2 =	por !p2, p0  }
0x20: {  	[sflag:s8] =	ssyncset.s32 @!p0 $0xFFFFF086;
	s6 =	sadd.s32 @!p0 s3, s7;
	s7 =	simm.s32 @!p0 $0x108  }
0x21: {  	s3 =	sadd.s32 s3, s9;
	s6 =	sadd.s32 @!p0 $0x88, s6;
	s7 =	simm.s32 @p2 $0x1082  }
0x22: {  	[simem:s7], [sflag:s8] =	dma.local @!p0 [hbm:s6], $0xF7A  }
0x23: {  	s9 =	sor.u32 $0xD0000000, s2;
	s6 =	simm.s32 $0x108;
	_ =	swait.ge @!p0 [sflag:s8], $0x0  }
0x24: {  	s3 =	sadd.s32 $0x88, s3;
	s6 =	simm.s32 @!p1 $0x1082;
	[sflag:s4] =	ssyncset.s32 $0xFFFFF086  }
0x25: {  	[simem:s6], [sflag:s4] =	dma.local [hbm:s3], $0xF7A  }
0x26: {  	[smem:$0x3F9C] =	sst s1;
	(tag) =	ssettag s2;
	_ =	strace s9  }
0x27: {  	s1 =	sld [smem:$0x3FAC]  }
0x28: {  	s2 =	sld [smem:$0x3FAD]  }
0x29: {  	s4 =	sld [smem:$0x3FAF]  }
0x2a: {  	p0 =	seq.s32 s5, $0x0;
	s5 =	sld [smem:$0x3FB0]  }
0x2b: {  	s6 =	sld [smem:$0x3FB1]  }
0x2c: {  	s7 =	sld [smem:$0x3FB2]  }
0x2d: {  	s3 =	simm.s32 $0x108;
	s8 =	sld [smem:$0x3FB3]  }
0x2e: {  	s3 =	simm.s32 @!p0 $0x1082;
	s9 =	sld [smem:$0x3FB4]  }
0x2f: {  	lr =	sadd.s32 s0, s3;
	s0 =	sld [smem:$0x3FAB]  }
0x30: {  	s3 =	sld [smem:$0x3FAE]  }
0x31: {  	[smem:$0x3FB7] =	sst s10  }
0x32: {  	s10 =	sld [smem:$0x3FB5];
	_ =	sdelay $0x3  }
0x33: {  	p0 =	seq.s32 s10, $0x1;
	s10 =	sld [smem:$0x3FB7];
	_ =	sdelay $0x3  }
0x34: {  	[smem:$0x3FB7] =	sst s10  }
0x35: {  	s10 =	sld [smem:$0x3FB6];
	_ =	sdelay $0x3  }
0x36: {  	p1 =	seq.s32 s10, $0x1;
	s10 =	sld [smem:$0x3FB7];
	_ =	sdelay $0x3  }
0x37: {  	[smem:$0x3FB7] =	sst s10  }
0x38: {  	s10 =	sld [smem:$0x3FB8]  }
0x39: {  	_ = 	snop;
	(pc) =	sbr.ind lr, $3  }
0x3a: {  	_ = 	snop  }
0x3b: {  	_ = 	snop  }
0x3c: {  	p2 =	seq.s32 s10, $0x1;
	s10 =	sld [smem:$0x3FB7]  }
0x3d: {  	_ =	shalt  }
0x3e: {  	_ =	shalt  }
0x3f: {  	_ =	shalt  }
0x40: {  	_ =	shalt  }
0x41: {  	_ =	shalt  }
0x42: {  	_ =	shalt  }
0x43: {  	_ =	shalt  }
0x44: {  	_ =	shalt  }
0x45: {  	_ =	shalt  }
0x46: {  	_ =	shalt  }
0x47: {  	_ =	shalt  }
0x48: {  	_ =	shalt  }
0x49: {  	_ =	shalt  }
0x4a: {  	_ =	shalt  }
0x4b: {  	_ =	shalt  }
0x4c: {  	_ =	shalt  }
0x4d: {  	_ =	shalt  }
0x4e: {  	_ =	shalt  }
0x4f: {  	_ =	shalt  }
0x50: {  	_ =	shalt  }
0x51: {  	_ =	shalt  }
0x52: {  	_ =	shalt  }
0x53: {  	_ =	shalt  }
0x54: {  	_ =	shalt  }
0x55: {  	_ =	shalt  }
0x56: {  	_ =	shalt  }
0x57: {  	_ =	shalt  }
0x58: {  	_ =	shalt  }
0x59: {  	_ =	shalt  }
0x5a: {  	_ =	shalt  }
0x5b: {  	_ =	shalt  }
0x5c: {  	_ =	shalt  }
0x5d: {  	_ =	shalt  }
0x5e: {  	_ =	shalt  }
0x5f: {  	_ =	shalt  }
0x60: {  	_ =	shalt  }
0x61: {  	_ =	shalt  }
0x62: {  	_ =	shalt  }
0x63: {  	_ =	shalt  }
0x64: {  	_ =	shalt  }
0x65: {  	_ =	shalt  }
0x66: {  	_ =	shalt  }
0x67: {  	_ =	shalt  }
0x68: {  	_ =	shalt  }
0x69: {  	_ =	shalt  }
0x6a: {  	_ =	shalt  }
0x6b: {  	_ =	shalt  }
0x6c: {  	_ =	shalt  }
0x6d: {  	_ =	shalt  }
0x6e: {  	_ =	shalt  }
0x6f: {  	_ =	shalt  }
0x70: {  	_ =	shalt  }
0x71: {  	_ =	shalt  }
0x72: {  	_ =	shalt  }
0x73: {  	_ =	shalt  }
0x74: {  	_ =	shalt  }
0x75: {  	_ =	shalt  }
0x76: {  	_ =	shalt  }
0x77: {  	_ =	shalt  }
0x78: {  	_ =	shalt  }
0x79: {  	_ =	shalt  }
0x7a: {  	_ =	shalt  }
0x7b: {  	_ =	shalt  }
0x7c: {  	_ =	shalt  }
0x7d: {  	_ =	shalt  }
0x7e: {  	_ =	shalt  }
0x7f: {  	_ =	shalt  }
0x80: {  	_ =	shalt  }
0x81: {  	_ =	shalt  }
0x82: {  	_ =	shalt  }
0x83: {  	_ =	shalt  }
0x84: {  	_ =	shalt  }
0x85: {  	_ =	shalt  }
0x86: {  	_ =	shalt  }
0x87: {  	_ =	shalt  }
.Lfunc_end0:
.L_simem_size_0:
called_computation_lowered:
.L_overlay_start_0:
0x88: {  	s2 =	sld [smem:$0x3FD9]  }
0x89: {  	s3 =	sld [smem:$0x3FFE];
	_ =	sdelay $0x1  }
0x8a: {  	s1 =	srdreg.scid  }
0x8b: {  	s0 =	sand.u32 $0x1, s1  }
0x8c: {  	s17 =	sshll.u32 s0, $0xA;
	s2 =	sadd.s32 s3, s2  }
0x8d: {  	s2 =	sadd.s32 s2, s17  }
0x8e: {  	[smem:$0x3FC3] =	sst s2  }
0x8f: {  	_ = 	snop  }
0x90: {  	s2 =	sld [smem:$0x3FC9]  }
0x91: {  	s18 =	sld [smem:$0x3FD0];
	(tm) =	ssettm $0x1  }
0x92: {  	s4 =	sld [smem:$0x3FFB];
	_ =	sdelay $0x3  }
0x93: {  	_ =	strace s4  }
0x94: {  	s4 =	sld [smem:$0x3FFC];
	_ =	sdelay $0x3  }
0x95: {  	_ =	strace s4  }
0x96: {  	s4 =	sld [smem:$0x3FFD];
	_ =	sdelay $0x3  }
0x97: {  	_ =	strace s4  }
0x98: {  	_ =	strace $0x8FFFFFFF  }
0x99: {  	s19 =	sld [smem:$0x3FDB];
	_ =	sdelay $0x1  }
0x9a: {  	s5 =	simm.s32 $_scs_section_size  }
0x9b: {  	s6 =	simm.s32 $_size__tile_overlayer_lowered;
	s7 =	simm.s32 $_tile_overlayer_lowered  }
0x9c: {  	s22 =	simm.s32 $0x1BFF;
	s21 =	sshll.u32 s7, $0x1;
	s4 =	sadd.s32 s5, s19  }
0x9d: {  	s8 =	simm.s32 $0x0;
	s20 =	sshll.u32 s6, $0x1;
	s6 =	sadd.s32 s21, s4  }
0x9e: {  	[timem:s8], [sflag:s22] =	dma.local [hbm:s6], s20  }
0x9f: {  	_ =	swait.ge [sflag:s22], s20  }
0xa0: {  	s5 =	ssub.s32 $0x0, s20;
	[sflag:s22] =	ssyncset.done $0x0  }
0xa1: {  	[sflag:s22] =	ssyncadd.s32 s5;
	_ =	sdelay $0x1  }
0xa2: {  	s23 =	simm.s32 $0x1B8B  }
0xa3: {  	_ =	swait.ge [sflag:s23], $0x1  }
0xa4: {  	[sflag:s23] =	ssyncset.done $0x0  }
0xa5: {  	s25 =	simm.s32 $0x1B8E;
	s24 =	sld [smem:$0x3FFE];
	[sflag:s23] =	ssyncadd.s32 $0xFFFFFFFF  }
0xa6: {  	s26 =	simm.s32 $execute0_lowered;
	[smem:$0x3FD2] =	sst s25  }
0xa7: {  	s6 =	sshll.u32 s26, $0x1;
	_ =	strace $0x80000046;
	[dreg:$0x1] =	wrdreg $0xFFFFFFFF  }
0xa8: {  	s28 =	simm.s32 $_size_execute0_lowered;
	s4 =	sadd.s32 s4, s6;
	[dreg:$0x0] =	wrdreg $0x0  }
0xa9: {  	s6 =	sshll.u32 s28, $0x1;
	[dreg:$0x2] =	wrdreg s4  }
0xaa: {  	[dreg:$0x3] =	wrdreg s6  }
0xab: {  	[dreg:$0x4] =	wrdreg $0xC0  }
0xac: {  	_ =	task [dreg:s8], $0x5FFFF  }
0xad: {  	[dreg:$0x1] =	wrdreg $0xFFFFFFFF  }
0xae: {  	[dreg:$0x0] =	wrdreg $0x60  }
0xaf: {  	[dreg:$0x2] =	wrdreg s2  }
0xb0: {  	[dreg:$0x3] =	wrdreg s24  }
0xb1: {  	[dreg:$0x4] =	wrdreg s18  }
0xb2: {  	[dreg:$0x5] =	wrdreg $0x9  }
0xb3: {  	_ =	task.clear_ibuf [dreg:s8], $0x6FFFF;
	_ =	strace $0x90000046  }
0xb4: {  	s29 =	simm.s32 $0x9;
	_ =	strace $0x80000048  }
0xb5: {  	_ =	swait.ge [sflag:s29], $0x1  }
0xb6: {  	[sflag:s29] =	ssyncadd.s32 $0xFFFFFFFF  }
0xb7: {  	_ =	strace $0x90000048  }
0xb8: {  	_ =	sfence  }
0xb9: {  	s30 =	sld [smem:$0x0];
	_ =	sdelay $0x2  }
0xba: {  	s31 =	sshll.u32 s1, $0xD;
	s1 =	sshrl.u32 s1, $0x2  }
0xbb: {  	s3 =	sand.u32 $0x4000, s31;
	s1 =	sadd.s32 s1, s30  }
0xbc: {  	s0 =	sor.u32 s3, s0;
	s1 =	sshll.u32 s1, $0x11  }
0xbd: {  	s0 =	sor.u32 s1, s0  }
0xbe: {  	s0 =	sadd.s32 $0x8F2B, s0  }
0xbf: {  	[sflag:s0] =	ssyncadd.remote.s32 $0x1  }
0xc0: {  	_ =	sfence.sel $0xFFFF  }
0xc1: {  	[dreg:$0x0] =	wrdreg $0xFFFFFFFF;
	(pc) =	sbr.abs _section_cstart, $3  }
0xc2: {  	[dreg:$0x1] =	wrdreg $0xFFFFFFFF  }
0xc3: {  	_ =	task.clear_ibuf [dreg:s8], $0x2FFFF;
	_ =	strace $0x9FFFFFFF  }
0xc4: {  	(tm) =	ssettm $0x7FFFFFFF  }
0xc5: {  	_ =	shalt  }
tec
execute0_lowered:
.L_overlay_start_1:
0x0: {  	(tag) =	ssettag $0x1  }
0x1: {  	s1 =	rddreg [dreg:$0x0];
	s3 =	srdreg.scid  }
0x2: {  	s0 =	rddreg [dreg:$0x1];
	s4 =	stileid.u32;
	s7 =	sand.u32 $0x1, s3  }
0x3: {  	s4 =	sshll.u32 s4, $0x1;
	s3 =	simm.s32 $0x0;
	s5 =	sadd.s32 $0x1C00, s0  }
0x4: {  	s6 =	sadd.s32 $0x21C00, s0;
	s9 =	sor.u32 s7, s4;
	[smem:$0x7FF] =	sst s3  }
0x5: {  	s4 =	sshll.u32 s9, $0x7;
	_ =	strace $0x80000047;
	s11 =	sshll.u32 s9, $0xC  }
0x6: {  	s16 =	sshll.u32 s9, $0xF;
	s9 =	sshll.u32 s9, $0x5;
	s17 =	sadd.s32 s5, s11  }
0x7: {  	s8 =	sadd.s32 s4, s0;
	s18 =	sadd.s32 s6, s11;
	[dreg:$0x7] =	wrdreg s17  }
0x8: {  	s12 =	sor.u32 $0x4, s9;
	s10 =	sadd.s32 $0x41C00, s8;
	[dreg:$0x8] =	wrdreg s18  }
0x9: {  	s23 =	sor.u32 $0x8, s9;
	s15 =	sadd.s32 $0x42C00, s8;
	[dreg:$0x4] =	wrdreg s10  }
0xa: {  	s19 =	sshll.u32 s12, $0xA;
	[dreg:$0x5] =	wrdreg s15;
	s10 =	sadd.s32 s1, s16  }
0xb: {  	s21 =	sshll.u32 s12, $0x7;
	s20 =	sadd.s32 s1, s19;
	[dreg:$0x6] =	wrdreg s10  }
0xc: {  	s30 =	sor.u32 $0xC, s9;
	s22 =	sadd.s32 s5, s21;
	[dreg:$0x9] =	wrdreg s20  }
0xd: {  	s25 =	sshll.u32 s23, $0xA;
	s24 =	sadd.s32 s6, s21;
	[dreg:$0xa] =	wrdreg s22  }
0xe: {  	s28 =	sshll.u32 s23, $0x7;
	s26 =	sadd.s32 s1, s25;
	[dreg:$0xb] =	wrdreg s24  }
0xf: {  	s2 =	sshll.u32 s30, $0xA;
	s29 =	sadd.s32 s5, s28;
	[dreg:$0xc] =	wrdreg s26  }
0x10: {  	s13 =	sshll.u32 s30, $0x7;
	s31 =	sadd.s32 s6, s28;
	[dreg:$0xd] =	wrdreg s29  }
0x11: {  	s11 =	sadd.s32 s1, s2;
	s14 =	sadd.s32 s5, s13;
	[dreg:$0xe] =	wrdreg s31  }
0x12: {  	s15 =	sor.u32 $0x10, s9;
	s16 =	sadd.s32 s6, s13;
	[dreg:$0xf] =	wrdreg s11  }
0x13: {  	s21 =	sor.u32 $0x14, s9;
	s28 =	sor.u32 $0x18, s9;
	[dreg:$0x10] =	wrdreg s14  }
0x14: {  	s17 =	sshll.u32 s15, $0xA;
	[dreg:$0x11] =	wrdreg s16;
	s23 =	sshll.u32 s21, $0xA  }
0x15: {  	s25 =	sshll.u32 s21, $0x7;
	s30 =	sshll.u32 s28, $0xA;
	s21 =	simm.s32 $0x14180  }
0x16: {  	s2 =	sshll.u32 s28, $0x7;
	s28 =	simm.s32 $0x14300;
	[smem:$0x7F4] =	sst s21  }
0x17: {  	s19 =	sshll.u32 s15, $0x7;
	s18 =	sadd.s32 s1, s17;
	[smem:$0x7FA] =	sst s28  }
0x18: {  	s20 =	sadd.s32 s5, s19;
	[dreg:$0x12] =	wrdreg s18  }
0x19: {  	s22 =	sadd.s32 s6, s19;
	[dreg:$0x13] =	wrdreg s20  }
0x1a: {  	s24 =	sadd.s32 s1, s23;
	[dreg:$0x14] =	wrdreg s22  }
0x1b: {  	s26 =	sadd.s32 s5, s25;
	[dreg:$0x15] =	wrdreg s24  }
0x1c: {  	s29 =	sadd.s32 s6, s25;
	[dreg:$0x16] =	wrdreg s26  }
0x1d: {  	s31 =	sadd.s32 s1, s30;
	[dreg:$0x17] =	wrdreg s29  }
0x1e: {  	s9 =	sor.u32 $0x1C, s9;
	s12 =	sadd.s32 s5, s2;
	[dreg:$0x18] =	wrdreg s31  }
0x1f: {  	s14 =	sshll.u32 s9, $0xA;
	s13 =	sadd.s32 s6, s2;
	[dreg:$0x19] =	wrdreg s12  }
0x20: {  	s9 =	sshll.u32 s9, $0x7;
	s1 =	sadd.s32 s1, s14;
	[dreg:$0x1a] =	wrdreg s13  }
0x21: {  	s15 =	sadd.s32 s5, s9;
	[dreg:$0x1b] =	wrdreg s1  }
0x22: {  	s16 =	sadd.s32 s6, s9;
	[dreg:$0x1c] =	wrdreg s15  }
0x23: {  	s17 =	simm.s32 $0x14080;
	[dreg:$0x1d] =	wrdreg s16  }
0x24: {  	s19 =	simm.s32 $0x14100;
	[dreg:$0x1e] =	wrdreg s17  }
0x25: {  	s23 =	simm.s32 $0x14200;
	[smem:$0x7F2] =	sst s19  }
0x26: {  	s25 =	simm.s32 $0x14280;
	[smem:$0x7F6] =	sst s23  }
0x27: {  	s7 =	ssub.s32 $0x2, s7;
	s30 =	simm.s32 $0x14380;
	[smem:$0x7F8] =	sst s25  }
0x28: {  	s4 =	sadd.s32 $0x43C00, s0;
	s18 =	simm.s32 $0x14480;
	[smem:$0x7FC] =	sst s30  }
0x29: {  	s8 =	sshrl.u32 s7, $0x1;
	s20 =	simm.s32 $0x14500;
	[dreg:$0x1f] =	wrdreg s18  }
0x2a: {  	s8 =	ssub.s32 s7, s8;
	s22 =	simm.s32 $0x14580;
	[smem:$0x7F3] =	sst s20  }
0x2b: {  	s7 =	sadd.s32 $0x43F00, s0;
	s24 =	simm.s32 $0x14600;
	[smem:$0x7F5] =	sst s22  }
0x2c: {  	s10 =	simm.s32 $0x3;
	s26 =	simm.s32 $0x14680;
	[smem:$0x7F7] =	sst s24  }
0x2d: {  	v2 =	vlaneseq.u32;
	s5 =	sadd.s32 $0x43D00, s0;
	s29 =	simm.s32 $0x14700;
	[smem:$0x7F9] =	sst s26  }
0x2e: {  	vm0 =	vmmov $0xffff;
	v1 =	vshrl.u32 v2, $0x3;
	s6 =	sadd.s32 $0x43E00, s0;
	s31 =	simm.s32 $0x14780;
	[smem:$0x7FB] =	sst s29  }
0x2f: {  	v0 =	vand.u32 $0x7, v2;
	v2 =	vor.u32 $0x8, v2;
	v1 =	vmul.u32 $0x8, v1;
	s1 =	smax.u32 s8, $0x1;
	s12 =	simm.s32 $0x4;
	[smem:$0x7FD] =	sst s31  }
.LBB2_1:
0x30: {  	[smem:$0x7F1] =	sst s1  }
0x31: {  	s31 =	rddreg [dreg:$0x4];
	s0 =	simm.s32 $0x14000;
	s8 =	simm.s32 $0x5  }
0x32: {  	[tilespmem:s0], [sflag:$0x5] =	stream.linear.gather [hbm4b:s31+s3], $0x400, $0x38;
	[tilespmem:$0x14800] =	vst v63  }
0x33: {  	_ =	swait.ge [sflag:s8], $0x400  }
0x34: {  	[sflag:s8] =	ssyncset.done $0x0  }
0x35: {  	s13 =	simm.s32 $0x14400;
	s9 =	rddreg [dreg:$0x5];
	[sflag:s8] =	ssyncadd.s32 $0xFFFFFC00  }
0x36: {  	[tilespmem:s13], [sflag:$0x5] =	stream.linear.gather [hbm4b:s9+s3], $0x400, $0x38;
	[tilespmem:$0x14800] =	vst v63  }
0x37: {  	_ =	swait.ge [sflag:s8], $0x400  }
0x38: {  	[sflag:s8] =	ssyncset.done $0x0  }
0x39: {  	s11 =	rddreg [dreg:$0x6];
	[sflag:s8] =	ssyncadd.s32 $0xFFFFFC00  }
0x3a: {  	[tilespmem:s3], [sflag:$0x1] =	stream.linear.gather [hbm4b:s11+s3], $0x8000, $0x38;
	[tilespmem:$0x14800] =	vst v63  }
0x3b: {  	s14 =	rddreg [dreg:$0x7];
	s8 =	simm.s32 $0x10000  }
0x3c: {  	[tilespmem:s8], [sflag:$0x1] =	stream.linear.gather [hbm4b:s14+s3], $0x1000, $0x38;
	[tilespmem:$0x14800] =	vst v63  }
0x3d: {  	s17 =	simm.s32 $0x12000;
	s30 =	simm.s32 $0x1;
	s15 =	rddreg [dreg:$0x8]  }
0x3e: {  	[tilespmem:s17], [sflag:$0x1] =	stream.linear.gather [hbm4b:s15+s3], $0x1000, $0x38;
	[tilespmem:$0x14800] =	vst v63  }
0x3f: {  	_ =	swait.ge [sflag:s30], $0x8000  }
0x40: {  	[sflag:s30] =	ssyncset.done $0x0  }
0x41: {  	[sflag:s30] =	ssyncadd.s32 $0xFFFF8000  }
0x42: {  	_ =	swait.ge [sflag:s30], $0x1000  }
0x43: {  	[sflag:s30] =	ssyncset.done $0x0  }
0x44: {  	[sflag:s30] =	ssyncadd.s32 $0xFFFFF000  }
0x45: {  	_ =	swait.ge [sflag:s30], $0x1000  }
0x46: {  	[sflag:s30] =	ssyncset.done $0x0  }
0x47: {  	s2 =	simm.s32 $0x8000;
	s18 =	rddreg [dreg:$0x9];
	[sflag:s30] =	ssyncadd.s32 $0xFFFFF000  }
0x48: {  	[tilespmem:s2], [sflag:$0x2] =	stream.linear.gather [hbm4b:s18+s3], $0x8000, $0x38;
	[tilespmem:$0x14800] =	vst v63  }
0x49: {  	s15 =	simm.s32 $0x11000;
	s19 =	rddreg [dreg:$0xa]  }
0x4a: {  	[tilespmem:s15], [sflag:$0x2] =	stream.linear.gather [hbm4b:s19+s3], $0x1000, $0x38;
	[tilespmem:$0x14800] =	vst v63  }
0x4b: {  	s21 =	simm.s32 $0x13000;
	s20 =	rddreg [dreg:$0xb]  }
0x4c: {  	[tilespmem:s21], [sflag:$0x2] =	stream.linear.gather [hbm4b:s20+s3], $0x1000, $0x38;
	[tilespmem:$0x14800] =	vst v63  }
0x4d: {  	v3 =	vld [tilespmem:$0x14000];
	_ =	sdelay $0x4  }
0x4e: {  	v4 =	vshll.u32 v3, $0x3  }
0x4f: {  	v3 =	vand.u32 $0x7, v3;
	v4 =	vand.u32 $0xFFFFFFC0, v4  }
0x50: {  	v3 =	vor.u32 v3, v4  }
0x51: {  	v4 =	vperm.xlane v3, v0;
	_ =	sdelay $0x1  }
0x52: {  	v4 =	vadd.s32 v1, v4;
	_ =	sdelay $0x4  }
0x53: {  	[hbm4b:s4+s3] =	stream.indirect_vreg.scatter [tilespmem:s3], [sflag:$0x3], $0x80, v4, vm0, $0xb8;
	[tilespmem:$0x14800] =	vst v63  }
0x54: {  	s22 =	simm.s32 $0x800;
	v3 =	vperm.xlane v3, v2  }
0x55: {  	[hbm4b:s5+s3] =	stream.indirect_vreg.scatter [tilespmem:s22], [sflag:$0x3], $0x80, v4, vm0, $0xb8;
	[tilespmem:$0x14800] =	vst v63  }
0x56: {  	s23 =	simm.s32 $0x1000;
	v3 =	vadd.s32 v1, v3  }
0x57: {  	[hbm4b:s6+s3] =	stream.indirect_vreg.scatter [tilespmem:s23], [sflag:$0x3], $0x80, v4, vm0, $0xb8;
	[tilespmem:$0x14800] =	vst v63  }
0x58: {  	s25 =	simm.s32 $0x1800  }
0x59: {  	[hbm4b:s7+s3] =	stream.indirect_vreg.scatter [tilespmem:s25], [sflag:$0x3], $0x80, v4, vm0, $0xb8;
	[tilespmem:$0x14800] =	vst v63  }
0x5a: {  	s26 =	simm.s32 $0x2000  }
0x5b: {  	[hbm4b:s4+s3] =	stream.indirect_vreg.scatter [tilespmem:s26], [sflag:$0x3], $0x80, v3, vm0, $0xb8;
	[tilespmem:$0x14800] =	vst v63  }
0x5c: {  	s29 =	simm.s32 $0x2800  }
0x5d: {  	[hbm4b:s5+s3] =	stream.indirect_vreg.scatter [tilespmem:s29], [sflag:$0x3], $0x80, v3, vm0, $0xb8;
	[tilespmem:$0x14800] =	vst v63  }
0x5e: {  	s31 =	simm.s32 $0x3000  }
0x5f: {  	[hbm4b:s6+s3] =	stream.indirect_vreg.scatter [tilespmem:s31], [sflag:$0x3], $0x80, v3, vm0, $0xb8;
	[tilespmem:$0x14800] =	vst v63  }
0x60: {  	s11 =	simm.s32 $0x3800  }
0x61: {  	[hbm4b:s7+s3] =	stream.indirect_vreg.scatter [tilespmem:s11], [sflag:$0x3], $0x80, v3, vm0, $0xb8;
	[tilespmem:$0x14800] =	vst v63  }
0x62: {  	v3 =	vld [tilespmem:$0x14010];
	_ =	sdelay $0x4  }
0x63: {  	v33 =	vshll.u32 v3, $0x3  }
0x64: {  	v3 =	vand.u32 $0x7, v3;
	v4 =	vand.u32 $0xFFFFFFC0, v33  }
0x65: {  	v3 =	vor.u32 v3, v4  }
0x66: {  	v4 =	vperm.xlane v3, v0;
	_ =	sdelay $0x1  }
0x67: {  	v4 =	vadd.s32 v1, v4;
	_ =	sdelay $0x3  }
0x68: {  	s14 =	simm.s32 $0x4000  }
0x69: {  	[hbm4b:s4+s3] =	stream.indirect_vreg.scatter [tilespmem:s14], [sflag:$0x3], $0x80, v4, vm0, $0xb8;
	[tilespmem:$0x14800] =	vst v63  }
0x6a: {  	s18 =	simm.s32 $0x4800;
	v3 =	vperm.xlane v3, v2  }
0x6b: {  	[hbm4b:s5+s3] =	stream.indirect_vreg.scatter [tilespmem:s18], [sflag:$0x3], $0x80, v4, vm0, $0xb8;
	[tilespmem:$0x14800] =	vst v63  }
0x6c: {  	s19 =	simm.s32 $0x5000;
	v3 =	vadd.s32 v1, v3  }
0x6d: {  	[hbm4b:s6+s3] =	stream.indirect_vreg.scatter [tilespmem:s19], [sflag:$0x3], $0x80, v4, vm0, $0xb8;
	[tilespmem:$0x14800] =	vst v63  }
0x6e: {  	s20 =	simm.s32 $0x5800  }
0x6f: {  	[hbm4b:s7+s3] =	stream.indirect_vreg.scatter [tilespmem:s20], [sflag:$0x3], $0x80, v4, vm0, $0xb8;
	[tilespmem:$0x14800] =	vst v63  }
0x70: {  	s21 =	simm.s32 $0x6000  }
0x71: {  	[hbm4b:s4+s3] =	stream.indirect_vreg.scatter [tilespmem:s21], [sflag:$0x3], $0x80, v3, vm0, $0xb8;
	[tilespmem:$0x14800] =	vst v63  }
0x72: {  	s22 =	simm.s32 $0x6800  }
0x73: {  	[hbm4b:s5+s3] =	stream.indirect_vreg.scatter [tilespmem:s22], [sflag:$0x3], $0x80, v3, vm0, $0xb8;
	[tilespmem:$0x14800] =	vst v63  }
0x74: {  	s26 =	simm.s32 $0x7000  }
0x75: {  	[hbm4b:s6+s3] =	stream.indirect_vreg.scatter [tilespmem:s26], [sflag:$0x3], $0x80, v3, vm0, $0xb8;
	[tilespmem:$0x14800] =	vst v63  }
0x76: {  	s31 =	simm.s32 $0x7800  }
0x77: {  	[hbm4b:s7+s3] =	stream.indirect_vreg.scatter [tilespmem:s31], [sflag:$0x3], $0x80, v3, vm0, $0xb8;
	[tilespmem:$0x14800] =	vst v63  }
0x78: {  	v3 =	vld [tilespmem:$0x14400];
	_ =	sdelay $0x4  }
0x79: {  	v34 =	vshll.u32 v3, $0x3  }
0x7a: {  	v3 =	vand.u32 $0x7, v3;
	v4 =	vand.u32 $0xFFFFFFC0, v34  }
0x7b: {  	v3 =	vor.u32 v3, v4  }
0x7c: {  	v4 =	vperm.xlane v3, v0;
	_ =	sdelay $0x1  }
0x7d: {  	v4 =	vadd.s32 v1, v4;
	_ =	sdelay $0x4  }
0x7e: {  	[hbm4b:s4+s3] =	stream.indirect_vreg.scatter [tilespmem:s3], [sflag:$0x3], $0x80, v4, vm0, $0xb8;
	[tilespmem:$0x14800] =	vst v63  }
0x7f: {  	s28 =	simm.s32 $0x800;
	v3 =	vperm.xlane v3, v2  }
0x80: {  	[hbm4b:s5+s3] =	stream.indirect_vreg.scatter [tilespmem:s28], [sflag:$0x3], $0x80, v4, vm0, $0xb8;
	[tilespmem:$0x14800] =	vst v63  }
0x81: {  	s2 =	simm.s32 $0x1000;
	v3 =	vadd.s32 v1, v3  }
0x82: {  	[hbm4b:s6+s3] =	stream.indirect_vreg.scatter [tilespmem:s2], [sflag:$0x3], $0x80, v4, vm0, $0xb8;
	[tilespmem:$0x14800] =	vst v63  }
0x83: {  	s8 =	simm.s32 $0x1800  }
0x84: {  	[hbm4b:s7+s3] =	stream.indirect_vreg.scatter [tilespmem:s8], [sflag:$0x3], $0x80, v4, vm0, $0xb8;
	[tilespmem:$0x14800] =	vst v63  }
0x85: {  	s9 =	simm.s32 $0x2000  }
0x86: {  	[hbm4b:s4+s3] =	stream.indirect_vreg.scatter [tilespmem:s9], [sflag:$0x3], $0x80, v3, vm0, $0xb8;
	[tilespmem:$0x14800] =	vst v63  }
0x87: {  	s15 =	simm.s32 $0x2800  }
0x88: {  	[hbm4b:s5+s3] =	stream.indirect_vreg.scatter [tilespmem:s15], [sflag:$0x3], $0x80, v3, vm0, $0xb8;
	[tilespmem:$0x14800] =	vst v63  }
0x89: {  	s17 =	simm.s32 $0x3000  }
0x8a: {  	[hbm4b:s6+s3] =	stream.indirect_vreg.scatter [tilespmem:s17], [sflag:$0x3], $0x80, v3, vm0, $0xb8;
	[tilespmem:$0x14800] =	vst v63  }
0x8b: {  	s29 =	simm.s32 $0x3800  }
0x8c: {  	[hbm4b:s7+s3] =	stream.indirect_vreg.scatter [tilespmem:s29], [sflag:$0x3], $0x80, v3, vm0, $0xb8;
	[tilespmem:$0x14800] =	vst v63  }
0x8d: {  	v3 =	vld [tilespmem:$0x14410];
	_ =	sdelay $0x4  }
0x8e: {  	v35 =	vshll.u32 v3, $0x3  }
0x8f: {  	v3 =	vand.u32 $0x7, v3;
	v4 =	vand.u32 $0xFFFFFFC0, v35  }
0x90: {  	v3 =	vor.u32 v3, v4  }
0x91: {  	v4 =	vperm.xlane v3, v0;
	_ =	sdelay $0x1  }
0x92: {  	v4 =	vadd.s32 v1, v4;
	_ =	sdelay $0x3  }
0x93: {  	s23 =	simm.s32 $0x4000  }
0x94: {  	[hbm4b:s4+s3] =	stream.indirect_vreg.scatter [tilespmem:s23], [sflag:$0x3], $0x80, v4, vm0, $0xb8;
	[tilespmem:$0x14800] =	vst v63  }
0x95: {  	s25 =	simm.s32 $0x4800;
	v3 =	vperm.xlane v3, v2  }
0x96: {  	[hbm4b:s5+s3] =	stream.indirect_vreg.scatter [tilespmem:s25], [sflag:$0x3], $0x80, v4, vm0, $0xb8;
	[tilespmem:$0x14800] =	vst v63  }
0x97: {  	s18 =	simm.s32 $0x5000;
	v3 =	vadd.s32 v1, v3  }
0x98: {  	[hbm4b:s6+s3] =	stream.indirect_vreg.scatter [tilespmem:s18], [sflag:$0x3], $0x80, v4, vm0, $0xb8;
	[tilespmem:$0x14800] =	vst v63  }
0x99: {  	s19 =	simm.s32 $0x5800  }
0x9a: {  	[hbm4b:s7+s3] =	stream.indirect_vreg.scatter [tilespmem:s19], [sflag:$0x3], $0x80, v4, vm0, $0xb8;
	[tilespmem:$0x14800] =	vst v63  }
0x9b: {  	s20 =	simm.s32 $0x6000  }
0x9c: {  	[hbm4b:s4+s3] =	stream.indirect_vreg.scatter [tilespmem:s20], [sflag:$0x3], $0x80, v3, vm0, $0xb8;
	[tilespmem:$0x14800] =	vst v63  }
0x9d: {  	s21 =	simm.s32 $0x6800  }
0x9e: {  	[hbm4b:s5+s3] =	stream.indirect_vreg.scatter [tilespmem:s21], [sflag:$0x3], $0x80, v3, vm0, $0xb8;
	[tilespmem:$0x14800] =	vst v63  }
0x9f: {  	s26 =	simm.s32 $0x7000  }
0xa0: {  	[hbm4b:s6+s3] =	stream.indirect_vreg.scatter [tilespmem:s26], [sflag:$0x3], $0x80, v3, vm0, $0xb8;
	[tilespmem:$0x14800] =	vst v63  }
0xa1: {  	s11 =	simm.s32 $0x7800  }
0xa2: {  	[hbm4b:s7+s3] =	stream.indirect_vreg.scatter [tilespmem:s11], [sflag:$0x3], $0x80, v3, vm0, $0xb8;
	[tilespmem:$0x14800] =	vst v63  }
0xa3: {  	s16 =	simm.s32 $0x10000;
	s14 =	simm.s32 $0x20;
	s22 =	rddreg [dreg:$0x2]  }
0xa4: {  	[hbm4b:s22+s14] =	stream.indirect.scatter [tilespmem:s16], [sflag:$0x4], $0x80, s0, s14, $0xb8;
	[tilespmem:$0x14800] =	vst v63  }
0xa5: {  	s8 =	simm.s32 $0x2;
	s15 =	simm.s32 $0x12000  }
0xa6: {  	[hbm4b:s22+s14] =	stream.indirect.scatter [tilespmem:s15], [sflag:$0x4], $0x80, s13, s14, $0xb8;
	[tilespmem:$0x14800] =	vst v63  }
0xa7: {  	_ =	swait.ge [sflag:s8], $0x8000  }
0xa8: {  	[sflag:s8] =	ssyncset.done $0x0  }
0xa9: {  	[sflag:s8] =	ssyncadd.s32 $0xFFFF8000  }
0xaa: {  	_ =	swait.ge [sflag:s8], $0x1000  }
0xab: {  	[sflag:s8] =	ssyncset.done $0x0  }
0xac: {  	[sflag:s8] =	ssyncadd.s32 $0xFFFFF000  }
0xad: {  	_ =	swait.ge [sflag:s8], $0x1000  }
0xae: {  	[sflag:s8] =	ssyncset.done $0x0  }
0xaf: {  	[sflag:s8] =	ssyncadd.s32 $0xFFFFF000  }
0xb0: {  	_ =	swait.ge [sflag:s10], $0x8000  }
0xb1: {  	[sflag:s10] =	ssyncset.done $0x0  }
0xb2: {  	[sflag:s10] =	ssyncadd.s32 $0xFFFF8000  }
0xb3: {  	_ =	swait.ge [sflag:s10], $0x8000  }
0xb4: {  	[sflag:s10] =	ssyncset.done $0x0  }
0xb5: {  	[sflag:s10] =	ssyncadd.s32 $0xFFFF8000  }
0xb6: {  	_ =	swait.ge [sflag:s12], $0x1000  }
0xb7: {  	[sflag:s12] =	ssyncset.done $0x0  }
0xb8: {  	[sflag:s12] =	ssyncadd.s32 $0xFFFFF000  }
0xb9: {  	_ =	swait.ge [sflag:s12], $0x1000  }
0xba: {  	[sflag:s12] =	ssyncset.done $0x0  }
0xbb: {  	s17 =	rddreg [dreg:$0xc];
	[sflag:s12] =	ssyncadd.s32 $0xFFFFF000  }
0xbc: {  	[tilespmem:s3], [sflag:$0x1] =	stream.linear.gather [hbm4b:s17+s3], $0x8000, $0x38;
	[tilespmem:$0x14800] =	vst v63  }
0xbd: {  	s18 =	rddreg [dreg:$0xd]  }
0xbe: {  	[tilespmem:s16], [sflag:$0x1] =	stream.linear.gather [hbm4b:s18+s3], $0x1000, $0x38;
	[tilespmem:$0x14800] =	vst v63  }
0xbf: {  	s19 =	rddreg [dreg:$0xe]  }
0xc0: {  	[tilespmem:s15], [sflag:$0x1] =	stream.linear.gather [hbm4b:s19+s3], $0x1000, $0x38;
	[tilespmem:$0x14800] =	vst v63  }
0xc1: {  	v3 =	vld [tilespmem:$0x14080];
	_ =	sdelay $0x4  }
0xc2: {  	v36 =	vshll.u32 v3, $0x3  }
0xc3: {  	v3 =	vand.u32 $0x7, v3;
	v4 =	vand.u32 $0xFFFFFFC0, v36  }
0xc4: {  	v3 =	vor.u32 v3, v4  }
0xc5: {  	v4 =	vperm.xlane v3, v0;
	_ =	sdelay $0x1  }
0xc6: {  	v4 =	vadd.s32 v1, v4;
	_ =	sdelay $0x3  }
0xc7: {  	s24 =	simm.s32 $0x8000  }
0xc8: {  	[hbm4b:s4+s3] =	stream.indirect_vreg.scatter [tilespmem:s24], [sflag:$0x3], $0x80, v4, vm0, $0xb8;
	[tilespmem:$0x14800] =	vst v63  }
0xc9: {  	s20 =	simm.s32 $0x8800;
	v3 =	vperm.xlane v3, v2  }
0xca: {  	[hbm4b:s5+s3] =	stream.indirect_vreg.scatter [tilespmem:s20], [sflag:$0x3], $0x80, v4, vm0, $0xb8;
	[tilespmem:$0x14800] =	vst v63  }
0xcb: {  	s21 =	simm.s32 $0x9000;
	v3 =	vadd.s32 v1, v3  }
0xcc: {  	[hbm4b:s6+s3] =	stream.indirect_vreg.scatter [tilespmem:s21], [sflag:$0x3], $0x80, v4, vm0, $0xb8;
	[tilespmem:$0x14800] =	vst v63  }
0xcd: {  	s31 =	simm.s32 $0x9800  }
0xce: {  	[hbm4b:s7+s3] =	stream.indirect_vreg.scatter [tilespmem:s31], [sflag:$0x3], $0x80, v4, vm0, $0xb8;
	[tilespmem:$0x14800] =	vst v63  }
0xcf: {  	s2 =	simm.s32 $0xA000  }
0xd0: {  	[hbm4b:s4+s3] =	stream.indirect_vreg.scatter [tilespmem:s2], [sflag:$0x3], $0x80, v3, vm0, $0xb8;
	[tilespmem:$0x14800] =	vst v63  }
0xd1: {  	s9 =	simm.s32 $0xA800  }
0xd2: {  	[hbm4b:s5+s3] =	stream.indirect_vreg.scatter [tilespmem:s9], [sflag:$0x3], $0x80, v3, vm0, $0xb8;
	[tilespmem:$0x14800] =	vst v63  }
0xd3: {  	s11 =	simm.s32 $0xB000  }
0xd4: {  	[hbm4b:s6+s3] =	stream.indirect_vreg.scatter [tilespmem:s11], [sflag:$0x3], $0x80, v3, vm0, $0xb8;
	[tilespmem:$0x14800] =	vst v63  }
0xd5: {  	s13 =	simm.s32 $0xB800  }
0xd6: {  	[hbm4b:s7+s3] =	stream.indirect_vreg.scatter [tilespmem:s13], [sflag:$0x3], $0x80, v3, vm0, $0xb8;
	[tilespmem:$0x14800] =	vst v63  }
0xd7: {  	v3 =	vld [tilespmem:$0x14090];
	_ =	sdelay $0x4  }
0xd8: {  	v37 =	vshll.u32 v3, $0x3  }
0xd9: {  	v3 =	vand.u32 $0x7, v3;
	v4 =	vand.u32 $0xFFFFFFC0, v37  }
0xda: {  	v3 =	vor.u32 v3, v4  }
0xdb: {  	v4 =	vperm.xlane v3, v0;
	_ =	sdelay $0x1  }
0xdc: {  	v4 =	vadd.s32 v1, v4;
	_ =	sdelay $0x3  }
0xdd: {  	s14 =	simm.s32 $0xC000  }
0xde: {  	[hbm4b:s4+s3] =	stream.indirect_vreg.scatter [tilespmem:s14], [sflag:$0x3], $0x80, v4, vm0, $0xb8;
	[tilespmem:$0x14800] =	vst v63  }
0xdf: {  	s18 =	simm.s32 $0xC800;
	v3 =	vperm.xlane v3, v2  }
0xe0: {  	[hbm4b:s5+s3] =	stream.indirect_vreg.scatter [tilespmem:s18], [sflag:$0x3], $0x80, v4, vm0, $0xb8;
	[tilespmem:$0x14800] =	vst v63  }
0xe1: {  	s20 =	simm.s32 $0xD000;
	v3 =	vadd.s32 v1, v3  }
0xe2: {  	[hbm4b:s6+s3] =	stream.indirect_vreg.scatter [tilespmem:s20], [sflag:$0x3], $0x80, v4, vm0, $0xb8;
	[tilespmem:$0x14800] =	vst v63  }
0xe3: {  	s21 =	simm.s32 $0xD800  }
0xe4: {  	[hbm4b:s7+s3] =	stream.indirect_vreg.scatter [tilespmem:s21], [sflag:$0x3], $0x80, v4, vm0, $0xb8;
	[tilespmem:$0x14800] =	vst v63  }
0xe5: {  	s13 =	simm.s32 $0xE000  }
0xe6: {  	[hbm4b:s4+s3] =	stream.indirect_vreg.scatter [tilespmem:s13], [sflag:$0x3], $0x80, v3, vm0, $0xb8;
	[tilespmem:$0x14800] =	vst v63  }
0xe7: {  	s20 =	simm.s32 $0xE800  }
0xe8: {  	[hbm4b:s5+s3] =	stream.indirect_vreg.scatter [tilespmem:s20], [sflag:$0x3], $0x80, v3, vm0, $0xb8;
	[tilespmem:$0x14800] =	vst v63  }
0xe9: {  	s13 =	simm.s32 $0xF000  }
0xea: {  	[hbm4b:s6+s3] =	stream.indirect_vreg.scatter [tilespmem:s13], [sflag:$0x3], $0x80, v3, vm0, $0xb8;
	[tilespmem:$0x14800] =	vst v63  }
0xeb: {  	s0 =	simm.s32 $0xF800  }
0xec: {  	[hbm4b:s7+s3] =	stream.indirect_vreg.scatter [tilespmem:s0], [sflag:$0x3], $0x80, v3, vm0, $0xb8;
	[tilespmem:$0x14800] =	vst v63  }
0xed: {  	v3 =	vld [tilespmem:$0x14480];
	_ =	sdelay $0x4  }
0xee: {  	v38 =	vshll.u32 v3, $0x3  }
0xef: {  	v3 =	vand.u32 $0x7, v3;
	v4 =	vand.u32 $0xFFFFFFC0, v38  }
0xf0: {  	v3 =	vor.u32 v3, v4  }
0xf1: {  	v4 =	vperm.xlane v3, v0;
	_ =	sdelay $0x1  }
0xf2: {  	v4 =	vadd.s32 v1, v4;
	_ =	sdelay $0x4  }
0xf3: {  	[hbm4b:s4+s3] =	stream.indirect_vreg.scatter [tilespmem:s24], [sflag:$0x3], $0x80, v4, vm0, $0xb8;
	[tilespmem:$0x14800] =	vst v63  }
0xf4: {  	s1 =	simm.s32 $0x8800;
	v3 =	vperm.xlane v3, v2  }
0xf5: {  	[hbm4b:s5+s3] =	stream.indirect_vreg.scatter [tilespmem:s1], [sflag:$0x3], $0x80, v4, vm0, $0xb8;
	[tilespmem:$0x14800] =	vst v63  }
0xf6: {  	s15 =	simm.s32 $0x9000;
	v3 =	vadd.s32 v1, v3  }
0xf7: {  	[hbm4b:s6+s3] =	stream.indirect_vreg.scatter [tilespmem:s15], [sflag:$0x3], $0x80, v4, vm0, $0xb8;
	[tilespmem:$0x14800] =	vst v63  }
0xf8: {  	s17 =	simm.s32 $0x9800  }
0xf9: {  	[hbm4b:s7+s3] =	stream.indirect_vreg.scatter [tilespmem:s17], [sflag:$0x3], $0x80, v4, vm0, $0xb8;
	[tilespmem:$0x14800] =	vst v63  }
0xfa: {  	s16 =	simm.s32 $0xA000  }
0xfb: {  	[hbm4b:s4+s3] =	stream.indirect_vreg.scatter [tilespmem:s16], [sflag:$0x3], $0x80, v3, vm0, $0xb8;
	[tilespmem:$0x14800] =	vst v63  }
0xfc: {  	s19 =	simm.s32 $0xA800  }
0xfd: {  	[hbm4b:s5+s3] =	stream.indirect_vreg.scatter [tilespmem:s19], [sflag:$0x3], $0x80, v3, vm0, $0xb8;
	[tilespmem:$0x14800] =	vst v63  }
0xfe: {  	s31 =	simm.s32 $0xB000  }
0xff: {  	[hbm4b:s6+s3] =	stream.indirect_vreg.scatter [tilespmem:s31], [sflag:$0x3], $0x80, v3, vm0, $0xb8;
	[tilespmem:$0x14800] =	vst v63  }
0x100: {  	s2 =	simm.s32 $0xB800  }
0x101: {  	[hbm4b:s7+s3] =	stream.indirect_vreg.scatter [tilespmem:s2], [sflag:$0x3], $0x80, v3, vm0, $0xb8;
	[tilespmem:$0x14800] =	vst v63  }
0x102: {  	v3 =	vld [tilespmem:$0x14490];
	_ =	sdelay $0x4  }
0x103: {  	v39 =	vshll.u32 v3, $0x3  }
0x104: {  	v3 =	vand.u32 $0x7, v3;
	v4 =	vand.u32 $0xFFFFFFC0, v39  }
0x105: {  	v3 =	vor.u32 v3, v4  }
0x106: {  	v4 =	vperm.xlane v3, v0;
	_ =	sdelay $0x1  }
0x107: {  	v4 =	vadd.s32 v1, v4;
	_ =	sdelay $0x3  }
0x108: {  	s11 =	simm.s32 $0xC000  }
0x109: {  	[hbm4b:s4+s3] =	stream.indirect_vreg.scatter [tilespmem:s11], [sflag:$0x3], $0x80, v4, vm0, $0xb8;
	[tilespmem:$0x14800] =	vst v63  }
0x10a: {  	s9 =	simm.s32 $0xC800;
	v3 =	vperm.xlane v3, v2  }
0x10b: {  	[hbm4b:s5+s3] =	stream.indirect_vreg.scatter [tilespmem:s9], [sflag:$0x3], $0x80, v4, vm0, $0xb8;
	[tilespmem:$0x14800] =	vst v63  }
0x10c: {  	s18 =	simm.s32 $0xD000;
	v3 =	vadd.s32 v1, v3  }
0x10d: {  	[hbm4b:s6+s3] =	stream.indirect_vreg.scatter [tilespmem:s18], [sflag:$0x3], $0x80, v4, vm0, $0xb8;
	[tilespmem:$0x14800] =	vst v63  }
0x10e: {  	s14 =	simm.s32 $0xD800  }
0x10f: {  	[hbm4b:s7+s3] =	stream.indirect_vreg.scatter [tilespmem:s14], [sflag:$0x3], $0x80, v4, vm0, $0xb8;
	[tilespmem:$0x14800] =	vst v63  }
0x110: {  	s21 =	simm.s32 $0xE000  }
0x111: {  	[hbm4b:s4+s3] =	stream.indirect_vreg.scatter [tilespmem:s21], [sflag:$0x3], $0x80, v3, vm0, $0xb8;
	[tilespmem:$0x14800] =	vst v63  }
0x112: {  	s20 =	simm.s32 $0xE800  }
0x113: {  	[hbm4b:s5+s3] =	stream.indirect_vreg.scatter [tilespmem:s20], [sflag:$0x3], $0x80, v3, vm0, $0xb8;
	[tilespmem:$0x14800] =	vst v63  }
0x114: {  	s13 =	simm.s32 $0xF000  }
0x115: {  	[hbm4b:s6+s3] =	stream.indirect_vreg.scatter [tilespmem:s13], [sflag:$0x3], $0x80, v3, vm0, $0xb8;
	[tilespmem:$0x14800] =	vst v63  }
0x116: {  	s0 =	simm.s32 $0xF800  }
0x117: {  	[hbm4b:s7+s3] =	stream.indirect_vreg.scatter [tilespmem:s0], [sflag:$0x3], $0x80, v3, vm0, $0xb8;
	[tilespmem:$0x14800] =	vst v63  }
0x118: {  	s17 =	rddreg [dreg:$0x1e];
	s19 =	simm.s32 $0x11000;
	s20 =	simm.s32 $0x20  }
0x119: {  	[hbm4b:s22+s20] =	stream.indirect.scatter [tilespmem:s19], [sflag:$0x4], $0x80, s17, s20, $0xb8;
	[tilespmem:$0x14800] =	vst v63  }
0x11a: {  	s18 =	rddreg [dreg:$0x1f];
	s21 =	simm.s32 $0x13000  }
0x11b: {  	[hbm4b:s22+s20] =	stream.indirect.scatter [tilespmem:s21], [sflag:$0x4], $0x80, s18, s20, $0xb8;
	[tilespmem:$0x14800] =	vst v63  }
0x11c: {  	_ =	swait.ge [sflag:s30], $0x8000  }
0x11d: {  	[sflag:s30] =	ssyncset.done $0x0  }
0x11e: {  	[sflag:s30] =	ssyncadd.s32 $0xFFFF8000  }
0x11f: {  	_ =	swait.ge [sflag:s30], $0x1000  }
0x120: {  	[sflag:s30] =	ssyncset.done $0x0  }
0x121: {  	[sflag:s30] =	ssyncadd.s32 $0xFFFFF000  }
0x122: {  	_ =	swait.ge [sflag:s30], $0x1000  }
0x123: {  	[sflag:s30] =	ssyncset.done $0x0  }
0x124: {  	[sflag:s30] =	ssyncadd.s32 $0xFFFFF000  }
0x125: {  	_ =	swait.ge [sflag:s10], $0x8000  }
0x126: {  	[sflag:s10] =	ssyncset.done $0x0  }
0x127: {  	[sflag:s10] =	ssyncadd.s32 $0xFFFF8000  }
0x128: {  	_ =	swait.ge [sflag:s10], $0x8000  }
0x129: {  	[sflag:s10] =	ssyncset.done $0x0  }
0x12a: {  	[sflag:s10] =	ssyncadd.s32 $0xFFFF8000  }
0x12b: {  	_ =	swait.ge [sflag:s12], $0x1000  }
0x12c: {  	[sflag:s12] =	ssyncset.done $0x0  }
0x12d: {  	[sflag:s12] =	ssyncadd.s32 $0xFFFFF000  }
0x12e: {  	_ =	swait.ge [sflag:s12], $0x1000  }
0x12f: {  	[sflag:s12] =	ssyncset.done $0x0  }
0x130: {  	s2 =	rddreg [dreg:$0xf];
	[sflag:s12] =	ssyncadd.s32 $0xFFFFF000  }
0x131: {  	[tilespmem:s24], [sflag:$0x2] =	stream.linear.gather [hbm4b:s2+s3], $0x8000, $0x38;
	[tilespmem:$0x14800] =	vst v63  }
0x132: {  	s9 =	rddreg [dreg:$0x10]  }
0x133: {  	[tilespmem:s19], [sflag:$0x2] =	stream.linear.gather [hbm4b:s9+s3], $0x1000, $0x38;
	[tilespmem:$0x14800] =	vst v63  }
0x134: {  	s11 =	rddreg [dreg:$0x11]  }
0x135: {  	[tilespmem:s21], [sflag:$0x2] =	stream.linear.gather [hbm4b:s11+s3], $0x1000, $0x38;
	[tilespmem:$0x14800] =	vst v63  }
0x136: {  	v3 =	vld [tilespmem:$0x14100];
	_ =	sdelay $0x4  }
0x137: {  	v40 =	vshll.u32 v3, $0x3  }
0x138: {  	v3 =	vand.u32 $0x7, v3;
	v4 =	vand.u32 $0xFFFFFFC0, v40  }
0x139: {  	v3 =	vor.u32 v3, v4  }
0x13a: {  	v4 =	vperm.xlane v3, v0;
	_ =	sdelay $0x1  }
0x13b: {  	v4 =	vadd.s32 v1, v4;
	_ =	sdelay $0x4  }
0x13c: {  	[hbm4b:s4+s3] =	stream.indirect_vreg.scatter [tilespmem:s3], [sflag:$0x3], $0x80, v4, vm0, $0xb8;
	[tilespmem:$0x14800] =	vst v63  }
0x13d: {  	v3 =	vperm.xlane v3, v2  }
0x13e: {  	[hbm4b:s5+s3] =	stream.indirect_vreg.scatter [tilespmem:s28], [sflag:$0x3], $0x80, v4, vm0, $0xb8;
	[tilespmem:$0x14800] =	vst v63  }
0x13f: {  	s13 =	simm.s32 $0x1000;
	v3 =	vadd.s32 v1, v3  }
0x140: {  	[hbm4b:s6+s3] =	stream.indirect_vreg.scatter [tilespmem:s13], [sflag:$0x3], $0x80, v4, vm0, $0xb8;
	[tilespmem:$0x14800] =	vst v63  }
0x141: {  	s14 =	simm.s32 $0x1800  }
0x142: {  	[hbm4b:s7+s3] =	stream.indirect_vreg.scatter [tilespmem:s14], [sflag:$0x3], $0x80, v4, vm0, $0xb8;
	[tilespmem:$0x14800] =	vst v63  }
0x143: {  	s15 =	simm.s32 $0x2000  }
0x144: {  	[hbm4b:s4+s3] =	stream.indirect_vreg.scatter [tilespmem:s15], [sflag:$0x3], $0x80, v3, vm0, $0xb8;
	[tilespmem:$0x14800] =	vst v63  }
0x145: {  	s16 =	simm.s32 $0x2800  }
0x146: {  	[hbm4b:s5+s3] =	stream.indirect_vreg.scatter [tilespmem:s16], [sflag:$0x3], $0x80, v3, vm0, $0xb8;
	[tilespmem:$0x14800] =	vst v63  }
0x147: {  	s17 =	simm.s32 $0x3000  }
0x148: {  	[hbm4b:s6+s3] =	stream.indirect_vreg.scatter [tilespmem:s17], [sflag:$0x3], $0x80, v3, vm0, $0xb8;
	[tilespmem:$0x14800] =	vst v63  }
0x149: {  	_ = 	snop  }
0x14a: {  	[hbm4b:s7+s3] =	stream.indirect_vreg.scatter [tilespmem:s29], [sflag:$0x3], $0x80, v3, vm0, $0xb8;
	[tilespmem:$0x14800] =	vst v63  }
0x14b: {  	v3 =	vld [tilespmem:$0x14110];
	_ =	sdelay $0x4  }
0x14c: {  	v41 =	vshll.u32 v3, $0x3  }
0x14d: {  	v3 =	vand.u32 $0x7, v3;
	v4 =	vand.u32 $0xFFFFFFC0, v41  }
0x14e: {  	v3 =	vor.u32 v3, v4  }
0x14f: {  	v4 =	vperm.xlane v3, v0;
	_ =	sdelay $0x1  }
0x150: {  	v4 =	vadd.s32 v1, v4;
	_ =	sdelay $0x4  }
0x151: {  	[hbm4b:s4+s3] =	stream.indirect_vreg.scatter [tilespmem:s23], [sflag:$0x3], $0x80, v4, vm0, $0xb8;
	[tilespmem:$0x14800] =	vst v63  }
0x152: {  	v3 =	vperm.xlane v3, v2  }
0x153: {  	[hbm4b:s5+s3] =	stream.indirect_vreg.scatter [tilespmem:s25], [sflag:$0x3], $0x80, v4, vm0, $0xb8;
	[tilespmem:$0x14800] =	vst v63  }
0x154: {  	s18 =	simm.s32 $0x5000;
	v3 =	vadd.s32 v1, v3  }
0x155: {  	[hbm4b:s6+s3] =	stream.indirect_vreg.scatter [tilespmem:s18], [sflag:$0x3], $0x80, v4, vm0, $0xb8;
	[tilespmem:$0x14800] =	vst v63  }
0x156: {  	s19 =	simm.s32 $0x5800  }
0x157: {  	[hbm4b:s7+s3] =	stream.indirect_vreg.scatter [tilespmem:s19], [sflag:$0x3], $0x80, v4, vm0, $0xb8;
	[tilespmem:$0x14800] =	vst v63  }
0x158: {  	s20 =	simm.s32 $0x6000  }
0x159: {  	[hbm4b:s4+s3] =	stream.indirect_vreg.scatter [tilespmem:s20], [sflag:$0x3], $0x80, v3, vm0, $0xb8;
	[tilespmem:$0x14800] =	vst v63  }
0x15a: {  	s21 =	simm.s32 $0x6800  }
0x15b: {  	[hbm4b:s5+s3] =	stream.indirect_vreg.scatter [tilespmem:s21], [sflag:$0x3], $0x80, v3, vm0, $0xb8;
	[tilespmem:$0x14800] =	vst v63  }
0x15c: {  	_ = 	snop  }
0x15d: {  	[hbm4b:s6+s3] =	stream.indirect_vreg.scatter [tilespmem:s26], [sflag:$0x3], $0x80, v3, vm0, $0xb8;
	[tilespmem:$0x14800] =	vst v63  }
0x15e: {  	s31 =	simm.s32 $0x7800  }
0x15f: {  	[hbm4b:s7+s3] =	stream.indirect_vreg.scatter [tilespmem:s31], [sflag:$0x3], $0x80, v3, vm0, $0xb8;
	[tilespmem:$0x14800] =	vst v63  }
0x160: {  	v3 =	vld [tilespmem:$0x14500];
	_ =	sdelay $0x4  }
0x161: {  	v42 =	vshll.u32 v3, $0x3  }
0x162: {  	v3 =	vand.u32 $0x7, v3;
	v4 =	vand.u32 $0xFFFFFFC0, v42  }
0x163: {  	v3 =	vor.u32 v3, v4  }
0x164: {  	v4 =	vperm.xlane v3, v0;
	_ =	sdelay $0x1  }
0x165: {  	v4 =	vadd.s32 v1, v4;
	_ =	sdelay $0x4  }
0x166: {  	[hbm4b:s4+s3] =	stream.indirect_vreg.scatter [tilespmem:s3], [sflag:$0x3], $0x80, v4, vm0, $0xb8;
	[tilespmem:$0x14800] =	vst v63  }
0x167: {  	v3 =	vperm.xlane v3, v2  }
0x168: {  	[hbm4b:s5+s3] =	stream.indirect_vreg.scatter [tilespmem:s28], [sflag:$0x3], $0x80, v4, vm0, $0xb8;
	[tilespmem:$0x14800] =	vst v63  }
0x169: {  	v3 =	vadd.s32 v1, v3  }
0x16a: {  	[hbm4b:s6+s3] =	stream.indirect_vreg.scatter [tilespmem:s13], [sflag:$0x3], $0x80, v4, vm0, $0xb8;
	[tilespmem:$0x14800] =	vst v63  }
0x16b: {  	_ = 	snop  }
0x16c: {  	[hbm4b:s7+s3] =	stream.indirect_vreg.scatter [tilespmem:s14], [sflag:$0x3], $0x80, v4, vm0, $0xb8;
	[tilespmem:$0x14800] =	vst v63  }
0x16d: {  	_ = 	snop  }
0x16e: {  	[hbm4b:s4+s3] =	stream.indirect_vreg.scatter [tilespmem:s15], [sflag:$0x3], $0x80, v3, vm0, $0xb8;
	[tilespmem:$0x14800] =	vst v63  }
0x16f: {  	_ = 	snop  }
0x170: {  	[hbm4b:s5+s3] =	stream.indirect_vreg.scatter [tilespmem:s16], [sflag:$0x3], $0x80, v3, vm0, $0xb8;
	[tilespmem:$0x14800] =	vst v63  }
0x171: {  	_ = 	snop  }
0x172: {  	[hbm4b:s6+s3] =	stream.indirect_vreg.scatter [tilespmem:s17], [sflag:$0x3], $0x80, v3, vm0, $0xb8;
	[tilespmem:$0x14800] =	vst v63  }
0x173: {  	_ = 	snop  }
0x174: {  	[hbm4b:s7+s3] =	stream.indirect_vreg.scatter [tilespmem:s29], [sflag:$0x3], $0x80, v3, vm0, $0xb8;
	[tilespmem:$0x14800] =	vst v63  }
0x175: {  	v3 =	vld [tilespmem:$0x14510];
	_ =	sdelay $0x4  }
0x176: {  	v43 =	vshll.u32 v3, $0x3  }
0x177: {  	v3 =	vand.u32 $0x7, v3;
	v4 =	vand.u32 $0xFFFFFFC0, v43  }
0x178: {  	v3 =	vor.u32 v3, v4  }
0x179: {  	v4 =	vperm.xlane v3, v0;
	_ =	sdelay $0x1  }
0x17a: {  	v4 =	vadd.s32 v1, v4;
	_ =	sdelay $0x4  }
0x17b: {  	[hbm4b:s4+s3] =	stream.indirect_vreg.scatter [tilespmem:s23], [sflag:$0x3], $0x80, v4, vm0, $0xb8;
	[tilespmem:$0x14800] =	vst v63  }
0x17c: {  	v3 =	vperm.xlane v3, v2  }
0x17d: {  	[hbm4b:s5+s3] =	stream.indirect_vreg.scatter [tilespmem:s25], [sflag:$0x3], $0x80, v4, vm0, $0xb8;
	[tilespmem:$0x14800] =	vst v63  }
0x17e: {  	v3 =	vadd.s32 v1, v3  }
0x17f: {  	[hbm4b:s6+s3] =	stream.indirect_vreg.scatter [tilespmem:s18], [sflag:$0x3], $0x80, v4, vm0, $0xb8;
	[tilespmem:$0x14800] =	vst v63  }
0x180: {  	_ = 	snop  }
0x181: {  	[hbm4b:s7+s3] =	stream.indirect_vreg.scatter [tilespmem:s19], [sflag:$0x3], $0x80, v4, vm0, $0xb8;
	[tilespmem:$0x14800] =	vst v63  }
0x182: {  	_ = 	snop  }
0x183: {  	[hbm4b:s4+s3] =	stream.indirect_vreg.scatter [tilespmem:s20], [sflag:$0x3], $0x80, v3, vm0, $0xb8;
	[tilespmem:$0x14800] =	vst v63  }
0x184: {  	_ = 	snop  }
0x185: {  	[hbm4b:s5+s3] =	stream.indirect_vreg.scatter [tilespmem:s21], [sflag:$0x3], $0x80, v3, vm0, $0xb8;
	[tilespmem:$0x14800] =	vst v63  }
0x186: {  	_ = 	snop  }
0x187: {  	[hbm4b:s6+s3] =	stream.indirect_vreg.scatter [tilespmem:s26], [sflag:$0x3], $0x80, v3, vm0, $0xb8;
	[tilespmem:$0x14800] =	vst v63  }
0x188: {  	s9 =	sld [smem:$0x7F2]  }
0x189: {  	[hbm4b:s7+s3] =	stream.indirect_vreg.scatter [tilespmem:s31], [sflag:$0x3], $0x80, v3, vm0, $0xb8;
	[tilespmem:$0x14800] =	vst v63  }
0x18a: {  	s11 =	sld [smem:$0x7F3];
	s13 =	simm.s32 $0x10000;
	s14 =	simm.s32 $0x20  }
0x18b: {  	[hbm4b:s22+s14] =	stream.indirect.scatter [tilespmem:s13], [sflag:$0x4], $0x80, s9, s14, $0xb8;
	[tilespmem:$0x14800] =	vst v63  }
0x18c: {  	s15 =	simm.s32 $0x12000  }
0x18d: {  	[hbm4b:s22+s14] =	stream.indirect.scatter [tilespmem:s15], [sflag:$0x4], $0x80, s11, s14, $0xb8;
	[tilespmem:$0x14800] =	vst v63  }
0x18e: {  	_ =	swait.ge [sflag:s8], $0x8000  }
0x18f: {  	[sflag:s8] =	ssyncset.done $0x0  }
0x190: {  	[sflag:s8] =	ssyncadd.s32 $0xFFFF8000  }
0x191: {  	_ =	swait.ge [sflag:s8], $0x1000  }
0x192: {  	[sflag:s8] =	ssyncset.done $0x0  }
0x193: {  	[sflag:s8] =	ssyncadd.s32 $0xFFFFF000  }
0x194: {  	_ =	swait.ge [sflag:s8], $0x1000  }
0x195: {  	[sflag:s8] =	ssyncset.done $0x0  }
0x196: {  	[sflag:s8] =	ssyncadd.s32 $0xFFFFF000  }
0x197: {  	_ =	swait.ge [sflag:s10], $0x8000  }
0x198: {  	[sflag:s10] =	ssyncset.done $0x0  }
0x199: {  	[sflag:s10] =	ssyncadd.s32 $0xFFFF8000  }
0x19a: {  	_ =	swait.ge [sflag:s10], $0x8000  }
0x19b: {  	[sflag:s10] =	ssyncset.done $0x0  }
0x19c: {  	[sflag:s10] =	ssyncadd.s32 $0xFFFF8000  }
0x19d: {  	_ =	swait.ge [sflag:s12], $0x1000  }
0x19e: {  	[sflag:s12] =	ssyncset.done $0x0  }
0x19f: {  	[sflag:s12] =	ssyncadd.s32 $0xFFFFF000  }
0x1a0: {  	_ =	swait.ge [sflag:s12], $0x1000  }
0x1a1: {  	[sflag:s12] =	ssyncset.done $0x0  }
0x1a2: {  	s16 =	rddreg [dreg:$0x12];
	[sflag:s12] =	ssyncadd.s32 $0xFFFFF000  }
0x1a3: {  	[tilespmem:s3], [sflag:$0x1] =	stream.linear.gather [hbm4b:s16+s3], $0x8000, $0x38;
	[tilespmem:$0x14800] =	vst v63  }
0x1a4: {  	s17 =	rddreg [dreg:$0x13]  }
0x1a5: {  	[tilespmem:s13], [sflag:$0x1] =	stream.linear.gather [hbm4b:s17+s3], $0x1000, $0x38;
	[tilespmem:$0x14800] =	vst v63  }
0x1a6: {  	s18 =	rddreg [dreg:$0x14]  }
0x1a7: {  	[tilespmem:s15], [sflag:$0x1] =	stream.linear.gather [hbm4b:s18+s3], $0x1000, $0x38;
	[tilespmem:$0x14800] =	vst v63  }
0x1a8: {  	v3 =	vld [tilespmem:$0x14180];
	_ =	sdelay $0x4  }
0x1a9: {  	v44 =	vshll.u32 v3, $0x3  }
0x1aa: {  	v3 =	vand.u32 $0x7, v3;
	v4 =	vand.u32 $0xFFFFFFC0, v44  }
0x1ab: {  	v3 =	vor.u32 v3, v4  }
0x1ac: {  	v4 =	vperm.xlane v3, v0;
	_ =	sdelay $0x1  }
0x1ad: {  	v4 =	vadd.s32 v1, v4;
	_ =	sdelay $0x4  }
0x1ae: {  	[hbm4b:s4+s3] =	stream.indirect_vreg.scatter [tilespmem:s24], [sflag:$0x3], $0x80, v4, vm0, $0xb8;
	[tilespmem:$0x14800] =	vst v63  }
0x1af: {  	s19 =	simm.s32 $0x8800;
	v3 =	vperm.xlane v3, v2  }
0x1b0: {  	[hbm4b:s5+s3] =	stream.indirect_vreg.scatter [tilespmem:s19], [sflag:$0x3], $0x80, v4, vm0, $0xb8;
	[tilespmem:$0x14800] =	vst v63  }
0x1b1: {  	s20 =	simm.s32 $0x9000;
	v3 =	vadd.s32 v1, v3  }
0x1b2: {  	[hbm4b:s6+s3] =	stream.indirect_vreg.scatter [tilespmem:s20], [sflag:$0x3], $0x80, v4, vm0, $0xb8;
	[tilespmem:$0x14800] =	vst v63  }
0x1b3: {  	s14 =	smov.u32 s22;
	s22 =	simm.s32 $0x9800  }
0x1b4: {  	[hbm4b:s7+s3] =	stream.indirect_vreg.scatter [tilespmem:s22], [sflag:$0x3], $0x80, v4, vm0, $0xb8;
	[tilespmem:$0x14800] =	vst v63  }
0x1b5: {  	s23 =	simm.s32 $0xA000  }
0x1b6: {  	[hbm4b:s4+s3] =	stream.indirect_vreg.scatter [tilespmem:s23], [sflag:$0x3], $0x80, v3, vm0, $0xb8;
	[tilespmem:$0x14800] =	vst v63  }
0x1b7: {  	s0 =	simm.s32 $0xA800  }
0x1b8: {  	[hbm4b:s5+s3] =	stream.indirect_vreg.scatter [tilespmem:s0], [sflag:$0x3], $0x80, v3, vm0, $0xb8;
	[tilespmem:$0x14800] =	vst v63  }
0x1b9: {  	s9 =	simm.s32 $0xB000  }
0x1ba: {  	[hbm4b:s6+s3] =	stream.indirect_vreg.scatter [tilespmem:s9], [sflag:$0x3], $0x80, v3, vm0, $0xb8;
	[tilespmem:$0x14800] =	vst v63  }
0x1bb: {  	s11 =	simm.s32 $0xB800  }
0x1bc: {  	[hbm4b:s7+s3] =	stream.indirect_vreg.scatter [tilespmem:s11], [sflag:$0x3], $0x80, v3, vm0, $0xb8;
	[tilespmem:$0x14800] =	vst v63  }
0x1bd: {  	v3 =	vld [tilespmem:$0x14190];
	_ =	sdelay $0x4  }
0x1be: {  	v45 =	vshll.u32 v3, $0x3  }
0x1bf: {  	v3 =	vand.u32 $0x7, v3;
	v4 =	vand.u32 $0xFFFFFFC0, v45  }
0x1c0: {  	v3 =	vor.u32 v3, v4  }
0x1c1: {  	v4 =	vperm.xlane v3, v0;
	_ =	sdelay $0x1  }
0x1c2: {  	v4 =	vadd.s32 v1, v4;
	_ =	sdelay $0x3  }
0x1c3: {  	s13 =	simm.s32 $0xC000  }
0x1c4: {  	[hbm4b:s4+s3] =	stream.indirect_vreg.scatter [tilespmem:s13], [sflag:$0x3], $0x80, v4, vm0, $0xb8;
	[tilespmem:$0x14800] =	vst v63  }
0x1c5: {  	s17 =	simm.s32 $0xC800;
	v3 =	vperm.xlane v3, v2  }
0x1c6: {  	[hbm4b:s5+s3] =	stream.indirect_vreg.scatter [tilespmem:s17], [sflag:$0x3], $0x80, v4, vm0, $0xb8;
	[tilespmem:$0x14800] =	vst v63  }
0x1c7: {  	s18 =	simm.s32 $0xD000;
	v3 =	vadd.s32 v1, v3  }
0x1c8: {  	[hbm4b:s6+s3] =	stream.indirect_vreg.scatter [tilespmem:s18], [sflag:$0x3], $0x80, v4, vm0, $0xb8;
	[tilespmem:$0x14800] =	vst v63  }
0x1c9: {  	s25 =	simm.s32 $0xD800  }
0x1ca: {  	[hbm4b:s7+s3] =	stream.indirect_vreg.scatter [tilespmem:s25], [sflag:$0x3], $0x80, v4, vm0, $0xb8;
	[tilespmem:$0x14800] =	vst v63  }
0x1cb: {  	s26 =	simm.s32 $0xE000  }
0x1cc: {  	[hbm4b:s4+s3] =	stream.indirect_vreg.scatter [tilespmem:s26], [sflag:$0x3], $0x80, v3, vm0, $0xb8;
	[tilespmem:$0x14800] =	vst v63  }
0x1cd: {  	s28 =	simm.s32 $0xE800  }
0x1ce: {  	[hbm4b:s5+s3] =	stream.indirect_vreg.scatter [tilespmem:s28], [sflag:$0x3], $0x80, v3, vm0, $0xb8;
	[tilespmem:$0x14800] =	vst v63  }
0x1cf: {  	s29 =	simm.s32 $0xF000  }
0x1d0: {  	[hbm4b:s6+s3] =	stream.indirect_vreg.scatter [tilespmem:s29], [sflag:$0x3], $0x80, v3, vm0, $0xb8;
	[tilespmem:$0x14800] =	vst v63  }
0x1d1: {  	s31 =	simm.s32 $0xF800  }
0x1d2: {  	[hbm4b:s7+s3] =	stream.indirect_vreg.scatter [tilespmem:s31], [sflag:$0x3], $0x80, v3, vm0, $0xb8;
	[tilespmem:$0x14800] =	vst v63  }
0x1d3: {  	v3 =	vld [tilespmem:$0x14580];
	_ =	sdelay $0x4  }
0x1d4: {  	v46 =	vshll.u32 v3, $0x3  }
0x1d5: {  	v3 =	vand.u32 $0x7, v3;
	v4 =	vand.u32 $0xFFFFFFC0, v46  }
0x1d6: {  	v3 =	vor.u32 v3, v4  }
0x1d7: {  	v4 =	vperm.xlane v3, v0;
	_ =	sdelay $0x1  }
0x1d8: {  	v4 =	vadd.s32 v1, v4;
	_ =	sdelay $0x4  }
0x1d9: {  	[hbm4b:s4+s3] =	stream.indirect_vreg.scatter [tilespmem:s24], [sflag:$0x3], $0x80, v4, vm0, $0xb8;
	[tilespmem:$0x14800] =	vst v63  }
0x1da: {  	v3 =	vperm.xlane v3, v2  }
0x1db: {  	[hbm4b:s5+s3] =	stream.indirect_vreg.scatter [tilespmem:s19], [sflag:$0x3], $0x80, v4, vm0, $0xb8;
	[tilespmem:$0x14800] =	vst v63  }
0x1dc: {  	v3 =	vadd.s32 v1, v3  }
0x1dd: {  	[hbm4b:s6+s3] =	stream.indirect_vreg.scatter [tilespmem:s20], [sflag:$0x3], $0x80, v4, vm0, $0xb8;
	[tilespmem:$0x14800] =	vst v63  }
0x1de: {  	_ = 	snop  }
0x1df: {  	[hbm4b:s7+s3] =	stream.indirect_vreg.scatter [tilespmem:s22], [sflag:$0x3], $0x80, v4, vm0, $0xb8;
	[tilespmem:$0x14800] =	vst v63  }
0x1e0: {  	_ = 	snop  }
0x1e1: {  	[hbm4b:s4+s3] =	stream.indirect_vreg.scatter [tilespmem:s23], [sflag:$0x3], $0x80, v3, vm0, $0xb8;
	[tilespmem:$0x14800] =	vst v63  }
0x1e2: {  	_ = 	snop  }
0x1e3: {  	[hbm4b:s5+s3] =	stream.indirect_vreg.scatter [tilespmem:s0], [sflag:$0x3], $0x80, v3, vm0, $0xb8;
	[tilespmem:$0x14800] =	vst v63  }
0x1e4: {  	_ = 	snop  }
0x1e5: {  	[hbm4b:s6+s3] =	stream.indirect_vreg.scatter [tilespmem:s9], [sflag:$0x3], $0x80, v3, vm0, $0xb8;
	[tilespmem:$0x14800] =	vst v63  }
0x1e6: {  	_ = 	snop  }
0x1e7: {  	[hbm4b:s7+s3] =	stream.indirect_vreg.scatter [tilespmem:s11], [sflag:$0x3], $0x80, v3, vm0, $0xb8;
	[tilespmem:$0x14800] =	vst v63  }
0x1e8: {  	v3 =	vld [tilespmem:$0x14590];
	_ =	sdelay $0x4  }
0x1e9: {  	v47 =	vshll.u32 v3, $0x3  }
0x1ea: {  	v3 =	vand.u32 $0x7, v3;
	v4 =	vand.u32 $0xFFFFFFC0, v47  }
0x1eb: {  	v3 =	vor.u32 v3, v4  }
0x1ec: {  	v4 =	vperm.xlane v3, v0;
	_ =	sdelay $0x1  }
0x1ed: {  	v4 =	vadd.s32 v1, v4;
	_ =	sdelay $0x4  }
0x1ee: {  	[hbm4b:s4+s3] =	stream.indirect_vreg.scatter [tilespmem:s13], [sflag:$0x3], $0x80, v4, vm0, $0xb8;
	[tilespmem:$0x14800] =	vst v63  }
0x1ef: {  	v3 =	vperm.xlane v3, v2  }
0x1f0: {  	[hbm4b:s5+s3] =	stream.indirect_vreg.scatter [tilespmem:s17], [sflag:$0x3], $0x80, v4, vm0, $0xb8;
	[tilespmem:$0x14800] =	vst v63  }
0x1f1: {  	v3 =	vadd.s32 v1, v3  }
0x1f2: {  	[hbm4b:s6+s3] =	stream.indirect_vreg.scatter [tilespmem:s18], [sflag:$0x3], $0x80, v4, vm0, $0xb8;
	[tilespmem:$0x14800] =	vst v63  }
0x1f3: {  	_ = 	snop  }
0x1f4: {  	[hbm4b:s7+s3] =	stream.indirect_vreg.scatter [tilespmem:s25], [sflag:$0x3], $0x80, v4, vm0, $0xb8;
	[tilespmem:$0x14800] =	vst v63  }
0x1f5: {  	_ = 	snop  }
0x1f6: {  	[hbm4b:s4+s3] =	stream.indirect_vreg.scatter [tilespmem:s26], [sflag:$0x3], $0x80, v3, vm0, $0xb8;
	[tilespmem:$0x14800] =	vst v63  }
0x1f7: {  	_ = 	snop  }
0x1f8: {  	[hbm4b:s5+s3] =	stream.indirect_vreg.scatter [tilespmem:s28], [sflag:$0x3], $0x80, v3, vm0, $0xb8;
	[tilespmem:$0x14800] =	vst v63  }
0x1f9: {  	_ = 	snop  }
0x1fa: {  	[hbm4b:s6+s3] =	stream.indirect_vreg.scatter [tilespmem:s29], [sflag:$0x3], $0x80, v3, vm0, $0xb8;
	[tilespmem:$0x14800] =	vst v63  }
0x1fb: {  	s2 =	sld [smem:$0x7F4]  }
0x1fc: {  	[hbm4b:s7+s3] =	stream.indirect_vreg.scatter [tilespmem:s31], [sflag:$0x3], $0x80, v3, vm0, $0xb8;
	[tilespmem:$0x14800] =	vst v63  }
0x1fd: {  	s9 =	sld [smem:$0x7F5];
	s11 =	simm.s32 $0x11000;
	s13 =	simm.s32 $0x20  }
0x1fe: {  	[hbm4b:s14+s13] =	stream.indirect.scatter [tilespmem:s11], [sflag:$0x4], $0x80, s2, s13, $0xb8;
	[tilespmem:$0x14800] =	vst v63  }
0x1ff: {  	s15 =	simm.s32 $0x13000  }
0x200: {  	[hbm4b:s14+s13] =	stream.indirect.scatter [tilespmem:s15], [sflag:$0x4], $0x80, s9, s13, $0xb8;
	[tilespmem:$0x14800] =	vst v63  }
0x201: {  	_ =	swait.ge [sflag:s30], $0x8000  }
0x202: {  	[sflag:s30] =	ssyncset.done $0x0  }
0x203: {  	[sflag:s30] =	ssyncadd.s32 $0xFFFF8000  }
0x204: {  	_ =	swait.ge [sflag:s30], $0x1000  }
0x205: {  	[sflag:s30] =	ssyncset.done $0x0  }
0x206: {  	[sflag:s30] =	ssyncadd.s32 $0xFFFFF000  }
0x207: {  	_ =	swait.ge [sflag:s30], $0x1000  }
0x208: {  	[sflag:s30] =	ssyncset.done $0x0  }
0x209: {  	[sflag:s30] =	ssyncadd.s32 $0xFFFFF000  }
0x20a: {  	_ =	swait.ge [sflag:s10], $0x8000  }
0x20b: {  	[sflag:s10] =	ssyncset.done $0x0  }
0x20c: {  	[sflag:s10] =	ssyncadd.s32 $0xFFFF8000  }
0x20d: {  	_ =	swait.ge [sflag:s10], $0x8000  }
0x20e: {  	[sflag:s10] =	ssyncset.done $0x0  }
0x20f: {  	[sflag:s10] =	ssyncadd.s32 $0xFFFF8000  }
0x210: {  	_ =	swait.ge [sflag:s12], $0x1000  }
0x211: {  	[sflag:s12] =	ssyncset.done $0x0  }
0x212: {  	[sflag:s12] =	ssyncadd.s32 $0xFFFFF000  }
0x213: {  	_ =	swait.ge [sflag:s12], $0x1000  }
0x214: {  	[sflag:s12] =	ssyncset.done $0x0  }
0x215: {  	s16 =	rddreg [dreg:$0x15];
	[sflag:s12] =	ssyncadd.s32 $0xFFFFF000  }
0x216: {  	[tilespmem:s24], [sflag:$0x2] =	stream.linear.gather [hbm4b:s16+s3], $0x8000, $0x38;
	[tilespmem:$0x14800] =	vst v63  }
0x217: {  	s17 =	rddreg [dreg:$0x16]  }
0x218: {  	[tilespmem:s11], [sflag:$0x2] =	stream.linear.gather [hbm4b:s17+s3], $0x1000, $0x38;
	[tilespmem:$0x14800] =	vst v63  }
0x219: {  	s18 =	rddreg [dreg:$0x17]  }
0x21a: {  	[tilespmem:s15], [sflag:$0x2] =	stream.linear.gather [hbm4b:s18+s3], $0x1000, $0x38;
	[tilespmem:$0x14800] =	vst v63  }
0x21b: {  	v3 =	vld [tilespmem:$0x14200];
	_ =	sdelay $0x4  }
0x21c: {  	v48 =	vshll.u32 v3, $0x3  }
0x21d: {  	v3 =	vand.u32 $0x7, v3;
	v4 =	vand.u32 $0xFFFFFFC0, v48  }
0x21e: {  	v3 =	vor.u32 v3, v4  }
0x21f: {  	v4 =	vperm.xlane v3, v0;
	_ =	sdelay $0x1  }
0x220: {  	v4 =	vadd.s32 v1, v4;
	_ =	sdelay $0x4  }
0x221: {  	[hbm4b:s4+s3] =	stream.indirect_vreg.scatter [tilespmem:s3], [sflag:$0x3], $0x80, v4, vm0, $0xb8;
	[tilespmem:$0x14800] =	vst v63  }
0x222: {  	s19 =	simm.s32 $0x800;
	v3 =	vperm.xlane v3, v2  }
0x223: {  	[hbm4b:s5+s3] =	stream.indirect_vreg.scatter [tilespmem:s19], [sflag:$0x3], $0x80, v4, vm0, $0xb8;
	[tilespmem:$0x14800] =	vst v63  }
0x224: {  	s20 =	simm.s32 $0x1000;
	v3 =	vadd.s32 v1, v3  }
0x225: {  	[hbm4b:s6+s3] =	stream.indirect_vreg.scatter [tilespmem:s20], [sflag:$0x3], $0x80, v4, vm0, $0xb8;
	[tilespmem:$0x14800] =	vst v63  }
0x226: {  	s21 =	simm.s32 $0x1800  }
0x227: {  	[hbm4b:s7+s3] =	stream.indirect_vreg.scatter [tilespmem:s21], [sflag:$0x3], $0x80, v4, vm0, $0xb8;
	[tilespmem:$0x14800] =	vst v63  }
0x228: {  	s22 =	simm.s32 $0x2000  }
0x229: {  	[hbm4b:s4+s3] =	stream.indirect_vreg.scatter [tilespmem:s22], [sflag:$0x3], $0x80, v3, vm0, $0xb8;
	[tilespmem:$0x14800] =	vst v63  }
0x22a: {  	s23 =	simm.s32 $0x2800  }
0x22b: {  	[hbm4b:s5+s3] =	stream.indirect_vreg.scatter [tilespmem:s23], [sflag:$0x3], $0x80, v3, vm0, $0xb8;
	[tilespmem:$0x14800] =	vst v63  }
0x22c: {  	s24 =	simm.s32 $0x3000  }
0x22d: {  	[hbm4b:s6+s3] =	stream.indirect_vreg.scatter [tilespmem:s24], [sflag:$0x3], $0x80, v3, vm0, $0xb8;
	[tilespmem:$0x14800] =	vst v63  }
0x22e: {  	s25 =	simm.s32 $0x3800  }
0x22f: {  	[hbm4b:s7+s3] =	stream.indirect_vreg.scatter [tilespmem:s25], [sflag:$0x3], $0x80, v3, vm0, $0xb8;
	[tilespmem:$0x14800] =	vst v63  }
0x230: {  	v3 =	vld [tilespmem:$0x14210];
	_ =	sdelay $0x4  }
0x231: {  	v49 =	vshll.u32 v3, $0x3  }
0x232: {  	v3 =	vand.u32 $0x7, v3;
	v4 =	vand.u32 $0xFFFFFFC0, v49  }
0x233: {  	v3 =	vor.u32 v3, v4  }
0x234: {  	v4 =	vperm.xlane v3, v0;
	_ =	sdelay $0x1  }
0x235: {  	v4 =	vadd.s32 v1, v4;
	_ =	sdelay $0x3  }
0x236: {  	s26 =	simm.s32 $0x4000  }
0x237: {  	[hbm4b:s4+s3] =	stream.indirect_vreg.scatter [tilespmem:s26], [sflag:$0x3], $0x80, v4, vm0, $0xb8;
	[tilespmem:$0x14800] =	vst v63  }
0x238: {  	s31 =	simm.s32 $0x4800;
	v3 =	vperm.xlane v3, v2  }
0x239: {  	[hbm4b:s5+s3] =	stream.indirect_vreg.scatter [tilespmem:s31], [sflag:$0x3], $0x80, v4, vm0, $0xb8;
	[tilespmem:$0x14800] =	vst v63  }
0x23a: {  	s2 =	simm.s32 $0x5000;
	v3 =	vadd.s32 v1, v3  }
0x23b: {  	[hbm4b:s6+s3] =	stream.indirect_vreg.scatter [tilespmem:s2], [sflag:$0x3], $0x80, v4, vm0, $0xb8;
	[tilespmem:$0x14800] =	vst v63  }
0x23c: {  	s9 =	simm.s32 $0x5800  }
0x23d: {  	[hbm4b:s7+s3] =	stream.indirect_vreg.scatter [tilespmem:s9], [sflag:$0x3], $0x80, v4, vm0, $0xb8;
	[tilespmem:$0x14800] =	vst v63  }
0x23e: {  	s11 =	simm.s32 $0x6000  }
0x23f: {  	[hbm4b:s4+s3] =	stream.indirect_vreg.scatter [tilespmem:s11], [sflag:$0x3], $0x80, v3, vm0, $0xb8;
	[tilespmem:$0x14800] =	vst v63  }
0x240: {  	s13 =	simm.s32 $0x6800  }
0x241: {  	[hbm4b:s5+s3] =	stream.indirect_vreg.scatter [tilespmem:s13], [sflag:$0x3], $0x80, v3, vm0, $0xb8;
	[tilespmem:$0x14800] =	vst v63  }
0x242: {  	s15 =	simm.s32 $0x7000  }
0x243: {  	[hbm4b:s6+s3] =	stream.indirect_vreg.scatter [tilespmem:s15], [sflag:$0x3], $0x80, v3, vm0, $0xb8;
	[tilespmem:$0x14800] =	vst v63  }
0x244: {  	s16 =	simm.s32 $0x7800  }
0x245: {  	[hbm4b:s7+s3] =	stream.indirect_vreg.scatter [tilespmem:s16], [sflag:$0x3], $0x80, v3, vm0, $0xb8;
	[tilespmem:$0x14800] =	vst v63  }
0x246: {  	v3 =	vld [tilespmem:$0x14600];
	_ =	sdelay $0x4  }
0x247: {  	v50 =	vshll.u32 v3, $0x3  }
0x248: {  	v3 =	vand.u32 $0x7, v3;
	v4 =	vand.u32 $0xFFFFFFC0, v50  }
0x249: {  	v3 =	vor.u32 v3, v4  }
0x24a: {  	v4 =	vperm.xlane v3, v0;
	_ =	sdelay $0x1  }
0x24b: {  	v4 =	vadd.s32 v1, v4;
	_ =	sdelay $0x4  }
0x24c: {  	[hbm4b:s4+s3] =	stream.indirect_vreg.scatter [tilespmem:s3], [sflag:$0x3], $0x80, v4, vm0, $0xb8;
	[tilespmem:$0x14800] =	vst v63  }
0x24d: {  	v3 =	vperm.xlane v3, v2  }
0x24e: {  	[hbm4b:s5+s3] =	stream.indirect_vreg.scatter [tilespmem:s19], [sflag:$0x3], $0x80, v4, vm0, $0xb8;
	[tilespmem:$0x14800] =	vst v63  }
0x24f: {  	v3 =	vadd.s32 v1, v3  }
0x250: {  	[hbm4b:s6+s3] =	stream.indirect_vreg.scatter [tilespmem:s20], [sflag:$0x3], $0x80, v4, vm0, $0xb8;
	[tilespmem:$0x14800] =	vst v63  }
0x251: {  	_ = 	snop  }
0x252: {  	[hbm4b:s7+s3] =	stream.indirect_vreg.scatter [tilespmem:s21], [sflag:$0x3], $0x80, v4, vm0, $0xb8;
	[tilespmem:$0x14800] =	vst v63  }
0x253: {  	_ = 	snop  }
0x254: {  	[hbm4b:s4+s3] =	stream.indirect_vreg.scatter [tilespmem:s22], [sflag:$0x3], $0x80, v3, vm0, $0xb8;
	[tilespmem:$0x14800] =	vst v63  }
0x255: {  	_ = 	snop  }
0x256: {  	[hbm4b:s5+s3] =	stream.indirect_vreg.scatter [tilespmem:s23], [sflag:$0x3], $0x80, v3, vm0, $0xb8;
	[tilespmem:$0x14800] =	vst v63  }
0x257: {  	_ = 	snop  }
0x258: {  	[hbm4b:s6+s3] =	stream.indirect_vreg.scatter [tilespmem:s24], [sflag:$0x3], $0x80, v3, vm0, $0xb8;
	[tilespmem:$0x14800] =	vst v63  }
0x259: {  	_ = 	snop  }
0x25a: {  	[hbm4b:s7+s3] =	stream.indirect_vreg.scatter [tilespmem:s25], [sflag:$0x3], $0x80, v3, vm0, $0xb8;
	[tilespmem:$0x14800] =	vst v63  }
0x25b: {  	v3 =	vld [tilespmem:$0x14610];
	_ =	sdelay $0x4  }
0x25c: {  	v51 =	vshll.u32 v3, $0x3  }
0x25d: {  	v3 =	vand.u32 $0x7, v3;
	v4 =	vand.u32 $0xFFFFFFC0, v51  }
0x25e: {  	v3 =	vor.u32 v3, v4  }
0x25f: {  	v4 =	vperm.xlane v3, v0;
	_ =	sdelay $0x1  }
0x260: {  	v4 =	vadd.s32 v1, v4;
	_ =	sdelay $0x4  }
0x261: {  	[hbm4b:s4+s3] =	stream.indirect_vreg.scatter [tilespmem:s26], [sflag:$0x3], $0x80, v4, vm0, $0xb8;
	[tilespmem:$0x14800] =	vst v63  }
0x262: {  	v3 =	vperm.xlane v3, v2  }
0x263: {  	[hbm4b:s5+s3] =	stream.indirect_vreg.scatter [tilespmem:s31], [sflag:$0x3], $0x80, v4, vm0, $0xb8;
	[tilespmem:$0x14800] =	vst v63  }
0x264: {  	v3 =	vadd.s32 v1, v3  }
0x265: {  	[hbm4b:s6+s3] =	stream.indirect_vreg.scatter [tilespmem:s2], [sflag:$0x3], $0x80, v4, vm0, $0xb8;
	[tilespmem:$0x14800] =	vst v63  }
0x266: {  	_ = 	snop  }
0x267: {  	[hbm4b:s7+s3] =	stream.indirect_vreg.scatter [tilespmem:s9], [sflag:$0x3], $0x80, v4, vm0, $0xb8;
	[tilespmem:$0x14800] =	vst v63  }
0x268: {  	_ = 	snop  }
0x269: {  	[hbm4b:s4+s3] =	stream.indirect_vreg.scatter [tilespmem:s11], [sflag:$0x3], $0x80, v3, vm0, $0xb8;
	[tilespmem:$0x14800] =	vst v63  }
0x26a: {  	_ = 	snop  }
0x26b: {  	[hbm4b:s5+s3] =	stream.indirect_vreg.scatter [tilespmem:s13], [sflag:$0x3], $0x80, v3, vm0, $0xb8;
	[tilespmem:$0x14800] =	vst v63  }
0x26c: {  	_ = 	snop  }
0x26d: {  	[hbm4b:s6+s3] =	stream.indirect_vreg.scatter [tilespmem:s15], [sflag:$0x3], $0x80, v3, vm0, $0xb8;
	[tilespmem:$0x14800] =	vst v63  }
0x26e: {  	s20 =	sld [smem:$0x7F6]  }
0x26f: {  	[hbm4b:s7+s3] =	stream.indirect_vreg.scatter [tilespmem:s16], [sflag:$0x3], $0x80, v3, vm0, $0xb8;
	[tilespmem:$0x14800] =	vst v63  }
0x270: {  	s21 =	sld [smem:$0x7F7];
	s22 =	simm.s32 $0x10000;
	s23 =	simm.s32 $0x20  }
0x271: {  	[hbm4b:s14+s23] =	stream.indirect.scatter [tilespmem:s22], [sflag:$0x4], $0x80, s20, s23, $0xb8;
	[tilespmem:$0x14800] =	vst v63  }
0x272: {  	s25 =	simm.s32 $0x12000  }
0x273: {  	[hbm4b:s14+s23] =	stream.indirect.scatter [tilespmem:s25], [sflag:$0x4], $0x80, s21, s23, $0xb8;
	[tilespmem:$0x14800] =	vst v63  }
0x274: {  	_ =	swait.ge [sflag:s8], $0x8000  }
0x275: {  	[sflag:s8] =	ssyncset.done $0x0  }
0x276: {  	[sflag:s8] =	ssyncadd.s32 $0xFFFF8000  }
0x277: {  	_ =	swait.ge [sflag:s8], $0x1000  }
0x278: {  	[sflag:s8] =	ssyncset.done $0x0  }
0x279: {  	[sflag:s8] =	ssyncadd.s32 $0xFFFFF000  }
0x27a: {  	_ =	swait.ge [sflag:s8], $0x1000  }
0x27b: {  	[sflag:s8] =	ssyncset.done $0x0  }
0x27c: {  	[sflag:s8] =	ssyncadd.s32 $0xFFFFF000  }
0x27d: {  	_ =	swait.ge [sflag:s10], $0x8000  }
0x27e: {  	[sflag:s10] =	ssyncset.done $0x0  }
0x27f: {  	[sflag:s10] =	ssyncadd.s32 $0xFFFF8000  }
0x280: {  	_ =	swait.ge [sflag:s10], $0x8000  }
0x281: {  	[sflag:s10] =	ssyncset.done $0x0  }
0x282: {  	[sflag:s10] =	ssyncadd.s32 $0xFFFF8000  }
0x283: {  	_ =	swait.ge [sflag:s12], $0x1000  }
0x284: {  	[sflag:s12] =	ssyncset.done $0x0  }
0x285: {  	[sflag:s12] =	ssyncadd.s32 $0xFFFFF000  }
0x286: {  	_ =	swait.ge [sflag:s12], $0x1000  }
0x287: {  	[sflag:s12] =	ssyncset.done $0x0  }
0x288: {  	s26 =	rddreg [dreg:$0x18];
	[sflag:s12] =	ssyncadd.s32 $0xFFFFF000  }
0x289: {  	[tilespmem:s3], [sflag:$0x1] =	stream.linear.gather [hbm4b:s26+s3], $0x8000, $0x38;
	[tilespmem:$0x14800] =	vst v63  }
0x28a: {  	s28 =	rddreg [dreg:$0x19]  }
0x28b: {  	[tilespmem:s22], [sflag:$0x1] =	stream.linear.gather [hbm4b:s28+s3], $0x1000, $0x38;
	[tilespmem:$0x14800] =	vst v63  }
0x28c: {  	s2 =	rddreg [dreg:$0x1a]  }
0x28d: {  	[tilespmem:s25], [sflag:$0x1] =	stream.linear.gather [hbm4b:s2+s3], $0x1000, $0x38;
	[tilespmem:$0x14800] =	vst v63  }
0x28e: {  	v3 =	vld [tilespmem:$0x14280];
	_ =	sdelay $0x4  }
0x28f: {  	v52 =	vshll.u32 v3, $0x3  }
0x290: {  	v3 =	vand.u32 $0x7, v3;
	v4 =	vand.u32 $0xFFFFFFC0, v52  }
0x291: {  	v3 =	vor.u32 v3, v4  }
0x292: {  	v4 =	vperm.xlane v3, v0;
	_ =	sdelay $0x1  }
0x293: {  	v4 =	vadd.s32 v1, v4;
	_ =	sdelay $0x3  }
0x294: {  	s9 =	simm.s32 $0x8000  }
0x295: {  	[hbm4b:s4+s3] =	stream.indirect_vreg.scatter [tilespmem:s9], [sflag:$0x3], $0x80, v4, vm0, $0xb8;
	[tilespmem:$0x14800] =	vst v63  }
0x296: {  	s16 =	simm.s32 $0x8800;
	v3 =	vperm.xlane v3, v2  }
0x297: {  	[hbm4b:s5+s3] =	stream.indirect_vreg.scatter [tilespmem:s16], [sflag:$0x3], $0x80, v4, vm0, $0xb8;
	[tilespmem:$0x14800] =	vst v63  }
0x298: {  	s1 =	simm.s32 $0x9000;
	v3 =	vadd.s32 v1, v3  }
0x299: {  	[hbm4b:s6+s3] =	stream.indirect_vreg.scatter [tilespmem:s1], [sflag:$0x3], $0x80, v4, vm0, $0xb8;
	[tilespmem:$0x14800] =	vst v63  }
0x29a: {  	s23 =	simm.s32 $0x9800  }
0x29b: {  	[hbm4b:s7+s3] =	stream.indirect_vreg.scatter [tilespmem:s23], [sflag:$0x3], $0x80, v4, vm0, $0xb8;
	[tilespmem:$0x14800] =	vst v63  }
0x29c: {  	s0 =	simm.s32 $0xA000  }
0x29d: {  	[hbm4b:s4+s3] =	stream.indirect_vreg.scatter [tilespmem:s0], [sflag:$0x3], $0x80, v3, vm0, $0xb8;
	[tilespmem:$0x14800] =	vst v63  }
0x29e: {  	s15 =	simm.s32 $0xA800  }
0x29f: {  	[hbm4b:s5+s3] =	stream.indirect_vreg.scatter [tilespmem:s15], [sflag:$0x3], $0x80, v3, vm0, $0xb8;
	[tilespmem:$0x14800] =	vst v63  }
0x2a0: {  	s25 =	simm.s32 $0xB000  }
0x2a1: {  	[hbm4b:s6+s3] =	stream.indirect_vreg.scatter [tilespmem:s25], [sflag:$0x3], $0x80, v3, vm0, $0xb8;
	[tilespmem:$0x14800] =	vst v63  }
0x2a2: {  	s26 =	simm.s32 $0xB800  }
0x2a3: {  	[hbm4b:s7+s3] =	stream.indirect_vreg.scatter [tilespmem:s26], [sflag:$0x3], $0x80, v3, vm0, $0xb8;
	[tilespmem:$0x14800] =	vst v63  }
0x2a4: {  	v3 =	vld [tilespmem:$0x14290];
	_ =	sdelay $0x4  }
0x2a5: {  	v53 =	vshll.u32 v3, $0x3  }
0x2a6: {  	v3 =	vand.u32 $0x7, v3;
	v4 =	vand.u32 $0xFFFFFFC0, v53  }
0x2a7: {  	v3 =	vor.u32 v3, v4  }
0x2a8: {  	v4 =	vperm.xlane v3, v0;
	_ =	sdelay $0x1  }
0x2a9: {  	v4 =	vadd.s32 v1, v4;
	_ =	sdelay $0x3  }
0x2aa: {  	s17 =	simm.s32 $0xC000  }
0x2ab: {  	[hbm4b:s4+s3] =	stream.indirect_vreg.scatter [tilespmem:s17], [sflag:$0x3], $0x80, v4, vm0, $0xb8;
	[tilespmem:$0x14800] =	vst v63  }
0x2ac: {  	s18 =	simm.s32 $0xC800;
	v3 =	vperm.xlane v3, v2  }
0x2ad: {  	[hbm4b:s5+s3] =	stream.indirect_vreg.scatter [tilespmem:s18], [sflag:$0x3], $0x80, v4, vm0, $0xb8;
	[tilespmem:$0x14800] =	vst v63  }
0x2ae: {  	s19 =	simm.s32 $0xD000;
	v3 =	vadd.s32 v1, v3  }
0x2af: {  	[hbm4b:s6+s3] =	stream.indirect_vreg.scatter [tilespmem:s19], [sflag:$0x3], $0x80, v4, vm0, $0xb8;
	[tilespmem:$0x14800] =	vst v63  }
0x2b0: {  	s20 =	simm.s32 $0xD800  }
0x2b1: {  	[hbm4b:s7+s3] =	stream.indirect_vreg.scatter [tilespmem:s20], [sflag:$0x3], $0x80, v4, vm0, $0xb8;
	[tilespmem:$0x14800] =	vst v63  }
0x2b2: {  	s21 =	simm.s32 $0xE000  }
0x2b3: {  	[hbm4b:s4+s3] =	stream.indirect_vreg.scatter [tilespmem:s21], [sflag:$0x3], $0x80, v3, vm0, $0xb8;
	[tilespmem:$0x14800] =	vst v63  }
0x2b4: {  	s11 =	simm.s32 $0xE800  }
0x2b5: {  	[hbm4b:s5+s3] =	stream.indirect_vreg.scatter [tilespmem:s11], [sflag:$0x3], $0x80, v3, vm0, $0xb8;
	[tilespmem:$0x14800] =	vst v63  }
0x2b6: {  	s13 =	simm.s32 $0xF000  }
0x2b7: {  	[hbm4b:s6+s3] =	stream.indirect_vreg.scatter [tilespmem:s13], [sflag:$0x3], $0x80, v3, vm0, $0xb8;
	[tilespmem:$0x14800] =	vst v63  }
0x2b8: {  	s31 =	simm.s32 $0xF800  }
0x2b9: {  	[hbm4b:s7+s3] =	stream.indirect_vreg.scatter [tilespmem:s31], [sflag:$0x3], $0x80, v3, vm0, $0xb8;
	[tilespmem:$0x14800] =	vst v63  }
0x2ba: {  	v3 =	vld [tilespmem:$0x14680];
	_ =	sdelay $0x4  }
0x2bb: {  	v54 =	vshll.u32 v3, $0x3  }
0x2bc: {  	v3 =	vand.u32 $0x7, v3;
	v4 =	vand.u32 $0xFFFFFFC0, v54  }
0x2bd: {  	v3 =	vor.u32 v3, v4  }
0x2be: {  	v4 =	vperm.xlane v3, v0;
	_ =	sdelay $0x1  }
0x2bf: {  	v4 =	vadd.s32 v1, v4;
	_ =	sdelay $0x4  }
0x2c0: {  	[hbm4b:s4+s3] =	stream.indirect_vreg.scatter [tilespmem:s9], [sflag:$0x3], $0x80, v4, vm0, $0xb8;
	[tilespmem:$0x14800] =	vst v63  }
0x2c1: {  	v3 =	vperm.xlane v3, v2  }
0x2c2: {  	[hbm4b:s5+s3] =	stream.indirect_vreg.scatter [tilespmem:s16], [sflag:$0x3], $0x80, v4, vm0, $0xb8;
	[tilespmem:$0x14800] =	vst v63  }
0x2c3: {  	v3 =	vadd.s32 v1, v3  }
0x2c4: {  	[hbm4b:s6+s3] =	stream.indirect_vreg.scatter [tilespmem:s1], [sflag:$0x3], $0x80, v4, vm0, $0xb8;
	[tilespmem:$0x14800] =	vst v63  }
0x2c5: {  	_ = 	snop  }
0x2c6: {  	[hbm4b:s7+s3] =	stream.indirect_vreg.scatter [tilespmem:s23], [sflag:$0x3], $0x80, v4, vm0, $0xb8;
	[tilespmem:$0x14800] =	vst v63  }
0x2c7: {  	_ = 	snop  }
0x2c8: {  	[hbm4b:s4+s3] =	stream.indirect_vreg.scatter [tilespmem:s0], [sflag:$0x3], $0x80, v3, vm0, $0xb8;
	[tilespmem:$0x14800] =	vst v63  }
0x2c9: {  	_ = 	snop  }
0x2ca: {  	[hbm4b:s5+s3] =	stream.indirect_vreg.scatter [tilespmem:s15], [sflag:$0x3], $0x80, v3, vm0, $0xb8;
	[tilespmem:$0x14800] =	vst v63  }
0x2cb: {  	_ = 	snop  }
0x2cc: {  	[hbm4b:s6+s3] =	stream.indirect_vreg.scatter [tilespmem:s25], [sflag:$0x3], $0x80, v3, vm0, $0xb8;
	[tilespmem:$0x14800] =	vst v63  }
0x2cd: {  	_ = 	snop  }
0x2ce: {  	[hbm4b:s7+s3] =	stream.indirect_vreg.scatter [tilespmem:s26], [sflag:$0x3], $0x80, v3, vm0, $0xb8;
	[tilespmem:$0x14800] =	vst v63  }
0x2cf: {  	v3 =	vld [tilespmem:$0x14690];
	_ =	sdelay $0x4  }
0x2d0: {  	v55 =	vshll.u32 v3, $0x3  }
0x2d1: {  	v3 =	vand.u32 $0x7, v3;
	v4 =	vand.u32 $0xFFFFFFC0, v55  }
0x2d2: {  	v3 =	vor.u32 v3, v4  }
0x2d3: {  	v4 =	vperm.xlane v3, v0;
	_ =	sdelay $0x1  }
0x2d4: {  	v4 =	vadd.s32 v1, v4;
	_ =	sdelay $0x4  }
0x2d5: {  	[hbm4b:s4+s3] =	stream.indirect_vreg.scatter [tilespmem:s17], [sflag:$0x3], $0x80, v4, vm0, $0xb8;
	[tilespmem:$0x14800] =	vst v63  }
0x2d6: {  	v3 =	vperm.xlane v3, v2  }
0x2d7: {  	[hbm4b:s5+s3] =	stream.indirect_vreg.scatter [tilespmem:s18], [sflag:$0x3], $0x80, v4, vm0, $0xb8;
	[tilespmem:$0x14800] =	vst v63  }
0x2d8: {  	v3 =	vadd.s32 v1, v3  }
0x2d9: {  	[hbm4b:s6+s3] =	stream.indirect_vreg.scatter [tilespmem:s19], [sflag:$0x3], $0x80, v4, vm0, $0xb8;
	[tilespmem:$0x14800] =	vst v63  }
0x2da: {  	_ = 	snop  }
0x2db: {  	[hbm4b:s7+s3] =	stream.indirect_vreg.scatter [tilespmem:s20], [sflag:$0x3], $0x80, v4, vm0, $0xb8;
	[tilespmem:$0x14800] =	vst v63  }
0x2dc: {  	_ = 	snop  }
0x2dd: {  	[hbm4b:s4+s3] =	stream.indirect_vreg.scatter [tilespmem:s21], [sflag:$0x3], $0x80, v3, vm0, $0xb8;
	[tilespmem:$0x14800] =	vst v63  }
0x2de: {  	_ = 	snop  }
0x2df: {  	[hbm4b:s5+s3] =	stream.indirect_vreg.scatter [tilespmem:s11], [sflag:$0x3], $0x80, v3, vm0, $0xb8;
	[tilespmem:$0x14800] =	vst v63  }
0x2e0: {  	_ = 	snop  }
0x2e1: {  	[hbm4b:s6+s3] =	stream.indirect_vreg.scatter [tilespmem:s13], [sflag:$0x3], $0x80, v3, vm0, $0xb8;
	[tilespmem:$0x14800] =	vst v63  }
0x2e2: {  	s2 =	sld [smem:$0x7F8]  }
0x2e3: {  	[hbm4b:s7+s3] =	stream.indirect_vreg.scatter [tilespmem:s31], [sflag:$0x3], $0x80, v3, vm0, $0xb8;
	[tilespmem:$0x14800] =	vst v63  }
0x2e4: {  	s29 =	simm.s32 $0x20;
	s11 =	sld [smem:$0x7F9];
	s13 =	simm.s32 $0x11000  }
0x2e5: {  	[hbm4b:s14+s29] =	stream.indirect.scatter [tilespmem:s13], [sflag:$0x4], $0x80, s2, s29, $0xb8;
	[tilespmem:$0x14800] =	vst v63  }
0x2e6: {  	s15 =	simm.s32 $0x13000  }
0x2e7: {  	[hbm4b:s14+s29] =	stream.indirect.scatter [tilespmem:s15], [sflag:$0x4], $0x80, s11, s29, $0xb8;
	[tilespmem:$0x14800] =	vst v63  }
0x2e8: {  	_ =	swait.ge [sflag:s30], $0x8000  }
0x2e9: {  	[sflag:s30] =	ssyncset.done $0x0  }
0x2ea: {  	[sflag:s30] =	ssyncadd.s32 $0xFFFF8000  }
0x2eb: {  	_ =	swait.ge [sflag:s30], $0x1000  }
0x2ec: {  	[sflag:s30] =	ssyncset.done $0x0  }
0x2ed: {  	[sflag:s30] =	ssyncadd.s32 $0xFFFFF000  }
0x2ee: {  	_ =	swait.ge [sflag:s30], $0x1000  }
0x2ef: {  	[sflag:s30] =	ssyncset.done $0x0  }
0x2f0: {  	[sflag:s30] =	ssyncadd.s32 $0xFFFFF000  }
0x2f1: {  	_ =	swait.ge [sflag:s10], $0x8000  }
0x2f2: {  	[sflag:s10] =	ssyncset.done $0x0  }
0x2f3: {  	[sflag:s10] =	ssyncadd.s32 $0xFFFF8000  }
0x2f4: {  	_ =	swait.ge [sflag:s10], $0x8000  }
0x2f5: {  	[sflag:s10] =	ssyncset.done $0x0  }
0x2f6: {  	[sflag:s10] =	ssyncadd.s32 $0xFFFF8000  }
0x2f7: {  	_ =	swait.ge [sflag:s12], $0x1000  }
0x2f8: {  	[sflag:s12] =	ssyncset.done $0x0  }
0x2f9: {  	[sflag:s12] =	ssyncadd.s32 $0xFFFFF000  }
0x2fa: {  	_ =	swait.ge [sflag:s12], $0x1000  }
0x2fb: {  	[sflag:s12] =	ssyncset.done $0x0  }
0x2fc: {  	s9 =	simm.s32 $0x8000;
	s16 =	rddreg [dreg:$0x1b];
	[sflag:s12] =	ssyncadd.s32 $0xFFFFF000  }
0x2fd: {  	[tilespmem:s9], [sflag:$0x2] =	stream.linear.gather [hbm4b:s16+s3], $0x8000, $0x38;
	[tilespmem:$0x14800] =	vst v63  }
0x2fe: {  	s17 =	rddreg [dreg:$0x1c]  }
0x2ff: {  	[tilespmem:s13], [sflag:$0x2] =	stream.linear.gather [hbm4b:s17+s3], $0x1000, $0x38;
	[tilespmem:$0x14800] =	vst v63  }
0x300: {  	s18 =	rddreg [dreg:$0x1d]  }
0x301: {  	[tilespmem:s15], [sflag:$0x2] =	stream.linear.gather [hbm4b:s18+s3], $0x1000, $0x38;
	[tilespmem:$0x14800] =	vst v63  }
0x302: {  	v3 =	vld [tilespmem:$0x14300];
	_ =	sdelay $0x4  }
0x303: {  	v56 =	vshll.u32 v3, $0x3  }
0x304: {  	v3 =	vand.u32 $0x7, v3;
	v4 =	vand.u32 $0xFFFFFFC0, v56  }
0x305: {  	v3 =	vor.u32 v3, v4  }
0x306: {  	v4 =	vperm.xlane v3, v0;
	_ =	sdelay $0x1  }
0x307: {  	v4 =	vadd.s32 v1, v4;
	_ =	sdelay $0x4  }
0x308: {  	[hbm4b:s4+s3] =	stream.indirect_vreg.scatter [tilespmem:s3], [sflag:$0x3], $0x80, v4, vm0, $0xb8;
	[tilespmem:$0x14800] =	vst v63  }
0x309: {  	s16 =	simm.s32 $0x800;
	v3 =	vperm.xlane v3, v2  }
0x30a: {  	[hbm4b:s5+s3] =	stream.indirect_vreg.scatter [tilespmem:s16], [sflag:$0x3], $0x80, v4, vm0, $0xb8;
	[tilespmem:$0x14800] =	vst v63  }
0x30b: {  	s1 =	simm.s32 $0x1000;
	v3 =	vadd.s32 v1, v3  }
0x30c: {  	[hbm4b:s6+s3] =	stream.indirect_vreg.scatter [tilespmem:s1], [sflag:$0x3], $0x80, v4, vm0, $0xb8;
	[tilespmem:$0x14800] =	vst v63  }
0x30d: {  	s31 =	simm.s32 $0x1800  }
0x30e: {  	[hbm4b:s7+s3] =	stream.indirect_vreg.scatter [tilespmem:s31], [sflag:$0x3], $0x80, v4, vm0, $0xb8;
	[tilespmem:$0x14800] =	vst v63  }
0x30f: {  	s0 =	simm.s32 $0x2000  }
0x310: {  	[hbm4b:s4+s3] =	stream.indirect_vreg.scatter [tilespmem:s0], [sflag:$0x3], $0x80, v3, vm0, $0xb8;
	[tilespmem:$0x14800] =	vst v63  }
0x311: {  	s24 =	smov.u32 s14;
	s14 =	simm.s32 $0x2800  }
0x312: {  	[hbm4b:s5+s3] =	stream.indirect_vreg.scatter [tilespmem:s14], [sflag:$0x3], $0x80, v3, vm0, $0xb8;
	[tilespmem:$0x14800] =	vst v63  }
0x313: {  	s30 =	simm.s32 $0x3000  }
0x314: {  	[hbm4b:s6+s3] =	stream.indirect_vreg.scatter [tilespmem:s30], [sflag:$0x3], $0x80, v3, vm0, $0xb8;
	[tilespmem:$0x14800] =	vst v63  }
0x315: {  	s17 =	simm.s32 $0x3800  }
0x316: {  	[hbm4b:s7+s3] =	stream.indirect_vreg.scatter [tilespmem:s17], [sflag:$0x3], $0x80, v3, vm0, $0xb8;
	[tilespmem:$0x14800] =	vst v63  }
0x317: {  	v3 =	vld [tilespmem:$0x14310];
	_ =	sdelay $0x4  }
0x318: {  	v57 =	vshll.u32 v3, $0x3  }
0x319: {  	v3 =	vand.u32 $0x7, v3;
	v4 =	vand.u32 $0xFFFFFFC0, v57  }
0x31a: {  	v3 =	vor.u32 v3, v4  }
0x31b: {  	v4 =	vperm.xlane v3, v0;
	_ =	sdelay $0x1  }
0x31c: {  	v4 =	vadd.s32 v1, v4;
	_ =	sdelay $0x3  }
0x31d: {  	s18 =	simm.s32 $0x4000  }
0x31e: {  	[hbm4b:s4+s3] =	stream.indirect_vreg.scatter [tilespmem:s18], [sflag:$0x3], $0x80, v4, vm0, $0xb8;
	[tilespmem:$0x14800] =	vst v63  }
0x31f: {  	s19 =	simm.s32 $0x4800;
	v3 =	vperm.xlane v3, v2  }
0x320: {  	[hbm4b:s5+s3] =	stream.indirect_vreg.scatter [tilespmem:s19], [sflag:$0x3], $0x80, v4, vm0, $0xb8;
	[tilespmem:$0x14800] =	vst v63  }
0x321: {  	s11 =	simm.s32 $0x5000;
	v3 =	vadd.s32 v1, v3  }
0x322: {  	[hbm4b:s6+s3] =	stream.indirect_vreg.scatter [tilespmem:s11], [sflag:$0x3], $0x80, v4, vm0, $0xb8;
	[tilespmem:$0x14800] =	vst v63  }
0x323: {  	s2 =	simm.s32 $0x5800  }
0x324: {  	[hbm4b:s7+s3] =	stream.indirect_vreg.scatter [tilespmem:s2], [sflag:$0x3], $0x80, v4, vm0, $0xb8;
	[tilespmem:$0x14800] =	vst v63  }
0x325: {  	s9 =	simm.s32 $0x6000  }
0x326: {  	[hbm4b:s4+s3] =	stream.indirect_vreg.scatter [tilespmem:s9], [sflag:$0x3], $0x80, v3, vm0, $0xb8;
	[tilespmem:$0x14800] =	vst v63  }
0x327: {  	s13 =	simm.s32 $0x6800  }
0x328: {  	[hbm4b:s5+s3] =	stream.indirect_vreg.scatter [tilespmem:s13], [sflag:$0x3], $0x80, v3, vm0, $0xb8;
	[tilespmem:$0x14800] =	vst v63  }
0x329: {  	s15 =	simm.s32 $0x7000  }
0x32a: {  	[hbm4b:s6+s3] =	stream.indirect_vreg.scatter [tilespmem:s15], [sflag:$0x3], $0x80, v3, vm0, $0xb8;
	[tilespmem:$0x14800] =	vst v63  }
0x32b: {  	s20 =	simm.s32 $0x7800  }
0x32c: {  	[hbm4b:s7+s3] =	stream.indirect_vreg.scatter [tilespmem:s20], [sflag:$0x3], $0x80, v3, vm0, $0xb8;
	[tilespmem:$0x14800] =	vst v63  }
0x32d: {  	v3 =	vld [tilespmem:$0x14700];
	_ =	sdelay $0x4  }
0x32e: {  	v58 =	vshll.u32 v3, $0x3  }
0x32f: {  	v3 =	vand.u32 $0x7, v3;
	v4 =	vand.u32 $0xFFFFFFC0, v58  }
0x330: {  	v3 =	vor.u32 v3, v4  }
0x331: {  	v4 =	vperm.xlane v3, v0;
	_ =	sdelay $0x1  }
0x332: {  	v4 =	vadd.s32 v1, v4;
	_ =	sdelay $0x4  }
0x333: {  	[hbm4b:s4+s3] =	stream.indirect_vreg.scatter [tilespmem:s3], [sflag:$0x3], $0x80, v4, vm0, $0xb8;
	[tilespmem:$0x14800] =	vst v63  }
0x334: {  	v3 =	vperm.xlane v3, v2  }
0x335: {  	[hbm4b:s5+s3] =	stream.indirect_vreg.scatter [tilespmem:s16], [sflag:$0x3], $0x80, v4, vm0, $0xb8;
	[tilespmem:$0x14800] =	vst v63  }
0x336: {  	v3 =	vadd.s32 v1, v3  }
0x337: {  	[hbm4b:s6+s3] =	stream.indirect_vreg.scatter [tilespmem:s1], [sflag:$0x3], $0x80, v4, vm0, $0xb8;
	[tilespmem:$0x14800] =	vst v63  }
0x338: {  	_ = 	snop  }
0x339: {  	[hbm4b:s7+s3] =	stream.indirect_vreg.scatter [tilespmem:s31], [sflag:$0x3], $0x80, v4, vm0, $0xb8;
	[tilespmem:$0x14800] =	vst v63  }
0x33a: {  	_ = 	snop  }
0x33b: {  	[hbm4b:s4+s3] =	stream.indirect_vreg.scatter [tilespmem:s0], [sflag:$0x3], $0x80, v3, vm0, $0xb8;
	[tilespmem:$0x14800] =	vst v63  }
0x33c: {  	_ = 	snop  }
0x33d: {  	[hbm4b:s5+s3] =	stream.indirect_vreg.scatter [tilespmem:s14], [sflag:$0x3], $0x80, v3, vm0, $0xb8;
	[tilespmem:$0x14800] =	vst v63  }
0x33e: {  	_ = 	snop  }
0x33f: {  	[hbm4b:s6+s3] =	stream.indirect_vreg.scatter [tilespmem:s30], [sflag:$0x3], $0x80, v3, vm0, $0xb8;
	[tilespmem:$0x14800] =	vst v63  }
0x340: {  	_ = 	snop  }
0x341: {  	[hbm4b:s7+s3] =	stream.indirect_vreg.scatter [tilespmem:s17], [sflag:$0x3], $0x80, v3, vm0, $0xb8;
	[tilespmem:$0x14800] =	vst v63  }
0x342: {  	v3 =	vld [tilespmem:$0x14710];
	_ =	sdelay $0x4  }
0x343: {  	v59 =	vshll.u32 v3, $0x3  }
0x344: {  	v3 =	vand.u32 $0x7, v3;
	v4 =	vand.u32 $0xFFFFFFC0, v59  }
0x345: {  	v3 =	vor.u32 v3, v4  }
0x346: {  	v4 =	vperm.xlane v3, v0;
	_ =	sdelay $0x1  }
0x347: {  	v4 =	vadd.s32 v1, v4;
	_ =	sdelay $0x4  }
0x348: {  	[hbm4b:s4+s3] =	stream.indirect_vreg.scatter [tilespmem:s18], [sflag:$0x3], $0x80, v4, vm0, $0xb8;
	[tilespmem:$0x14800] =	vst v63  }
0x349: {  	v3 =	vperm.xlane v3, v2  }
0x34a: {  	[hbm4b:s5+s3] =	stream.indirect_vreg.scatter [tilespmem:s19], [sflag:$0x3], $0x80, v4, vm0, $0xb8;
	[tilespmem:$0x14800] =	vst v63  }
0x34b: {  	v3 =	vadd.s32 v1, v3  }
0x34c: {  	[hbm4b:s6+s3] =	stream.indirect_vreg.scatter [tilespmem:s11], [sflag:$0x3], $0x80, v4, vm0, $0xb8;
	[tilespmem:$0x14800] =	vst v63  }
0x34d: {  	_ = 	snop  }
0x34e: {  	[hbm4b:s7+s3] =	stream.indirect_vreg.scatter [tilespmem:s2], [sflag:$0x3], $0x80, v4, vm0, $0xb8;
	[tilespmem:$0x14800] =	vst v63  }
0x34f: {  	_ = 	snop  }
0x350: {  	[hbm4b:s4+s3] =	stream.indirect_vreg.scatter [tilespmem:s9], [sflag:$0x3], $0x80, v3, vm0, $0xb8;
	[tilespmem:$0x14800] =	vst v63  }
0x351: {  	_ = 	snop  }
0x352: {  	[hbm4b:s5+s3] =	stream.indirect_vreg.scatter [tilespmem:s13], [sflag:$0x3], $0x80, v3, vm0, $0xb8;
	[tilespmem:$0x14800] =	vst v63  }
0x353: {  	_ = 	snop  }
0x354: {  	[hbm4b:s6+s3] =	stream.indirect_vreg.scatter [tilespmem:s15], [sflag:$0x3], $0x80, v3, vm0, $0xb8;
	[tilespmem:$0x14800] =	vst v63  }
0x355: {  	s19 =	sld [smem:$0x7FA]  }
0x356: {  	[hbm4b:s7+s3] =	stream.indirect_vreg.scatter [tilespmem:s20], [sflag:$0x3], $0x80, v3, vm0, $0xb8;
	[tilespmem:$0x14800] =	vst v63  }
0x357: {  	s30 =	simm.s32 $0x10000;
	s20 =	sld [smem:$0x7FB]  }
0x358: {  	[hbm4b:s24+s29] =	stream.indirect.scatter [tilespmem:s30], [sflag:$0x4], $0x80, s19, s29, $0xb8;
	[tilespmem:$0x14800] =	vst v63  }
0x359: {  	s1 =	simm.s32 $0x12000  }
0x35a: {  	[hbm4b:s24+s29] =	stream.indirect.scatter [tilespmem:s1], [sflag:$0x4], $0x80, s20, s29, $0xb8;
	[tilespmem:$0x14800] =	vst v63  }
0x35b: {  	_ =	swait.ge [sflag:s8], $0x8000  }
0x35c: {  	[sflag:s8] =	ssyncset.done $0x0  }
0x35d: {  	[sflag:s8] =	ssyncadd.s32 $0xFFFF8000  }
0x35e: {  	_ =	swait.ge [sflag:s8], $0x1000  }
0x35f: {  	[sflag:s8] =	ssyncset.done $0x0  }
0x360: {  	[sflag:s8] =	ssyncadd.s32 $0xFFFFF000  }
0x361: {  	_ =	swait.ge [sflag:s8], $0x1000  }
0x362: {  	[sflag:s8] =	ssyncset.done $0x0  }
0x363: {  	[sflag:s8] =	ssyncadd.s32 $0xFFFFF000  }
0x364: {  	_ =	swait.ge [sflag:s10], $0x8000  }
0x365: {  	[sflag:s10] =	ssyncset.done $0x0  }
0x366: {  	[sflag:s10] =	ssyncadd.s32 $0xFFFF8000  }
0x367: {  	_ =	swait.ge [sflag:s10], $0x8000  }
0x368: {  	[sflag:s10] =	ssyncset.done $0x0  }
0x369: {  	[sflag:s10] =	ssyncadd.s32 $0xFFFF8000  }
0x36a: {  	_ =	swait.ge [sflag:s12], $0x1000  }
0x36b: {  	[sflag:s12] =	ssyncset.done $0x0  }
0x36c: {  	[sflag:s12] =	ssyncadd.s32 $0xFFFFF000  }
0x36d: {  	_ =	swait.ge [sflag:s12], $0x1000  }
0x36e: {  	[sflag:s12] =	ssyncset.done $0x0  }
0x36f: {  	[sflag:s12] =	ssyncadd.s32 $0xFFFFF000  }
0x370: {  	v3 =	vld [tilespmem:$0x14380];
	_ =	sdelay $0x4  }
0x371: {  	v60 =	vshll.u32 v3, $0x3  }
0x372: {  	v3 =	vand.u32 $0x7, v3;
	v4 =	vand.u32 $0xFFFFFFC0, v60  }
0x373: {  	v3 =	vor.u32 v3, v4  }
0x374: {  	v4 =	vperm.xlane v3, v0;
	_ =	sdelay $0x1  }
0x375: {  	v4 =	vadd.s32 v1, v4;
	_ =	sdelay $0x3  }
0x376: {  	s2 =	simm.s32 $0x8000  }
0x377: {  	[hbm4b:s4+s3] =	stream.indirect_vreg.scatter [tilespmem:s2], [sflag:$0x3], $0x80, v4, vm0, $0xb8;
	[tilespmem:$0x14800] =	vst v63  }
0x378: {  	s8 =	simm.s32 $0x8800;
	v3 =	vperm.xlane v3, v2  }
0x379: {  	[hbm4b:s5+s3] =	stream.indirect_vreg.scatter [tilespmem:s8], [sflag:$0x3], $0x80, v4, vm0, $0xb8;
	[tilespmem:$0x14800] =	vst v63  }
0x37a: {  	s22 =	simm.s32 $0x9000;
	v3 =	vadd.s32 v1, v3  }
0x37b: {  	[hbm4b:s6+s3] =	stream.indirect_vreg.scatter [tilespmem:s22], [sflag:$0x3], $0x80, v4, vm0, $0xb8;
	[tilespmem:$0x14800] =	vst v63  }
0x37c: {  	s9 =	simm.s32 $0x9800  }
0x37d: {  	[hbm4b:s7+s3] =	stream.indirect_vreg.scatter [tilespmem:s9], [sflag:$0x3], $0x80, v4, vm0, $0xb8;
	[tilespmem:$0x14800] =	vst v63  }
0x37e: {  	s23 =	simm.s32 $0xA000  }
0x37f: {  	[hbm4b:s4+s3] =	stream.indirect_vreg.scatter [tilespmem:s23], [sflag:$0x3], $0x80, v3, vm0, $0xb8;
	[tilespmem:$0x14800] =	vst v63  }
0x380: {  	s11 =	simm.s32 $0xA800  }
0x381: {  	[hbm4b:s5+s3] =	stream.indirect_vreg.scatter [tilespmem:s11], [sflag:$0x3], $0x80, v3, vm0, $0xb8;
	[tilespmem:$0x14800] =	vst v63  }
0x382: {  	s13 =	simm.s32 $0xB000  }
0x383: {  	[hbm4b:s6+s3] =	stream.indirect_vreg.scatter [tilespmem:s13], [sflag:$0x3], $0x80, v3, vm0, $0xb8;
	[tilespmem:$0x14800] =	vst v63  }
0x384: {  	s25 =	simm.s32 $0xB800  }
0x385: {  	[hbm4b:s7+s3] =	stream.indirect_vreg.scatter [tilespmem:s25], [sflag:$0x3], $0x80, v3, vm0, $0xb8;
	[tilespmem:$0x14800] =	vst v63  }
0x386: {  	v3 =	vld [tilespmem:$0x14390];
	_ =	sdelay $0x4  }
0x387: {  	v61 =	vshll.u32 v3, $0x3  }
0x388: {  	v3 =	vand.u32 $0x7, v3;
	v4 =	vand.u32 $0xFFFFFFC0, v61  }
0x389: {  	v3 =	vor.u32 v3, v4  }
0x38a: {  	v4 =	vperm.xlane v3, v0;
	_ =	sdelay $0x1  }
0x38b: {  	v4 =	vadd.s32 v1, v4;
	_ =	sdelay $0x3  }
0x38c: {  	s26 =	simm.s32 $0xC000  }
0x38d: {  	[hbm4b:s4+s3] =	stream.indirect_vreg.scatter [tilespmem:s26], [sflag:$0x3], $0x80, v4, vm0, $0xb8;
	[tilespmem:$0x14800] =	vst v63  }
0x38e: {  	s28 =	simm.s32 $0xC800;
	v3 =	vperm.xlane v3, v2  }
0x38f: {  	[hbm4b:s5+s3] =	stream.indirect_vreg.scatter [tilespmem:s28], [sflag:$0x3], $0x80, v4, vm0, $0xb8;
	[tilespmem:$0x14800] =	vst v63  }
0x390: {  	s14 =	simm.s32 $0xD000;
	v3 =	vadd.s32 v1, v3  }
0x391: {  	[hbm4b:s6+s3] =	stream.indirect_vreg.scatter [tilespmem:s14], [sflag:$0x3], $0x80, v4, vm0, $0xb8;
	[tilespmem:$0x14800] =	vst v63  }
0x392: {  	s17 =	simm.s32 $0xD800  }
0x393: {  	[hbm4b:s7+s3] =	stream.indirect_vreg.scatter [tilespmem:s17], [sflag:$0x3], $0x80, v4, vm0, $0xb8;
	[tilespmem:$0x14800] =	vst v63  }
0x394: {  	s18 =	simm.s32 $0xE000  }
0x395: {  	[hbm4b:s4+s3] =	stream.indirect_vreg.scatter [tilespmem:s18], [sflag:$0x3], $0x80, v3, vm0, $0xb8;
	[tilespmem:$0x14800] =	vst v63  }
0x396: {  	s19 =	simm.s32 $0xE800  }
0x397: {  	[hbm4b:s5+s3] =	stream.indirect_vreg.scatter [tilespmem:s19], [sflag:$0x3], $0x80, v3, vm0, $0xb8;
	[tilespmem:$0x14800] =	vst v63  }
0x398: {  	s21 =	simm.s32 $0xF000  }
0x399: {  	[hbm4b:s6+s3] =	stream.indirect_vreg.scatter [tilespmem:s21], [sflag:$0x3], $0x80, v3, vm0, $0xb8;
	[tilespmem:$0x14800] =	vst v63  }
0x39a: {  	s20 =	simm.s32 $0xF800  }
0x39b: {  	[hbm4b:s7+s3] =	stream.indirect_vreg.scatter [tilespmem:s20], [sflag:$0x3], $0x80, v3, vm0, $0xb8;
	[tilespmem:$0x14800] =	vst v63  }
0x39c: {  	v3 =	vld [tilespmem:$0x14780];
	_ =	sdelay $0x4  }
0x39d: {  	v62 =	vshll.u32 v3, $0x3  }
0x39e: {  	v3 =	vand.u32 $0x7, v3;
	v4 =	vand.u32 $0xFFFFFFC0, v62  }
0x39f: {  	v3 =	vor.u32 v3, v4  }
0x3a0: {  	v4 =	vperm.xlane v3, v0;
	_ =	sdelay $0x1  }
0x3a1: {  	v4 =	vadd.s32 v1, v4;
	_ =	sdelay $0x4  }
0x3a2: {  	[hbm4b:s4+s3] =	stream.indirect_vreg.scatter [tilespmem:s2], [sflag:$0x3], $0x80, v4, vm0, $0xb8;
	[tilespmem:$0x14800] =	vst v63  }
0x3a3: {  	v3 =	vperm.xlane v3, v2  }
0x3a4: {  	[hbm4b:s5+s3] =	stream.indirect_vreg.scatter [tilespmem:s8], [sflag:$0x3], $0x80, v4, vm0, $0xb8;
	[tilespmem:$0x14800] =	vst v63  }
0x3a5: {  	v3 =	vadd.s32 v1, v3  }
0x3a6: {  	[hbm4b:s6+s3] =	stream.indirect_vreg.scatter [tilespmem:s22], [sflag:$0x3], $0x80, v4, vm0, $0xb8;
	[tilespmem:$0x14800] =	vst v63  }
0x3a7: {  	_ = 	snop  }
0x3a8: {  	[hbm4b:s7+s3] =	stream.indirect_vreg.scatter [tilespmem:s9], [sflag:$0x3], $0x80, v4, vm0, $0xb8;
	[tilespmem:$0x14800] =	vst v63  }
0x3a9: {  	_ = 	snop  }
0x3aa: {  	[hbm4b:s4+s3] =	stream.indirect_vreg.scatter [tilespmem:s23], [sflag:$0x3], $0x80, v3, vm0, $0xb8;
	[tilespmem:$0x14800] =	vst v63  }
0x3ab: {  	_ = 	snop  }
0x3ac: {  	[hbm4b:s5+s3] =	stream.indirect_vreg.scatter [tilespmem:s11], [sflag:$0x3], $0x80, v3, vm0, $0xb8;
	[tilespmem:$0x14800] =	vst v63  }
0x3ad: {  	_ = 	snop  }
0x3ae: {  	[hbm4b:s6+s3] =	stream.indirect_vreg.scatter [tilespmem:s13], [sflag:$0x3], $0x80, v3, vm0, $0xb8;
	[tilespmem:$0x14800] =	vst v63  }
0x3af: {  	_ = 	snop  }
0x3b0: {  	[hbm4b:s7+s3] =	stream.indirect_vreg.scatter [tilespmem:s25], [sflag:$0x3], $0x80, v3, vm0, $0xb8;
	[tilespmem:$0x14800] =	vst v63  }
0x3b1: {  	v3 =	vld [tilespmem:$0x14790];
	_ =	sdelay $0x4  }
0x3b2: {  	v63 =	vshll.u32 v3, $0x3  }
0x3b3: {  	v3 =	vand.u32 $0x7, v3;
	v4 =	vand.u32 $0xFFFFFFC0, v63  }
0x3b4: {  	v3 =	vor.u32 v3, v4  }
0x3b5: {  	v4 =	vperm.xlane v3, v0;
	_ =	sdelay $0x1  }
0x3b6: {  	v4 =	vadd.s32 v1, v4;
	_ =	sdelay $0x4  }
0x3b7: {  	[hbm4b:s4+s3] =	stream.indirect_vreg.scatter [tilespmem:s26], [sflag:$0x3], $0x80, v4, vm0, $0xb8;
	[tilespmem:$0x14800] =	vst v63  }
0x3b8: {  	v3 =	vperm.xlane v3, v2  }
0x3b9: {  	[hbm4b:s5+s3] =	stream.indirect_vreg.scatter [tilespmem:s28], [sflag:$0x3], $0x80, v4, vm0, $0xb8;
	[tilespmem:$0x14800] =	vst v63  }
0x3ba: {  	v3 =	vadd.s32 v1, v3  }
0x3bb: {  	[hbm4b:s6+s3] =	stream.indirect_vreg.scatter [tilespmem:s14], [sflag:$0x3], $0x80, v4, vm0, $0xb8;
	[tilespmem:$0x14800] =	vst v63  }
0x3bc: {  	_ = 	snop  }
0x3bd: {  	[hbm4b:s7+s3] =	stream.indirect_vreg.scatter [tilespmem:s17], [sflag:$0x3], $0x80, v4, vm0, $0xb8;
	[tilespmem:$0x14800] =	vst v63  }
0x3be: {  	_ = 	snop  }
0x3bf: {  	[hbm4b:s4+s3] =	stream.indirect_vreg.scatter [tilespmem:s18], [sflag:$0x3], $0x80, v3, vm0, $0xb8;
	[tilespmem:$0x14800] =	vst v63  }
0x3c0: {  	_ = 	snop  }
0x3c1: {  	[hbm4b:s5+s3] =	stream.indirect_vreg.scatter [tilespmem:s19], [sflag:$0x3], $0x80, v3, vm0, $0xb8;
	[tilespmem:$0x14800] =	vst v63  }
0x3c2: {  	_ = 	snop  }
0x3c3: {  	[hbm4b:s6+s3] =	stream.indirect_vreg.scatter [tilespmem:s21], [sflag:$0x3], $0x80, v3, vm0, $0xb8;
	[tilespmem:$0x14800] =	vst v63  }
0x3c4: {  	s23 =	sld [smem:$0x7FC]  }
0x3c5: {  	[hbm4b:s7+s3] =	stream.indirect_vreg.scatter [tilespmem:s20], [sflag:$0x3], $0x80, v3, vm0, $0xb8;
	[tilespmem:$0x14800] =	vst v63  }
0x3c6: {  	s25 =	sld [smem:$0x7FD];
	s26 =	simm.s32 $0x11000  }
0x3c7: {  	[hbm4b:s24+s29] =	stream.indirect.scatter [tilespmem:s26], [sflag:$0x4], $0x80, s23, s29, $0xb8;
	[tilespmem:$0x14800] =	vst v63  }
0x3c8: {  	s30 =	simm.s32 $0x13000  }
0x3c9: {  	[hbm4b:s24+s29] =	stream.indirect.scatter [tilespmem:s30], [sflag:$0x4], $0x80, s25, s29, $0xb8;
	[tilespmem:$0x14800] =	vst v63  }
0x3ca: {  	s28 =	sld [smem:$0x7F1];
	_ =	swait.ge [sflag:s10], $0x8000  }
0x3cb: {  	[sflag:s10] =	ssyncset.done $0x0  }
0x3cc: {  	[sflag:s10] =	ssyncadd.s32 $0xFFFF8000  }
0x3cd: {  	_ =	swait.ge [sflag:s10], $0x8000  }
0x3ce: {  	[sflag:s10] =	ssyncset.done $0x0  }
0x3cf: {  	[sflag:s10] =	ssyncadd.s32 $0xFFFF8000  }
0x3d0: {  	p0 =	sne.s32 s28, $0x1;
	_ =	swait.ge [sflag:s12], $0x1000  }
.Ltmp0:
0x3d1: {  	[sflag:s12] =	ssyncset.done $0x0;
	(pc) =	sbr.rel @p0 .LBB2_1-.Ltmp0, $4  }
0x3d2: {  	[sflag:s12] =	ssyncadd.s32 $0xFFFFF000  }
0x3d3: {  	_ =	swait.ge [sflag:s12], $0x1000  }
0x3d4: {  	[sflag:s12] =	ssyncset.done $0x0  }
0x3d5: {  	s1 =	sadd.s32 $0xFFFFFFFF, s28;
	[sflag:s12] =	ssyncadd.s32 $0xFFFFF000  }
0x3d6: {  	_ =	sfence.sel $0x180000  }
0x3d7: {  	[bflag:$0x0] =	sbarrier.arrive $0xFFFF  }
0x3d8: {  	_ =	strace $0x90000047  }
0x3d9: {  	s0 =	stileid.u32;
	[bflag:$0x2] =	sbarrier.arrive $0xFFFF  }
0x3da: {  	p0 =	sne.s32 s0, $0x0;
	s0 =	rddreg [dreg:$0x3]  }
0x3db: {  	s0 =	sadd.s32 @!p0 $0x100000, s0  }
0x3dc: {  	[sflag:s0] =	ssyncadd.tile.s32 @!p0 $0x1;
	_ =	shalt  }
.Lfunc_end2:
_tile_overlayer_lowered:
.L_overlay_start_2:
0x3dd: {  	(tag) =	ssettag $0x2  }
0x3de: {  	s0 =	rddreg [dreg:$0x0];
	s2 =	stileid.u32  }
0x3df: {  	s1 =	rddreg [dreg:$0x1];
	p0 =	sne.s32 s2, $0x0  }
0x3e0: {  	s3 =	rddreg [dreg:$0x2];
	[bflag:$0x3] =	sbarrier.arrive $0xFFFF;
	s2 =	simm.s32 @!p0 $0x1C05  }
0x3e1: {  	[timem:s3], [sflag:s2] =	dma.local @!p0 [hbm:s0], s1  }
0x3e2: {  	s0 =	simm.s32 @!p0 $0x5  }
0x3e3: {  	_ =	swait.ge @!p0 [sflag:s0], s1  }
0x3e4: {  	s1 =	ssub.s32 @!p0 $0x0, s1;
	[sflag:s0] =	ssyncset.done @!p0 $0x0  }
0x3e5: {  	[sflag:s0] =	ssyncadd.s32 @!p0 s1  }
0x3e6: {  	[bflag:$0x3] =	sbarrier.arrive $0xFFFF  }
0x3e7: {  	_ =	shalt  }

</sc_bundles>
